<compile_context>
chip_gen: v7x
topology: tpu7x:2x2x1
jax: 0.10.2.dev20260603
libtpu: 0.0.44.dev20260713+nightly
codegen_flags: <defaults>
</compile_context>

<pallas_src>
import jax
import jax.numpy as jnp
from jax import lax
from jax.experimental import pallas as pl
from jax.experimental.pallas import tpu as pltpu
from jax.experimental.pallas import tpu_sc as plsc

N = 10000
D = 128
DE = 16
E = 320000
ITERS = 2

NC = 2
NS = 16
NW = NC * NS
NP = 10112
CH = 64
CPT = 160
IB = 16
BPT = CPT // IB
EPT = CH * CPT
EP = NW * EPT
RPT = NP // NS
BLK = 1264


def _sc_scatter_body(gather_rows, cpt_by_core, *refs):
    (feat_hbm, idx_hbm, out_hbm,
     idxp, rows, acc_sh,
     ga0, ga1, gb0, gb1, ss) = refs
    ga_sems = (ga0, ga1)
    gb_sems = (gb0, gb1)

    cpt0, cpt1 = cpt_by_core
    cid = lax.axis_index("c")
    sid = lax.axis_index("s")
    r0 = sid * RPT
    start = jnp.where(cid == 0, sid * cpt0, NS * cpt0 + sid * cpt1)
    nchunks = jnp.where(cid == 0, cpt0, cpt1)
    nblocks = nchunks // IB

    zero16 = jnp.zeros((16,), jnp.float32)

    def _fill_z(i, _):
        for j in range(D // 16):
            rows[0, 0, i, pl.ds(j * 16, 16)] = zero16
        return 0

    lax.fori_loop(0, CH, _fill_z, 0)

    def _init(cblk, _):
        pltpu.sync_copy(rows.at[0, 0],
                        acc_sh.at[pl.ds(r0 + cblk * CH, CH)])
        return 0

    lax.fori_loop(0, RPT // CH, _init, 0)
    pltpu.sync_copy(rows.at[0, 0, pl.ds(0, RPT % CH)],
                    acc_sh.at[pl.ds(r0 + (RPT // CH) * CH, RPT % CH)])

    plsc.subcore_barrier()

    def _gather_start(c, slot):
        pos = lax.rem(c, 2 * IB)
        if gather_rows:
            pltpu.async_copy(feat_hbm.at[idxp.at[pos, 1]], rows.at[0, slot],
                             ga_sems[slot])
            pltpu.async_copy(feat_hbm.at[idxp.at[pos, 0]], rows.at[1, slot],
                             gb_sems[slot])
        else:
            pltpu.async_copy(feat_hbm.at[pl.ds((start + c) * CH, CH)],
                             rows.at[0, slot], ga_sems[slot])

    def _gather_wait(slot):
        pltpu.make_async_copy(feat_hbm.at[pl.ds(0, CH)], rows.at[0, slot],
                              ga_sems[slot]).wait()
        if gather_rows:
            pltpu.make_async_copy(feat_hbm.at[pl.ds(0, CH)], rows.at[1, slot],
                                  gb_sems[slot]).wait()

    pltpu.sync_copy(idx_hbm.at[pl.ds(start, IB)], idxp.at[pl.ds(0, IB)])
    _gather_start(0, 0)
    _gather_start(1, 1)

    def _block(b, _):
        bnext = jnp.minimum(b + 1, nblocks - 1)
        half = lax.rem(bnext, 2) * IB
        pltpu.sync_copy(idx_hbm.at[pl.ds(start + bnext * IB, IB)],
                        idxp.at[pl.ds(half, IB)])

        def _pair(j, _):
            for slot in range(2):
                c = b * IB + 2 * j + slot
                pos = lax.rem(c, 2 * IB)
                _gather_wait(slot)
                src_idx = idxp.at[pos, 0]
                dst_idx = idxp.at[pos, 1]
                if gather_rows:
                    sc1 = pltpu.async_copy(rows.at[0, slot],
                                           acc_sh.at[src_idx], ss, add=True)
                    sc2 = pltpu.async_copy(rows.at[1, slot],
                                           acc_sh.at[dst_idx], ss, add=True)
                else:
                    sc1 = pltpu.async_copy(rows.at[0, slot],
                                           acc_sh.at[src_idx], ss, add=True)
                    sc2 = pltpu.async_copy(rows.at[0, slot],
                                           acc_sh.at[dst_idx], ss, add=True)
                sc1.wait()
                sc2.wait()
                _gather_start(jnp.minimum(c + 2, nchunks - 1), slot)
            return 0

        lax.fori_loop(0, IB // 2, _pair, 0)
        return 0

    lax.fori_loop(0, nblocks, _block, 0)

    _gather_wait(0)
    _gather_wait(1)

    plsc.subcore_barrier()

    pltpu.sync_copy(acc_sh.at[pl.ds(r0, RPT)], out_hbm.at[cid, pl.ds(r0, RPT)])


_SC_MESH = plsc.VectorSubcoreMesh(
    core_axis_name="c", subcore_axis_name="s", num_cores=NC, num_subcores=NS)

_SC_OUT = [jax.ShapeDtypeStruct((NC, NP, D), jnp.float32)]

_SC_SCRATCH = [
    pltpu.VMEM((2 * IB, 2, CH), jnp.int32),
    pltpu.VMEM((2, 2, CH, D), jnp.float32),
    pltpu.VMEM_SHARED((NP, D), jnp.float32),
    pltpu.SemaphoreType.DMA,
    pltpu.SemaphoreType.DMA,
    pltpu.SemaphoreType.DMA,
    pltpu.SemaphoreType.DMA,
    pltpu.SemaphoreType.DMA,
]

AGG_SPLIT = (160, 160)
EF_SPLIT = (160, 160)

_sc_agg = pl.kernel(
    lambda *refs: _sc_scatter_body(True, AGG_SPLIT, *refs),
    out_type=_SC_OUT, mesh=_SC_MESH, scratch_types=_SC_SCRATCH)

_sc_efeat = pl.kernel(
    lambda *refs: _sc_scatter_body(False, EF_SPLIT, *refs),
    out_type=_SC_OUT, mesh=_SC_MESH, scratch_types=_SC_SCRATCH)


def _emb_body(x_ref, w_ref, b_ref, o_ref):
    z = jnp.dot(x_ref[...], w_ref[...],
                preferred_element_type=jnp.float32) + b_ref[...]
    o_ref[...] = jnp.maximum(z, 0.0)


_emb_call = pl.pallas_call(
    _emb_body,
    grid=(NP // BLK,),
    in_specs=[
        pl.BlockSpec((BLK, D), lambda i: (i, 0)),
        pl.BlockSpec((D, D), lambda i: (0, 0)),
        pl.BlockSpec((1, D), lambda i: (0, 0)),
    ],
    out_specs=pl.BlockSpec((BLK, D), lambda i: (i, 0)),
    out_shape=jax.ShapeDtypeStruct((NP, D), jnp.float32),
)


def _upd_body(h_ref, a0_ref, a1_ref, m0_ref, m1_ref, w_ref, w16_ref, b_ref,
              o_ref):
    x = h_ref[...] + a0_ref[0] + a1_ref[0]
    em = m0_ref[0] + m1_ref[0]
    dg = em[:, DE:DE + 1] + 1.0
    x = x / dg
    e = em[:, 0:DE]
    z = (jnp.dot(x, w_ref[...], preferred_element_type=jnp.float32)
         + jnp.dot(e, w16_ref[...], preferred_element_type=jnp.float32)
         + b_ref[...])
    o_ref[...] = 1.0 / (1.0 + jnp.exp(-z))


_upd_call = pl.pallas_call(
    _upd_body,
    grid=(NP // BLK,),
    in_specs=[
        pl.BlockSpec((BLK, D), lambda i: (i, 0)),
        pl.BlockSpec((1, BLK, D), lambda i: (0, i, 0)),
        pl.BlockSpec((1, BLK, D), lambda i: (1, i, 0)),
        pl.BlockSpec((1, BLK, D), lambda i: (0, i, 0)),
        pl.BlockSpec((1, BLK, D), lambda i: (1, i, 0)),
        pl.BlockSpec((D, D), lambda i: (0, 0)),
        pl.BlockSpec((DE, D), lambda i: (0, 0)),
        pl.BlockSpec((1, D), lambda i: (0, 0)),
    ],
    out_specs=pl.BlockSpec((BLK, D), lambda i: (i, 0)),
    out_shape=jax.ShapeDtypeStruct((NP, D), jnp.float32),
)


def kernel(inputs, edges, adjacency, membership, W_emb, b_emb, W_upd, b_upd):
    del membership
    src = adjacency[:, 0]
    dst = adjacency[:, 1]
    pad_e = EP - E
    src_p = jnp.concatenate(
        [src, jnp.full((pad_e,), N, jnp.int32)]).reshape(NW, CPT, CH)
    dst_p = jnp.concatenate(
        [dst, jnp.full((pad_e,), N, jnp.int32)]).reshape(NW, CPT, CH)
    idx_p = jnp.stack([src_p, dst_p], axis=2).reshape(-1, 2, CH)
    efeat_p = jnp.concatenate(
        [edges, jnp.ones((E, 1), jnp.float32),
         jnp.zeros((E, D - DE - 1), jnp.float32)], axis=1)
    efeat_p = jnp.concatenate(
        [efeat_p, jnp.zeros((pad_e, D), jnp.float32)], axis=0)
    x_p = jnp.concatenate([inputs, jnp.zeros((NP - N, D), jnp.float32)])
    b_emb2 = b_emb.reshape(1, D)
    b_upd2 = b_upd.reshape(1, D)
    w16 = W_upd[:DE]

    h = _emb_call(x_p, W_emb, b_emb2)
    (em,) = _sc_efeat(efeat_p, idx_p)
    for _ in range(ITERS):
        (agg,) = _sc_agg(h, idx_p)
        h = _upd_call(h, agg, agg, em, em, W_upd, w16, b_upd2)
    return h[:N]

# --- scband reference (transcript-rebuilt; emitter-appended) ---
"""Pipeline reference for scband-graph-nn-9775345566165 (READ-ONLY COPY).

The authoritative reference and input builder live on the scoring server;
editing this copy changes nothing except your own understanding.
"""

import jax, jax.numpy as jnp
import numpy as np

N = 10000
E = 320000
D = 128
DE = 16
ITERS = 2

def setup_inputs(seed: int = 0) -> dict:
    key = jax.random.key(seed)
    ks = jax.random.split(key, 8)
    inputs = jax.random.normal(ks[0], (N, D), dtype=jnp.float32)
    edges = jax.random.normal(ks[1], (E, DE), dtype=jnp.float32)
    adjacency = jax.random.randint(ks[2], (E, 2), 0, N, dtype=jnp.int32)
    membership = jax.random.randint(ks[3], (N,), 0, 100, dtype=jnp.int32)
    W_emb = jax.random.normal(ks[4], (D, D), dtype=jnp.float32) * 0.05
    b_emb = jnp.zeros((D,), dtype=jnp.float32)
    W_upd = jax.random.normal(ks[5], (D, D), dtype=jnp.float32) * 0.05
    b_upd = jnp.zeros((D,), dtype=jnp.float32)
    return {"inputs": inputs, "edges": edges, "adjacency": adjacency,
            "membership": membership, "W_emb": W_emb, "b_emb": b_emb,
            "W_upd": W_upd, "b_upd": b_upd}

def reference(inputs, edges, adjacency, membership, W_emb, b_emb, W_upd, b_upd):
    src = adjacency[:, 0]
    dst = adjacency[:, 1]
    # node embedding: Dense + relu (Embedding layer, inference path skips BN)
    h = jax.nn.relu(inputs @ W_emb + b_emb)
    # symmetric degree (each undirected edge contributes to both endpoints)
    deg = jnp.zeros((N,), jnp.float32).at[src].add(1.0).at[dst].add(1.0)
    # edge-feature aggregation onto nodes (sanitized form of the concat in MessagePassing)
    e_agg = jnp.zeros((N, DE), jnp.float32).at[src].add(edges).at[dst].add(edges)
    e_pad = jnp.pad(e_agg, ((0, 0), (0, D - DE)))
    for _ in range(ITERS):
        # message passing: sum neighbor features in both directions (scatter-add)
        agg = jnp.zeros_like(h).at[src].add(h[dst]).at[dst].add(h[src])
        h = (h + agg) / (deg[:, None] + 1.0)
        h = h + e_pad
        # Update layer: dense + sigmoid
        h = jax.nn.sigmoid(h @ W_upd + b_upd)
    return h

if __name__ == "__main__":
    import jax
    _d = setup_inputs()
    print(jax.jit(kernel)(*tuple(_d.values())))

</pallas_src>

<mosaic_0001>
#map = affine_map<(d0, d1) -> (0, 0)>
#map1 = affine_map<(d0, d1) -> (0, 0, 0)>
module attributes {stable_mosaic.version = 14 : i64} {
  func.func @_lambda_(%arg0: i32, %arg1: i32, %arg2: memref<10112x128xf32, #tpu.memory_space<hbm>>, %arg3: memref<5120x2x64xi32, #tpu.memory_space<hbm>>, %arg4: memref<2x10112x128xf32, #tpu.memory_space<hbm>>, %arg5: memref<32x2x64xi32, #tpu.memory_space<vmem>>, %arg6: memref<2x2x64x128xf32, #tpu.memory_space<vmem>>, %arg7: memref<10112x128xf32, #tpu.memory_space<vmem_shared>>, %arg8: memref<!tpu.dma_semaphore, #tpu.memory_space<semaphore_mem>>, %arg9: memref<!tpu.dma_semaphore, #tpu.memory_space<semaphore_mem>>, %arg10: memref<!tpu.dma_semaphore, #tpu.memory_space<semaphore_mem>>, %arg11: memref<!tpu.dma_semaphore, #tpu.memory_space<semaphore_mem>>, %arg12: memref<!tpu.dma_semaphore, #tpu.memory_space<semaphore_mem>>) attributes {dimension_semantics = [#tpu.dimension_semantics<core_parallel>, #tpu.dimension_semantics<subcore_parallel>], iteration_bounds = array<i64: 2, 16>, scalar_prefetch = 0 : i64, scratch_operands = 8 : i64, tpu.core_type = #tpu.core_type<sc_vector_subcore>, window_params = [{transform_indices = #map}, {transform_indices = #map1}, {transform_indices = #map1}]} {
    %mul3A = arith.constant 632 : i32
    %mul3A_0 = arith.muli %arg1, %mul3A : i32
    %eq3A = arith.constant 0 : i32
    %eq3A_1 = arith.cmpi eq, %arg0, %eq3A : i32
    %mul3A_2 = arith.constant 160 : i32
    %mul3A_3 = arith.muli %arg1, %mul3A_2 : i32
    %mul3A_4 = arith.constant 160 : i32
    %mul3A_5 = arith.muli %arg1, %mul3A_4 : i32
    %add3A = arith.constant 2560 : i32
    %add3A_6 = arith.addi %add3A, %mul3A_5 : i32
    %select_n3A = arith.select %eq3A_1, %mul3A_3, %add3A_6 : i32
    %eq3A_7 = arith.constant 0 : i32
    %eq3A_8 = arith.cmpi eq, %arg0, %eq3A_7 : i32
    %jit3A = arith.constant 160 : i32
    %jit3A_9 = arith.constant 160 : i32
    %select_n3A_10 = arith.select %eq3A_8, %jit3A, %jit3A_9 : i32
    %jit3A_11 = arith.constant 16 : i32
    %div3A = arith.divsi %select_n3A_10, %jit3A_11 : i32
    %sign3A = arith.constant 0 : i32
    %sign3A_12 = arith.cmpi sgt, %select_n3A_10, %sign3A : i32
    %sign3A_13 = arith.extui %sign3A_12 : i1 to i32
    %sign3A_14 = arith.constant 0 : i32
    %sign3A_15 = arith.cmpi slt, %select_n3A_10, %sign3A_14 : i32
    %sign3A_16 = arith.extui %sign3A_15 : i1 to i32
    %sign3A_17 = arith.subi %sign3A_13, %sign3A_16 : i32
    %sign3A_18 = arith.constant 0 : i32
    %sign3A_19 = arith.cmpi sgt, %jit3A_11, %sign3A_18 : i32
    %sign3A_20 = arith.extui %sign3A_19 : i1 to i32
    %sign3A_21 = arith.constant 0 : i32
    %sign3A_22 = arith.cmpi slt, %jit3A_11, %sign3A_21 : i32
    %sign3A_23 = arith.extui %sign3A_22 : i1 to i32
    %sign3A_24 = arith.subi %sign3A_20, %sign3A_23 : i32
    %ne3A = arith.cmpi ne, %sign3A_17, %sign3A_24 : i32
    %rem3A = arith.remsi %select_n3A_10, %jit3A_11 : i32
    %ne3A_25 = arith.constant 0 : i32
    %ne3A_26 = arith.cmpi ne, %rem3A, %ne3A_25 : i32
    %and3A = arith.andi %ne3A, %ne3A_26 : i1
    %sub3A = arith.constant 1 : i32
    %sub3A_27 = arith.subi %div3A, %sub3A : i32
    %select_n3A_28 = arith.select %and3A, %sub3A_27, %div3A : i32
    %broadcast_in_dim3A = arith.constant 0.000000e+00 : f32
    %broadcast_in_dim3A_29 = vector.broadcast %broadcast_in_dim3A : f32 to vector<16xf32>
    %scan3A = arith.constant 0 : i32
    %scan3A_30 = arith.constant 0 : i32
    %scan3A_31 = arith.constant 64 : i32
    %scan3A_32 = arith.addi %scan3A_30, %scan3A_31 : i32
    %scan3A_33 = arith.constant 1 : i32
    %scan3A_34 = scf.for %scan3A_178 = %scan3A_30 to %scan3A_32 step %scan3A_33 iter_args(%scan3A_179 = %scan3A) -> (i32)  : i32 {
      %swap3A = arith.constant 0 : i32
      %swap3A_180 = arith.constant 0 : i32
      %swap3A_181 = arith.index_cast %swap3A : i32 to index
      %swap3A_182 = arith.index_cast %swap3A_180 : i32 to index
      %swap3A_183 = arith.index_cast %scan3A_178 : i32 to index
      %swap3A_184 = arith.constant 0 : index
      %swap3A_185 = tpu.vector_load %arg6[%swap3A_181, %swap3A_182, %swap3A_183, %swap3A_184] {strides = array<i32>} : memref<2x2x64x128xf32, #tpu.memory_space<vmem>>, vector<1x1x1x16xf32>,
      %swap3A_186 = vector.shape_cast %swap3A_185 : vector<1x1x1x16xf32> to vector<16xf32>
      %swap3A_187 = vector.shape_cast %broadcast_in_dim3A_29 : vector<16xf32> to vector<1x1x1x16xf32>
      tpu.vector_store %arg6[%swap3A_181, %swap3A_182, %swap3A_183, %swap3A_184], %swap3A_187 {strides = array<i32>} : memref<2x2x64x128xf32, #tpu.memory_space<vmem>>, vector<1x1x1x16xf32>,
      %swap3A_188 = arith.constant 0 : i32
      %swap3A_189 = arith.constant 0 : i32
      %swap3A_190 = arith.index_cast %swap3A_188 : i32 to index
      %swap3A_191 = arith.index_cast %swap3A_189 : i32 to index
      %swap3A_192 = arith.index_cast %scan3A_178 : i32 to index
      %swap3A_193 = arith.constant 16 : index
      %swap3A_194 = tpu.vector_load %arg6[%swap3A_190, %swap3A_191, %swap3A_192, %swap3A_193] {strides = array<i32>} : memref<2x2x64x128xf32, #tpu.memory_space<vmem>>, vector<1x1x1x16xf32>,
      %swap3A_195 = vector.shape_cast %swap3A_194 : vector<1x1x1x16xf32> to vector<16xf32>
      %swap3A_196 = vector.shape_cast %broadcast_in_dim3A_29 : vector<16xf32> to vector<1x1x1x16xf32>
      tpu.vector_store %arg6[%swap3A_190, %swap3A_191, %swap3A_192, %swap3A_193], %swap3A_196 {strides = array<i32>} : memref<2x2x64x128xf32, #tpu.memory_space<vmem>>, vector<1x1x1x16xf32>,
      %swap3A_197 = arith.constant 0 : i32
      %swap3A_198 = arith.constant 0 : i32
      %swap3A_199 = arith.index_cast %swap3A_197 : i32 to index
      %swap3A_200 = arith.index_cast %swap3A_198 : i32 to index
      %swap3A_201 = arith.index_cast %scan3A_178 : i32 to index
      %swap3A_202 = arith.constant 32 : index
      %swap3A_203 = tpu.vector_load %arg6[%swap3A_199, %swap3A_200, %swap3A_201, %swap3A_202] {strides = array<i32>} : memref<2x2x64x128xf32, #tpu.memory_space<vmem>>, vector<1x1x1x16xf32>,
      %swap3A_204 = vector.shape_cast %swap3A_203 : vector<1x1x1x16xf32> to vector<16xf32>
      %swap3A_205 = vector.shape_cast %broadcast_in_dim3A_29 : vector<16xf32> to vector<1x1x1x16xf32>
      tpu.vector_store %arg6[%swap3A_199, %swap3A_200, %swap3A_201, %swap3A_202], %swap3A_205 {strides = array<i32>} : memref<2x2x64x128xf32, #tpu.memory_space<vmem>>, vector<1x1x1x16xf32>,
      %swap3A_206 = arith.constant 0 : i32
      %swap3A_207 = arith.constant 0 : i32
      %swap3A_208 = arith.index_cast %swap3A_206 : i32 to index
      %swap3A_209 = arith.index_cast %swap3A_207 : i32 to index
      %swap3A_210 = arith.index_cast %scan3A_178 : i32 to index
      %swap3A_211 = arith.constant 48 : index
      %swap3A_212 = tpu.vector_load %arg6[%swap3A_208, %swap3A_209, %swap3A_210, %swap3A_211] {strides = array<i32>} : memref<2x2x64x128xf32, #tpu.memory_space<vmem>>, vector<1x1x1x16xf32>,
      %swap3A_213 = vector.shape_cast %swap3A_212 : vector<1x1x1x16xf32> to vector<16xf32>
      %swap3A_214 = vector.shape_cast %broadcast_in_dim3A_29 : vector<16xf32> to vector<1x1x1x16xf32>
      tpu.vector_store %arg6[%swap3A_208, %swap3A_209, %swap3A_210, %swap3A_211], %swap3A_214 {strides = array<i32>} : memref<2x2x64x128xf32, #tpu.memory_space<vmem>>, vector<1x1x1x16xf32>,
      %swap3A_215 = arith.constant 0 : i32
      %swap3A_216 = arith.constant 0 : i32
      %swap3A_217 = arith.index_cast %swap3A_215 : i32 to index
      %swap3A_218 = arith.index_cast %swap3A_216 : i32 to index
      %swap3A_219 = arith.index_cast %scan3A_178 : i32 to index
      %swap3A_220 = arith.constant 64 : index
      %swap3A_221 = tpu.vector_load %arg6[%swap3A_217, %swap3A_218, %swap3A_219, %swap3A_220] {strides = array<i32>} : memref<2x2x64x128xf32, #tpu.memory_space<vmem>>, vector<1x1x1x16xf32>,
      %swap3A_222 = vector.shape_cast %swap3A_221 : vector<1x1x1x16xf32> to vector<16xf32>
      %swap3A_223 = vector.shape_cast %broadcast_in_dim3A_29 : vector<16xf32> to vector<1x1x1x16xf32>
      tpu.vector_store %arg6[%swap3A_217, %swap3A_218, %swap3A_219, %swap3A_220], %swap3A_223 {strides = array<i32>} : memref<2x2x64x128xf32, #tpu.memory_space<vmem>>, vector<1x1x1x16xf32>,
      %swap3A_224 = arith.constant 0 : i32
      %swap3A_225 = arith.constant 0 : i32
      %swap3A_226 = arith.index_cast %swap3A_224 : i32 to index
      %swap3A_227 = arith.index_cast %swap3A_225 : i32 to index
      %swap3A_228 = arith.index_cast %scan3A_178 : i32 to index
      %swap3A_229 = arith.constant 80 : index
      %swap3A_230 = tpu.vector_load %arg6[%swap3A_226, %swap3A_227, %swap3A_228, %swap3A_229] {strides = array<i32>} : memref<2x2x64x128xf32, #tpu.memory_space<vmem>>, vector<1x1x1x16xf32>,
      %swap3A_231 = vector.shape_cast %swap3A_230 : vector<1x1x1x16xf32> to vector<16xf32>
      %swap3A_232 = vector.shape_cast %broadcast_in_dim3A_29 : vector<16xf32> to vector<1x1x1x16xf32>
      tpu.vector_store %arg6[%swap3A_226, %swap3A_227, %swap3A_228, %swap3A_229], %swap3A_232 {strides = array<i32>} : memref<2x2x64x128xf32, #tpu.memory_space<vmem>>, vector<1x1x1x16xf32>,
      %swap3A_233 = arith.constant 0 : i32
      %swap3A_234 = arith.constant 0 : i32
      %swap3A_235 = arith.index_cast %swap3A_233 : i32 to index
      %swap3A_236 = arith.index_cast %swap3A_234 : i32 to index
      %swap3A_237 = arith.index_cast %scan3A_178 : i32 to index
      %swap3A_238 = arith.constant 96 : index
      %swap3A_239 = tpu.vector_load %arg6[%swap3A_235, %swap3A_236, %swap3A_237, %swap3A_238] {strides = array<i32>} : memref<2x2x64x128xf32, #tpu.memory_space<vmem>>, vector<1x1x1x16xf32>,
      %swap3A_240 = vector.shape_cast %swap3A_239 : vector<1x1x1x16xf32> to vector<16xf32>
      %swap3A_241 = vector.shape_cast %broadcast_in_dim3A_29 : vector<16xf32> to vector<1x1x1x16xf32>
      tpu.vector_store %arg6[%swap3A_235, %swap3A_236, %swap3A_237, %swap3A_238], %swap3A_241 {strides = array<i32>} : memref<2x2x64x128xf32, #tpu.memory_space<vmem>>, vector<1x1x1x16xf32>,
      %swap3A_242 = arith.constant 0 : i32
      %swap3A_243 = arith.constant 0 : i32
      %swap3A_244 = arith.index_cast %swap3A_242 : i32 to index
      %swap3A_245 = arith.index_cast %swap3A_243 : i32 to index
      %swap3A_246 = arith.index_cast %scan3A_178 : i32 to index
      %swap3A_247 = arith.constant 112 : index
      %swap3A_248 = tpu.vector_load %arg6[%swap3A_244, %swap3A_245, %swap3A_246, %swap3A_247] {strides = array<i32>} : memref<2x2x64x128xf32, #tpu.memory_space<vmem>>, vector<1x1x1x16xf32>,
      %swap3A_249 = vector.shape_cast %swap3A_248 : vector<1x1x1x16xf32> to vector<16xf32>
      %swap3A_250 = vector.shape_cast %broadcast_in_dim3A_29 : vector<16xf32> to vector<1x1x1x16xf32>
      tpu.vector_store %arg6[%swap3A_244, %swap3A_245, %swap3A_246, %swap3A_247], %swap3A_250 {strides = array<i32>} : memref<2x2x64x128xf32, #tpu.memory_space<vmem>>, vector<1x1x1x16xf32>,
      %scan3A_251 = arith.constant 0 : i32
      scf.yield %scan3A_251 : i32
    }
    %scan3A_35 = arith.constant 64 : i32
    %scan3A_36 = arith.constant 0 : i32
    %scan3A_37 = arith.constant 0 : i32
    %scan3A_38 = arith.constant 9 : i32
    %scan3A_39 = arith.addi %scan3A_37, %scan3A_38 : i32
    %scan3A_40 = arith.constant 1 : i32
    %scan3A_41 = scf.for %scan3A_178 = %scan3A_37 to %scan3A_39 step %scan3A_40 iter_args(%scan3A_179 = %scan3A_36) -> (i32)  : i32 {
      %mul3A_180 = arith.constant 64 : i32
      %mul3A_181 = arith.muli %scan3A_178, %mul3A_180 : i32
      %add3A_182 = arith.addi %mul3A_0, %mul3A_181 : i32
      %run_scoped3A_183 = arith.constant 0 : i32
      %run_scoped3A_184 = arith.constant 0 : i32
      "tpu.region"() ({
        %run_scoped3A_186 = tpu.sem_alloc : memref<!tpu.dma_semaphore, #tpu.memory_space<semaphore_mem>>
        %dma_start3A_187 = arith.constant 0 : i32
        %dma_start3A_188 = arith.constant 0 : i32
        %dma_start3A_189 = tpu.memref_slice %arg6[%run_scoped3A_183, %run_scoped3A_184, %dma_start3A_187, %dma_start3A_188] : memref<2x2x64x128xf32, #tpu.memory_space<vmem>> -> memref<1x1x64x128xf32, #tpu.memory_space<vmem>>
        %dma_start3A_190 = tpu.memref_squeeze %dma_start3A_189 : memref<1x1x64x128xf32, #tpu.memory_space<vmem>> -> memref<64x128xf32, #tpu.memory_space<vmem>>
        %dma_start3A_191 = arith.constant 0 : i32
        %dma_start3A_192 = tpu.memref_slice %arg7[%add3A_182, %dma_start3A_191] : memref<10112x128xf32, #tpu.memory_space<vmem_shared>> -> memref<64x128xf32, #tpu.memory_space<vmem_shared>>
        %dma_start3A_193 = arith.constant 0 : i32
        %dma_start3A_194 = tpu.memref_slice %arg7[%add3A_182, %dma_start3A_193] : memref<10112x128xf32, #tpu.memory_space<vmem_shared>> -> memref<64x128xf32, #tpu.memory_space<vmem_shared>>
        %dma_start3A_195 = arith.constant 0 : i32
        %dma_start3A_196 = arith.constant 0 : i32
        %dma_start3A_197 = tpu.memref_slice %arg6[%run_scoped3A_183, %run_scoped3A_184, %dma_start3A_195, %dma_start3A_196] : memref<2x2x64x128xf32, #tpu.memory_space<vmem>> -> memref<1x1x64x128xf32, #tpu.memory_space<vmem>>
        %dma_start3A_198 = tpu.memref_squeeze %dma_start3A_197 : memref<1x1x64x128xf32, #tpu.memory_space<vmem>> -> memref<64x128xf32, #tpu.memory_space<vmem>>
        tpu.enqueue_dma source(%dma_start3A_198 : memref<64x128xf32, #tpu.memory_space<vmem>>) target(%dma_start3A_194 : memref<64x128xf32, #tpu.memory_space<vmem_shared>>) target_semaphore(%run_scoped3A_186 : memref<!tpu.dma_semaphore, #tpu.memory_space<semaphore_mem>>)
        %dma_wait3A_199 = arith.constant 0 : i32
        %dma_wait3A_200 = arith.constant 0 : i32
        %dma_wait3A_201 = tpu.memref_slice %arg6[%run_scoped3A_183, %run_scoped3A_184, %dma_wait3A_199, %dma_wait3A_200] : memref<2x2x64x128xf32, #tpu.memory_space<vmem>> -> memref<1x1x64x128xf32, #tpu.memory_space<vmem>>
        %dma_wait3A_202 = tpu.memref_squeeze %dma_wait3A_201 : memref<1x1x64x128xf32, #tpu.memory_space<vmem>> -> memref<64x128xf32, #tpu.memory_space<vmem>>
        %dma_wait3A_203 = arith.constant 0 : i32
        %dma_wait3A_204 = tpu.memref_slice %arg7[%add3A_182, %dma_wait3A_203] : memref<10112x128xf32, #tpu.memory_space<vmem_shared>> -> memref<64x128xf32, #tpu.memory_space<vmem_shared>>
        %dma_wait3A_205 = arith.constant 0 : i32
        %dma_wait3A_206 = tpu.memref_slice %arg7[%add3A_182, %dma_wait3A_205] : memref<10112x128xf32, #tpu.memory_space<vmem_shared>> -> memref<64x128xf32, #tpu.memory_space<vmem_shared>>
        %dma_wait3A_207 = arith.constant 0 : i32
        %dma_wait3A_208 = arith.constant 0 : i32
        %dma_wait3A_209 = tpu.memref_slice %arg6[%run_scoped3A_183, %run_scoped3A_184, %dma_wait3A_207, %dma_wait3A_208] : memref<2x2x64x128xf32, #tpu.memory_space<vmem>> -> memref<1x1x64x128xf32, #tpu.memory_space<vmem>>
        %dma_wait3A_210 = tpu.memref_squeeze %dma_wait3A_209 : memref<1x1x64x128xf32, #tpu.memory_space<vmem>> -> memref<64x128xf32, #tpu.memory_space<vmem>>
        tpu.wait_dma2 semaphore(%run_scoped3A_186 : memref<!tpu.dma_semaphore, #tpu.memory_space<semaphore_mem>>) src(%dma_wait3A_210 : memref<64x128xf32, #tpu.memory_space<vmem>>) dst(%dma_wait3A_206 : memref<64x128xf32, #tpu.memory_space<vmem_shared>>)
        tpu.yield
      }) : () -> ()
      %scan3A_185 = arith.constant 0 : i32
      scf.yield %scan3A_185 : i32
    }
    %scan3A_42 = arith.constant 9 : i32
    %add3A_43 = arith.constant 576 : i32
    %add3A_44 = arith.addi %mul3A_0, %add3A_43 : i32
    %run_scoped3A = arith.constant 0 : i32
    %run_scoped3A_45 = arith.constant 0 : i32
    "tpu.region"() ({
      %run_scoped3A_178 = tpu.sem_alloc : memref<!tpu.dma_semaphore, #tpu.memory_space<semaphore_mem>>
      %dma_start3A_179 = arith.constant 0 : i32
      %dma_start3A_180 = arith.constant 0 : i32
      %dma_start3A_181 = tpu.memref_slice %arg6[%run_scoped3A, %run_scoped3A_45, %dma_start3A_179, %dma_start3A_180] : memref<2x2x64x128xf32, #tpu.memory_space<vmem>> -> memref<1x1x56x128xf32, #tpu.memory_space<vmem>>
      %dma_start3A_182 = tpu.memref_squeeze %dma_start3A_181 : memref<1x1x56x128xf32, #tpu.memory_space<vmem>> -> memref<56x128xf32, #tpu.memory_space<vmem>>
      %dma_start3A_183 = arith.constant 0 : i32
      %dma_start3A_184 = tpu.memref_slice %arg7[%add3A_44, %dma_start3A_183] : memref<10112x128xf32, #tpu.memory_space<vmem_shared>> -> memref<56x128xf32, #tpu.memory_space<vmem_shared>>
      %dma_start3A_185 = arith.constant 0 : i32
      %dma_start3A_186 = tpu.memref_slice %arg7[%add3A_44, %dma_start3A_185] : memref<10112x128xf32, #tpu.memory_space<vmem_shared>> -> memref<56x128xf32, #tpu.memory_space<vmem_shared>>
      %dma_start3A_187 = arith.constant 0 : i32
      %dma_start3A_188 = arith.constant 0 : i32
      %dma_start3A_189 = tpu.memref_slice %arg6[%run_scoped3A, %run_scoped3A_45, %dma_start3A_187, %dma_start3A_188] : memref<2x2x64x128xf32, #tpu.memory_space<vmem>> -> memref<1x1x56x128xf32, #tpu.memory_space<vmem>>
      %dma_start3A_190 = tpu.memref_squeeze %dma_start3A_189 : memref<1x1x56x128xf32, #tpu.memory_space<vmem>> -> memref<56x128xf32, #tpu.memory_space<vmem>>
      tpu.enqueue_dma source(%dma_start3A_190 : memref<56x128xf32, #tpu.memory_space<vmem>>) target(%dma_start3A_186 : memref<56x128xf32, #tpu.memory_space<vmem_shared>>) target_semaphore(%run_scoped3A_178 : memref<!tpu.dma_semaphore, #tpu.memory_space<semaphore_mem>>)
      %dma_wait3A_191 = arith.constant 0 : i32
      %dma_wait3A_192 = arith.constant 0 : i32
      %dma_wait3A_193 = tpu.memref_slice %arg6[%run_scoped3A, %run_scoped3A_45, %dma_wait3A_191, %dma_wait3A_192] : memref<2x2x64x128xf32, #tpu.memory_space<vmem>> -> memref<1x1x56x128xf32, #tpu.memory_space<vmem>>
      %dma_wait3A_194 = tpu.memref_squeeze %dma_wait3A_193 : memref<1x1x56x128xf32, #tpu.memory_space<vmem>> -> memref<56x128xf32, #tpu.memory_space<vmem>>
      %dma_wait3A_195 = arith.constant 0 : i32
      %dma_wait3A_196 = tpu.memref_slice %arg7[%add3A_44, %dma_wait3A_195] : memref<10112x128xf32, #tpu.memory_space<vmem_shared>> -> memref<56x128xf32, #tpu.memory_space<vmem_shared>>
      %dma_wait3A_197 = arith.constant 0 : i32
      %dma_wait3A_198 = tpu.memref_slice %arg7[%add3A_44, %dma_wait3A_197] : memref<10112x128xf32, #tpu.memory_space<vmem_shared>> -> memref<56x128xf32, #tpu.memory_space<vmem_shared>>
      %dma_wait3A_199 = arith.constant 0 : i32
      %dma_wait3A_200 = arith.constant 0 : i32
      %dma_wait3A_201 = tpu.memref_slice %arg6[%run_scoped3A, %run_scoped3A_45, %dma_wait3A_199, %dma_wait3A_200] : memref<2x2x64x128xf32, #tpu.memory_space<vmem>> -> memref<1x1x56x128xf32, #tpu.memory_space<vmem>>
      %dma_wait3A_202 = tpu.memref_squeeze %dma_wait3A_201 : memref<1x1x56x128xf32, #tpu.memory_space<vmem>> -> memref<56x128xf32, #tpu.memory_space<vmem>>
      tpu.wait_dma2 semaphore(%run_scoped3A_178 : memref<!tpu.dma_semaphore, #tpu.memory_space<semaphore_mem>>) src(%dma_wait3A_202 : memref<56x128xf32, #tpu.memory_space<vmem>>) dst(%dma_wait3A_198 : memref<56x128xf32, #tpu.memory_space<vmem_shared>>)
      tpu.yield
    }) : () -> ()
    %barrier3A = arith.constant 0 : index
    tpu.barrier barrier_id(%barrier3A)
    "tpu.region"() ({
      %run_scoped3A_178 = tpu.sem_alloc : memref<!tpu.dma_semaphore, #tpu.memory_space<semaphore_mem>>
      %dma_start3A_179 = arith.constant 0 : i32
      %dma_start3A_180 = arith.constant 0 : i32
      %dma_start3A_181 = arith.constant 0 : i32
      %dma_start3A_182 = tpu.memref_slice %arg5[%dma_start3A_179, %dma_start3A_180, %dma_start3A_181] : memref<32x2x64xi32, #tpu.memory_space<vmem>> -> memref<16x2x64xi32, #tpu.memory_space<vmem>>
      %dma_start3A_183 = arith.constant 0 : i32
      %dma_start3A_184 = arith.constant 0 : i32
      %dma_start3A_185 = tpu.memref_slice %arg3[%select_n3A, %dma_start3A_183, %dma_start3A_184] : memref<5120x2x64xi32, #tpu.memory_space<hbm>> -> memref<16x2x64xi32, #tpu.memory_space<hbm>>
      %dma_start3A_186 = arith.constant 0 : i32
      %dma_start3A_187 = arith.constant 0 : i32
      %dma_start3A_188 = arith.constant 0 : i32
      %dma_start3A_189 = tpu.memref_slice %arg5[%dma_start3A_186, %dma_start3A_187, %dma_start3A_188] : memref<32x2x64xi32, #tpu.memory_space<vmem>> -> memref<16x2x64xi32, #tpu.memory_space<vmem>>
      %dma_start3A_190 = arith.constant 0 : i32
      %dma_start3A_191 = arith.constant 0 : i32
      %dma_start3A_192 = tpu.memref_slice %arg3[%select_n3A, %dma_start3A_190, %dma_start3A_191] : memref<5120x2x64xi32, #tpu.memory_space<hbm>> -> memref<16x2x64xi32, #tpu.memory_space<hbm>>
      tpu.enqueue_dma source(%dma_start3A_192 : memref<16x2x64xi32, #tpu.memory_space<hbm>>) target(%dma_start3A_189 : memref<16x2x64xi32, #tpu.memory_space<vmem>>) target_semaphore(%run_scoped3A_178 : memref<!tpu.dma_semaphore, #tpu.memory_space<semaphore_mem>>)
      %dma_wait3A_193 = arith.constant 0 : i32
      %dma_wait3A_194 = arith.constant 0 : i32
      %dma_wait3A_195 = arith.constant 0 : i32
      %dma_wait3A_196 = tpu.memref_slice %arg5[%dma_wait3A_193, %dma_wait3A_194, %dma_wait3A_195] : memref<32x2x64xi32, #tpu.memory_space<vmem>> -> memref<16x2x64xi32, #tpu.memory_space<vmem>>
      %dma_wait3A_197 = arith.constant 0 : i32
      %dma_wait3A_198 = arith.constant 0 : i32
      %dma_wait3A_199 = tpu.memref_slice %arg3[%select_n3A, %dma_wait3A_197, %dma_wait3A_198] : memref<5120x2x64xi32, #tpu.memory_space<hbm>> -> memref<16x2x64xi32, #tpu.memory_space<hbm>>
      %dma_wait3A_200 = arith.constant 0 : i32
      %dma_wait3A_201 = arith.constant 0 : i32
      %dma_wait3A_202 = arith.constant 0 : i32
      %dma_wait3A_203 = tpu.memref_slice %arg5[%dma_wait3A_200, %dma_wait3A_201, %dma_wait3A_202] : memref<32x2x64xi32, #tpu.memory_space<vmem>> -> memref<16x2x64xi32, #tpu.memory_space<vmem>>
      %dma_wait3A_204 = arith.constant 0 : i32
      %dma_wait3A_205 = arith.constant 0 : i32
      %dma_wait3A_206 = tpu.memref_slice %arg3[%select_n3A, %dma_wait3A_204, %dma_wait3A_205] : memref<5120x2x64xi32, #tpu.memory_space<hbm>> -> memref<16x2x64xi32, #tpu.memory_space<hbm>>
      tpu.wait_dma2 semaphore(%run_scoped3A_178 : memref<!tpu.dma_semaphore, #tpu.memory_space<semaphore_mem>>) src(%dma_wait3A_206 : memref<16x2x64xi32, #tpu.memory_space<hbm>>) dst(%dma_wait3A_203 : memref<16x2x64xi32, #tpu.memory_space<vmem>>)
      tpu.yield
    }) : () -> ()
    %rem3A_46 = arith.constant 0 : i32
    %rem3A_47 = arith.constant 32 : i32
    %rem3A_48 = arith.remsi %rem3A_46, %rem3A_47 : i32
    %dma_start3A = arith.constant 1 : i32
    %dma_start3A_49 = arith.constant 0 : i32
    %dma_start3A_50 = arith.constant 0 : i32
    %dma_start3A_51 = arith.constant 0 : i32
    %dma_start3A_52 = arith.constant 0 : i32
    %dma_start3A_53 = tpu.memref_slice %arg6[%dma_start3A_49, %dma_start3A_50, %dma_start3A_51, %dma_start3A_52] : memref<2x2x64x128xf32, #tpu.memory_space<vmem>> -> memref<1x1x64x128xf32, #tpu.memory_space<vmem>>
    %dma_start3A_54 = tpu.memref_squeeze %dma_start3A_53 : memref<1x1x64x128xf32, #tpu.memory_space<vmem>> -> memref<64x128xf32, #tpu.memory_space<vmem>>
    %dma_start3A_55 = arith.constant 0 : i32
    %dma_start3A_56 = tpu.memref_slice %arg5[%rem3A_48, %dma_start3A, %dma_start3A_55] : memref<32x2x64xi32, #tpu.memory_space<vmem>> -> memref<1x1x64xi32, #tpu.memory_space<vmem>>
    %dma_start3A_57 = tpu.memref_squeeze %dma_start3A_56 : memref<1x1x64xi32, #tpu.memory_space<vmem>> -> memref<64xi32, #tpu.memory_space<vmem>>
    %dma_start3A_58 = arith.constant 0 : i32
    %dma_start3A_59 = arith.constant 0 : i32
    %dma_start3A_60 = tpu.memref_slice %arg2[%dma_start3A_58, %dma_start3A_59] : memref<10112x128xf32, #tpu.memory_space<hbm>> -> memref<10112x128xf32, #tpu.memory_space<hbm>>
    tpu.enqueue_indirect_dma source(%dma_start3A_60 : memref<10112x128xf32, #tpu.memory_space<hbm>>) target(%dma_start3A_54 : memref<64x128xf32, #tpu.memory_space<vmem>>) offsets(%dma_start3A_57 : memref<64xi32, #tpu.memory_space<vmem>>) semaphore(%arg8 : memref<!tpu.dma_semaphore, #tpu.memory_space<semaphore_mem>>)
    %dma_start3A_61 = arith.constant 0 : i32
    %dma_start3A_62 = arith.constant 1 : i32
    %dma_start3A_63 = arith.constant 0 : i32
    %dma_start3A_64 = arith.constant 0 : i32
    %dma_start3A_65 = arith.constant 0 : i32
    %dma_start3A_66 = tpu.memref_slice %arg6[%dma_start3A_62, %dma_start3A_63, %dma_start3A_64, %dma_start3A_65] : memref<2x2x64x128xf32, #tpu.memory_space<vmem>> -> memref<1x1x64x128xf32, #tpu.memory_space<vmem>>
    %dma_start3A_67 = tpu.memref_squeeze %dma_start3A_66 : memref<1x1x64x128xf32, #tpu.memory_space<vmem>> -> memref<64x128xf32, #tpu.memory_space<vmem>>
    %dma_start3A_68 = arith.constant 0 : i32
    %dma_start3A_69 = tpu.memref_slice %arg5[%rem3A_48, %dma_start3A_61, %dma_start3A_68] : memref<32x2x64xi32, #tpu.memory_space<vmem>> -> memref<1x1x64xi32, #tpu.memory_space<vmem>>
    %dma_start3A_70 = tpu.memref_squeeze %dma_start3A_69 : memref<1x1x64xi32, #tpu.memory_space<vmem>> -> memref<64xi32, #tpu.memory_space<vmem>>
    %dma_start3A_71 = arith.constant 0 : i32
    %dma_start3A_72 = arith.constant 0 : i32
    %dma_start3A_73 = tpu.memref_slice %arg2[%dma_start3A_71, %dma_start3A_72] : memref<10112x128xf32, #tpu.memory_space<hbm>> -> memref<10112x128xf32, #tpu.memory_space<hbm>>
    tpu.enqueue_indirect_dma source(%dma_start3A_73 : memref<10112x128xf32, #tpu.memory_space<hbm>>) target(%dma_start3A_67 : memref<64x128xf32, #tpu.memory_space<vmem>>) offsets(%dma_start3A_70 : memref<64xi32, #tpu.memory_space<vmem>>) semaphore(%arg10 : memref<!tpu.dma_semaphore, #tpu.memory_space<semaphore_mem>>)
    %rem3A_74 = arith.constant 1 : i32
    %rem3A_75 = arith.constant 32 : i32
    %rem3A_76 = arith.remsi %rem3A_74, %rem3A_75 : i32
    %dma_start3A_77 = arith.constant 1 : i32
    %dma_start3A_78 = arith.constant 0 : i32
    %dma_start3A_79 = arith.constant 1 : i32
    %dma_start3A_80 = arith.constant 0 : i32
    %dma_start3A_81 = arith.constant 0 : i32
    %dma_start3A_82 = tpu.memref_slice %arg6[%dma_start3A_78, %dma_start3A_79, %dma_start3A_80, %dma_start3A_81] : memref<2x2x64x128xf32, #tpu.memory_space<vmem>> -> memref<1x1x64x128xf32, #tpu.memory_space<vmem>>
    %dma_start3A_83 = tpu.memref_squeeze %dma_start3A_82 : memref<1x1x64x128xf32, #tpu.memory_space<vmem>> -> memref<64x128xf32, #tpu.memory_space<vmem>>
    %dma_start3A_84 = arith.constant 0 : i32
    %dma_start3A_85 = tpu.memref_slice %arg5[%rem3A_76, %dma_start3A_77, %dma_start3A_84] : memref<32x2x64xi32, #tpu.memory_space<vmem>> -> memref<1x1x64xi32, #tpu.memory_space<vmem>>
    %dma_start3A_86 = tpu.memref_squeeze %dma_start3A_85 : memref<1x1x64xi32, #tpu.memory_space<vmem>> -> memref<64xi32, #tpu.memory_space<vmem>>
    %dma_start3A_87 = arith.constant 0 : i32
    %dma_start3A_88 = arith.constant 0 : i32
    %dma_start3A_89 = tpu.memref_slice %arg2[%dma_start3A_87, %dma_start3A_88] : memref<10112x128xf32, #tpu.memory_space<hbm>> -> memref<10112x128xf32, #tpu.memory_space<hbm>>
    tpu.enqueue_indirect_dma source(%dma_start3A_89 : memref<10112x128xf32, #tpu.memory_space<hbm>>) target(%dma_start3A_83 : memref<64x128xf32, #tpu.memory_space<vmem>>) offsets(%dma_start3A_86 : memref<64xi32, #tpu.memory_space<vmem>>) semaphore(%arg9 : memref<!tpu.dma_semaphore, #tpu.memory_space<semaphore_mem>>)
    %dma_start3A_90 = arith.constant 0 : i32
    %dma_start3A_91 = arith.constant 1 : i32
    %dma_start3A_92 = arith.constant 1 : i32
    %dma_start3A_93 = arith.constant 0 : i32
    %dma_start3A_94 = arith.constant 0 : i32
    %dma_start3A_95 = tpu.memref_slice %arg6[%dma_start3A_91, %dma_start3A_92, %dma_start3A_93, %dma_start3A_94] : memref<2x2x64x128xf32, #tpu.memory_space<vmem>> -> memref<1x1x64x128xf32, #tpu.memory_space<vmem>>
    %dma_start3A_96 = tpu.memref_squeeze %dma_start3A_95 : memref<1x1x64x128xf32, #tpu.memory_space<vmem>> -> memref<64x128xf32, #tpu.memory_space<vmem>>
    %dma_start3A_97 = arith.constant 0 : i32
    %dma_start3A_98 = tpu.memref_slice %arg5[%rem3A_76, %dma_start3A_90, %dma_start3A_97] : memref<32x2x64xi32, #tpu.memory_space<vmem>> -> memref<1x1x64xi32, #tpu.memory_space<vmem>>
    %dma_start3A_99 = tpu.memref_squeeze %dma_start3A_98 : memref<1x1x64xi32, #tpu.memory_space<vmem>> -> memref<64xi32, #tpu.memory_space<vmem>>
    %dma_start3A_100 = arith.constant 0 : i32
    %dma_start3A_101 = arith.constant 0 : i32
    %dma_start3A_102 = tpu.memref_slice %arg2[%dma_start3A_100, %dma_start3A_101] : memref<10112x128xf32, #tpu.memory_space<hbm>> -> memref<10112x128xf32, #tpu.memory_space<hbm>>
    tpu.enqueue_indirect_dma source(%dma_start3A_102 : memref<10112x128xf32, #tpu.memory_space<hbm>>) target(%dma_start3A_96 : memref<64x128xf32, #tpu.memory_space<vmem>>) offsets(%dma_start3A_99 : memref<64xi32, #tpu.memory_space<vmem>>) semaphore(%arg11 : memref<!tpu.dma_semaphore, #tpu.memory_space<semaphore_mem>>)
    %while3A = arith.constant 0 : i32
    %while3A_103 = arith.constant 0 : i32
    %while3A_104 = arith.subi %select_n3A_28, %while3A : i32
    %while3A_105 = arith.addi %while3A, %while3A_104 : i32
    %while3A_106 = arith.constant 1 : i32
    %while3A_107 = arith.divsi %while3A_104, %while3A_106 : i32
    %while3A_108 = arith.muli %while3A_107, %while3A_106 : i32
    %while3A_109 = arith.addi %while3A, %while3A_108 : i32
    %while3A_110 = arith.constant 1 : i32
    %while3A_111 = scf.for %while3A_178 = %while3A to %while3A_109 step %while3A_110 iter_args(%while3A_179 = %while3A_103) -> (i32)  : i32 {
      %add3A_180 = arith.constant 1 : i32
      %add3A_181 = arith.addi %while3A_178, %add3A_180 : i32
      %sub3A_182 = arith.constant 1 : i32
      %sub3A_183 = arith.subi %select_n3A_28, %sub3A_182 : i32
      %min3A = arith.minsi %add3A_181, %sub3A_183 : i32
      %rem3A_184 = arith.constant 2 : i32
      %rem3A_185 = arith.remsi %min3A, %rem3A_184 : i32
      %mul3A_186 = arith.constant 16 : i32
      %mul3A_187 = arith.muli %rem3A_185, %mul3A_186 : i32
      %mul3A_188 = arith.constant 16 : i32
      %mul3A_189 = arith.muli %min3A, %mul3A_188 : i32
      %add3A_190 = arith.addi %select_n3A, %mul3A_189 : i32
      "tpu.region"() ({
        %run_scoped3A_199 = tpu.sem_alloc : memref<!tpu.dma_semaphore, #tpu.memory_space<semaphore_mem>>
        %dma_start3A_200 = arith.constant 0 : i32
        %dma_start3A_201 = arith.constant 0 : i32
        %dma_start3A_202 = tpu.memref_slice %arg5[%mul3A_187, %dma_start3A_200, %dma_start3A_201] : memref<32x2x64xi32, #tpu.memory_space<vmem>> -> memref<16x2x64xi32, #tpu.memory_space<vmem>>
        %dma_start3A_203 = arith.constant 0 : i32
        %dma_start3A_204 = arith.constant 0 : i32
        %dma_start3A_205 = tpu.memref_slice %arg3[%add3A_190, %dma_start3A_203, %dma_start3A_204] : memref<5120x2x64xi32, #tpu.memory_space<hbm>> -> memref<16x2x64xi32, #tpu.memory_space<hbm>>
        %dma_start3A_206 = arith.constant 0 : i32
        %dma_start3A_207 = arith.constant 0 : i32
        %dma_start3A_208 = tpu.memref_slice %arg5[%mul3A_187, %dma_start3A_206, %dma_start3A_207] : memref<32x2x64xi32, #tpu.memory_space<vmem>> -> memref<16x2x64xi32, #tpu.memory_space<vmem>>
        %dma_start3A_209 = arith.constant 0 : i32
        %dma_start3A_210 = arith.constant 0 : i32
        %dma_start3A_211 = tpu.memref_slice %arg3[%add3A_190, %dma_start3A_209, %dma_start3A_210] : memref<5120x2x64xi32, #tpu.memory_space<hbm>> -> memref<16x2x64xi32, #tpu.memory_space<hbm>>
        tpu.enqueue_dma source(%dma_start3A_211 : memref<16x2x64xi32, #tpu.memory_space<hbm>>) target(%dma_start3A_208 : memref<16x2x64xi32, #tpu.memory_space<vmem>>) target_semaphore(%run_scoped3A_199 : memref<!tpu.dma_semaphore, #tpu.memory_space<semaphore_mem>>)
        %dma_wait3A_212 = arith.constant 0 : i32
        %dma_wait3A_213 = arith.constant 0 : i32
        %dma_wait3A_214 = tpu.memref_slice %arg5[%mul3A_187, %dma_wait3A_212, %dma_wait3A_213] : memref<32x2x64xi32, #tpu.memory_space<vmem>> -> memref<16x2x64xi32, #tpu.memory_space<vmem>>
        %dma_wait3A_215 = arith.constant 0 : i32
        %dma_wait3A_216 = arith.constant 0 : i32
        %dma_wait3A_217 = tpu.memref_slice %arg3[%add3A_190, %dma_wait3A_215, %dma_wait3A_216] : memref<5120x2x64xi32, #tpu.memory_space<hbm>> -> memref<16x2x64xi32, #tpu.memory_space<hbm>>
        %dma_wait3A_218 = arith.constant 0 : i32
        %dma_wait3A_219 = arith.constant 0 : i32
        %dma_wait3A_220 = tpu.memref_slice %arg5[%mul3A_187, %dma_wait3A_218, %dma_wait3A_219] : memref<32x2x64xi32, #tpu.memory_space<vmem>> -> memref<16x2x64xi32, #tpu.memory_space<vmem>>
        %dma_wait3A_221 = arith.constant 0 : i32
        %dma_wait3A_222 = arith.constant 0 : i32
        %dma_wait3A_223 = tpu.memref_slice %arg3[%add3A_190, %dma_wait3A_221, %dma_wait3A_222] : memref<5120x2x64xi32, #tpu.memory_space<hbm>> -> memref<16x2x64xi32, #tpu.memory_space<hbm>>
        tpu.wait_dma2 semaphore(%run_scoped3A_199 : memref<!tpu.dma_semaphore, #tpu.memory_space<semaphore_mem>>) src(%dma_wait3A_223 : memref<16x2x64xi32, #tpu.memory_space<hbm>>) dst(%dma_wait3A_220 : memref<16x2x64xi32, #tpu.memory_space<vmem>>)
        tpu.yield
      }) : () -> ()
      %scan3A_191 = arith.constant 0 : i32
      %scan3A_192 = arith.constant 0 : i32
      %scan3A_193 = arith.constant 8 : i32
      %scan3A_194 = arith.addi %scan3A_192, %scan3A_193 : i32
      %scan3A_195 = arith.constant 1 : i32
      %scan3A_196 = scf.for %scan3A_199 = %scan3A_192 to %scan3A_194 step %scan3A_195 iter_args(%scan3A_200 = %scan3A_191) -> (i32)  : i32 {
        %mul3A_201 = arith.constant 16 : i32
        %mul3A_202 = arith.muli %while3A_178, %mul3A_201 : i32
        %mul3A_203 = arith.constant 2 : i32
        %mul3A_204 = arith.muli %mul3A_203, %scan3A_199 : i32
        %add3A_205 = arith.addi %mul3A_202, %mul3A_204 : i32
        %add3A_206 = arith.constant 0 : i32
        %add3A_207 = arith.addi %add3A_205, %add3A_206 : i32
        %rem3A_208 = arith.constant 32 : i32
        %rem3A_209 = arith.remsi %add3A_207, %rem3A_208 : i32
        %dma_wait3A_210 = arith.constant 0 : i32
        %dma_wait3A_211 = arith.constant 0 : i32
        %dma_wait3A_212 = arith.constant 0 : i32
        %dma_wait3A_213 = arith.constant 0 : i32
        %dma_wait3A_214 = tpu.memref_slice %arg6[%dma_wait3A_210, %dma_wait3A_211, %dma_wait3A_212, %dma_wait3A_213] : memref<2x2x64x128xf32, #tpu.memory_space<vmem>> -> memref<1x1x64x128xf32, #tpu.memory_space<vmem>>
        %dma_wait3A_215 = tpu.memref_squeeze %dma_wait3A_214 : memref<1x1x64x128xf32, #tpu.memory_space<vmem>> -> memref<64x128xf32, #tpu.memory_space<vmem>>
        %dma_wait3A_216 = arith.constant 0 : i32
        %dma_wait3A_217 = arith.constant 0 : i32
        %dma_wait3A_218 = tpu.memref_slice %arg2[%dma_wait3A_216, %dma_wait3A_217] : memref<10112x128xf32, #tpu.memory_space<hbm>> -> memref<64x128xf32, #tpu.memory_space<hbm>>
        %dma_wait3A_219 = arith.constant 0 : i32
        %dma_wait3A_220 = arith.constant 0 : i32
        %dma_wait3A_221 = tpu.memref_slice %arg6[%dma_wait3A_210, %dma_wait3A_211, %dma_wait3A_219, %dma_wait3A_220] : memref<2x2x64x128xf32, #tpu.memory_space<vmem>> -> memref<1x1x64x128xf32, #tpu.memory_space<vmem>>
        %dma_wait3A_222 = tpu.memref_squeeze %dma_wait3A_221 : memref<1x1x64x128xf32, #tpu.memory_space<vmem>> -> memref<64x128xf32, #tpu.memory_space<vmem>>
        %dma_wait3A_223 = arith.constant 0 : i32
        %dma_wait3A_224 = arith.constant 0 : i32
        %dma_wait3A_225 = tpu.memref_slice %arg2[%dma_wait3A_223, %dma_wait3A_224] : memref<10112x128xf32, #tpu.memory_space<hbm>> -> memref<64x128xf32, #tpu.memory_space<hbm>>
        tpu.wait_dma2 semaphore(%arg8 : memref<!tpu.dma_semaphore, #tpu.memory_space<semaphore_mem>>) src(%dma_wait3A_225 : memref<64x128xf32, #tpu.memory_space<hbm>>) dst(%dma_wait3A_222 : memref<64x128xf32, #tpu.memory_space<vmem>>)
        %dma_wait3A_226 = arith.constant 1 : i32
        %dma_wait3A_227 = arith.constant 0 : i32
        %dma_wait3A_228 = arith.constant 0 : i32
        %dma_wait3A_229 = arith.constant 0 : i32
        %dma_wait3A_230 = tpu.memref_slice %arg6[%dma_wait3A_226, %dma_wait3A_227, %dma_wait3A_228, %dma_wait3A_229] : memref<2x2x64x128xf32, #tpu.memory_space<vmem>> -> memref<1x1x64x128xf32, #tpu.memory_space<vmem>>
        %dma_wait3A_231 = tpu.memref_squeeze %dma_wait3A_230 : memref<1x1x64x128xf32, #tpu.memory_space<vmem>> -> memref<64x128xf32, #tpu.memory_space<vmem>>
        %dma_wait3A_232 = arith.constant 0 : i32
        %dma_wait3A_233 = arith.constant 0 : i32
        %dma_wait3A_234 = tpu.memref_slice %arg2[%dma_wait3A_232, %dma_wait3A_233] : memref<10112x128xf32, #tpu.memory_space<hbm>> -> memref<64x128xf32, #tpu.memory_space<hbm>>
        %dma_wait3A_235 = arith.constant 0 : i32
        %dma_wait3A_236 = arith.constant 0 : i32
        %dma_wait3A_237 = tpu.memref_slice %arg6[%dma_wait3A_226, %dma_wait3A_227, %dma_wait3A_235, %dma_wait3A_236] : memref<2x2x64x128xf32, #tpu.memory_space<vmem>> -> memref<1x1x64x128xf32, #tpu.memory_space<vmem>>
        %dma_wait3A_238 = tpu.memref_squeeze %dma_wait3A_237 : memref<1x1x64x128xf32, #tpu.memory_space<vmem>> -> memref<64x128xf32, #tpu.memory_space<vmem>>
        %dma_wait3A_239 = arith.constant 0 : i32
        %dma_wait3A_240 = arith.constant 0 : i32
        %dma_wait3A_241 = tpu.memref_slice %arg2[%dma_wait3A_239, %dma_wait3A_240] : memref<10112x128xf32, #tpu.memory_space<hbm>> -> memref<64x128xf32, #tpu.memory_space<hbm>>
        tpu.wait_dma2 semaphore(%arg10 : memref<!tpu.dma_semaphore, #tpu.memory_space<semaphore_mem>>) src(%dma_wait3A_241 : memref<64x128xf32, #tpu.memory_space<hbm>>) dst(%dma_wait3A_238 : memref<64x128xf32, #tpu.memory_space<vmem>>)
        %dma_start3A_242 = arith.constant 0 : i32
        %dma_start3A_243 = arith.constant 0 : i32
        %dma_start3A_244 = arith.constant 0 : i32
        %dma_start3A_245 = arith.constant 0 : i32
        %dma_start3A_246 = arith.constant 0 : i32
        %dma_start3A_247 = tpu.memref_slice %arg6[%dma_start3A_242, %dma_start3A_243, %dma_start3A_245, %dma_start3A_246] : memref<2x2x64x128xf32, #tpu.memory_space<vmem>> -> memref<1x1x64x128xf32, #tpu.memory_space<vmem>>
        %dma_start3A_248 = tpu.memref_squeeze %dma_start3A_247 : memref<1x1x64x128xf32, #tpu.memory_space<vmem>> -> memref<64x128xf32, #tpu.memory_space<vmem>>
        %dma_start3A_249 = arith.constant 0 : i32
        %dma_start3A_250 = tpu.memref_slice %arg5[%rem3A_209, %dma_start3A_244, %dma_start3A_249] : memref<32x2x64xi32, #tpu.memory_space<vmem>> -> memref<1x1x64xi32, #tpu.memory_space<vmem>>
        %dma_start3A_251 = tpu.memref_squeeze %dma_start3A_250 : memref<1x1x64xi32, #tpu.memory_space<vmem>> -> memref<64xi32, #tpu.memory_space<vmem>>
        %dma_start3A_252 = arith.constant 0 : i32
        %dma_start3A_253 = arith.constant 0 : i32
        %dma_start3A_254 = tpu.memref_slice %arg7[%dma_start3A_252, %dma_start3A_253] : memref<10112x128xf32, #tpu.memory_space<vmem_shared>> -> memref<10112x128xf32, #tpu.memory_space<vmem_shared>>
        tpu.enqueue_indirect_dma source(%dma_start3A_248 : memref<64x128xf32, #tpu.memory_space<vmem>>) target(%dma_start3A_254 : memref<10112x128xf32, #tpu.memory_space<vmem_shared>>) offsets(%dma_start3A_251 : memref<64xi32, #tpu.memory_space<vmem>>) semaphore(%arg12 : memref<!tpu.dma_semaphore, #tpu.memory_space<semaphore_mem>>) {add = true}
        %dma_start3A_255 = arith.constant 1 : i32
        %dma_start3A_256 = arith.constant 0 : i32
        %dma_start3A_257 = arith.constant 1 : i32
        %dma_start3A_258 = arith.constant 0 : i32
        %dma_start3A_259 = arith.constant 0 : i32
        %dma_start3A_260 = tpu.memref_slice %arg6[%dma_start3A_255, %dma_start3A_256, %dma_start3A_258, %dma_start3A_259] : memref<2x2x64x128xf32, #tpu.memory_space<vmem>> -> memref<1x1x64x128xf32, #tpu.memory_space<vmem>>
        %dma_start3A_261 = tpu.memref_squeeze %dma_start3A_260 : memref<1x1x64x128xf32, #tpu.memory_space<vmem>> -> memref<64x128xf32, #tpu.memory_space<vmem>>
        %dma_start3A_262 = arith.constant 0 : i32
        %dma_start3A_263 = tpu.memref_slice %arg5[%rem3A_209, %dma_start3A_257, %dma_start3A_262] : memref<32x2x64xi32, #tpu.memory_space<vmem>> -> memref<1x1x64xi32, #tpu.memory_space<vmem>>
        %dma_start3A_264 = tpu.memref_squeeze %dma_start3A_263 : memref<1x1x64xi32, #tpu.memory_space<vmem>> -> memref<64xi32, #tpu.memory_space<vmem>>
        %dma_start3A_265 = arith.constant 0 : i32
        %dma_start3A_266 = arith.constant 0 : i32
        %dma_start3A_267 = tpu.memref_slice %arg7[%dma_start3A_265, %dma_start3A_266] : memref<10112x128xf32, #tpu.memory_space<vmem_shared>> -> memref<10112x128xf32, #tpu.memory_space<vmem_shared>>
        tpu.enqueue_indirect_dma source(%dma_start3A_261 : memref<64x128xf32, #tpu.memory_space<vmem>>) target(%dma_start3A_267 : memref<10112x128xf32, #tpu.memory_space<vmem_shared>>) offsets(%dma_start3A_264 : memref<64xi32, #tpu.memory_space<vmem>>) semaphore(%arg12 : memref<!tpu.dma_semaphore, #tpu.memory_space<semaphore_mem>>) {add = true}
        %dma_wait3A_268 = arith.constant 0 : i32
        %dma_wait3A_269 = arith.constant 0 : i32
        %dma_wait3A_270 = arith.constant 0 : i32
        %dma_wait3A_271 = arith.constant 0 : i32
        %dma_wait3A_272 = arith.constant 0 : i32
        %dma_wait3A_273 = tpu.memref_slice %arg6[%dma_wait3A_268, %dma_wait3A_269, %dma_wait3A_271, %dma_wait3A_272] : memref<2x2x64x128xf32, #tpu.memory_space<vmem>> -> memref<1x1x64x128xf32, #tpu.memory_space<vmem>>
        %dma_wait3A_274 = tpu.memref_squeeze %dma_wait3A_273 : memref<1x1x64x128xf32, #tpu.memory_space<vmem>> -> memref<64x128xf32, #tpu.memory_space<vmem>>
        %dma_wait3A_275 = arith.constant 0 : i32
        %dma_wait3A_276 = tpu.memref_slice %arg5[%rem3A_209, %dma_wait3A_270, %dma_wait3A_275] : memref<32x2x64xi32, #tpu.memory_space<vmem>> -> memref<1x1x64xi32, #tpu.memory_space<vmem>>
        %dma_wait3A_277 = tpu.memref_squeeze %dma_wait3A_276 : memref<1x1x64xi32, #tpu.memory_space<vmem>> -> memref<64xi32, #tpu.memory_space<vmem>>
        %dma_wait3A_278 = arith.constant 0 : i32
        %dma_wait3A_279 = arith.constant 0 : i32
        %dma_wait3A_280 = tpu.memref_slice %arg7[%dma_wait3A_278, %dma_wait3A_279] : memref<10112x128xf32, #tpu.memory_space<vmem_shared>> -> memref<10112x128xf32, #tpu.memory_space<vmem_shared>>
        tpu.wait_indirect_dma semaphore(%arg12 : memref<!tpu.dma_semaphore, #tpu.memory_space<semaphore_mem>>) src(%dma_wait3A_274 : memref<64x128xf32, #tpu.memory_space<vmem>>) dst(%dma_wait3A_280 : memref<10112x128xf32, #tpu.memory_space<vmem_shared>>)
        %dma_wait3A_281 = arith.constant 1 : i32
        %dma_wait3A_282 = arith.constant 0 : i32
        %dma_wait3A_283 = arith.constant 1 : i32
        %dma_wait3A_284 = arith.constant 0 : i32
        %dma_wait3A_285 = arith.constant 0 : i32
        %dma_wait3A_286 = tpu.memref_slice %arg6[%dma_wait3A_281, %dma_wait3A_282, %dma_wait3A_284, %dma_wait3A_285] : memref<2x2x64x128xf32, #tpu.memory_space<vmem>> -> memref<1x1x64x128xf32, #tpu.memory_space<vmem>>
        %dma_wait3A_287 = tpu.memref_squeeze %dma_wait3A_286 : memref<1x1x64x128xf32, #tpu.memory_space<vmem>> -> memref<64x128xf32, #tpu.memory_space<vmem>>
        %dma_wait3A_288 = arith.constant 0 : i32
        %dma_wait3A_289 = tpu.memref_slice %arg5[%rem3A_209, %dma_wait3A_283, %dma_wait3A_288] : memref<32x2x64xi32, #tpu.memory_space<vmem>> -> memref<1x1x64xi32, #tpu.memory_space<vmem>>
        %dma_wait3A_290 = tpu.memref_squeeze %dma_wait3A_289 : memref<1x1x64xi32, #tpu.memory_space<vmem>> -> memref<64xi32, #tpu.memory_space<vmem>>
        %dma_wait3A_291 = arith.constant 0 : i32
        %dma_wait3A_292 = arith.constant 0 : i32
        %dma_wait3A_293 = tpu.memref_slice %arg7[%dma_wait3A_291, %dma_wait3A_292] : memref<10112x128xf32, #tpu.memory_space<vmem_shared>> -> memref<10112x128xf32, #tpu.memory_space<vmem_shared>>
        tpu.wait_indirect_dma semaphore(%arg12 : memref<!tpu.dma_semaphore, #tpu.memory_space<semaphore_mem>>) src(%dma_wait3A_287 : memref<64x128xf32, #tpu.memory_space<vmem>>) dst(%dma_wait3A_293 : memref<10112x128xf32, #tpu.memory_space<vmem_shared>>)
        %add3A_294 = arith.constant 2 : i32
        %add3A_295 = arith.addi %add3A_207, %add3A_294 : i32
        %sub3A_296 = arith.constant 1 : i32
        %sub3A_297 = arith.subi %select_n3A_10, %sub3A_296 : i32
        %min3A_298 = arith.minsi %add3A_295, %sub3A_297 : i32
        %rem3A_299 = arith.constant 32 : i32
        %rem3A_300 = arith.remsi %min3A_298, %rem3A_299 : i32
        %dma_start3A_301 = arith.constant 1 : i32
        %dma_start3A_302 = arith.constant 0 : i32
        %dma_start3A_303 = arith.constant 0 : i32
        %dma_start3A_304 = arith.constant 0 : i32
        %dma_start3A_305 = arith.constant 0 : i32
        %dma_start3A_306 = tpu.memref_slice %arg6[%dma_start3A_302, %dma_start3A_303, %dma_start3A_304, %dma_start3A_305] : memref<2x2x64x128xf32, #tpu.memory_space<vmem>> -> memref<1x1x64x128xf32, #tpu.memory_space<vmem>>
        %dma_start3A_307 = tpu.memref_squeeze %dma_start3A_306 : memref<1x1x64x128xf32, #tpu.memory_space<vmem>> -> memref<64x128xf32, #tpu.memory_space<vmem>>
        %dma_start3A_308 = arith.constant 0 : i32
        %dma_start3A_309 = tpu.memref_slice %arg5[%rem3A_300, %dma_start3A_301, %dma_start3A_308] : memref<32x2x64xi32, #tpu.memory_space<vmem>> -> memref<1x1x64xi32, #tpu.memory_space<vmem>>
        %dma_start3A_310 = tpu.memref_squeeze %dma_start3A_309 : memref<1x1x64xi32, #tpu.memory_space<vmem>> -> memref<64xi32, #tpu.memory_space<vmem>>
        %dma_start3A_311 = arith.constant 0 : i32
        %dma_start3A_312 = arith.constant 0 : i32
        %dma_start3A_313 = tpu.memref_slice %arg2[%dma_start3A_311, %dma_start3A_312] : memref<10112x128xf32, #tpu.memory_space<hbm>> -> memref<10112x128xf32, #tpu.memory_space<hbm>>
        tpu.enqueue_indirect_dma source(%dma_start3A_313 : memref<10112x128xf32, #tpu.memory_space<hbm>>) target(%dma_start3A_307 : memref<64x128xf32, #tpu.memory_space<vmem>>) offsets(%dma_start3A_310 : memref<64xi32, #tpu.memory_space<vmem>>) semaphore(%arg8 : memref<!tpu.dma_semaphore, #tpu.memory_space<semaphore_mem>>)
        %dma_start3A_314 = arith.constant 0 : i32
        %dma_start3A_315 = arith.constant 1 : i32
        %dma_start3A_316 = arith.constant 0 : i32
        %dma_start3A_317 = arith.constant 0 : i32
        %dma_start3A_318 = arith.constant 0 : i32
        %dma_start3A_319 = tpu.memref_slice %arg6[%dma_start3A_315, %dma_start3A_316, %dma_start3A_317, %dma_start3A_318] : memref<2x2x64x128xf32, #tpu.memory_space<vmem>> -> memref<1x1x64x128xf32, #tpu.memory_space<vmem>>
        %dma_start3A_320 = tpu.memref_squeeze %dma_start3A_319 : memref<1x1x64x128xf32, #tpu.memory_space<vmem>> -> memref<64x128xf32, #tpu.memory_space<vmem>>
        %dma_start3A_321 = arith.constant 0 : i32
        %dma_start3A_322 = tpu.memref_slice %arg5[%rem3A_300, %dma_start3A_314, %dma_start3A_321] : memref<32x2x64xi32, #tpu.memory_space<vmem>> -> memref<1x1x64xi32, #tpu.memory_space<vmem>>
        %dma_start3A_323 = tpu.memref_squeeze %dma_start3A_322 : memref<1x1x64xi32, #tpu.memory_space<vmem>> -> memref<64xi32, #tpu.memory_space<vmem>>
        %dma_start3A_324 = arith.constant 0 : i32
        %dma_start3A_325 = arith.constant 0 : i32
        %dma_start3A_326 = tpu.memref_slice %arg2[%dma_start3A_324, %dma_start3A_325] : memref<10112x128xf32, #tpu.memory_space<hbm>> -> memref<10112x128xf32, #tpu.memory_space<hbm>>
        tpu.enqueue_indirect_dma source(%dma_start3A_326 : memref<10112x128xf32, #tpu.memory_space<hbm>>) target(%dma_start3A_320 : memref<64x128xf32, #tpu.memory_space<vmem>>) offsets(%dma_start3A_323 : memref<64xi32, #tpu.memory_space<vmem>>) semaphore(%arg10 : memref<!tpu.dma_semaphore, #tpu.memory_space<semaphore_mem>>)
        %mul3A_327 = arith.constant 16 : i32
        %mul3A_328 = arith.muli %while3A_178, %mul3A_327 : i32
        %mul3A_329 = arith.constant 2 : i32
        %mul3A_330 = arith.muli %mul3A_329, %scan3A_199 : i32
        %add3A_331 = arith.addi %mul3A_328, %mul3A_330 : i32
        %add3A_332 = arith.constant 1 : i32
        %add3A_333 = arith.addi %add3A_331, %add3A_332 : i32
        %rem3A_334 = arith.constant 32 : i32
        %rem3A_335 = arith.remsi %add3A_333, %rem3A_334 : i32
        %dma_wait3A_336 = arith.constant 0 : i32
        %dma_wait3A_337 = arith.constant 1 : i32
        %dma_wait3A_338 = arith.constant 0 : i32
        %dma_wait3A_339 = arith.constant 0 : i32
        %dma_wait3A_340 = tpu.memref_slice %arg6[%dma_wait3A_336, %dma_wait3A_337, %dma_wait3A_338, %dma_wait3A_339] : memref<2x2x64x128xf32, #tpu.memory_space<vmem>> -> memref<1x1x64x128xf32, #tpu.memory_space<vmem>>
        %dma_wait3A_341 = tpu.memref_squeeze %dma_wait3A_340 : memref<1x1x64x128xf32, #tpu.memory_space<vmem>> -> memref<64x128xf32, #tpu.memory_space<vmem>>
        %dma_wait3A_342 = arith.constant 0 : i32
        %dma_wait3A_343 = arith.constant 0 : i32
        %dma_wait3A_344 = tpu.memref_slice %arg2[%dma_wait3A_342, %dma_wait3A_343] : memref<10112x128xf32, #tpu.memory_space<hbm>> -> memref<64x128xf32, #tpu.memory_space<hbm>>
        %dma_wait3A_345 = arith.constant 0 : i32
        %dma_wait3A_346 = arith.constant 0 : i32
        %dma_wait3A_347 = tpu.memref_slice %arg6[%dma_wait3A_336, %dma_wait3A_337, %dma_wait3A_345, %dma_wait3A_346] : memref<2x2x64x128xf32, #tpu.memory_space<vmem>> -> memref<1x1x64x128xf32, #tpu.memory_space<vmem>>
        %dma_wait3A_348 = tpu.memref_squeeze %dma_wait3A_347 : memref<1x1x64x128xf32, #tpu.memory_space<vmem>> -> memref<64x128xf32, #tpu.memory_space<vmem>>
        %dma_wait3A_349 = arith.constant 0 : i32
        %dma_wait3A_350 = arith.constant 0 : i32
        %dma_wait3A_351 = tpu.memref_slice %arg2[%dma_wait3A_349, %dma_wait3A_350] : memref<10112x128xf32, #tpu.memory_space<hbm>> -> memref<64x128xf32, #tpu.memory_space<hbm>>
        tpu.wait_dma2 semaphore(%arg9 : memref<!tpu.dma_semaphore, #tpu.memory_space<semaphore_mem>>) src(%dma_wait3A_351 : memref<64x128xf32, #tpu.memory_space<hbm>>) dst(%dma_wait3A_348 : memref<64x128xf32, #tpu.memory_space<vmem>>)
        %dma_wait3A_352 = arith.constant 1 : i32
        %dma_wait3A_353 = arith.constant 1 : i32
        %dma_wait3A_354 = arith.constant 0 : i32
        %dma_wait3A_355 = arith.constant 0 : i32
        %dma_wait3A_356 = tpu.memref_slice %arg6[%dma_wait3A_352, %dma_wait3A_353, %dma_wait3A_354, %dma_wait3A_355] : memref<2x2x64x128xf32, #tpu.memory_space<vmem>> -> memref<1x1x64x128xf32, #tpu.memory_space<vmem>>
        %dma_wait3A_357 = tpu.memref_squeeze %dma_wait3A_356 : memref<1x1x64x128xf32, #tpu.memory_space<vmem>> -> memref<64x128xf32, #tpu.memory_space<vmem>>
        %dma_wait3A_358 = arith.constant 0 : i32
        %dma_wait3A_359 = arith.constant 0 : i32
        %dma_wait3A_360 = tpu.memref_slice %arg2[%dma_wait3A_358, %dma_wait3A_359] : memref<10112x128xf32, #tpu.memory_space<hbm>> -> memref<64x128xf32, #tpu.memory_space<hbm>>
        %dma_wait3A_361 = arith.constant 0 : i32
        %dma_wait3A_362 = arith.constant 0 : i32
        %dma_wait3A_363 = tpu.memref_slice %arg6[%dma_wait3A_352, %dma_wait3A_353, %dma_wait3A_361, %dma_wait3A_362] : memref<2x2x64x128xf32, #tpu.memory_space<vmem>> -> memref<1x1x64x128xf32, #tpu.memory_space<vmem>>
        %dma_wait3A_364 = tpu.memref_squeeze %dma_wait3A_363 : memref<1x1x64x128xf32, #tpu.memory_space<vmem>> -> memref<64x128xf32, #tpu.memory_space<vmem>>
        %dma_wait3A_365 = arith.constant 0 : i32
        %dma_wait3A_366 = arith.constant 0 : i32
        %dma_wait3A_367 = tpu.memref_slice %arg2[%dma_wait3A_365, %dma_wait3A_366] : memref<10112x128xf32, #tpu.memory_space<hbm>> -> memref<64x128xf32, #tpu.memory_space<hbm>>
        tpu.wait_dma2 semaphore(%arg11 : memref<!tpu.dma_semaphore, #tpu.memory_space<semaphore_mem>>) src(%dma_wait3A_367 : memref<64x128xf32, #tpu.memory_space<hbm>>) dst(%dma_wait3A_364 : memref<64x128xf32, #tpu.memory_space<vmem>>)
        %dma_start3A_368 = arith.constant 0 : i32
        %dma_start3A_369 = arith.constant 1 : i32
        %dma_start3A_370 = arith.constant 0 : i32
        %dma_start3A_371 = arith.constant 0 : i32
        %dma_start3A_372 = arith.constant 0 : i32
        %dma_start3A_373 = tpu.memref_slice %arg6[%dma_start3A_368, %dma_start3A_369, %dma_start3A_371, %dma_start3A_372] : memref<2x2x64x128xf32, #tpu.memory_space<vmem>> -> memref<1x1x64x128xf32, #tpu.memory_space<vmem>>
        %dma_start3A_374 = tpu.memref_squeeze %dma_start3A_373 : memref<1x1x64x128xf32, #tpu.memory_space<vmem>> -> memref<64x128xf32, #tpu.memory_space<vmem>>
        %dma_start3A_375 = arith.constant 0 : i32
        %dma_start3A_376 = tpu.memref_slice %arg5[%rem3A_335, %dma_start3A_370, %dma_start3A_375] : memref<32x2x64xi32, #tpu.memory_space<vmem>> -> memref<1x1x64xi32, #tpu.memory_space<vmem>>
        %dma_start3A_377 = tpu.memref_squeeze %dma_start3A_376 : memref<1x1x64xi32, #tpu.memory_space<vmem>> -> memref<64xi32, #tpu.memory_space<vmem>>
        %dma_start3A_378 = arith.constant 0 : i32
        %dma_start3A_379 = arith.constant 0 : i32
        %dma_start3A_380 = tpu.memref_slice %arg7[%dma_start3A_378, %dma_start3A_379] : memref<10112x128xf32, #tpu.memory_space<vmem_shared>> -> memref<10112x128xf32, #tpu.memory_space<vmem_shared>>
        tpu.enqueue_indirect_dma source(%dma_start3A_374 : memref<64x128xf32, #tpu.memory_space<vmem>>) target(%dma_start3A_380 : memref<10112x128xf32, #tpu.memory_space<vmem_shared>>) offsets(%dma_start3A_377 : memref<64xi32, #tpu.memory_space<vmem>>) semaphore(%arg12 : memref<!tpu.dma_semaphore, #tpu.memory_space<semaphore_mem>>) {add = true}
        %dma_start3A_381 = arith.constant 1 : i32
        %dma_start3A_382 = arith.constant 1 : i32
        %dma_start3A_383 = arith.constant 1 : i32
        %dma_start3A_384 = arith.constant 0 : i32
        %dma_start3A_385 = arith.constant 0 : i32
        %dma_start3A_386 = tpu.memref_slice %arg6[%dma_start3A_381, %dma_start3A_382, %dma_start3A_384, %dma_start3A_385] : memref<2x2x64x128xf32, #tpu.memory_space<vmem>> -> memref<1x1x64x128xf32, #tpu.memory_space<vmem>>
        %dma_start3A_387 = tpu.memref_squeeze %dma_start3A_386 : memref<1x1x64x128xf32, #tpu.memory_space<vmem>> -> memref<64x128xf32, #tpu.memory_space<vmem>>
        %dma_start3A_388 = arith.constant 0 : i32
        %dma_start3A_389 = tpu.memref_slice %arg5[%rem3A_335, %dma_start3A_383, %dma_start3A_388] : memref<32x2x64xi32, #tpu.memory_space<vmem>> -> memref<1x1x64xi32, #tpu.memory_space<vmem>>
        %dma_start3A_390 = tpu.memref_squeeze %dma_start3A_389 : memref<1x1x64xi32, #tpu.memory_space<vmem>> -> memref<64xi32, #tpu.memory_space<vmem>>
        %dma_start3A_391 = arith.constant 0 : i32
        %dma_start3A_392 = arith.constant 0 : i32
        %dma_start3A_393 = tpu.memref_slice %arg7[%dma_start3A_391, %dma_start3A_392] : memref<10112x128xf32, #tpu.memory_space<vmem_shared>> -> memref<10112x128xf32, #tpu.memory_space<vmem_shared>>
        tpu.enqueue_indirect_dma source(%dma_start3A_387 : memref<64x128xf32, #tpu.memory_space<vmem>>) target(%dma_start3A_393 : memref<10112x128xf32, #tpu.memory_space<vmem_shared>>) offsets(%dma_start3A_390 : memref<64xi32, #tpu.memory_space<vmem>>) semaphore(%arg12 : memref<!tpu.dma_semaphore, #tpu.memory_space<semaphore_mem>>) {add = true}
        %dma_wait3A_394 = arith.constant 0 : i32
        %dma_wait3A_395 = arith.constant 1 : i32
        %dma_wait3A_396 = arith.constant 0 : i32
        %dma_wait3A_397 = arith.constant 0 : i32
        %dma_wait3A_398 = arith.constant 0 : i32
        %dma_wait3A_399 = tpu.memref_slice %arg6[%dma_wait3A_394, %dma_wait3A_395, %dma_wait3A_397, %dma_wait3A_398] : memref<2x2x64x128xf32, #tpu.memory_space<vmem>> -> memref<1x1x64x128xf32, #tpu.memory_space<vmem>>
        %dma_wait3A_400 = tpu.memref_squeeze %dma_wait3A_399 : memref<1x1x64x128xf32, #tpu.memory_space<vmem>> -> memref<64x128xf32, #tpu.memory_space<vmem>>
        %dma_wait3A_401 = arith.constant 0 : i32
        %dma_wait3A_402 = tpu.memref_slice %arg5[%rem3A_335, %dma_wait3A_396, %dma_wait3A_401] : memref<32x2x64xi32, #tpu.memory_space<vmem>> -> memref<1x1x64xi32, #tpu.memory_space<vmem>>
        %dma_wait3A_403 = tpu.memref_squeeze %dma_wait3A_402 : memref<1x1x64xi32, #tpu.memory_space<vmem>> -> memref<64xi32, #tpu.memory_space<vmem>>
        %dma_wait3A_404 = arith.constant 0 : i32
        %dma_wait3A_405 = arith.constant 0 : i32
        %dma_wait3A_406 = tpu.memref_slice %arg7[%dma_wait3A_404, %dma_wait3A_405] : memref<10112x128xf32, #tpu.memory_space<vmem_shared>> -> memref<10112x128xf32, #tpu.memory_space<vmem_shared>>
        tpu.wait_indirect_dma semaphore(%arg12 : memref<!tpu.dma_semaphore, #tpu.memory_space<semaphore_mem>>) src(%dma_wait3A_400 : memref<64x128xf32, #tpu.memory_space<vmem>>) dst(%dma_wait3A_406 : memref<10112x128xf32, #tpu.memory_space<vmem_shared>>)
        %dma_wait3A_407 = arith.constant 1 : i32
        %dma_wait3A_408 = arith.constant 1 : i32
        %dma_wait3A_409 = arith.constant 1 : i32
        %dma_wait3A_410 = arith.constant 0 : i32
        %dma_wait3A_411 = arith.constant 0 : i32
        %dma_wait3A_412 = tpu.memref_slice %arg6[%dma_wait3A_407, %dma_wait3A_408, %dma_wait3A_410, %dma_wait3A_411] : memref<2x2x64x128xf32, #tpu.memory_space<vmem>> -> memref<1x1x64x128xf32, #tpu.memory_space<vmem>>
        %dma_wait3A_413 = tpu.memref_squeeze %dma_wait3A_412 : memref<1x1x64x128xf32, #tpu.memory_space<vmem>> -> memref<64x128xf32, #tpu.memory_space<vmem>>
        %dma_wait3A_414 = arith.constant 0 : i32
        %dma_wait3A_415 = tpu.memref_slice %arg5[%rem3A_335, %dma_wait3A_409, %dma_wait3A_414] : memref<32x2x64xi32, #tpu.memory_space<vmem>> -> memref<1x1x64xi32, #tpu.memory_space<vmem>>
        %dma_wait3A_416 = tpu.memref_squeeze %dma_wait3A_415 : memref<1x1x64xi32, #tpu.memory_space<vmem>> -> memref<64xi32, #tpu.memory_space<vmem>>
        %dma_wait3A_417 = arith.constant 0 : i32
        %dma_wait3A_418 = arith.constant 0 : i32
        %dma_wait3A_419 = tpu.memref_slice %arg7[%dma_wait3A_417, %dma_wait3A_418] : memref<10112x128xf32, #tpu.memory_space<vmem_shared>> -> memref<10112x128xf32, #tpu.memory_space<vmem_shared>>
        tpu.wait_indirect_dma semaphore(%arg12 : memref<!tpu.dma_semaphore, #tpu.memory_space<semaphore_mem>>) src(%dma_wait3A_413 : memref<64x128xf32, #tpu.memory_space<vmem>>) dst(%dma_wait3A_419 : memref<10112x128xf32, #tpu.memory_space<vmem_shared>>)
        %add3A_420 = arith.constant 2 : i32
        %add3A_421 = arith.addi %add3A_333, %add3A_420 : i32
        %sub3A_422 = arith.constant 1 : i32
        %sub3A_423 = arith.subi %select_n3A_10, %sub3A_422 : i32
        %min3A_424 = arith.minsi %add3A_421, %sub3A_423 : i32
        %rem3A_425 = arith.constant 32 : i32
        %rem3A_426 = arith.remsi %min3A_424, %rem3A_425 : i32
        %dma_start3A_427 = arith.constant 1 : i32
        %dma_start3A_428 = arith.constant 0 : i32
        %dma_start3A_429 = arith.constant 1 : i32
        %dma_start3A_430 = arith.constant 0 : i32
        %dma_start3A_431 = arith.constant 0 : i32
        %dma_start3A_432 = tpu.memref_slice %arg6[%dma_start3A_428, %dma_start3A_429, %dma_start3A_430, %dma_start3A_431] : memref<2x2x64x128xf32, #tpu.memory_space<vmem>> -> memref<1x1x64x128xf32, #tpu.memory_space<vmem>>
        %dma_start3A_433 = tpu.memref_squeeze %dma_start3A_432 : memref<1x1x64x128xf32, #tpu.memory_space<vmem>> -> memref<64x128xf32, #tpu.memory_space<vmem>>
        %dma_start3A_434 = arith.constant 0 : i32
        %dma_start3A_435 = tpu.memref_slice %arg5[%rem3A_426, %dma_start3A_427, %dma_start3A_434] : memref<32x2x64xi32, #tpu.memory_space<vmem>> -> memref<1x1x64xi32, #tpu.memory_space<vmem>>
        %dma_start3A_436 = tpu.memref_squeeze %dma_start3A_435 : memref<1x1x64xi32, #tpu.memory_space<vmem>> -> memref<64xi32, #tpu.memory_space<vmem>>
        %dma_start3A_437 = arith.constant 0 : i32
        %dma_start3A_438 = arith.constant 0 : i32
        %dma_start3A_439 = tpu.memref_slice %arg2[%dma_start3A_437, %dma_start3A_438] : memref<10112x128xf32, #tpu.memory_space<hbm>> -> memref<10112x128xf32, #tpu.memory_space<hbm>>
        tpu.enqueue_indirect_dma source(%dma_start3A_439 : memref<10112x128xf32, #tpu.memory_space<hbm>>) target(%dma_start3A_433 : memref<64x128xf32, #tpu.memory_space<vmem>>) offsets(%dma_start3A_436 : memref<64xi32, #tpu.memory_space<vmem>>) semaphore(%arg9 : memref<!tpu.dma_semaphore, #tpu.memory_space<semaphore_mem>>)
        %dma_start3A_440 = arith.constant 0 : i32
        %dma_start3A_441 = arith.constant 1 : i32
        %dma_start3A_442 = arith.constant 1 : i32
        %dma_start3A_443 = arith.constant 0 : i32
        %dma_start3A_444 = arith.constant 0 : i32
        %dma_start3A_445 = tpu.memref_slice %arg6[%dma_start3A_441, %dma_start3A_442, %dma_start3A_443, %dma_start3A_444] : memref<2x2x64x128xf32, #tpu.memory_space<vmem>> -> memref<1x1x64x128xf32, #tpu.memory_space<vmem>>
        %dma_start3A_446 = tpu.memref_squeeze %dma_start3A_445 : memref<1x1x64x128xf32, #tpu.memory_space<vmem>> -> memref<64x128xf32, #tpu.memory_space<vmem>>
        %dma_start3A_447 = arith.constant 0 : i32
        %dma_start3A_448 = tpu.memref_slice %arg5[%rem3A_426, %dma_start3A_440, %dma_start3A_447] : memref<32x2x64xi32, #tpu.memory_space<vmem>> -> memref<1x1x64xi32, #tpu.memory_space<vmem>>
        %dma_start3A_449 = tpu.memref_squeeze %dma_start3A_448 : memref<1x1x64xi32, #tpu.memory_space<vmem>> -> memref<64xi32, #tpu.memory_space<vmem>>
        %dma_start3A_450 = arith.constant 0 : i32
        %dma_start3A_451 = arith.constant 0 : i32
        %dma_start3A_452 = tpu.memref_slice %arg2[%dma_start3A_450, %dma_start3A_451] : memref<10112x128xf32, #tpu.memory_space<hbm>> -> memref<10112x128xf32, #tpu.memory_space<hbm>>
        tpu.enqueue_indirect_dma source(%dma_start3A_452 : memref<10112x128xf32, #tpu.memory_space<hbm>>) target(%dma_start3A_446 : memref<64x128xf32, #tpu.memory_space<vmem>>) offsets(%dma_start3A_449 : memref<64xi32, #tpu.memory_space<vmem>>) semaphore(%arg11 : memref<!tpu.dma_semaphore, #tpu.memory_space<semaphore_mem>>)
        %scan3A_453 = arith.constant 0 : i32
        scf.yield %scan3A_453 : i32
      }
      %scan3A_197 = arith.constant 8 : i32
      %while3A_198 = arith.constant 0 : i32
      scf.yield %while3A_198 : i32
    }
    %while3A_112 = arith.constant 1 : i32
    %while3A_113 = scf.for %while3A_178 = %while3A_109 to %while3A_105 step %while3A_112 iter_args(%while3A_179 = %while3A_111) -> (i32)  : i32 {
      %add3A_180 = arith.constant 1 : i32
      %add3A_181 = arith.addi %while3A_178, %add3A_180 : i32
      %sub3A_182 = arith.constant 1 : i32
      %sub3A_183 = arith.subi %select_n3A_28, %sub3A_182 : i32
      %min3A = arith.minsi %add3A_181, %sub3A_183 : i32
      %rem3A_184 = arith.constant 2 : i32
      %rem3A_185 = arith.remsi %min3A, %rem3A_184 : i32
      %mul3A_186 = arith.constant 16 : i32
      %mul3A_187 = arith.muli %rem3A_185, %mul3A_186 : i32
      %mul3A_188 = arith.constant 16 : i32
      %mul3A_189 = arith.muli %min3A, %mul3A_188 : i32
      %add3A_190 = arith.addi %select_n3A, %mul3A_189 : i32
      "tpu.region"() ({
        %run_scoped3A_199 = tpu.sem_alloc : memref<!tpu.dma_semaphore, #tpu.memory_space<semaphore_mem>>
        %dma_start3A_200 = arith.constant 0 : i32
        %dma_start3A_201 = arith.constant 0 : i32
        %dma_start3A_202 = tpu.memref_slice %arg5[%mul3A_187, %dma_start3A_200, %dma_start3A_201] : memref<32x2x64xi32, #tpu.memory_space<vmem>> -> memref<16x2x64xi32, #tpu.memory_space<vmem>>
        %dma_start3A_203 = arith.constant 0 : i32
        %dma_start3A_204 = arith.constant 0 : i32
        %dma_start3A_205 = tpu.memref_slice %arg3[%add3A_190, %dma_start3A_203, %dma_start3A_204] : memref<5120x2x64xi32, #tpu.memory_space<hbm>> -> memref<16x2x64xi32, #tpu.memory_space<hbm>>
        %dma_start3A_206 = arith.constant 0 : i32
        %dma_start3A_207 = arith.constant 0 : i32
        %dma_start3A_208 = tpu.memref_slice %arg5[%mul3A_187, %dma_start3A_206, %dma_start3A_207] : memref<32x2x64xi32, #tpu.memory_space<vmem>> -> memref<16x2x64xi32, #tpu.memory_space<vmem>>
        %dma_start3A_209 = arith.constant 0 : i32
        %dma_start3A_210 = arith.constant 0 : i32
        %dma_start3A_211 = tpu.memref_slice %arg3[%add3A_190, %dma_start3A_209, %dma_start3A_210] : memref<5120x2x64xi32, #tpu.memory_space<hbm>> -> memref<16x2x64xi32, #tpu.memory_space<hbm>>
        tpu.enqueue_dma source(%dma_start3A_211 : memref<16x2x64xi32, #tpu.memory_space<hbm>>) target(%dma_start3A_208 : memref<16x2x64xi32, #tpu.memory_space<vmem>>) target_semaphore(%run_scoped3A_199 : memref<!tpu.dma_semaphore, #tpu.memory_space<semaphore_mem>>)
        %dma_wait3A_212 = arith.constant 0 : i32
        %dma_wait3A_213 = arith.constant 0 : i32
        %dma_wait3A_214 = tpu.memref_slice %arg5[%mul3A_187, %dma_wait3A_212, %dma_wait3A_213] : memref<32x2x64xi32, #tpu.memory_space<vmem>> -> memref<16x2x64xi32, #tpu.memory_space<vmem>>
        %dma_wait3A_215 = arith.constant 0 : i32
        %dma_wait3A_216 = arith.constant 0 : i32
        %dma_wait3A_217 = tpu.memref_slice %arg3[%add3A_190, %dma_wait3A_215, %dma_wait3A_216] : memref<5120x2x64xi32, #tpu.memory_space<hbm>> -> memref<16x2x64xi32, #tpu.memory_space<hbm>>
        %dma_wait3A_218 = arith.constant 0 : i32
        %dma_wait3A_219 = arith.constant 0 : i32
        %dma_wait3A_220 = tpu.memref_slice %arg5[%mul3A_187, %dma_wait3A_218, %dma_wait3A_219] : memref<32x2x64xi32, #tpu.memory_space<vmem>> -> memref<16x2x64xi32, #tpu.memory_space<vmem>>
        %dma_wait3A_221 = arith.constant 0 : i32
        %dma_wait3A_222 = arith.constant 0 : i32
        %dma_wait3A_223 = tpu.memref_slice %arg3[%add3A_190, %dma_wait3A_221, %dma_wait3A_222] : memref<5120x2x64xi32, #tpu.memory_space<hbm>> -> memref<16x2x64xi32, #tpu.memory_space<hbm>>
        tpu.wait_dma2 semaphore(%run_scoped3A_199 : memref<!tpu.dma_semaphore, #tpu.memory_space<semaphore_mem>>) src(%dma_wait3A_223 : memref<16x2x64xi32, #tpu.memory_space<hbm>>) dst(%dma_wait3A_220 : memref<16x2x64xi32, #tpu.memory_space<vmem>>)
        tpu.yield
      }) : () -> ()
      %scan3A_191 = arith.constant 0 : i32
      %scan3A_192 = arith.constant 0 : i32
      %scan3A_193 = arith.constant 8 : i32
      %scan3A_194 = arith.addi %scan3A_192, %scan3A_193 : i32
      %scan3A_195 = arith.constant 1 : i32
      %scan3A_196 = scf.for %scan3A_199 = %scan3A_192 to %scan3A_194 step %scan3A_195 iter_args(%scan3A_200 = %scan3A_191) -> (i32)  : i32 {
        %mul3A_201 = arith.constant 16 : i32
        %mul3A_202 = arith.muli %while3A_178, %mul3A_201 : i32
        %mul3A_203 = arith.constant 2 : i32
        %mul3A_204 = arith.muli %mul3A_203, %scan3A_199 : i32
        %add3A_205 = arith.addi %mul3A_202, %mul3A_204 : i32
        %add3A_206 = arith.constant 0 : i32
        %add3A_207 = arith.addi %add3A_205, %add3A_206 : i32
        %rem3A_208 = arith.constant 32 : i32
        %rem3A_209 = arith.remsi %add3A_207, %rem3A_208 : i32
        %dma_wait3A_210 = arith.constant 0 : i32
        %dma_wait3A_211 = arith.constant 0 : i32
        %dma_wait3A_212 = arith.constant 0 : i32
        %dma_wait3A_213 = arith.constant 0 : i32
        %dma_wait3A_214 = tpu.memref_slice %arg6[%dma_wait3A_210, %dma_wait3A_211, %dma_wait3A_212, %dma_wait3A_213] : memref<2x2x64x128xf32, #tpu.memory_space<vmem>> -> memref<1x1x64x128xf32, #tpu.memory_space<vmem>>
        %dma_wait3A_215 = tpu.memref_squeeze %dma_wait3A_214 : memref<1x1x64x128xf32, #tpu.memory_space<vmem>> -> memref<64x128xf32, #tpu.memory_space<vmem>>
        %dma_wait3A_216 = arith.constant 0 : i32
        %dma_wait3A_217 = arith.constant 0 : i32
        %dma_wait3A_218 = tpu.memref_slice %arg2[%dma_wait3A_216, %dma_wait3A_217] : memref<10112x128xf32, #tpu.memory_space<hbm>> -> memref<64x128xf32, #tpu.memory_space<hbm>>
        %dma_wait3A_219 = arith.constant 0 : i32
        %dma_wait3A_220 = arith.constant 0 : i32
        %dma_wait3A_221 = tpu.memref_slice %arg6[%dma_wait3A_210, %dma_wait3A_211, %dma_wait3A_219, %dma_wait3A_220] : memref<2x2x64x128xf32, #tpu.memory_space<vmem>> -> memref<1x1x64x128xf32, #tpu.memory_space<vmem>>
        %dma_wait3A_222 = tpu.memref_squeeze %dma_wait3A_221 : memref<1x1x64x128xf32, #tpu.memory_space<vmem>> -> memref<64x128xf32, #tpu.memory_space<vmem>>
        %dma_wait3A_223 = arith.constant 0 : i32
        %dma_wait3A_224 = arith.constant 0 : i32
        %dma_wait3A_225 = tpu.memref_slice %arg2[%dma_wait3A_223, %dma_wait3A_224] : memref<10112x128xf32, #tpu.memory_space<hbm>> -> memref<64x128xf32, #tpu.memory_space<hbm>>
        tpu.wait_dma2 semaphore(%arg8 : memref<!tpu.dma_semaphore, #tpu.memory_space<semaphore_mem>>) src(%dma_wait3A_225 : memref<64x128xf32, #tpu.memory_space<hbm>>) dst(%dma_wait3A_222 : memref<64x128xf32, #tpu.memory_space<vmem>>)
        %dma_wait3A_226 = arith.constant 1 : i32
        %dma_wait3A_227 = arith.constant 0 : i32
        %dma_wait3A_228 = arith.constant 0 : i32
        %dma_wait3A_229 = arith.constant 0 : i32
        %dma_wait3A_230 = tpu.memref_slice %arg6[%dma_wait3A_226, %dma_wait3A_227, %dma_wait3A_228, %dma_wait3A_229] : memref<2x2x64x128xf32, #tpu.memory_space<vmem>> -> memref<1x1x64x128xf32, #tpu.memory_space<vmem>>
        %dma_wait3A_231 = tpu.memref_squeeze %dma_wait3A_230 : memref<1x1x64x128xf32, #tpu.memory_space<vmem>> -> memref<64x128xf32, #tpu.memory_space<vmem>>
        %dma_wait3A_232 = arith.constant 0 : i32
        %dma_wait3A_233 = arith.constant 0 : i32
        %dma_wait3A_234 = tpu.memref_slice %arg2[%dma_wait3A_232, %dma_wait3A_233] : memref<10112x128xf32, #tpu.memory_space<hbm>> -> memref<64x128xf32, #tpu.memory_space<hbm>>
        %dma_wait3A_235 = arith.constant 0 : i32
        %dma_wait3A_236 = arith.constant 0 : i32
        %dma_wait3A_237 = tpu.memref_slice %arg6[%dma_wait3A_226, %dma_wait3A_227, %dma_wait3A_235, %dma_wait3A_236] : memref<2x2x64x128xf32, #tpu.memory_space<vmem>> -> memref<1x1x64x128xf32, #tpu.memory_space<vmem>>
        %dma_wait3A_238 = tpu.memref_squeeze %dma_wait3A_237 : memref<1x1x64x128xf32, #tpu.memory_space<vmem>> -> memref<64x128xf32, #tpu.memory_space<vmem>>
        %dma_wait3A_239 = arith.constant 0 : i32
        %dma_wait3A_240 = arith.constant 0 : i32
        %dma_wait3A_241 = tpu.memref_slice %arg2[%dma_wait3A_239, %dma_wait3A_240] : memref<10112x128xf32, #tpu.memory_space<hbm>> -> memref<64x128xf32, #tpu.memory_space<hbm>>
        tpu.wait_dma2 semaphore(%arg10 : memref<!tpu.dma_semaphore, #tpu.memory_space<semaphore_mem>>) src(%dma_wait3A_241 : memref<64x128xf32, #tpu.memory_space<hbm>>) dst(%dma_wait3A_238 : memref<64x128xf32, #tpu.memory_space<vmem>>)
        %dma_start3A_242 = arith.constant 0 : i32
        %dma_start3A_243 = arith.constant 0 : i32
        %dma_start3A_244 = arith.constant 0 : i32
        %dma_start3A_245 = arith.constant 0 : i32
        %dma_start3A_246 = arith.constant 0 : i32
        %dma_start3A_247 = tpu.memref_slice %arg6[%dma_start3A_242, %dma_start3A_243, %dma_start3A_245, %dma_start3A_246] : memref<2x2x64x128xf32, #tpu.memory_space<vmem>> -> memref<1x1x64x128xf32, #tpu.memory_space<vmem>>
        %dma_start3A_248 = tpu.memref_squeeze %dma_start3A_247 : memref<1x1x64x128xf32, #tpu.memory_space<vmem>> -> memref<64x128xf32, #tpu.memory_space<vmem>>
        %dma_start3A_249 = arith.constant 0 : i32
        %dma_start3A_250 = tpu.memref_slice %arg5[%rem3A_209, %dma_start3A_244, %dma_start3A_249] : memref<32x2x64xi32, #tpu.memory_space<vmem>> -> memref<1x1x64xi32, #tpu.memory_space<vmem>>
        %dma_start3A_251 = tpu.memref_squeeze %dma_start3A_250 : memref<1x1x64xi32, #tpu.memory_space<vmem>> -> memref<64xi32, #tpu.memory_space<vmem>>
        %dma_start3A_252 = arith.constant 0 : i32
        %dma_start3A_253 = arith.constant 0 : i32
        %dma_start3A_254 = tpu.memref_slice %arg7[%dma_start3A_252, %dma_start3A_253] : memref<10112x128xf32, #tpu.memory_space<vmem_shared>> -> memref<10112x128xf32, #tpu.memory_space<vmem_shared>>
        tpu.enqueue_indirect_dma source(%dma_start3A_248 : memref<64x128xf32, #tpu.memory_space<vmem>>) target(%dma_start3A_254 : memref<10112x128xf32, #tpu.memory_space<vmem_shared>>) offsets(%dma_start3A_251 : memref<64xi32, #tpu.memory_space<vmem>>) semaphore(%arg12 : memref<!tpu.dma_semaphore, #tpu.memory_space<semaphore_mem>>) {add = true}
        %dma_start3A_255 = arith.constant 1 : i32
        %dma_start3A_256 = arith.constant 0 : i32
        %dma_start3A_257 = arith.constant 1 : i32
        %dma_start3A_258 = arith.constant 0 : i32
        %dma_start3A_259 = arith.constant 0 : i32
        %dma_start3A_260 = tpu.memref_slice %arg6[%dma_start3A_255, %dma_start3A_256, %dma_start3A_258, %dma_start3A_259] : memref<2x2x64x128xf32, #tpu.memory_space<vmem>> -> memref<1x1x64x128xf32, #tpu.memory_space<vmem>>
        %dma_start3A_261 = tpu.memref_squeeze %dma_start3A_260 : memref<1x1x64x128xf32, #tpu.memory_space<vmem>> -> memref<64x128xf32, #tpu.memory_space<vmem>>
        %dma_start3A_262 = arith.constant 0 : i32
        %dma_start3A_263 = tpu.memref_slice %arg5[%rem3A_209, %dma_start3A_257, %dma_start3A_262] : memref<32x2x64xi32, #tpu.memory_space<vmem>> -> memref<1x1x64xi32, #tpu.memory_space<vmem>>
        %dma_start3A_264 = tpu.memref_squeeze %dma_start3A_263 : memref<1x1x64xi32, #tpu.memory_space<vmem>> -> memref<64xi32, #tpu.memory_space<vmem>>
        %dma_start3A_265 = arith.constant 0 : i32
        %dma_start3A_266 = arith.constant 0 : i32
        %dma_start3A_267 = tpu.memref_slice %arg7[%dma_start3A_265, %dma_start3A_266] : memref<10112x128xf32, #tpu.memory_space<vmem_shared>> -> memref<10112x128xf32, #tpu.memory_space<vmem_shared>>
        tpu.enqueue_indirect_dma source(%dma_start3A_261 : memref<64x128xf32, #tpu.memory_space<vmem>>) target(%dma_start3A_267 : memref<10112x128xf32, #tpu.memory_space<vmem_shared>>) offsets(%dma_start3A_264 : memref<64xi32, #tpu.memory_space<vmem>>) semaphore(%arg12 : memref<!tpu.dma_semaphore, #tpu.memory_space<semaphore_mem>>) {add = true}
        %dma_wait3A_268 = arith.constant 0 : i32
        %dma_wait3A_269 = arith.constant 0 : i32
        %dma_wait3A_270 = arith.constant 0 : i32
        %dma_wait3A_271 = arith.constant 0 : i32
        %dma_wait3A_272 = arith.constant 0 : i32
        %dma_wait3A_273 = tpu.memref_slice %arg6[%dma_wait3A_268, %dma_wait3A_269, %dma_wait3A_271, %dma_wait3A_272] : memref<2x2x64x128xf32, #tpu.memory_space<vmem>> -> memref<1x1x64x128xf32, #tpu.memory_space<vmem>>
        %dma_wait3A_274 = tpu.memref_squeeze %dma_wait3A_273 : memref<1x1x64x128xf32, #tpu.memory_space<vmem>> -> memref<64x128xf32, #tpu.memory_space<vmem>>
        %dma_wait3A_275 = arith.constant 0 : i32
        %dma_wait3A_276 = tpu.memref_slice %arg5[%rem3A_209, %dma_wait3A_270, %dma_wait3A_275] : memref<32x2x64xi32, #tpu.memory_space<vmem>> -> memref<1x1x64xi32, #tpu.memory_space<vmem>>
        %dma_wait3A_277 = tpu.memref_squeeze %dma_wait3A_276 : memref<1x1x64xi32, #tpu.memory_space<vmem>> -> memref<64xi32, #tpu.memory_space<vmem>>
        %dma_wait3A_278 = arith.constant 0 : i32
        %dma_wait3A_279 = arith.constant 0 : i32
        %dma_wait3A_280 = tpu.memref_slice %arg7[%dma_wait3A_278, %dma_wait3A_279] : memref<10112x128xf32, #tpu.memory_space<vmem_shared>> -> memref<10112x128xf32, #tpu.memory_space<vmem_shared>>
        tpu.wait_indirect_dma semaphore(%arg12 : memref<!tpu.dma_semaphore, #tpu.memory_space<semaphore_mem>>) src(%dma_wait3A_274 : memref<64x128xf32, #tpu.memory_space<vmem>>) dst(%dma_wait3A_280 : memref<10112x128xf32, #tpu.memory_space<vmem_shared>>)
        %dma_wait3A_281 = arith.constant 1 : i32
        %dma_wait3A_282 = arith.constant 0 : i32
        %dma_wait3A_283 = arith.constant 1 : i32
        %dma_wait3A_284 = arith.constant 0 : i32
        %dma_wait3A_285 = arith.constant 0 : i32
        %dma_wait3A_286 = tpu.memref_slice %arg6[%dma_wait3A_281, %dma_wait3A_282, %dma_wait3A_284, %dma_wait3A_285] : memref<2x2x64x128xf32, #tpu.memory_space<vmem>> -> memref<1x1x64x128xf32, #tpu.memory_space<vmem>>
        %dma_wait3A_287 = tpu.memref_squeeze %dma_wait3A_286 : memref<1x1x64x128xf32, #tpu.memory_space<vmem>> -> memref<64x128xf32, #tpu.memory_space<vmem>>
        %dma_wait3A_288 = arith.constant 0 : i32
        %dma_wait3A_289 = tpu.memref_slice %arg5[%rem3A_209, %dma_wait3A_283, %dma_wait3A_288] : memref<32x2x64xi32, #tpu.memory_space<vmem>> -> memref<1x1x64xi32, #tpu.memory_space<vmem>>
        %dma_wait3A_290 = tpu.memref_squeeze %dma_wait3A_289 : memref<1x1x64xi32, #tpu.memory_space<vmem>> -> memref<64xi32, #tpu.memory_space<vmem>>
        %dma_wait3A_291 = arith.constant 0 : i32
        %dma_wait3A_292 = arith.constant 0 : i32
        %dma_wait3A_293 = tpu.memref_slice %arg7[%dma_wait3A_291, %dma_wait3A_292] : memref<10112x128xf32, #tpu.memory_space<vmem_shared>> -> memref<10112x128xf32, #tpu.memory_space<vmem_shared>>
        tpu.wait_indirect_dma semaphore(%arg12 : memref<!tpu.dma_semaphore, #tpu.memory_space<semaphore_mem>>) src(%dma_wait3A_287 : memref<64x128xf32, #tpu.memory_space<vmem>>) dst(%dma_wait3A_293 : memref<10112x128xf32, #tpu.memory_space<vmem_shared>>)
        %add3A_294 = arith.constant 2 : i32
        %add3A_295 = arith.addi %add3A_207, %add3A_294 : i32
        %sub3A_296 = arith.constant 1 : i32
        %sub3A_297 = arith.subi %select_n3A_10, %sub3A_296 : i32
        %min3A_298 = arith.minsi %add3A_295, %sub3A_297 : i32
        %rem3A_299 = arith.constant 32 : i32
        %rem3A_300 = arith.remsi %min3A_298, %rem3A_299 : i32
        %dma_start3A_301 = arith.constant 1 : i32
        %dma_start3A_302 = arith.constant 0 : i32
        %dma_start3A_303 = arith.constant 0 : i32
        %dma_start3A_304 = arith.constant 0 : i32
        %dma_start3A_305 = arith.constant 0 : i32
        %dma_start3A_306 = tpu.memref_slice %arg6[%dma_start3A_302, %dma_start3A_303, %dma_start3A_304, %dma_start3A_305] : memref<2x2x64x128xf32, #tpu.memory_space<vmem>> -> memref<1x1x64x128xf32, #tpu.memory_space<vmem>>
        %dma_start3A_307 = tpu.memref_squeeze %dma_start3A_306 : memref<1x1x64x128xf32, #tpu.memory_space<vmem>> -> memref<64x128xf32, #tpu.memory_space<vmem>>
        %dma_start3A_308 = arith.constant 0 : i32
        %dma_start3A_309 = tpu.memref_slice %arg5[%rem3A_300, %dma_start3A_301, %dma_start3A_308] : memref<32x2x64xi32, #tpu.memory_space<vmem>> -> memref<1x1x64xi32, #tpu.memory_space<vmem>>
        %dma_start3A_310 = tpu.memref_squeeze %dma_start3A_309 : memref<1x1x64xi32, #tpu.memory_space<vmem>> -> memref<64xi32, #tpu.memory_space<vmem>>
        %dma_start3A_311 = arith.constant 0 : i32
        %dma_start3A_312 = arith.constant 0 : i32
        %dma_start3A_313 = tpu.memref_slice %arg2[%dma_start3A_311, %dma_start3A_312] : memref<10112x128xf32, #tpu.memory_space<hbm>> -> memref<10112x128xf32, #tpu.memory_space<hbm>>
        tpu.enqueue_indirect_dma source(%dma_start3A_313 : memref<10112x128xf32, #tpu.memory_space<hbm>>) target(%dma_start3A_307 : memref<64x128xf32, #tpu.memory_space<vmem>>) offsets(%dma_start3A_310 : memref<64xi32, #tpu.memory_space<vmem>>) semaphore(%arg8 : memref<!tpu.dma_semaphore, #tpu.memory_space<semaphore_mem>>)
        %dma_start3A_314 = arith.constant 0 : i32
        %dma_start3A_315 = arith.constant 1 : i32
        %dma_start3A_316 = arith.constant 0 : i32
        %dma_start3A_317 = arith.constant 0 : i32
        %dma_start3A_318 = arith.constant 0 : i32
        %dma_start3A_319 = tpu.memref_slice %arg6[%dma_start3A_315, %dma_start3A_316, %dma_start3A_317, %dma_start3A_318] : memref<2x2x64x128xf32, #tpu.memory_space<vmem>> -> memref<1x1x64x128xf32, #tpu.memory_space<vmem>>
        %dma_start3A_320 = tpu.memref_squeeze %dma_start3A_319 : memref<1x1x64x128xf32, #tpu.memory_space<vmem>> -> memref<64x128xf32, #tpu.memory_space<vmem>>
        %dma_start3A_321 = arith.constant 0 : i32
        %dma_start3A_322 = tpu.memref_slice %arg5[%rem3A_300, %dma_start3A_314, %dma_start3A_321] : memref<32x2x64xi32, #tpu.memory_space<vmem>> -> memref<1x1x64xi32, #tpu.memory_space<vmem>>
        %dma_start3A_323 = tpu.memref_squeeze %dma_start3A_322 : memref<1x1x64xi32, #tpu.memory_space<vmem>> -> memref<64xi32, #tpu.memory_space<vmem>>
        %dma_start3A_324 = arith.constant 0 : i32
        %dma_start3A_325 = arith.constant 0 : i32
        %dma_start3A_326 = tpu.memref_slice %arg2[%dma_start3A_324, %dma_start3A_325] : memref<10112x128xf32, #tpu.memory_space<hbm>> -> memref<10112x128xf32, #tpu.memory_space<hbm>>
        tpu.enqueue_indirect_dma source(%dma_start3A_326 : memref<10112x128xf32, #tpu.memory_space<hbm>>) target(%dma_start3A_320 : memref<64x128xf32, #tpu.memory_space<vmem>>) offsets(%dma_start3A_323 : memref<64xi32, #tpu.memory_space<vmem>>) semaphore(%arg10 : memref<!tpu.dma_semaphore, #tpu.memory_space<semaphore_mem>>)
        %mul3A_327 = arith.constant 16 : i32
        %mul3A_328 = arith.muli %while3A_178, %mul3A_327 : i32
        %mul3A_329 = arith.constant 2 : i32
        %mul3A_330 = arith.muli %mul3A_329, %scan3A_199 : i32
        %add3A_331 = arith.addi %mul3A_328, %mul3A_330 : i32
        %add3A_332 = arith.constant 1 : i32
        %add3A_333 = arith.addi %add3A_331, %add3A_332 : i32
        %rem3A_334 = arith.constant 32 : i32
        %rem3A_335 = arith.remsi %add3A_333, %rem3A_334 : i32
        %dma_wait3A_336 = arith.constant 0 : i32
        %dma_wait3A_337 = arith.constant 1 : i32
        %dma_wait3A_338 = arith.constant 0 : i32
        %dma_wait3A_339 = arith.constant 0 : i32
        %dma_wait3A_340 = tpu.memref_slice %arg6[%dma_wait3A_336, %dma_wait3A_337, %dma_wait3A_338, %dma_wait3A_339] : memref<2x2x64x128xf32, #tpu.memory_space<vmem>> -> memref<1x1x64x128xf32, #tpu.memory_space<vmem>>
        %dma_wait3A_341 = tpu.memref_squeeze %dma_wait3A_340 : memref<1x1x64x128xf32, #tpu.memory_space<vmem>> -> memref<64x128xf32, #tpu.memory_space<vmem>>
        %dma_wait3A_342 = arith.constant 0 : i32
        %dma_wait3A_343 = arith.constant 0 : i32
        %dma_wait3A_344 = tpu.memref_slice %arg2[%dma_wait3A_342, %dma_wait3A_343] : memref<10112x128xf32, #tpu.memory_space<hbm>> -> memref<64x128xf32, #tpu.memory_space<hbm>>
        %dma_wait3A_345 = arith.constant 0 : i32
        %dma_wait3A_346 = arith.constant 0 : i32
        %dma_wait3A_347 = tpu.memref_slice %arg6[%dma_wait3A_336, %dma_wait3A_337, %dma_wait3A_345, %dma_wait3A_346] : memref<2x2x64x128xf32, #tpu.memory_space<vmem>> -> memref<1x1x64x128xf32, #tpu.memory_space<vmem>>
        %dma_wait3A_348 = tpu.memref_squeeze %dma_wait3A_347 : memref<1x1x64x128xf32, #tpu.memory_space<vmem>> -> memref<64x128xf32, #tpu.memory_space<vmem>>
        %dma_wait3A_349 = arith.constant 0 : i32
        %dma_wait3A_350 = arith.constant 0 : i32
        %dma_wait3A_351 = tpu.memref_slice %arg2[%dma_wait3A_349, %dma_wait3A_350] : memref<10112x128xf32, #tpu.memory_space<hbm>> -> memref<64x128xf32, #tpu.memory_space<hbm>>
        tpu.wait_dma2 semaphore(%arg9 : memref<!tpu.dma_semaphore, #tpu.memory_space<semaphore_mem>>) src(%dma_wait3A_351 : memref<64x128xf32, #tpu.memory_space<hbm>>) dst(%dma_wait3A_348 : memref<64x128xf32, #tpu.memory_space<vmem>>)
        %dma_wait3A_352 = arith.constant 1 : i32
        %dma_wait3A_353 = arith.constant 1 : i32
        %dma_wait3A_354 = arith.constant 0 : i32
        %dma_wait3A_355 = arith.constant 0 : i32
        %dma_wait3A_356 = tpu.memref_slice %arg6[%dma_wait3A_352, %dma_wait3A_353, %dma_wait3A_354, %dma_wait3A_355] : memref<2x2x64x128xf32, #tpu.memory_space<vmem>> -> memref<1x1x64x128xf32, #tpu.memory_space<vmem>>
        %dma_wait3A_357 = tpu.memref_squeeze %dma_wait3A_356 : memref<1x1x64x128xf32, #tpu.memory_space<vmem>> -> memref<64x128xf32, #tpu.memory_space<vmem>>
        %dma_wait3A_358 = arith.constant 0 : i32
        %dma_wait3A_359 = arith.constant 0 : i32
        %dma_wait3A_360 = tpu.memref_slice %arg2[%dma_wait3A_358, %dma_wait3A_359] : memref<10112x128xf32, #tpu.memory_space<hbm>> -> memref<64x128xf32, #tpu.memory_space<hbm>>
        %dma_wait3A_361 = arith.constant 0 : i32
        %dma_wait3A_362 = arith.constant 0 : i32
        %dma_wait3A_363 = tpu.memref_slice %arg6[%dma_wait3A_352, %dma_wait3A_353, %dma_wait3A_361, %dma_wait3A_362] : memref<2x2x64x128xf32, #tpu.memory_space<vmem>> -> memref<1x1x64x128xf32, #tpu.memory_space<vmem>>
        %dma_wait3A_364 = tpu.memref_squeeze %dma_wait3A_363 : memref<1x1x64x128xf32, #tpu.memory_space<vmem>> -> memref<64x128xf32, #tpu.memory_space<vmem>>
        %dma_wait3A_365 = arith.constant 0 : i32
        %dma_wait3A_366 = arith.constant 0 : i32
        %dma_wait3A_367 = tpu.memref_slice %arg2[%dma_wait3A_365, %dma_wait3A_366] : memref<10112x128xf32, #tpu.memory_space<hbm>> -> memref<64x128xf32, #tpu.memory_space<hbm>>
        tpu.wait_dma2 semaphore(%arg11 : memref<!tpu.dma_semaphore, #tpu.memory_space<semaphore_mem>>) src(%dma_wait3A_367 : memref<64x128xf32, #tpu.memory_space<hbm>>) dst(%dma_wait3A_364 : memref<64x128xf32, #tpu.memory_space<vmem>>)
        %dma_start3A_368 = arith.constant 0 : i32
        %dma_start3A_369 = arith.constant 1 : i32
        %dma_start3A_370 = arith.constant 0 : i32
        %dma_start3A_371 = arith.constant 0 : i32
        %dma_start3A_372 = arith.constant 0 : i32
        %dma_start3A_373 = tpu.memref_slice %arg6[%dma_start3A_368, %dma_start3A_369, %dma_start3A_371, %dma_start3A_372] : memref<2x2x64x128xf32, #tpu.memory_space<vmem>> -> memref<1x1x64x128xf32, #tpu.memory_space<vmem>>
        %dma_start3A_374 = tpu.memref_squeeze %dma_start3A_373 : memref<1x1x64x128xf32, #tpu.memory_space<vmem>> -> memref<64x128xf32, #tpu.memory_space<vmem>>
        %dma_start3A_375 = arith.constant 0 : i32
        %dma_start3A_376 = tpu.memref_slice %arg5[%rem3A_335, %dma_start3A_370, %dma_start3A_375] : memref<32x2x64xi32, #tpu.memory_space<vmem>> -> memref<1x1x64xi32, #tpu.memory_space<vmem>>
        %dma_start3A_377 = tpu.memref_squeeze %dma_start3A_376 : memref<1x1x64xi32, #tpu.memory_space<vmem>> -> memref<64xi32, #tpu.memory_space<vmem>>
        %dma_start3A_378 = arith.constant 0 : i32
        %dma_start3A_379 = arith.constant 0 : i32
        %dma_start3A_380 = tpu.memref_slice %arg7[%dma_start3A_378, %dma_start3A_379] : memref<10112x128xf32, #tpu.memory_space<vmem_shared>> -> memref<10112x128xf32, #tpu.memory_space<vmem_shared>>
        tpu.enqueue_indirect_dma source(%dma_start3A_374 : memref<64x128xf32, #tpu.memory_space<vmem>>) target(%dma_start3A_380 : memref<10112x128xf32, #tpu.memory_space<vmem_shared>>) offsets(%dma_start3A_377 : memref<64xi32, #tpu.memory_space<vmem>>) semaphore(%arg12 : memref<!tpu.dma_semaphore, #tpu.memory_space<semaphore_mem>>) {add = true}
        %dma_start3A_381 = arith.constant 1 : i32
        %dma_start3A_382 = arith.constant 1 : i32
        %dma_start3A_383 = arith.constant 1 : i32
        %dma_start3A_384 = arith.constant 0 : i32
        %dma_start3A_385 = arith.constant 0 : i32
        %dma_start3A_386 = tpu.memref_slice %arg6[%dma_start3A_381, %dma_start3A_382, %dma_start3A_384, %dma_start3A_385] : memref<2x2x64x128xf32, #tpu.memory_space<vmem>> -> memref<1x1x64x128xf32, #tpu.memory_space<vmem>>
        %dma_start3A_387 = tpu.memref_squeeze %dma_start3A_386 : memref<1x1x64x128xf32, #tpu.memory_space<vmem>> -> memref<64x128xf32, #tpu.memory_space<vmem>>
        %dma_start3A_388 = arith.constant 0 : i32
        %dma_start3A_389 = tpu.memref_slice %arg5[%rem3A_335, %dma_start3A_383, %dma_start3A_388] : memref<32x2x64xi32, #tpu.memory_space<vmem>> -> memref<1x1x64xi32, #tpu.memory_space<vmem>>
        %dma_start3A_390 = tpu.memref_squeeze %dma_start3A_389 : memref<1x1x64xi32, #tpu.memory_space<vmem>> -> memref<64xi32, #tpu.memory_space<vmem>>
        %dma_start3A_391 = arith.constant 0 : i32
        %dma_start3A_392 = arith.constant 0 : i32
        %dma_start3A_393 = tpu.memref_slice %arg7[%dma_start3A_391, %dma_start3A_392] : memref<10112x128xf32, #tpu.memory_space<vmem_shared>> -> memref<10112x128xf32, #tpu.memory_space<vmem_shared>>
        tpu.enqueue_indirect_dma source(%dma_start3A_387 : memref<64x128xf32, #tpu.memory_space<vmem>>) target(%dma_start3A_393 : memref<10112x128xf32, #tpu.memory_space<vmem_shared>>) offsets(%dma_start3A_390 : memref<64xi32, #tpu.memory_space<vmem>>) semaphore(%arg12 : memref<!tpu.dma_semaphore, #tpu.memory_space<semaphore_mem>>) {add = true}
        %dma_wait3A_394 = arith.constant 0 : i32
        %dma_wait3A_395 = arith.constant 1 : i32
        %dma_wait3A_396 = arith.constant 0 : i32
        %dma_wait3A_397 = arith.constant 0 : i32
        %dma_wait3A_398 = arith.constant 0 : i32
        %dma_wait3A_399 = tpu.memref_slice %arg6[%dma_wait3A_394, %dma_wait3A_395, %dma_wait3A_397, %dma_wait3A_398] : memref<2x2x64x128xf32, #tpu.memory_space<vmem>> -> memref<1x1x64x128xf32, #tpu.memory_space<vmem>>
        %dma_wait3A_400 = tpu.memref_squeeze %dma_wait3A_399 : memref<1x1x64x128xf32, #tpu.memory_space<vmem>> -> memref<64x128xf32, #tpu.memory_space<vmem>>
        %dma_wait3A_401 = arith.constant 0 : i32
        %dma_wait3A_402 = tpu.memref_slice %arg5[%rem3A_335, %dma_wait3A_396, %dma_wait3A_401] : memref<32x2x64xi32, #tpu.memory_space<vmem>> -> memref<1x1x64xi32, #tpu.memory_space<vmem>>
        %dma_wait3A_403 = tpu.memref_squeeze %dma_wait3A_402 : memref<1x1x64xi32, #tpu.memory_space<vmem>> -> memref<64xi32, #tpu.memory_space<vmem>>
        %dma_wait3A_404 = arith.constant 0 : i32
        %dma_wait3A_405 = arith.constant 0 : i32
        %dma_wait3A_406 = tpu.memref_slice %arg7[%dma_wait3A_404, %dma_wait3A_405] : memref<10112x128xf32, #tpu.memory_space<vmem_shared>> -> memref<10112x128xf32, #tpu.memory_space<vmem_shared>>
        tpu.wait_indirect_dma semaphore(%arg12 : memref<!tpu.dma_semaphore, #tpu.memory_space<semaphore_mem>>) src(%dma_wait3A_400 : memref<64x128xf32, #tpu.memory_space<vmem>>) dst(%dma_wait3A_406 : memref<10112x128xf32, #tpu.memory_space<vmem_shared>>)
        %dma_wait3A_407 = arith.constant 1 : i32
        %dma_wait3A_408 = arith.constant 1 : i32
        %dma_wait3A_409 = arith.constant 1 : i32
        %dma_wait3A_410 = arith.constant 0 : i32
        %dma_wait3A_411 = arith.constant 0 : i32
        %dma_wait3A_412 = tpu.memref_slice %arg6[%dma_wait3A_407, %dma_wait3A_408, %dma_wait3A_410, %dma_wait3A_411] : memref<2x2x64x128xf32, #tpu.memory_space<vmem>> -> memref<1x1x64x128xf32, #tpu.memory_space<vmem>>
        %dma_wait3A_413 = tpu.memref_squeeze %dma_wait3A_412 : memref<1x1x64x128xf32, #tpu.memory_space<vmem>> -> memref<64x128xf32, #tpu.memory_space<vmem>>
        %dma_wait3A_414 = arith.constant 0 : i32
        %dma_wait3A_415 = tpu.memref_slice %arg5[%rem3A_335, %dma_wait3A_409, %dma_wait3A_414] : memref<32x2x64xi32, #tpu.memory_space<vmem>> -> memref<1x1x64xi32, #tpu.memory_space<vmem>>
        %dma_wait3A_416 = tpu.memref_squeeze %dma_wait3A_415 : memref<1x1x64xi32, #tpu.memory_space<vmem>> -> memref<64xi32, #tpu.memory_space<vmem>>
        %dma_wait3A_417 = arith.constant 0 : i32
        %dma_wait3A_418 = arith.constant 0 : i32
        %dma_wait3A_419 = tpu.memref_slice %arg7[%dma_wait3A_417, %dma_wait3A_418] : memref<10112x128xf32, #tpu.memory_space<vmem_shared>> -> memref<10112x128xf32, #tpu.memory_space<vmem_shared>>
        tpu.wait_indirect_dma semaphore(%arg12 : memref<!tpu.dma_semaphore, #tpu.memory_space<semaphore_mem>>) src(%dma_wait3A_413 : memref<64x128xf32, #tpu.memory_space<vmem>>) dst(%dma_wait3A_419 : memref<10112x128xf32, #tpu.memory_space<vmem_shared>>)
        %add3A_420 = arith.constant 2 : i32
        %add3A_421 = arith.addi %add3A_333, %add3A_420 : i32
        %sub3A_422 = arith.constant 1 : i32
        %sub3A_423 = arith.subi %select_n3A_10, %sub3A_422 : i32
        %min3A_424 = arith.minsi %add3A_421, %sub3A_423 : i32
        %rem3A_425 = arith.constant 32 : i32
        %rem3A_426 = arith.remsi %min3A_424, %rem3A_425 : i32
        %dma_start3A_427 = arith.constant 1 : i32
        %dma_start3A_428 = arith.constant 0 : i32
        %dma_start3A_429 = arith.constant 1 : i32
        %dma_start3A_430 = arith.constant 0 : i32
        %dma_start3A_431 = arith.constant 0 : i32
        %dma_start3A_432 = tpu.memref_slice %arg6[%dma_start3A_428, %dma_start3A_429, %dma_start3A_430, %dma_start3A_431] : memref<2x2x64x128xf32, #tpu.memory_space<vmem>> -> memref<1x1x64x128xf32, #tpu.memory_space<vmem>>
        %dma_start3A_433 = tpu.memref_squeeze %dma_start3A_432 : memref<1x1x64x128xf32, #tpu.memory_space<vmem>> -> memref<64x128xf32, #tpu.memory_space<vmem>>
        %dma_start3A_434 = arith.constant 0 : i32
        %dma_start3A_435 = tpu.memref_slice %arg5[%rem3A_426, %dma_start3A_427, %dma_start3A_434] : memref<32x2x64xi32, #tpu.memory_space<vmem>> -> memref<1x1x64xi32, #tpu.memory_space<vmem>>
        %dma_start3A_436 = tpu.memref_squeeze %dma_start3A_435 : memref<1x1x64xi32, #tpu.memory_space<vmem>> -> memref<64xi32, #tpu.memory_space<vmem>>
        %dma_start3A_437 = arith.constant 0 : i32
        %dma_start3A_438 = arith.constant 0 : i32
        %dma_start3A_439 = tpu.memref_slice %arg2[%dma_start3A_437, %dma_start3A_438] : memref<10112x128xf32, #tpu.memory_space<hbm>> -> memref<10112x128xf32, #tpu.memory_space<hbm>>
        tpu.enqueue_indirect_dma source(%dma_start3A_439 : memref<10112x128xf32, #tpu.memory_space<hbm>>) target(%dma_start3A_433 : memref<64x128xf32, #tpu.memory_space<vmem>>) offsets(%dma_start3A_436 : memref<64xi32, #tpu.memory_space<vmem>>) semaphore(%arg9 : memref<!tpu.dma_semaphore, #tpu.memory_space<semaphore_mem>>)
        %dma_start3A_440 = arith.constant 0 : i32
        %dma_start3A_441 = arith.constant 1 : i32
        %dma_start3A_442 = arith.constant 1 : i32
        %dma_start3A_443 = arith.constant 0 : i32
        %dma_start3A_444 = arith.constant 0 : i32
        %dma_start3A_445 = tpu.memref_slice %arg6[%dma_start3A_441, %dma_start3A_442, %dma_start3A_443, %dma_start3A_444] : memref<2x2x64x128xf32, #tpu.memory_space<vmem>> -> memref<1x1x64x128xf32, #tpu.memory_space<vmem>>
        %dma_start3A_446 = tpu.memref_squeeze %dma_start3A_445 : memref<1x1x64x128xf32, #tpu.memory_space<vmem>> -> memref<64x128xf32, #tpu.memory_space<vmem>>
        %dma_start3A_447 = arith.constant 0 : i32
        %dma_start3A_448 = tpu.memref_slice %arg5[%rem3A_426, %dma_start3A_440, %dma_start3A_447] : memref<32x2x64xi32, #tpu.memory_space<vmem>> -> memref<1x1x64xi32, #tpu.memory_space<vmem>>
        %dma_start3A_449 = tpu.memref_squeeze %dma_start3A_448 : memref<1x1x64xi32, #tpu.memory_space<vmem>> -> memref<64xi32, #tpu.memory_space<vmem>>
        %dma_start3A_450 = arith.constant 0 : i32
        %dma_start3A_451 = arith.constant 0 : i32
        %dma_start3A_452 = tpu.memref_slice %arg2[%dma_start3A_450, %dma_start3A_451] : memref<10112x128xf32, #tpu.memory_space<hbm>> -> memref<10112x128xf32, #tpu.memory_space<hbm>>
        tpu.enqueue_indirect_dma source(%dma_start3A_452 : memref<10112x128xf32, #tpu.memory_space<hbm>>) target(%dma_start3A_446 : memref<64x128xf32, #tpu.memory_space<vmem>>) offsets(%dma_start3A_449 : memref<64xi32, #tpu.memory_space<vmem>>) semaphore(%arg11 : memref<!tpu.dma_semaphore, #tpu.memory_space<semaphore_mem>>)
        %scan3A_453 = arith.constant 0 : i32
        scf.yield %scan3A_453 : i32
      }
      %scan3A_197 = arith.constant 8 : i32
      %while3A_198 = arith.constant 0 : i32
      scf.yield %while3A_198 : i32
    }
    %dma_wait3A = arith.constant 0 : i32
    %dma_wait3A_114 = arith.constant 0 : i32
    %dma_wait3A_115 = arith.constant 0 : i32
    %dma_wait3A_116 = arith.constant 0 : i32
    %dma_wait3A_117 = tpu.memref_slice %arg6[%dma_wait3A, %dma_wait3A_114, %dma_wait3A_115, %dma_wait3A_116] : memref<2x2x64x128xf32, #tpu.memory_space<vmem>> -> memref<1x1x64x128xf32, #tpu.memory_space<vmem>>
    %dma_wait3A_118 = tpu.memref_squeeze %dma_wait3A_117 : memref<1x1x64x128xf32, #tpu.memory_space<vmem>> -> memref<64x128xf32, #tpu.memory_space<vmem>>
    %dma_wait3A_119 = arith.constant 0 : i32
    %dma_wait3A_120 = arith.constant 0 : i32
    %dma_wait3A_121 = tpu.memref_slice %arg2[%dma_wait3A_119, %dma_wait3A_120] : memref<10112x128xf32, #tpu.memory_space<hbm>> -> memref<64x128xf32, #tpu.memory_space<hbm>>
    %dma_wait3A_122 = arith.constant 0 : i32
    %dma_wait3A_123 = arith.constant 0 : i32
    %dma_wait3A_124 = tpu.memref_slice %arg6[%dma_wait3A, %dma_wait3A_114, %dma_wait3A_122, %dma_wait3A_123] : memref<2x2x64x128xf32, #tpu.memory_space<vmem>> -> memref<1x1x64x128xf32, #tpu.memory_space<vmem>>
    %dma_wait3A_125 = tpu.memref_squeeze %dma_wait3A_124 : memref<1x1x64x128xf32, #tpu.memory_space<vmem>> -> memref<64x128xf32, #tpu.memory_space<vmem>>
    %dma_wait3A_126 = arith.constant 0 : i32
    %dma_wait3A_127 = arith.constant 0 : i32
    %dma_wait3A_128 = tpu.memref_slice %arg2[%dma_wait3A_126, %dma_wait3A_127] : memref<10112x128xf32, #tpu.memory_space<hbm>> -> memref<64x128xf32, #tpu.memory_space<hbm>>
    tpu.wait_dma2 semaphore(%arg8 : memref<!tpu.dma_semaphore, #tpu.memory_space<semaphore_mem>>) src(%dma_wait3A_128 : memref<64x128xf32, #tpu.memory_space<hbm>>) dst(%dma_wait3A_125 : memref<64x128xf32, #tpu.memory_space<vmem>>)
    %dma_wait3A_129 = arith.constant 1 : i32
    %dma_wait3A_130 = arith.constant 0 : i32
    %dma_wait3A_131 = arith.constant 0 : i32
    %dma_wait3A_132 = arith.constant 0 : i32
    %dma_wait3A_133 = tpu.memref_slice %arg6[%dma_wait3A_129, %dma_wait3A_130, %dma_wait3A_131, %dma_wait3A_132] : memref<2x2x64x128xf32, #tpu.memory_space<vmem>> -> memref<1x1x64x128xf32, #tpu.memory_space<vmem>>
    %dma_wait3A_134 = tpu.memref_squeeze %dma_wait3A_133 : memref<1x1x64x128xf32, #tpu.memory_space<vmem>> -> memref<64x128xf32, #tpu.memory_space<vmem>>
    %dma_wait3A_135 = arith.constant 0 : i32
    %dma_wait3A_136 = arith.constant 0 : i32
    %dma_wait3A_137 = tpu.memref_slice %arg2[%dma_wait3A_135, %dma_wait3A_136] : memref<10112x128xf32, #tpu.memory_space<hbm>> -> memref<64x128xf32, #tpu.memory_space<hbm>>
    %dma_wait3A_138 = arith.constant 0 : i32
    %dma_wait3A_139 = arith.constant 0 : i32
    %dma_wait3A_140 = tpu.memref_slice %arg6[%dma_wait3A_129, %dma_wait3A_130, %dma_wait3A_138, %dma_wait3A_139] : memref<2x2x64x128xf32, #tpu.memory_space<vmem>> -> memref<1x1x64x128xf32, #tpu.memory_space<vmem>>
    %dma_wait3A_141 = tpu.memref_squeeze %dma_wait3A_140 : memref<1x1x64x128xf32, #tpu.memory_space<vmem>> -> memref<64x128xf32, #tpu.memory_space<vmem>>
    %dma_wait3A_142 = arith.constant 0 : i32
    %dma_wait3A_143 = arith.constant 0 : i32
    %dma_wait3A_144 = tpu.memref_slice %arg2[%dma_wait3A_142, %dma_wait3A_143] : memref<10112x128xf32, #tpu.memory_space<hbm>> -> memref<64x128xf32, #tpu.memory_space<hbm>>
    tpu.wait_dma2 semaphore(%arg10 : memref<!tpu.dma_semaphore, #tpu.memory_space<semaphore_mem>>) src(%dma_wait3A_144 : memref<64x128xf32, #tpu.memory_space<hbm>>) dst(%dma_wait3A_141 : memref<64x128xf32, #tpu.memory_space<vmem>>)
    %dma_wait3A_145 = arith.constant 0 : i32
    %dma_wait3A_146 = arith.constant 1 : i32
    %dma_wait3A_147 = arith.constant 0 : i32
    %dma_wait3A_148 = arith.constant 0 : i32
    %dma_wait3A_149 = tpu.memref_slice %arg6[%dma_wait3A_145, %dma_wait3A_146, %dma_wait3A_147, %dma_wait3A_148] : memref<2x2x64x128xf32, #tpu.memory_space<vmem>> -> memref<1x1x64x128xf32, #tpu.memory_space<vmem>>
    %dma_wait3A_150 = tpu.memref_squeeze %dma_wait3A_149 : memref<1x1x64x128xf32, #tpu.memory_space<vmem>> -> memref<64x128xf32, #tpu.memory_space<vmem>>
    %dma_wait3A_151 = arith.constant 0 : i32
    %dma_wait3A_152 = arith.constant 0 : i32
    %dma_wait3A_153 = tpu.memref_slice %arg2[%dma_wait3A_151, %dma_wait3A_152] : memref<10112x128xf32, #tpu.memory_space<hbm>> -> memref<64x128xf32, #tpu.memory_space<hbm>>
    %dma_wait3A_154 = arith.constant 0 : i32
    %dma_wait3A_155 = arith.constant 0 : i32
    %dma_wait3A_156 = tpu.memref_slice %arg6[%dma_wait3A_145, %dma_wait3A_146, %dma_wait3A_154, %dma_wait3A_155] : memref<2x2x64x128xf32, #tpu.memory_space<vmem>> -> memref<1x1x64x128xf32, #tpu.memory_space<vmem>>
    %dma_wait3A_157 = tpu.memref_squeeze %dma_wait3A_156 : memref<1x1x64x128xf32, #tpu.memory_space<vmem>> -> memref<64x128xf32, #tpu.memory_space<vmem>>
    %dma_wait3A_158 = arith.constant 0 : i32
    %dma_wait3A_159 = arith.constant 0 : i32
    %dma_wait3A_160 = tpu.memref_slice %arg2[%dma_wait3A_158, %dma_wait3A_159] : memref<10112x128xf32, #tpu.memory_space<hbm>> -> memref<64x128xf32, #tpu.memory_space<hbm>>
    tpu.wait_dma2 semaphore(%arg9 : memref<!tpu.dma_semaphore, #tpu.memory_space<semaphore_mem>>) src(%dma_wait3A_160 : memref<64x128xf32, #tpu.memory_space<hbm>>) dst(%dma_wait3A_157 : memref<64x128xf32, #tpu.memory_space<vmem>>)
    %dma_wait3A_161 = arith.constant 1 : i32
    %dma_wait3A_162 = arith.constant 1 : i32
    %dma_wait3A_163 = arith.constant 0 : i32
    %dma_wait3A_164 = arith.constant 0 : i32
    %dma_wait3A_165 = tpu.memref_slice %arg6[%dma_wait3A_161, %dma_wait3A_162, %dma_wait3A_163, %dma_wait3A_164] : memref<2x2x64x128xf32, #tpu.memory_space<vmem>> -> memref<1x1x64x128xf32, #tpu.memory_space<vmem>>
    %dma_wait3A_166 = tpu.memref_squeeze %dma_wait3A_165 : memref<1x1x64x128xf32, #tpu.memory_space<vmem>> -> memref<64x128xf32, #tpu.memory_space<vmem>>
    %dma_wait3A_167 = arith.constant 0 : i32
    %dma_wait3A_168 = arith.constant 0 : i32
    %dma_wait3A_169 = tpu.memref_slice %arg2[%dma_wait3A_167, %dma_wait3A_168] : memref<10112x128xf32, #tpu.memory_space<hbm>> -> memref<64x128xf32, #tpu.memory_space<hbm>>
    %dma_wait3A_170 = arith.constant 0 : i32
    %dma_wait3A_171 = arith.constant 0 : i32
    %dma_wait3A_172 = tpu.memref_slice %arg6[%dma_wait3A_161, %dma_wait3A_162, %dma_wait3A_170, %dma_wait3A_171] : memref<2x2x64x128xf32, #tpu.memory_space<vmem>> -> memref<1x1x64x128xf32, #tpu.memory_space<vmem>>
    %dma_wait3A_173 = tpu.memref_squeeze %dma_wait3A_172 : memref<1x1x64x128xf32, #tpu.memory_space<vmem>> -> memref<64x128xf32, #tpu.memory_space<vmem>>
    %dma_wait3A_174 = arith.constant 0 : i32
    %dma_wait3A_175 = arith.constant 0 : i32
    %dma_wait3A_176 = tpu.memref_slice %arg2[%dma_wait3A_174, %dma_wait3A_175] : memref<10112x128xf32, #tpu.memory_space<hbm>> -> memref<64x128xf32, #tpu.memory_space<hbm>>
    tpu.wait_dma2 semaphore(%arg11 : memref<!tpu.dma_semaphore, #tpu.memory_space<semaphore_mem>>) src(%dma_wait3A_176 : memref<64x128xf32, #tpu.memory_space<hbm>>) dst(%dma_wait3A_173 : memref<64x128xf32, #tpu.memory_space<vmem>>)
    %barrier3A_177 = arith.constant 0 : index
    tpu.barrier barrier_id(%barrier3A_177)
    "tpu.region"() ({
      %run_scoped3A_178 = tpu.sem_alloc : memref<!tpu.dma_semaphore, #tpu.memory_space<semaphore_mem>>
      %dma_start3A_179 = arith.constant 0 : i32
      %dma_start3A_180 = tpu.memref_slice %arg4[%arg0, %mul3A_0, %dma_start3A_179] : memref<2x10112x128xf32, #tpu.memory_space<hbm>> -> memref<1x632x128xf32, #tpu.memory_space<hbm>>
      %dma_start3A_181 = tpu.memref_squeeze %dma_start3A_180 : memref<1x632x128xf32, #tpu.memory_space<hbm>> -> memref<632x128xf32, #tpu.memory_space<hbm>>
      %dma_start3A_182 = arith.constant 0 : i32
      %dma_start3A_183 = tpu.memref_slice %arg7[%mul3A_0, %dma_start3A_182] : memref<10112x128xf32, #tpu.memory_space<vmem_shared>> -> memref<632x128xf32, #tpu.memory_space<vmem_shared>>
      tpu.enqueue_dma source(%dma_start3A_183 : memref<632x128xf32, #tpu.memory_space<vmem_shared>>) target(%dma_start3A_181 : memref<632x128xf32, #tpu.memory_space<hbm>>) target_semaphore(%run_scoped3A_178 : memref<!tpu.dma_semaphore, #tpu.memory_space<semaphore_mem>>)
      %dma_wait3A_184 = arith.constant 0 : i32
      %dma_wait3A_185 = tpu.memref_slice %arg4[%arg0, %mul3A_0, %dma_wait3A_184] : memref<2x10112x128xf32, #tpu.memory_space<hbm>> -> memref<1x632x128xf32, #tpu.memory_space<hbm>>
      %dma_wait3A_186 = tpu.memref_squeeze %dma_wait3A_185 : memref<1x632x128xf32, #tpu.memory_space<hbm>> -> memref<632x128xf32, #tpu.memory_space<hbm>>
      %dma_wait3A_187 = arith.constant 0 : i32
      %dma_wait3A_188 = tpu.memref_slice %arg7[%mul3A_0, %dma_wait3A_187] : memref<10112x128xf32, #tpu.memory_space<vmem_shared>> -> memref<632x128xf32, #tpu.memory_space<vmem_shared>>
      tpu.wait_dma2 semaphore(%run_scoped3A_178 : memref<!tpu.dma_semaphore, #tpu.memory_space<semaphore_mem>>) src(%dma_wait3A_188 : memref<632x128xf32, #tpu.memory_space<vmem_shared>>) dst(%dma_wait3A_186 : memref<632x128xf32, #tpu.memory_space<hbm>>)
      tpu.yield
    }) : () -> ()
    return
  }
}

#map = affine_map<(d0, d1) -> (0, 0)>
#map1 = affine_map<(d0, d1) -> (0, 0, 0)>
module attributes {stable_mosaic.version = 14 : i64} {
  func.func @_lambda_(%arg0: i32, %arg1: i32, %arg2: memref<10112x128xf32, #tpu.memory_space<hbm>>, %arg3: memref<5120x2x64xi32, #tpu.memory_space<hbm>>, %arg4: memref<2x10112x128xf32, #tpu.memory_space<hbm>>, %arg5: memref<32x2x64xi32, #tpu.memory_space<vmem>>, %arg6: memref<2x2x64x128xf32, #tpu.memory_space<vmem>>, %arg7: memref<10112x128xf32, #tpu.memory_space<vmem_shared>>, %arg8: memref<!tpu.dma_semaphore, #tpu.memory_space<semaphore_mem>>, %arg9: memref<!tpu.dma_semaphore, #tpu.memory_space<semaphore_mem>>, %arg10: memref<!tpu.dma_semaphore, #tpu.memory_space<semaphore_mem>>, %arg11: memref<!tpu.dma_semaphore, #tpu.memory_space<semaphore_mem>>, %arg12: memref<!tpu.dma_semaphore, #tpu.memory_space<semaphore_mem>>) attributes {dimension_semantics = [#tpu.dimension_semantics<core_parallel>, #tpu.dimension_semantics<subcore_parallel>], iteration_bounds = array<i64: 2, 16>, scalar_prefetch = 0 : i64, scratch_operands = 8 : i64, tpu.core_type = #tpu.core_type<sc_vector_subcore>, window_params = [{transform_indices = #map}, {transform_indices = #map1}, {transform_indices = #map1}]} {
    %mul3A = arith.constant 632 : i32
    %mul3A_0 = arith.muli %arg1, %mul3A : i32
    %eq3A = arith.constant 0 : i32
    %eq3A_1 = arith.cmpi eq, %arg0, %eq3A : i32
    %mul3A_2 = arith.constant 160 : i32
    %mul3A_3 = arith.muli %arg1, %mul3A_2 : i32
    %mul3A_4 = arith.constant 160 : i32
    %mul3A_5 = arith.muli %arg1, %mul3A_4 : i32
    %add3A = arith.constant 2560 : i32
    %add3A_6 = arith.addi %add3A, %mul3A_5 : i32
    %select_n3A = arith.select %eq3A_1, %mul3A_3, %add3A_6 : i32
    %eq3A_7 = arith.constant 0 : i32
    %eq3A_8 = arith.cmpi eq, %arg0, %eq3A_7 : i32
    %jit3A = arith.constant 160 : i32
    %jit3A_9 = arith.constant 160 : i32
    %select_n3A_10 = arith.select %eq3A_8, %jit3A, %jit3A_9 : i32
    %jit3A_11 = arith.constant 16 : i32
    %div3A = arith.divsi %select_n3A_10, %jit3A_11 : i32
    %sign3A = arith.constant 0 : i32
    %sign3A_12 = arith.cmpi sgt, %select_n3A_10, %sign3A : i32
    %sign3A_13 = arith.extui %sign3A_12 : i1 to i32
    %sign3A_14 = arith.constant 0 : i32
    %sign3A_15 = arith.cmpi slt, %select_n3A_10, %sign3A_14 : i32
    %sign3A_16 = arith.extui %sign3A_15 : i1 to i32
    %sign3A_17 = arith.subi %sign3A_13, %sign3A_16 : i32
    %sign3A_18 = arith.constant 0 : i32
    %sign3A_19 = arith.cmpi sgt, %jit3A_11, %sign3A_18 : i32
    %sign3A_20 = arith.extui %sign3A_19 : i1 to i32
    %sign3A_21 = arith.constant 0 : i32
    %sign3A_22 = arith.cmpi slt, %jit3A_11, %sign3A_21 : i32
    %sign3A_23 = arith.extui %sign3A_22 : i1 to i32
    %sign3A_24 = arith.subi %sign3A_20, %sign3A_23 : i32
    %ne3A = arith.cmpi ne, %sign3A_17, %sign3A_24 : i32
    %rem3A = arith.remsi %select_n3A_10, %jit3A_11 : i32
    %ne3A_25 = arith.constant 0 : i32
    %ne3A_26 = arith.cmpi ne, %rem3A, %ne3A_25 : i32
    %and3A = arith.andi %ne3A, %ne3A_26 : i1
    %sub3A = arith.constant 1 : i32
    %sub3A_27 = arith.subi %div3A, %sub3A : i32
    %select_n3A_28 = arith.select %and3A, %sub3A_27, %div3A : i32
    %broadcast_in_dim3A = arith.constant 0.000000e+00 : f32
    %broadcast_in_dim3A_29 = vector.broadcast %broadcast_in_dim3A : f32 to vector<16xf32>
    %scan3A = arith.constant 0 : i32
    %scan3A_30 = arith.constant 0 : i32
    %scan3A_31 = arith.constant 64 : i32
    %scan3A_32 = arith.addi %scan3A_30, %scan3A_31 : i32
    %scan3A_33 = arith.constant 1 : i32
    %scan3A_34 = scf.for %scan3A_178 = %scan3A_30 to %scan3A_32 step %scan3A_33 iter_args(%scan3A_179 = %scan3A) -> (i32)  : i32 {
      %swap3A = arith.constant 0 : i32
      %swap3A_180 = arith.constant 0 : i32
      %swap3A_181 = arith.index_cast %swap3A : i32 to index
      %swap3A_182 = arith.index_cast %swap3A_180 : i32 to index
      %swap3A_183 = arith.index_cast %scan3A_178 : i32 to index
      %swap3A_184 = arith.constant 0 : index
      %swap3A_185 = tpu.vector_load %arg6[%swap3A_181, %swap3A_182, %swap3A_183, %swap3A_184] {strides = array<i32>} : memref<2x2x64x128xf32, #tpu.memory_space<vmem>>, vector<1x1x1x16xf32>,
      %swap3A_186 = vector.shape_cast %swap3A_185 : vector<1x1x1x16xf32> to vector<16xf32>
      %swap3A_187 = vector.shape_cast %broadcast_in_dim3A_29 : vector<16xf32> to vector<1x1x1x16xf32>
      tpu.vector_store %arg6[%swap3A_181, %swap3A_182, %swap3A_183, %swap3A_184], %swap3A_187 {strides = array<i32>} : memref<2x2x64x128xf32, #tpu.memory_space<vmem>>, vector<1x1x1x16xf32>,
      %swap3A_188 = arith.constant 0 : i32
      %swap3A_189 = arith.constant 0 : i32
      %swap3A_190 = arith.index_cast %swap3A_188 : i32 to index
      %swap3A_191 = arith.index_cast %swap3A_189 : i32 to index
      %swap3A_192 = arith.index_cast %scan3A_178 : i32 to index
      %swap3A_193 = arith.constant 16 : index
      %swap3A_194 = tpu.vector_load %arg6[%swap3A_190, %swap3A_191, %swap3A_192, %swap3A_193] {strides = array<i32>} : memref<2x2x64x128xf32, #tpu.memory_space<vmem>>, vector<1x1x1x16xf32>,
      %swap3A_195 = vector.shape_cast %swap3A_194 : vector<1x1x1x16xf32> to vector<16xf32>
      %swap3A_196 = vector.shape_cast %broadcast_in_dim3A_29 : vector<16xf32> to vector<1x1x1x16xf32>
      tpu.vector_store %arg6[%swap3A_190, %swap3A_191, %swap3A_192, %swap3A_193], %swap3A_196 {strides = array<i32>} : memref<2x2x64x128xf32, #tpu.memory_space<vmem>>, vector<1x1x1x16xf32>,
      %swap3A_197 = arith.constant 0 : i32
      %swap3A_198 = arith.constant 0 : i32
      %swap3A_199 = arith.index_cast %swap3A_197 : i32 to index
      %swap3A_200 = arith.index_cast %swap3A_198 : i32 to index
      %swap3A_201 = arith.index_cast %scan3A_178 : i32 to index
      %swap3A_202 = arith.constant 32 : index
      %swap3A_203 = tpu.vector_load %arg6[%swap3A_199, %swap3A_200, %swap3A_201, %swap3A_202] {strides = array<i32>} : memref<2x2x64x128xf32, #tpu.memory_space<vmem>>, vector<1x1x1x16xf32>,
      %swap3A_204 = vector.shape_cast %swap3A_203 : vector<1x1x1x16xf32> to vector<16xf32>
      %swap3A_205 = vector.shape_cast %broadcast_in_dim3A_29 : vector<16xf32> to vector<1x1x1x16xf32>
      tpu.vector_store %arg6[%swap3A_199, %swap3A_200, %swap3A_201, %swap3A_202], %swap3A_205 {strides = array<i32>} : memref<2x2x64x128xf32, #tpu.memory_space<vmem>>, vector<1x1x1x16xf32>,
      %swap3A_206 = arith.constant 0 : i32
      %swap3A_207 = arith.constant 0 : i32
      %swap3A_208 = arith.index_cast %swap3A_206 : i32 to index
      %swap3A_209 = arith.index_cast %swap3A_207 : i32 to index
      %swap3A_210 = arith.index_cast %scan3A_178 : i32 to index
      %swap3A_211 = arith.constant 48 : index
      %swap3A_212 = tpu.vector_load %arg6[%swap3A_208, %swap3A_209, %swap3A_210, %swap3A_211] {strides = array<i32>} : memref<2x2x64x128xf32, #tpu.memory_space<vmem>>, vector<1x1x1x16xf32>,
      %swap3A_213 = vector.shape_cast %swap3A_212 : vector<1x1x1x16xf32> to vector<16xf32>
      %swap3A_214 = vector.shape_cast %broadcast_in_dim3A_29 : vector<16xf32> to vector<1x1x1x16xf32>
      tpu.vector_store %arg6[%swap3A_208, %swap3A_209, %swap3A_210, %swap3A_211], %swap3A_214 {strides = array<i32>} : memref<2x2x64x128xf32, #tpu.memory_space<vmem>>, vector<1x1x1x16xf32>,
      %swap3A_215 = arith.constant 0 : i32
      %swap3A_216 = arith.constant 0 : i32
      %swap3A_217 = arith.index_cast %swap3A_215 : i32 to index
      %swap3A_218 = arith.index_cast %swap3A_216 : i32 to index
      %swap3A_219 = arith.index_cast %scan3A_178 : i32 to index
      %swap3A_220 = arith.constant 64 : index
      %swap3A_221 = tpu.vector_load %arg6[%swap3A_217, %swap3A_218, %swap3A_219, %swap3A_220] {strides = array<i32>} : memref<2x2x64x128xf32, #tpu.memory_space<vmem>>, vector<1x1x1x16xf32>,
      %swap3A_222 = vector.shape_cast %swap3A_221 : vector<1x1x1x16xf32> to vector<16xf32>
      %swap3A_223 = vector.shape_cast %broadcast_in_dim3A_29 : vector<16xf32> to vector<1x1x1x16xf32>
      tpu.vector_store %arg6[%swap3A_217, %swap3A_218, %swap3A_219, %swap3A_220], %swap3A_223 {strides = array<i32>} : memref<2x2x64x128xf32, #tpu.memory_space<vmem>>, vector<1x1x1x16xf32>,
      %swap3A_224 = arith.constant 0 : i32
      %swap3A_225 = arith.constant 0 : i32
      %swap3A_226 = arith.index_cast %swap3A_224 : i32 to index
      %swap3A_227 = arith.index_cast %swap3A_225 : i32 to index
      %swap3A_228 = arith.index_cast %scan3A_178 : i32 to index
      %swap3A_229 = arith.constant 80 : index
      %swap3A_230 = tpu.vector_load %arg6[%swap3A_226, %swap3A_227, %swap3A_228, %swap3A_229] {strides = array<i32>} : memref<2x2x64x128xf32, #tpu.memory_space<vmem>>, vector<1x1x1x16xf32>,
      %swap3A_231 = vector.shape_cast %swap3A_230 : vector<1x1x1x16xf32> to vector<16xf32>
      %swap3A_232 = vector.shape_cast %broadcast_in_dim3A_29 : vector<16xf32> to vector<1x1x1x16xf32>
      tpu.vector_store %arg6[%swap3A_226, %swap3A_227, %swap3A_228, %swap3A_229], %swap3A_232 {strides = array<i32>} : memref<2x2x64x128xf32, #tpu.memory_space<vmem>>, vector<1x1x1x16xf32>,
      %swap3A_233 = arith.constant 0 : i32
      %swap3A_234 = arith.constant 0 : i32
      %swap3A_235 = arith.index_cast %swap3A_233 : i32 to index
      %swap3A_236 = arith.index_cast %swap3A_234 : i32 to index
      %swap3A_237 = arith.index_cast %scan3A_178 : i32 to index
      %swap3A_238 = arith.constant 96 : index
      %swap3A_239 = tpu.vector_load %arg6[%swap3A_235, %swap3A_236, %swap3A_237, %swap3A_238] {strides = array<i32>} : memref<2x2x64x128xf32, #tpu.memory_space<vmem>>, vector<1x1x1x16xf32>,
      %swap3A_240 = vector.shape_cast %swap3A_239 : vector<1x1x1x16xf32> to vector<16xf32>
      %swap3A_241 = vector.shape_cast %broadcast_in_dim3A_29 : vector<16xf32> to vector<1x1x1x16xf32>
      tpu.vector_store %arg6[%swap3A_235, %swap3A_236, %swap3A_237, %swap3A_238], %swap3A_241 {strides = array<i32>} : memref<2x2x64x128xf32, #tpu.memory_space<vmem>>, vector<1x1x1x16xf32>,
      %swap3A_242 = arith.constant 0 : i32
      %swap3A_243 = arith.constant 0 : i32
      %swap3A_244 = arith.index_cast %swap3A_242 : i32 to index
      %swap3A_245 = arith.index_cast %swap3A_243 : i32 to index
      %swap3A_246 = arith.index_cast %scan3A_178 : i32 to index
      %swap3A_247 = arith.constant 112 : index
      %swap3A_248 = tpu.vector_load %arg6[%swap3A_244, %swap3A_245, %swap3A_246, %swap3A_247] {strides = array<i32>} : memref<2x2x64x128xf32, #tpu.memory_space<vmem>>, vector<1x1x1x16xf32>,
      %swap3A_249 = vector.shape_cast %swap3A_248 : vector<1x1x1x16xf32> to vector<16xf32>
      %swap3A_250 = vector.shape_cast %broadcast_in_dim3A_29 : vector<16xf32> to vector<1x1x1x16xf32>
      tpu.vector_store %arg6[%swap3A_244, %swap3A_245, %swap3A_246, %swap3A_247], %swap3A_250 {strides = array<i32>} : memref<2x2x64x128xf32, #tpu.memory_space<vmem>>, vector<1x1x1x16xf32>,
      %scan3A_251 = arith.constant 0 : i32
      scf.yield %scan3A_251 : i32
    }
    %scan3A_35 = arith.constant 64 : i32
    %scan3A_36 = arith.constant 0 : i32
    %scan3A_37 = arith.constant 0 : i32
    %scan3A_38 = arith.constant 9 : i32
    %scan3A_39 = arith.addi %scan3A_37, %scan3A_38 : i32
    %scan3A_40 = arith.constant 1 : i32
    %scan3A_41 = scf.for %scan3A_178 = %scan3A_37 to %scan3A_39 step %scan3A_40 iter_args(%scan3A_179 = %scan3A_36) -> (i32)  : i32 {
      %mul3A_180 = arith.constant 64 : i32
      %mul3A_181 = arith.muli %scan3A_178, %mul3A_180 : i32
      %add3A_182 = arith.addi %mul3A_0, %mul3A_181 : i32
      %run_scoped3A_183 = arith.constant 0 : i32
      %run_scoped3A_184 = arith.constant 0 : i32
      "tpu.region"() ({
        %run_scoped3A_186 = tpu.sem_alloc : memref<!tpu.dma_semaphore, #tpu.memory_space<semaphore_mem>>
        %dma_start3A_187 = arith.constant 0 : i32
        %dma_start3A_188 = arith.constant 0 : i32
        %dma_start3A_189 = tpu.memref_slice %arg6[%run_scoped3A_183, %run_scoped3A_184, %dma_start3A_187, %dma_start3A_188] : memref<2x2x64x128xf32, #tpu.memory_space<vmem>> -> memref<1x1x64x128xf32, #tpu.memory_space<vmem>>
        %dma_start3A_190 = tpu.memref_squeeze %dma_start3A_189 : memref<1x1x64x128xf32, #tpu.memory_space<vmem>> -> memref<64x128xf32, #tpu.memory_space<vmem>>
        %dma_start3A_191 = arith.constant 0 : i32
        %dma_start3A_192 = tpu.memref_slice %arg7[%add3A_182, %dma_start3A_191] : memref<10112x128xf32, #tpu.memory_space<vmem_shared>> -> memref<64x128xf32, #tpu.memory_space<vmem_shared>>
        %dma_start3A_193 = arith.constant 0 : i32
        %dma_start3A_194 = tpu.memref_slice %arg7[%add3A_182, %dma_start3A_193] : memref<10112x128xf32, #tpu.memory_space<vmem_shared>> -> memref<64x128xf32, #tpu.memory_space<vmem_shared>>
        %dma_start3A_195 = arith.constant 0 : i32
        %dma_start3A_196 = arith.constant 0 : i32
        %dma_start3A_197 = tpu.memref_slice %arg6[%run_scoped3A_183, %run_scoped3A_184, %dma_start3A_195, %dma_start3A_196] : memref<2x2x64x128xf32, #tpu.memory_space<vmem>> -> memref<1x1x64x128xf32, #tpu.memory_space<vmem>>
        %dma_start3A_198 = tpu.memref_squeeze %dma_start3A_197 : memref<1x1x64x128xf32, #tpu.memory_space<vmem>> -> memref<64x128xf32, #tpu.memory_space<vmem>>
        tpu.enqueue_dma source(%dma_start3A_198 : memref<64x128xf32, #tpu.memory_space<vmem>>) target(%dma_start3A_194 : memref<64x128xf32, #tpu.memory_space<vmem_shared>>) target_semaphore(%run_scoped3A_186 : memref<!tpu.dma_semaphore, #tpu.memory_space<semaphore_mem>>)
        %dma_wait3A_199 = arith.constant 0 : i32
        %dma_wait3A_200 = arith.constant 0 : i32
        %dma_wait3A_201 = tpu.memref_slice %arg6[%run_scoped3A_183, %run_scoped3A_184, %dma_wait3A_199, %dma_wait3A_200] : memref<2x2x64x128xf32, #tpu.memory_space<vmem>> -> memref<1x1x64x128xf32, #tpu.memory_space<vmem>>
        %dma_wait3A_202 = tpu.memref_squeeze %dma_wait3A_201 : memref<1x1x64x128xf32, #tpu.memory_space<vmem>> -> memref<64x128xf32, #tpu.memory_space<vmem>>
        %dma_wait3A_203 = arith.constant 0 : i32
        %dma_wait3A_204 = tpu.memref_slice %arg7[%add3A_182, %dma_wait3A_203] : memref<10112x128xf32, #tpu.memory_space<vmem_shared>> -> memref<64x128xf32, #tpu.memory_space<vmem_shared>>
        %dma_wait3A_205 = arith.constant 0 : i32
        %dma_wait3A_206 = tpu.memref_slice %arg7[%add3A_182, %dma_wait3A_205] : memref<10112x128xf32, #tpu.memory_space<vmem_shared>> -> memref<64x128xf32, #tpu.memory_space<vmem_shared>>
        %dma_wait3A_207 = arith.constant 0 : i32
        %dma_wait3A_208 = arith.constant 0 : i32
        %dma_wait3A_209 = tpu.memref_slice %arg6[%run_scoped3A_183, %run_scoped3A_184, %dma_wait3A_207, %dma_wait3A_208] : memref<2x2x64x128xf32, #tpu.memory_space<vmem>> -> memref<1x1x64x128xf32, #tpu.memory_space<vmem>>
        %dma_wait3A_210 = tpu.memref_squeeze %dma_wait3A_209 : memref<1x1x64x128xf32, #tpu.memory_space<vmem>> -> memref<64x128xf32, #tpu.memory_space<vmem>>
        tpu.wait_dma2 semaphore(%run_scoped3A_186 : memref<!tpu.dma_semaphore, #tpu.memory_space<semaphore_mem>>) src(%dma_wait3A_210 : memref<64x128xf32, #tpu.memory_space<vmem>>) dst(%dma_wait3A_206 : memref<64x128xf32, #tpu.memory_space<vmem_shared>>)
        tpu.yield
      }) : () -> ()
      %scan3A_185 = arith.constant 0 : i32
      scf.yield %scan3A_185 : i32
    }
    %scan3A_42 = arith.constant 9 : i32
    %add3A_43 = arith.constant 576 : i32
    %add3A_44 = arith.addi %mul3A_0, %add3A_43 : i32
    %run_scoped3A = arith.constant 0 : i32
    %run_scoped3A_45 = arith.constant 0 : i32
    "tpu.region"() ({
      %run_scoped3A_178 = tpu.sem_alloc : memref<!tpu.dma_semaphore, #tpu.memory_space<semaphore_mem>>
      %dma_start3A_179 = arith.constant 0 : i32
      %dma_start3A_180 = arith.constant 0 : i32
      %dma_start3A_181 = tpu.memref_slice %arg6[%run_scoped3A, %run_scoped3A_45, %dma_start3A_179, %dma_start3A_180] : memref<2x2x64x128xf32, #tpu.memory_space<vmem>> -> memref<1x1x56x128xf32, #tpu.memory_space<vmem>>
      %dma_start3A_182 = tpu.memref_squeeze %dma_start3A_181 : memref<1x1x56x128xf32, #tpu.memory_space<vmem>> -> memref<56x128xf32, #tpu.memory_space<vmem>>
      %dma_start3A_183 = arith.constant 0 : i32
      %dma_start3A_184 = tpu.memref_slice %arg7[%add3A_44, %dma_start3A_183] : memref<10112x128xf32, #tpu.memory_space<vmem_shared>> -> memref<56x128xf32, #tpu.memory_space<vmem_shared>>
      %dma_start3A_185 = arith.constant 0 : i32
      %dma_start3A_186 = tpu.memref_slice %arg7[%add3A_44, %dma_start3A_185] : memref<10112x128xf32, #tpu.memory_space<vmem_shared>> -> memref<56x128xf32, #tpu.memory_space<vmem_shared>>
      %dma_start3A_187 = arith.constant 0 : i32
      %dma_start3A_188 = arith.constant 0 : i32
      %dma_start3A_189 = tpu.memref_slice %arg6[%run_scoped3A, %run_scoped3A_45, %dma_start3A_187, %dma_start3A_188] : memref<2x2x64x128xf32, #tpu.memory_space<vmem>> -> memref<1x1x56x128xf32, #tpu.memory_space<vmem>>
      %dma_start3A_190 = tpu.memref_squeeze %dma_start3A_189 : memref<1x1x56x128xf32, #tpu.memory_space<vmem>> -> memref<56x128xf32, #tpu.memory_space<vmem>>
      tpu.enqueue_dma source(%dma_start3A_190 : memref<56x128xf32, #tpu.memory_space<vmem>>) target(%dma_start3A_186 : memref<56x128xf32, #tpu.memory_space<vmem_shared>>) target_semaphore(%run_scoped3A_178 : memref<!tpu.dma_semaphore, #tpu.memory_space<semaphore_mem>>)
      %dma_wait3A_191 = arith.constant 0 : i32
      %dma_wait3A_192 = arith.constant 0 : i32
      %dma_wait3A_193 = tpu.memref_slice %arg6[%run_scoped3A, %run_scoped3A_45, %dma_wait3A_191, %dma_wait3A_192] : memref<2x2x64x128xf32, #tpu.memory_space<vmem>> -> memref<1x1x56x128xf32, #tpu.memory_space<vmem>>
      %dma_wait3A_194 = tpu.memref_squeeze %dma_wait3A_193 : memref<1x1x56x128xf32, #tpu.memory_space<vmem>> -> memref<56x128xf32, #tpu.memory_space<vmem>>
      %dma_wait3A_195 = arith.constant 0 : i32
      %dma_wait3A_196 = tpu.memref_slice %arg7[%add3A_44, %dma_wait3A_195] : memref<10112x128xf32, #tpu.memory_space<vmem_shared>> -> memref<56x128xf32, #tpu.memory_space<vmem_shared>>
      %dma_wait3A_197 = arith.constant 0 : i32
      %dma_wait3A_198 = tpu.memref_slice %arg7[%add3A_44, %dma_wait3A_197] : memref<10112x128xf32, #tpu.memory_space<vmem_shared>> -> memref<56x128xf32, #tpu.memory_space<vmem_shared>>
      %dma_wait3A_199 = arith.constant 0 : i32
      %dma_wait3A_200 = arith.constant 0 : i32
      %dma_wait3A_201 = tpu.memref_slice %arg6[%run_scoped3A, %run_scoped3A_45, %dma_wait3A_199, %dma_wait3A_200] : memref<2x2x64x128xf32, #tpu.memory_space<vmem>> -> memref<1x1x56x128xf32, #tpu.memory_space<vmem>>
      %dma_wait3A_202 = tpu.memref_squeeze %dma_wait3A_201 : memref<1x1x56x128xf32, #tpu.memory_space<vmem>> -> memref<56x128xf32, #tpu.memory_space<vmem>>
      tpu.wait_dma2 semaphore(%run_scoped3A_178 : memref<!tpu.dma_semaphore, #tpu.memory_space<semaphore_mem>>) src(%dma_wait3A_202 : memref<56x128xf32, #tpu.memory_space<vmem>>) dst(%dma_wait3A_198 : memref<56x128xf32, #tpu.memory_space<vmem_shared>>)
      tpu.yield
    }) : () -> ()
    %barrier3A = arith.constant 0 : index
    tpu.barrier barrier_id(%barrier3A)
    "tpu.region"() ({
      %run_scoped3A_178 = tpu.sem_alloc : memref<!tpu.dma_semaphore, #tpu.memory_space<semaphore_mem>>
      %dma_start3A_179 = arith.constant 0 : i32
      %dma_start3A_180 = arith.constant 0 : i32
      %dma_start3A_181 = arith.constant 0 : i32
      %dma_start3A_182 = tpu.memref_slice %arg5[%dma_start3A_179, %dma_start3A_180, %dma_start3A_181] : memref<32x2x64xi32, #tpu.memory_space<vmem>> -> memref<16x2x64xi32, #tpu.memory_space<vmem>>
      %dma_start3A_183 = arith.constant 0 : i32
      %dma_start3A_184 = arith.constant 0 : i32
      %dma_start3A_185 = tpu.memref_slice %arg3[%select_n3A, %dma_start3A_183, %dma_start3A_184] : memref<5120x2x64xi32, #tpu.memory_space<hbm>> -> memref<16x2x64xi32, #tpu.memory_space<hbm>>
      %dma_start3A_186 = arith.constant 0 : i32
      %dma_start3A_187 = arith.constant 0 : i32
      %dma_start3A_188 = arith.constant 0 : i32
      %dma_start3A_189 = tpu.memref_slice %arg5[%dma_start3A_186, %dma_start3A_187, %dma_start3A_188] : memref<32x2x64xi32, #tpu.memory_space<vmem>> -> memref<16x2x64xi32, #tpu.memory_space<vmem>>
      %dma_start3A_190 = arith.constant 0 : i32
      %dma_start3A_191 = arith.constant 0 : i32
      %dma_start3A_192 = tpu.memref_slice %arg3[%select_n3A, %dma_start3A_190, %dma_start3A_191] : memref<5120x2x64xi32, #tpu.memory_space<hbm>> -> memref<16x2x64xi32, #tpu.memory_space<hbm>>
      tpu.enqueue_dma source(%dma_start3A_192 : memref<16x2x64xi32, #tpu.memory_space<hbm>>) target(%dma_start3A_189 : memref<16x2x64xi32, #tpu.memory_space<vmem>>) target_semaphore(%run_scoped3A_178 : memref<!tpu.dma_semaphore, #tpu.memory_space<semaphore_mem>>)
      %dma_wait3A_193 = arith.constant 0 : i32
      %dma_wait3A_194 = arith.constant 0 : i32
      %dma_wait3A_195 = arith.constant 0 : i32
      %dma_wait3A_196 = tpu.memref_slice %arg5[%dma_wait3A_193, %dma_wait3A_194, %dma_wait3A_195] : memref<32x2x64xi32, #tpu.memory_space<vmem>> -> memref<16x2x64xi32, #tpu.memory_space<vmem>>
      %dma_wait3A_197 = arith.constant 0 : i32
      %dma_wait3A_198 = arith.constant 0 : i32
      %dma_wait3A_199 = tpu.memref_slice %arg3[%select_n3A, %dma_wait3A_197, %dma_wait3A_198] : memref<5120x2x64xi32, #tpu.memory_space<hbm>> -> memref<16x2x64xi32, #tpu.memory_space<hbm>>
      %dma_wait3A_200 = arith.constant 0 : i32
      %dma_wait3A_201 = arith.constant 0 : i32
      %dma_wait3A_202 = arith.constant 0 : i32
      %dma_wait3A_203 = tpu.memref_slice %arg5[%dma_wait3A_200, %dma_wait3A_201, %dma_wait3A_202] : memref<32x2x64xi32, #tpu.memory_space<vmem>> -> memref<16x2x64xi32, #tpu.memory_space<vmem>>
      %dma_wait3A_204 = arith.constant 0 : i32
      %dma_wait3A_205 = arith.constant 0 : i32
      %dma_wait3A_206 = tpu.memref_slice %arg3[%select_n3A, %dma_wait3A_204, %dma_wait3A_205] : memref<5120x2x64xi32, #tpu.memory_space<hbm>> -> memref<16x2x64xi32, #tpu.memory_space<hbm>>
      tpu.wait_dma2 semaphore(%run_scoped3A_178 : memref<!tpu.dma_semaphore, #tpu.memory_space<semaphore_mem>>) src(%dma_wait3A_206 : memref<16x2x64xi32, #tpu.memory_space<hbm>>) dst(%dma_wait3A_203 : memref<16x2x64xi32, #tpu.memory_space<vmem>>)
      tpu.yield
    }) : () -> ()
    %rem3A_46 = arith.constant 0 : i32
    %rem3A_47 = arith.constant 32 : i32
    %rem3A_48 = arith.remsi %rem3A_46, %rem3A_47 : i32
    %dma_start3A = arith.constant 1 : i32
    %dma_start3A_49 = arith.constant 0 : i32
    %dma_start3A_50 = arith.constant 0 : i32
    %dma_start3A_51 = arith.constant 0 : i32
    %dma_start3A_52 = arith.constant 0 : i32
    %dma_start3A_53 = tpu.memref_slice %arg6[%dma_start3A_49, %dma_start3A_50, %dma_start3A_51, %dma_start3A_52] : memref<2x2x64x128xf32, #tpu.memory_space<vmem>> -> memref<1x1x64x128xf32, #tpu.memory_space<vmem>>
    %dma_start3A_54 = tpu.memref_squeeze %dma_start3A_53 : memref<1x1x64x128xf32, #tpu.memory_space<vmem>> -> memref<64x128xf32, #tpu.memory_space<vmem>>
    %dma_start3A_55 = arith.constant 0 : i32
    %dma_start3A_56 = tpu.memref_slice %arg5[%rem3A_48, %dma_start3A, %dma_start3A_55] : memref<32x2x64xi32, #tpu.memory_space<vmem>> -> memref<1x1x64xi32, #tpu.memory_space<vmem>>
    %dma_start3A_57 = tpu.memref_squeeze %dma_start3A_56 : memref<1x1x64xi32, #tpu.memory_space<vmem>> -> memref<64xi32, #tpu.memory_space<vmem>>
    %dma_start3A_58 = arith.constant 0 : i32
    %dma_start3A_59 = arith.constant 0 : i32
    %dma_start3A_60 = tpu.memref_slice %arg2[%dma_start3A_58, %dma_start3A_59] : memref<10112x128xf32, #tpu.memory_space<hbm>> -> memref<10112x128xf32, #tpu.memory_space<hbm>>
    tpu.enqueue_indirect_dma source(%dma_start3A_60 : memref<10112x128xf32, #tpu.memory_space<hbm>>) target(%dma_start3A_54 : memref<64x128xf32, #tpu.memory_space<vmem>>) offsets(%dma_start3A_57 : memref<64xi32, #tpu.memory_space<vmem>>) semaphore(%arg8 : memref<!tpu.dma_semaphore, #tpu.memory_space<semaphore_mem>>)
    %dma_start3A_61 = arith.constant 0 : i32
    %dma_start3A_62 = arith.constant 1 : i32
    %dma_start3A_63 = arith.constant 0 : i32
    %dma_start3A_64 = arith.constant 0 : i32
    %dma_start3A_65 = arith.constant 0 : i32
    %dma_start3A_66 = tpu.memref_slice %arg6[%dma_start3A_62, %dma_start3A_63, %dma_start3A_64, %dma_start3A_65] : memref<2x2x64x128xf32, #tpu.memory_space<vmem>> -> memref<1x1x64x128xf32, #tpu.memory_space<vmem>>
    %dma_start3A_67 = tpu.memref_squeeze %dma_start3A_66 : memref<1x1x64x128xf32, #tpu.memory_space<vmem>> -> memref<64x128xf32, #tpu.memory_space<vmem>>
    %dma_start3A_68 = arith.constant 0 : i32
    %dma_start3A_69 = tpu.memref_slice %arg5[%rem3A_48, %dma_start3A_61, %dma_start3A_68] : memref<32x2x64xi32, #tpu.memory_space<vmem>> -> memref<1x1x64xi32, #tpu.memory_space<vmem>>
    %dma_start3A_70 = tpu.memref_squeeze %dma_start3A_69 : memref<1x1x64xi32, #tpu.memory_space<vmem>> -> memref<64xi32, #tpu.memory_space<vmem>>
    %dma_start3A_71 = arith.constant 0 : i32
    %dma_start3A_72 = arith.constant 0 : i32
    %dma_start3A_73 = tpu.memref_slice %arg2[%dma_start3A_71, %dma_start3A_72] : memref<10112x128xf32, #tpu.memory_space<hbm>> -> memref<10112x128xf32, #tpu.memory_space<hbm>>
    tpu.enqueue_indirect_dma source(%dma_start3A_73 : memref<10112x128xf32, #tpu.memory_space<hbm>>) target(%dma_start3A_67 : memref<64x128xf32, #tpu.memory_space<vmem>>) offsets(%dma_start3A_70 : memref<64xi32, #tpu.memory_space<vmem>>) semaphore(%arg10 : memref<!tpu.dma_semaphore, #tpu.memory_space<semaphore_mem>>)
    %rem3A_74 = arith.constant 1 : i32
    %rem3A_75 = arith.constant 32 : i32
    %rem3A_76 = arith.remsi %rem3A_74, %rem3A_75 : i32
    %dma_start3A_77 = arith.constant 1 : i32
    %dma_start3A_78 = arith.constant 0 : i32
    %dma_start3A_79 = arith.constant 1 : i32
    %dma_start3A_80 = arith.constant 0 : i32
    %dma_start3A_81 = arith.constant 0 : i32
    %dma_start3A_82 = tpu.memref_slice %arg6[%dma_start3A_78, %dma_start3A_79, %dma_start3A_80, %dma_start3A_81] : memref<2x2x64x128xf32, #tpu.memory_space<vmem>> -> memref<1x1x64x128xf32, #tpu.memory_space<vmem>>
    %dma_start3A_83 = tpu.memref_squeeze %dma_start3A_82 : memref<1x1x64x128xf32, #tpu.memory_space<vmem>> -> memref<64x128xf32, #tpu.memory_space<vmem>>
    %dma_start3A_84 = arith.constant 0 : i32
    %dma_start3A_85 = tpu.memref_slice %arg5[%rem3A_76, %dma_start3A_77, %dma_start3A_84] : memref<32x2x64xi32, #tpu.memory_space<vmem>> -> memref<1x1x64xi32, #tpu.memory_space<vmem>>
    %dma_start3A_86 = tpu.memref_squeeze %dma_start3A_85 : memref<1x1x64xi32, #tpu.memory_space<vmem>> -> memref<64xi32, #tpu.memory_space<vmem>>
    %dma_start3A_87 = arith.constant 0 : i32
    %dma_start3A_88 = arith.constant 0 : i32
    %dma_start3A_89 = tpu.memref_slice %arg2[%dma_start3A_87, %dma_start3A_88] : memref<10112x128xf32, #tpu.memory_space<hbm>> -> memref<10112x128xf32, #tpu.memory_space<hbm>>
    tpu.enqueue_indirect_dma source(%dma_start3A_89 : memref<10112x128xf32, #tpu.memory_space<hbm>>) target(%dma_start3A_83 : memref<64x128xf32, #tpu.memory_space<vmem>>) offsets(%dma_start3A_86 : memref<64xi32, #tpu.memory_space<vmem>>) semaphore(%arg9 : memref<!tpu.dma_semaphore, #tpu.memory_space<semaphore_mem>>)
    %dma_start3A_90 = arith.constant 0 : i32
    %dma_start3A_91 = arith.constant 1 : i32
    %dma_start3A_92 = arith.constant 1 : i32
    %dma_start3A_93 = arith.constant 0 : i32
    %dma_start3A_94 = arith.constant 0 : i32
    %dma_start3A_95 = tpu.memref_slice %arg6[%dma_start3A_91, %dma_start3A_92, %dma_start3A_93, %dma_start3A_94] : memref<2x2x64x128xf32, #tpu.memory_space<vmem>> -> memref<1x1x64x128xf32, #tpu.memory_space<vmem>>
    %dma_start3A_96 = tpu.memref_squeeze %dma_start3A_95 : memref<1x1x64x128xf32, #tpu.memory_space<vmem>> -> memref<64x128xf32, #tpu.memory_space<vmem>>
    %dma_start3A_97 = arith.constant 0 : i32
    %dma_start3A_98 = tpu.memref_slice %arg5[%rem3A_76, %dma_start3A_90, %dma_start3A_97] : memref<32x2x64xi32, #tpu.memory_space<vmem>> -> memref<1x1x64xi32, #tpu.memory_space<vmem>>
    %dma_start3A_99 = tpu.memref_squeeze %dma_start3A_98 : memref<1x1x64xi32, #tpu.memory_space<vmem>> -> memref<64xi32, #tpu.memory_space<vmem>>
    %dma_start3A_100 = arith.constant 0 : i32
    %dma_start3A_101 = arith.constant 0 : i32
    %dma_start3A_102 = tpu.memref_slice %arg2[%dma_start3A_100, %dma_start3A_101] : memref<10112x128xf32, #tpu.memory_space<hbm>> -> memref<10112x128xf32, #tpu.memory_space<hbm>>
    tpu.enqueue_indirect_dma source(%dma_start3A_102 : memref<10112x128xf32, #tpu.memory_space<hbm>>) target(%dma_start3A_96 : memref<64x128xf32, #tpu.memory_space<vmem>>) offsets(%dma_start3A_99 : memref<64xi32, #tpu.memory_space<vmem>>) semaphore(%arg11 : memref<!tpu.dma_semaphore, #tpu.memory_space<semaphore_mem>>)
    %while3A = arith.constant 0 : i32
    %while3A_103 = arith.constant 0 : i32
    %while3A_104 = arith.subi %select_n3A_28, %while3A : i32
    %while3A_105 = arith.addi %while3A, %while3A_104 : i32
    %while3A_106 = arith.constant 1 : i32
    %while3A_107 = arith.divsi %while3A_104, %while3A_106 : i32
    %while3A_108 = arith.muli %while3A_107, %while3A_106 : i32
    %while3A_109 = arith.addi %while3A, %while3A_108 : i32
    %while3A_110 = arith.constant 1 : i32
    %while3A_111 = scf.for %while3A_178 = %while3A to %while3A_109 step %while3A_110 iter_args(%while3A_179 = %while3A_103) -> (i32)  : i32 {
      %add3A_180 = arith.constant 1 : i32
      %add3A_181 = arith.addi %while3A_178, %add3A_180 : i32
      %sub3A_182 = arith.constant 1 : i32
      %sub3A_183 = arith.subi %select_n3A_28, %sub3A_182 : i32
      %min3A = arith.minsi %add3A_181, %sub3A_183 : i32
      %rem3A_184 = arith.constant 2 : i32
      %rem3A_185 = arith.remsi %min3A, %rem3A_184 : i32
      %mul3A_186 = arith.constant 16 : i32
      %mul3A_187 = arith.muli %rem3A_185, %mul3A_186 : i32
      %mul3A_188 = arith.constant 16 : i32
      %mul3A_189 = arith.muli %min3A, %mul3A_188 : i32
      %add3A_190 = arith.addi %select_n3A, %mul3A_189 : i32
      "tpu.region"() ({
        %run_scoped3A_199 = tpu.sem_alloc : memref<!tpu.dma_semaphore, #tpu.memory_space<semaphore_mem>>
        %dma_start3A_200 = arith.constant 0 : i32
        %dma_start3A_201 = arith.constant 0 : i32
        %dma_start3A_202 = tpu.memref_slice %arg5[%mul3A_187, %dma_start3A_200, %dma_start3A_201] : memref<32x2x64xi32, #tpu.memory_space<vmem>> -> memref<16x2x64xi32, #tpu.memory_space<vmem>>
        %dma_start3A_203 = arith.constant 0 : i32
        %dma_start3A_204 = arith.constant 0 : i32
        %dma_start3A_205 = tpu.memref_slice %arg3[%add3A_190, %dma_start3A_203, %dma_start3A_204] : memref<5120x2x64xi32, #tpu.memory_space<hbm>> -> memref<16x2x64xi32, #tpu.memory_space<hbm>>
        %dma_start3A_206 = arith.constant 0 : i32
        %dma_start3A_207 = arith.constant 0 : i32
        %dma_start3A_208 = tpu.memref_slice %arg5[%mul3A_187, %dma_start3A_206, %dma_start3A_207] : memref<32x2x64xi32, #tpu.memory_space<vmem>> -> memref<16x2x64xi32, #tpu.memory_space<vmem>>
        %dma_start3A_209 = arith.constant 0 : i32
        %dma_start3A_210 = arith.constant 0 : i32
        %dma_start3A_211 = tpu.memref_slice %arg3[%add3A_190, %dma_start3A_209, %dma_start3A_210] : memref<5120x2x64xi32, #tpu.memory_space<hbm>> -> memref<16x2x64xi32, #tpu.memory_space<hbm>>
        tpu.enqueue_dma source(%dma_start3A_211 : memref<16x2x64xi32, #tpu.memory_space<hbm>>) target(%dma_start3A_208 : memref<16x2x64xi32, #tpu.memory_space<vmem>>) target_semaphore(%run_scoped3A_199 : memref<!tpu.dma_semaphore, #tpu.memory_space<semaphore_mem>>)
        %dma_wait3A_212 = arith.constant 0 : i32
        %dma_wait3A_213 = arith.constant 0 : i32
        %dma_wait3A_214 = tpu.memref_slice %arg5[%mul3A_187, %dma_wait3A_212, %dma_wait3A_213] : memref<32x2x64xi32, #tpu.memory_space<vmem>> -> memref<16x2x64xi32, #tpu.memory_space<vmem>>
        %dma_wait3A_215 = arith.constant 0 : i32
        %dma_wait3A_216 = arith.constant 0 : i32
        %dma_wait3A_217 = tpu.memref_slice %arg3[%add3A_190, %dma_wait3A_215, %dma_wait3A_216] : memref<5120x2x64xi32, #tpu.memory_space<hbm>> -> memref<16x2x64xi32, #tpu.memory_space<hbm>>
        %dma_wait3A_218 = arith.constant 0 : i32
        %dma_wait3A_219 = arith.constant 0 : i32
        %dma_wait3A_220 = tpu.memref_slice %arg5[%mul3A_187, %dma_wait3A_218, %dma_wait3A_219] : memref<32x2x64xi32, #tpu.memory_space<vmem>> -> memref<16x2x64xi32, #tpu.memory_space<vmem>>
        %dma_wait3A_221 = arith.constant 0 : i32
        %dma_wait3A_222 = arith.constant 0 : i32
        %dma_wait3A_223 = tpu.memref_slice %arg3[%add3A_190, %dma_wait3A_221, %dma_wait3A_222] : memref<5120x2x64xi32, #tpu.memory_space<hbm>> -> memref<16x2x64xi32, #tpu.memory_space<hbm>>
        tpu.wait_dma2 semaphore(%run_scoped3A_199 : memref<!tpu.dma_semaphore, #tpu.memory_space<semaphore_mem>>) src(%dma_wait3A_223 : memref<16x2x64xi32, #tpu.memory_space<hbm>>) dst(%dma_wait3A_220 : memref<16x2x64xi32, #tpu.memory_space<vmem>>)
        tpu.yield
      }) : () -> ()
      %scan3A_191 = arith.constant 0 : i32
      %scan3A_192 = arith.constant 0 : i32
      %scan3A_193 = arith.constant 8 : i32
      %scan3A_194 = arith.addi %scan3A_192, %scan3A_193 : i32
      %scan3A_195 = arith.constant 1 : i32
      %scan3A_196 = scf.for %scan3A_199 = %scan3A_192 to %scan3A_194 step %scan3A_195 iter_args(%scan3A_200 = %scan3A_191) -> (i32)  : i32 {
        %mul3A_201 = arith.constant 16 : i32
        %mul3A_202 = arith.muli %while3A_178, %mul3A_201 : i32
        %mul3A_203 = arith.constant 2 : i32
        %mul3A_204 = arith.muli %mul3A_203, %scan3A_199 : i32
        %add3A_205 = arith.addi %mul3A_202, %mul3A_204 : i32
        %add3A_206 = arith.constant 0 : i32
        %add3A_207 = arith.addi %add3A_205, %add3A_206 : i32
        %rem3A_208 = arith.constant 32 : i32
        %rem3A_209 = arith.remsi %add3A_207, %rem3A_208 : i32
        %dma_wait3A_210 = arith.constant 0 : i32
        %dma_wait3A_211 = arith.constant 0 : i32
        %dma_wait3A_212 = arith.constant 0 : i32
        %dma_wait3A_213 = arith.constant 0 : i32
        %dma_wait3A_214 = tpu.memref_slice %arg6[%dma_wait3A_210, %dma_wait3A_211, %dma_wait3A_212, %dma_wait3A_213] : memref<2x2x64x128xf32, #tpu.memory_space<vmem>> -> memref<1x1x64x128xf32, #tpu.memory_space<vmem>>
        %dma_wait3A_215 = tpu.memref_squeeze %dma_wait3A_214 : memref<1x1x64x128xf32, #tpu.memory_space<vmem>> -> memref<64x128xf32, #tpu.memory_space<vmem>>
        %dma_wait3A_216 = arith.constant 0 : i32
        %dma_wait3A_217 = arith.constant 0 : i32
        %dma_wait3A_218 = tpu.memref_slice %arg2[%dma_wait3A_216, %dma_wait3A_217] : memref<10112x128xf32, #tpu.memory_space<hbm>> -> memref<64x128xf32, #tpu.memory_space<hbm>>
        %dma_wait3A_219 = arith.constant 0 : i32
        %dma_wait3A_220 = arith.constant 0 : i32
        %dma_wait3A_221 = tpu.memref_slice %arg6[%dma_wait3A_210, %dma_wait3A_211, %dma_wait3A_219, %dma_wait3A_220] : memref<2x2x64x128xf32, #tpu.memory_space<vmem>> -> memref<1x1x64x128xf32, #tpu.memory_space<vmem>>
        %dma_wait3A_222 = tpu.memref_squeeze %dma_wait3A_221 : memref<1x1x64x128xf32, #tpu.memory_space<vmem>> -> memref<64x128xf32, #tpu.memory_space<vmem>>
        %dma_wait3A_223 = arith.constant 0 : i32
        %dma_wait3A_224 = arith.constant 0 : i32
        %dma_wait3A_225 = tpu.memref_slice %arg2[%dma_wait3A_223, %dma_wait3A_224] : memref<10112x128xf32, #tpu.memory_space<hbm>> -> memref<64x128xf32, #tpu.memory_space<hbm>>
        tpu.wait_dma2 semaphore(%arg8 : memref<!tpu.dma_semaphore, #tpu.memory_space<semaphore_mem>>) src(%dma_wait3A_225 : memref<64x128xf32, #tpu.memory_space<hbm>>) dst(%dma_wait3A_222 : memref<64x128xf32, #tpu.memory_space<vmem>>)
        %dma_wait3A_226 = arith.constant 1 : i32
        %dma_wait3A_227 = arith.constant 0 : i32
        %dma_wait3A_228 = arith.constant 0 : i32
        %dma_wait3A_229 = arith.constant 0 : i32
        %dma_wait3A_230 = tpu.memref_slice %arg6[%dma_wait3A_226, %dma_wait3A_227, %dma_wait3A_228, %dma_wait3A_229] : memref<2x2x64x128xf32, #tpu.memory_space<vmem>> -> memref<1x1x64x128xf32, #tpu.memory_space<vmem>>
        %dma_wait3A_231 = tpu.memref_squeeze %dma_wait3A_230 : memref<1x1x64x128xf32, #tpu.memory_space<vmem>> -> memref<64x128xf32, #tpu.memory_space<vmem>>
        %dma_wait3A_232 = arith.constant 0 : i32
        %dma_wait3A_233 = arith.constant 0 : i32
        %dma_wait3A_234 = tpu.memref_slice %arg2[%dma_wait3A_232, %dma_wait3A_233] : memref<10112x128xf32, #tpu.memory_space<hbm>> -> memref<64x128xf32, #tpu.memory_space<hbm>>
        %dma_wait3A_235 = arith.constant 0 : i32
        %dma_wait3A_236 = arith.constant 0 : i32
        %dma_wait3A_237 = tpu.memref_slice %arg6[%dma_wait3A_226, %dma_wait3A_227, %dma_wait3A_235, %dma_wait3A_236] : memref<2x2x64x128xf32, #tpu.memory_space<vmem>> -> memref<1x1x64x128xf32, #tpu.memory_space<vmem>>
        %dma_wait3A_238 = tpu.memref_squeeze %dma_wait3A_237 : memref<1x1x64x128xf32, #tpu.memory_space<vmem>> -> memref<64x128xf32, #tpu.memory_space<vmem>>
        %dma_wait3A_239 = arith.constant 0 : i32
        %dma_wait3A_240 = arith.constant 0 : i32
        %dma_wait3A_241 = tpu.memref_slice %arg2[%dma_wait3A_239, %dma_wait3A_240] : memref<10112x128xf32, #tpu.memory_space<hbm>> -> memref<64x128xf32, #tpu.memory_space<hbm>>
        tpu.wait_dma2 semaphore(%arg10 : memref<!tpu.dma_semaphore, #tpu.memory_space<semaphore_mem>>) src(%dma_wait3A_241 : memref<64x128xf32, #tpu.memory_space<hbm>>) dst(%dma_wait3A_238 : memref<64x128xf32, #tpu.memory_space<vmem>>)
        %dma_start3A_242 = arith.constant 0 : i32
        %dma_start3A_243 = arith.constant 0 : i32
        %dma_start3A_244 = arith.constant 0 : i32
        %dma_start3A_245 = arith.constant 0 : i32
        %dma_start3A_246 = arith.constant 0 : i32
        %dma_start3A_247 = tpu.memref_slice %arg6[%dma_start3A_242, %dma_start3A_243, %dma_start3A_245, %dma_start3A_246] : memref<2x2x64x128xf32, #tpu.memory_space<vmem>> -> memref<1x1x64x128xf32, #tpu.memory_space<vmem>>
        %dma_start3A_248 = tpu.memref_squeeze %dma_start3A_247 : memref<1x1x64x128xf32, #tpu.memory_space<vmem>> -> memref<64x128xf32, #tpu.memory_space<vmem>>
        %dma_start3A_249 = arith.constant 0 : i32
        %dma_start3A_250 = tpu.memref_slice %arg5[%rem3A_209, %dma_start3A_244, %dma_start3A_249] : memref<32x2x64xi32, #tpu.memory_space<vmem>> -> memref<1x1x64xi32, #tpu.memory_space<vmem>>
        %dma_start3A_251 = tpu.memref_squeeze %dma_start3A_250 : memref<1x1x64xi32, #tpu.memory_space<vmem>> -> memref<64xi32, #tpu.memory_space<vmem>>
        %dma_start3A_252 = arith.constant 0 : i32
        %dma_start3A_253 = arith.constant 0 : i32
        %dma_start3A_254 = tpu.memref_slice %arg7[%dma_start3A_252, %dma_start3A_253] : memref<10112x128xf32, #tpu.memory_space<vmem_shared>> -> memref<10112x128xf32, #tpu.memory_space<vmem_shared>>
        tpu.enqueue_indirect_dma source(%dma_start3A_248 : memref<64x128xf32, #tpu.memory_space<vmem>>) target(%dma_start3A_254 : memref<10112x128xf32, #tpu.memory_space<vmem_shared>>) offsets(%dma_start3A_251 : memref<64xi32, #tpu.memory_space<vmem>>) semaphore(%arg12 : memref<!tpu.dma_semaphore, #tpu.memory_space<semaphore_mem>>) {add = true}
        %dma_start3A_255 = arith.constant 1 : i32
        %dma_start3A_256 = arith.constant 0 : i32
        %dma_start3A_257 = arith.constant 1 : i32
        %dma_start3A_258 = arith.constant 0 : i32
        %dma_start3A_259 = arith.constant 0 : i32
        %dma_start3A_260 = tpu.memref_slice %arg6[%dma_start3A_255, %dma_start3A_256, %dma_start3A_258, %dma_start3A_259] : memref<2x2x64x128xf32, #tpu.memory_space<vmem>> -> memref<1x1x64x128xf32, #tpu.memory_space<vmem>>
        %dma_start3A_261 = tpu.memref_squeeze %dma_start3A_260 : memref<1x1x64x128xf32, #tpu.memory_space<vmem>> -> memref<64x128xf32, #tpu.memory_space<vmem>>
        %dma_start3A_262 = arith.constant 0 : i32
        %dma_start3A_263 = tpu.memref_slice %arg5[%rem3A_209, %dma_start3A_257, %dma_start3A_262] : memref<32x2x64xi32, #tpu.memory_space<vmem>> -> memref<1x1x64xi32, #tpu.memory_space<vmem>>
        %dma_start3A_264 = tpu.memref_squeeze %dma_start3A_263 : memref<1x1x64xi32, #tpu.memory_space<vmem>> -> memref<64xi32, #tpu.memory_space<vmem>>
        %dma_start3A_265 = arith.constant 0 : i32
        %dma_start3A_266 = arith.constant 0 : i32
        %dma_start3A_267 = tpu.memref_slice %arg7[%dma_start3A_265, %dma_start3A_266] : memref<10112x128xf32, #tpu.memory_space<vmem_shared>> -> memref<10112x128xf32, #tpu.memory_space<vmem_shared>>
        tpu.enqueue_indirect_dma source(%dma_start3A_261 : memref<64x128xf32, #tpu.memory_space<vmem>>) target(%dma_start3A_267 : memref<10112x128xf32, #tpu.memory_space<vmem_shared>>) offsets(%dma_start3A_264 : memref<64xi32, #tpu.memory_space<vmem>>) semaphore(%arg12 : memref<!tpu.dma_semaphore, #tpu.memory_space<semaphore_mem>>) {add = true}
        %dma_wait3A_268 = arith.constant 0 : i32
        %dma_wait3A_269 = arith.constant 0 : i32
        %dma_wait3A_270 = arith.constant 0 : i32
        %dma_wait3A_271 = arith.constant 0 : i32
        %dma_wait3A_272 = arith.constant 0 : i32
        %dma_wait3A_273 = tpu.memref_slice %arg6[%dma_wait3A_268, %dma_wait3A_269, %dma_wait3A_271, %dma_wait3A_272] : memref<2x2x64x128xf32, #tpu.memory_space<vmem>> -> memref<1x1x64x128xf32, #tpu.memory_space<vmem>>
        %dma_wait3A_274 = tpu.memref_squeeze %dma_wait3A_273 : memref<1x1x64x128xf32, #tpu.memory_space<vmem>> -> memref<64x128xf32, #tpu.memory_space<vmem>>
        %dma_wait3A_275 = arith.constant 0 : i32
        %dma_wait3A_276 = tpu.memref_slice %arg5[%rem3A_209, %dma_wait3A_270, %dma_wait3A_275] : memref<32x2x64xi32, #tpu.memory_space<vmem>> -> memref<1x1x64xi32, #tpu.memory_space<vmem>>
        %dma_wait3A_277 = tpu.memref_squeeze %dma_wait3A_276 : memref<1x1x64xi32, #tpu.memory_space<vmem>> -> memref<64xi32, #tpu.memory_space<vmem>>
        %dma_wait3A_278 = arith.constant 0 : i32
        %dma_wait3A_279 = arith.constant 0 : i32
        %dma_wait3A_280 = tpu.memref_slice %arg7[%dma_wait3A_278, %dma_wait3A_279] : memref<10112x128xf32, #tpu.memory_space<vmem_shared>> -> memref<10112x128xf32, #tpu.memory_space<vmem_shared>>
        tpu.wait_indirect_dma semaphore(%arg12 : memref<!tpu.dma_semaphore, #tpu.memory_space<semaphore_mem>>) src(%dma_wait3A_274 : memref<64x128xf32, #tpu.memory_space<vmem>>) dst(%dma_wait3A_280 : memref<10112x128xf32, #tpu.memory_space<vmem_shared>>)
        %dma_wait3A_281 = arith.constant 1 : i32
        %dma_wait3A_282 = arith.constant 0 : i32
        %dma_wait3A_283 = arith.constant 1 : i32
        %dma_wait3A_284 = arith.constant 0 : i32
        %dma_wait3A_285 = arith.constant 0 : i32
        %dma_wait3A_286 = tpu.memref_slice %arg6[%dma_wait3A_281, %dma_wait3A_282, %dma_wait3A_284, %dma_wait3A_285] : memref<2x2x64x128xf32, #tpu.memory_space<vmem>> -> memref<1x1x64x128xf32, #tpu.memory_space<vmem>>
        %dma_wait3A_287 = tpu.memref_squeeze %dma_wait3A_286 : memref<1x1x64x128xf32, #tpu.memory_space<vmem>> -> memref<64x128xf32, #tpu.memory_space<vmem>>
        %dma_wait3A_288 = arith.constant 0 : i32
        %dma_wait3A_289 = tpu.memref_slice %arg5[%rem3A_209, %dma_wait3A_283, %dma_wait3A_288] : memref<32x2x64xi32, #tpu.memory_space<vmem>> -> memref<1x1x64xi32, #tpu.memory_space<vmem>>
        %dma_wait3A_290 = tpu.memref_squeeze %dma_wait3A_289 : memref<1x1x64xi32, #tpu.memory_space<vmem>> -> memref<64xi32, #tpu.memory_space<vmem>>
        %dma_wait3A_291 = arith.constant 0 : i32
        %dma_wait3A_292 = arith.constant 0 : i32
        %dma_wait3A_293 = tpu.memref_slice %arg7[%dma_wait3A_291, %dma_wait3A_292] : memref<10112x128xf32, #tpu.memory_space<vmem_shared>> -> memref<10112x128xf32, #tpu.memory_space<vmem_shared>>
        tpu.wait_indirect_dma semaphore(%arg12 : memref<!tpu.dma_semaphore, #tpu.memory_space<semaphore_mem>>) src(%dma_wait3A_287 : memref<64x128xf32, #tpu.memory_space<vmem>>) dst(%dma_wait3A_293 : memref<10112x128xf32, #tpu.memory_space<vmem_shared>>)
        %add3A_294 = arith.constant 2 : i32
        %add3A_295 = arith.addi %add3A_207, %add3A_294 : i32
        %sub3A_296 = arith.constant 1 : i32
        %sub3A_297 = arith.subi %select_n3A_10, %sub3A_296 : i32
        %min3A_298 = arith.minsi %add3A_295, %sub3A_297 : i32
        %rem3A_299 = arith.constant 32 : i32
        %rem3A_300 = arith.remsi %min3A_298, %rem3A_299 : i32
        %dma_start3A_301 = arith.constant 1 : i32
        %dma_start3A_302 = arith.constant 0 : i32
        %dma_start3A_303 = arith.constant 0 : i32
        %dma_start3A_304 = arith.constant 0 : i32
        %dma_start3A_305 = arith.constant 0 : i32
        %dma_start3A_306 = tpu.memref_slice %arg6[%dma_start3A_302, %dma_start3A_303, %dma_start3A_304, %dma_start3A_305] : memref<2x2x64x128xf32, #tpu.memory_space<vmem>> -> memref<1x1x64x128xf32, #tpu.memory_space<vmem>>
        %dma_start3A_307 = tpu.memref_squeeze %dma_start3A_306 : memref<1x1x64x128xf32, #tpu.memory_space<vmem>> -> memref<64x128xf32, #tpu.memory_space<vmem>>
        %dma_start3A_308 = arith.constant 0 : i32
        %dma_start3A_309 = tpu.memref_slice %arg5[%rem3A_300, %dma_start3A_301, %dma_start3A_308] : memref<32x2x64xi32, #tpu.memory_space<vmem>> -> memref<1x1x64xi32, #tpu.memory_space<vmem>>
        %dma_start3A_310 = tpu.memref_squeeze %dma_start3A_309 : memref<1x1x64xi32, #tpu.memory_space<vmem>> -> memref<64xi32, #tpu.memory_space<vmem>>
        %dma_start3A_311 = arith.constant 0 : i32
        %dma_start3A_312 = arith.constant 0 : i32
        %dma_start3A_313 = tpu.memref_slice %arg2[%dma_start3A_311, %dma_start3A_312] : memref<10112x128xf32, #tpu.memory_space<hbm>> -> memref<10112x128xf32, #tpu.memory_space<hbm>>
        tpu.enqueue_indirect_dma source(%dma_start3A_313 : memref<10112x128xf32, #tpu.memory_space<hbm>>) target(%dma_start3A_307 : memref<64x128xf32, #tpu.memory_space<vmem>>) offsets(%dma_start3A_310 : memref<64xi32, #tpu.memory_space<vmem>>) semaphore(%arg8 : memref<!tpu.dma_semaphore, #tpu.memory_space<semaphore_mem>>)
        %dma_start3A_314 = arith.constant 0 : i32
        %dma_start3A_315 = arith.constant 1 : i32
        %dma_start3A_316 = arith.constant 0 : i32
        %dma_start3A_317 = arith.constant 0 : i32
        %dma_start3A_318 = arith.constant 0 : i32
        %dma_start3A_319 = tpu.memref_slice %arg6[%dma_start3A_315, %dma_start3A_316, %dma_start3A_317, %dma_start3A_318] : memref<2x2x64x128xf32, #tpu.memory_space<vmem>> -> memref<1x1x64x128xf32, #tpu.memory_space<vmem>>
        %dma_start3A_320 = tpu.memref_squeeze %dma_start3A_319 : memref<1x1x64x128xf32, #tpu.memory_space<vmem>> -> memref<64x128xf32, #tpu.memory_space<vmem>>
        %dma_start3A_321 = arith.constant 0 : i32
        %dma_start3A_322 = tpu.memref_slice %arg5[%rem3A_300, %dma_start3A_314, %dma_start3A_321] : memref<32x2x64xi32, #tpu.memory_space<vmem>> -> memref<1x1x64xi32, #tpu.memory_space<vmem>>
        %dma_start3A_323 = tpu.memref_squeeze %dma_start3A_322 : memref<1x1x64xi32, #tpu.memory_space<vmem>> -> memref<64xi32, #tpu.memory_space<vmem>>
        %dma_start3A_324 = arith.constant 0 : i32
        %dma_start3A_325 = arith.constant 0 : i32
        %dma_start3A_326 = tpu.memref_slice %arg2[%dma_start3A_324, %dma_start3A_325] : memref<10112x128xf32, #tpu.memory_space<hbm>> -> memref<10112x128xf32, #tpu.memory_space<hbm>>
        tpu.enqueue_indirect_dma source(%dma_start3A_326 : memref<10112x128xf32, #tpu.memory_space<hbm>>) target(%dma_start3A_320 : memref<64x128xf32, #tpu.memory_space<vmem>>) offsets(%dma_start3A_323 : memref<64xi32, #tpu.memory_space<vmem>>) semaphore(%arg10 : memref<!tpu.dma_semaphore, #tpu.memory_space<semaphore_mem>>)
        %mul3A_327 = arith.constant 16 : i32
        %mul3A_328 = arith.muli %while3A_178, %mul3A_327 : i32
        %mul3A_329 = arith.constant 2 : i32
        %mul3A_330 = arith.muli %mul3A_329, %scan3A_199 : i32
        %add3A_331 = arith.addi %mul3A_328, %mul3A_330 : i32
        %add3A_332 = arith.constant 1 : i32
        %add3A_333 = arith.addi %add3A_331, %add3A_332 : i32
        %rem3A_334 = arith.constant 32 : i32
        %rem3A_335 = arith.remsi %add3A_333, %rem3A_334 : i32
        %dma_wait3A_336 = arith.constant 0 : i32
        %dma_wait3A_337 = arith.constant 1 : i32
        %dma_wait3A_338 = arith.constant 0 : i32
        %dma_wait3A_339 = arith.constant 0 : i32
        %dma_wait3A_340 = tpu.memref_slice %arg6[%dma_wait3A_336, %dma_wait3A_337, %dma_wait3A_338, %dma_wait3A_339] : memref<2x2x64x128xf32, #tpu.memory_space<vmem>> -> memref<1x1x64x128xf32, #tpu.memory_space<vmem>>
        %dma_wait3A_341 = tpu.memref_squeeze %dma_wait3A_340 : memref<1x1x64x128xf32, #tpu.memory_space<vmem>> -> memref<64x128xf32, #tpu.memory_space<vmem>>
        %dma_wait3A_342 = arith.constant 0 : i32
        %dma_wait3A_343 = arith.constant 0 : i32
        %dma_wait3A_344 = tpu.memref_slice %arg2[%dma_wait3A_342, %dma_wait3A_343] : memref<10112x128xf32, #tpu.memory_space<hbm>> -> memref<64x128xf32, #tpu.memory_space<hbm>>
        %dma_wait3A_345 = arith.constant 0 : i32
        %dma_wait3A_346 = arith.constant 0 : i32
        %dma_wait3A_347 = tpu.memref_slice %arg6[%dma_wait3A_336, %dma_wait3A_337, %dma_wait3A_345, %dma_wait3A_346] : memref<2x2x64x128xf32, #tpu.memory_space<vmem>> -> memref<1x1x64x128xf32, #tpu.memory_space<vmem>>
        %dma_wait3A_348 = tpu.memref_squeeze %dma_wait3A_347 : memref<1x1x64x128xf32, #tpu.memory_space<vmem>> -> memref<64x128xf32, #tpu.memory_space<vmem>>
        %dma_wait3A_349 = arith.constant 0 : i32
        %dma_wait3A_350 = arith.constant 0 : i32
        %dma_wait3A_351 = tpu.memref_slice %arg2[%dma_wait3A_349, %dma_wait3A_350] : memref<10112x128xf32, #tpu.memory_space<hbm>> -> memref<64x128xf32, #tpu.memory_space<hbm>>
        tpu.wait_dma2 semaphore(%arg9 : memref<!tpu.dma_semaphore, #tpu.memory_space<semaphore_mem>>) src(%dma_wait3A_351 : memref<64x128xf32, #tpu.memory_space<hbm>>) dst(%dma_wait3A_348 : memref<64x128xf32, #tpu.memory_space<vmem>>)
        %dma_wait3A_352 = arith.constant 1 : i32
        %dma_wait3A_353 = arith.constant 1 : i32
        %dma_wait3A_354 = arith.constant 0 : i32
        %dma_wait3A_355 = arith.constant 0 : i32
        %dma_wait3A_356 = tpu.memref_slice %arg6[%dma_wait3A_352, %dma_wait3A_353, %dma_wait3A_354, %dma_wait3A_355] : memref<2x2x64x128xf32, #tpu.memory_space<vmem>> -> memref<1x1x64x128xf32, #tpu.memory_space<vmem>>
        %dma_wait3A_357 = tpu.memref_squeeze %dma_wait3A_356 : memref<1x1x64x128xf32, #tpu.memory_space<vmem>> -> memref<64x128xf32, #tpu.memory_space<vmem>>
        %dma_wait3A_358 = arith.constant 0 : i32
        %dma_wait3A_359 = arith.constant 0 : i32
        %dma_wait3A_360 = tpu.memref_slice %arg2[%dma_wait3A_358, %dma_wait3A_359] : memref<10112x128xf32, #tpu.memory_space<hbm>> -> memref<64x128xf32, #tpu.memory_space<hbm>>
        %dma_wait3A_361 = arith.constant 0 : i32
        %dma_wait3A_362 = arith.constant 0 : i32
        %dma_wait3A_363 = tpu.memref_slice %arg6[%dma_wait3A_352, %dma_wait3A_353, %dma_wait3A_361, %dma_wait3A_362] : memref<2x2x64x128xf32, #tpu.memory_space<vmem>> -> memref<1x1x64x128xf32, #tpu.memory_space<vmem>>
        %dma_wait3A_364 = tpu.memref_squeeze %dma_wait3A_363 : memref<1x1x64x128xf32, #tpu.memory_space<vmem>> -> memref<64x128xf32, #tpu.memory_space<vmem>>
        %dma_wait3A_365 = arith.constant 0 : i32
        %dma_wait3A_366 = arith.constant 0 : i32
        %dma_wait3A_367 = tpu.memref_slice %arg2[%dma_wait3A_365, %dma_wait3A_366] : memref<10112x128xf32, #tpu.memory_space<hbm>> -> memref<64x128xf32, #tpu.memory_space<hbm>>
        tpu.wait_dma2 semaphore(%arg11 : memref<!tpu.dma_semaphore, #tpu.memory_space<semaphore_mem>>) src(%dma_wait3A_367 : memref<64x128xf32, #tpu.memory_space<hbm>>) dst(%dma_wait3A_364 : memref<64x128xf32, #tpu.memory_space<vmem>>)
        %dma_start3A_368 = arith.constant 0 : i32
        %dma_start3A_369 = arith.constant 1 : i32
        %dma_start3A_370 = arith.constant 0 : i32
        %dma_start3A_371 = arith.constant 0 : i32
        %dma_start3A_372 = arith.constant 0 : i32
        %dma_start3A_373 = tpu.memref_slice %arg6[%dma_start3A_368, %dma_start3A_369, %dma_start3A_371, %dma_start3A_372] : memref<2x2x64x128xf32, #tpu.memory_space<vmem>> -> memref<1x1x64x128xf32, #tpu.memory_space<vmem>>
        %dma_start3A_374 = tpu.memref_squeeze %dma_start3A_373 : memref<1x1x64x128xf32, #tpu.memory_space<vmem>> -> memref<64x128xf32, #tpu.memory_space<vmem>>
        %dma_start3A_375 = arith.constant 0 : i32
        %dma_start3A_376 = tpu.memref_slice %arg5[%rem3A_335, %dma_start3A_370, %dma_start3A_375] : memref<32x2x64xi32, #tpu.memory_space<vmem>> -> memref<1x1x64xi32, #tpu.memory_space<vmem>>
        %dma_start3A_377 = tpu.memref_squeeze %dma_start3A_376 : memref<1x1x64xi32, #tpu.memory_space<vmem>> -> memref<64xi32, #tpu.memory_space<vmem>>
        %dma_start3A_378 = arith.constant 0 : i32
        %dma_start3A_379 = arith.constant 0 : i32
        %dma_start3A_380 = tpu.memref_slice %arg7[%dma_start3A_378, %dma_start3A_379] : memref<10112x128xf32, #tpu.memory_space<vmem_shared>> -> memref<10112x128xf32, #tpu.memory_space<vmem_shared>>
        tpu.enqueue_indirect_dma source(%dma_start3A_374 : memref<64x128xf32, #tpu.memory_space<vmem>>) target(%dma_start3A_380 : memref<10112x128xf32, #tpu.memory_space<vmem_shared>>) offsets(%dma_start3A_377 : memref<64xi32, #tpu.memory_space<vmem>>) semaphore(%arg12 : memref<!tpu.dma_semaphore, #tpu.memory_space<semaphore_mem>>) {add = true}
        %dma_start3A_381 = arith.constant 1 : i32
        %dma_start3A_382 = arith.constant 1 : i32
        %dma_start3A_383 = arith.constant 1 : i32
        %dma_start3A_384 = arith.constant 0 : i32
        %dma_start3A_385 = arith.constant 0 : i32
        %dma_start3A_386 = tpu.memref_slice %arg6[%dma_start3A_381, %dma_start3A_382, %dma_start3A_384, %dma_start3A_385] : memref<2x2x64x128xf32, #tpu.memory_space<vmem>> -> memref<1x1x64x128xf32, #tpu.memory_space<vmem>>
        %dma_start3A_387 = tpu.memref_squeeze %dma_start3A_386 : memref<1x1x64x128xf32, #tpu.memory_space<vmem>> -> memref<64x128xf32, #tpu.memory_space<vmem>>
        %dma_start3A_388 = arith.constant 0 : i32
        %dma_start3A_389 = tpu.memref_slice %arg5[%rem3A_335, %dma_start3A_383, %dma_start3A_388] : memref<32x2x64xi32, #tpu.memory_space<vmem>> -> memref<1x1x64xi32, #tpu.memory_space<vmem>>
        %dma_start3A_390 = tpu.memref_squeeze %dma_start3A_389 : memref<1x1x64xi32, #tpu.memory_space<vmem>> -> memref<64xi32, #tpu.memory_space<vmem>>
        %dma_start3A_391 = arith.constant 0 : i32
        %dma_start3A_392 = arith.constant 0 : i32
        %dma_start3A_393 = tpu.memref_slice %arg7[%dma_start3A_391, %dma_start3A_392] : memref<10112x128xf32, #tpu.memory_space<vmem_shared>> -> memref<10112x128xf32, #tpu.memory_space<vmem_shared>>
        tpu.enqueue_indirect_dma source(%dma_start3A_387 : memref<64x128xf32, #tpu.memory_space<vmem>>) target(%dma_start3A_393 : memref<10112x128xf32, #tpu.memory_space<vmem_shared>>) offsets(%dma_start3A_390 : memref<64xi32, #tpu.memory_space<vmem>>) semaphore(%arg12 : memref<!tpu.dma_semaphore, #tpu.memory_space<semaphore_mem>>) {add = true}
        %dma_wait3A_394 = arith.constant 0 : i32
        %dma_wait3A_395 = arith.constant 1 : i32
        %dma_wait3A_396 = arith.constant 0 : i32
        %dma_wait3A_397 = arith.constant 0 : i32
        %dma_wait3A_398 = arith.constant 0 : i32
        %dma_wait3A_399 = tpu.memref_slice %arg6[%dma_wait3A_394, %dma_wait3A_395, %dma_wait3A_397, %dma_wait3A_398] : memref<2x2x64x128xf32, #tpu.memory_space<vmem>> -> memref<1x1x64x128xf32, #tpu.memory_space<vmem>>
        %dma_wait3A_400 = tpu.memref_squeeze %dma_wait3A_399 : memref<1x1x64x128xf32, #tpu.memory_space<vmem>> -> memref<64x128xf32, #tpu.memory_space<vmem>>
        %dma_wait3A_401 = arith.constant 0 : i32
        %dma_wait3A_402 = tpu.memref_slice %arg5[%rem3A_335, %dma_wait3A_396, %dma_wait3A_401] : memref<32x2x64xi32, #tpu.memory_space<vmem>> -> memref<1x1x64xi32, #tpu.memory_space<vmem>>
        %dma_wait3A_403 = tpu.memref_squeeze %dma_wait3A_402 : memref<1x1x64xi32, #tpu.memory_space<vmem>> -> memref<64xi32, #tpu.memory_space<vmem>>
        %dma_wait3A_404 = arith.constant 0 : i32
        %dma_wait3A_405 = arith.constant 0 : i32
        %dma_wait3A_406 = tpu.memref_slice %arg7[%dma_wait3A_404, %dma_wait3A_405] : memref<10112x128xf32, #tpu.memory_space<vmem_shared>> -> memref<10112x128xf32, #tpu.memory_space<vmem_shared>>
        tpu.wait_indirect_dma semaphore(%arg12 : memref<!tpu.dma_semaphore, #tpu.memory_space<semaphore_mem>>) src(%dma_wait3A_400 : memref<64x128xf32, #tpu.memory_space<vmem>>) dst(%dma_wait3A_406 : memref<10112x128xf32, #tpu.memory_space<vmem_shared>>)
        %dma_wait3A_407 = arith.constant 1 : i32
        %dma_wait3A_408 = arith.constant 1 : i32
        %dma_wait3A_409 = arith.constant 1 : i32
        %dma_wait3A_410 = arith.constant 0 : i32
        %dma_wait3A_411 = arith.constant 0 : i32
        %dma_wait3A_412 = tpu.memref_slice %arg6[%dma_wait3A_407, %dma_wait3A_408, %dma_wait3A_410, %dma_wait3A_411] : memref<2x2x64x128xf32, #tpu.memory_space<vmem>> -> memref<1x1x64x128xf32, #tpu.memory_space<vmem>>
        %dma_wait3A_413 = tpu.memref_squeeze %dma_wait3A_412 : memref<1x1x64x128xf32, #tpu.memory_space<vmem>> -> memref<64x128xf32, #tpu.memory_space<vmem>>
        %dma_wait3A_414 = arith.constant 0 : i32
        %dma_wait3A_415 = tpu.memref_slice %arg5[%rem3A_335, %dma_wait3A_409, %dma_wait3A_414] : memref<32x2x64xi32, #tpu.memory_space<vmem>> -> memref<1x1x64xi32, #tpu.memory_space<vmem>>
        %dma_wait3A_416 = tpu.memref_squeeze %dma_wait3A_415 : memref<1x1x64xi32, #tpu.memory_space<vmem>> -> memref<64xi32, #tpu.memory_space<vmem>>
        %dma_wait3A_417 = arith.constant 0 : i32
        %dma_wait3A_418 = arith.constant 0 : i32
        %dma_wait3A_419 = tpu.memref_slice %arg7[%dma_wait3A_417, %dma_wait3A_418] : memref<10112x128xf32, #tpu.memory_space<vmem_shared>> -> memref<10112x128xf32, #tpu.memory_space<vmem_shared>>
        tpu.wait_indirect_dma semaphore(%arg12 : memref<!tpu.dma_semaphore, #tpu.memory_space<semaphore_mem>>) src(%dma_wait3A_413 : memref<64x128xf32, #tpu.memory_space<vmem>>) dst(%dma_wait3A_419 : memref<10112x128xf32, #tpu.memory_space<vmem_shared>>)
        %add3A_420 = arith.constant 2 : i32
        %add3A_421 = arith.addi %add3A_333, %add3A_420 : i32
        %sub3A_422 = arith.constant 1 : i32
        %sub3A_423 = arith.subi %select_n3A_10, %sub3A_422 : i32
        %min3A_424 = arith.minsi %add3A_421, %sub3A_423 : i32
        %rem3A_425 = arith.constant 32 : i32
        %rem3A_426 = arith.remsi %min3A_424, %rem3A_425 : i32
        %dma_start3A_427 = arith.constant 1 : i32
        %dma_start3A_428 = arith.constant 0 : i32
        %dma_start3A_429 = arith.constant 1 : i32
        %dma_start3A_430 = arith.constant 0 : i32
        %dma_start3A_431 = arith.constant 0 : i32
        %dma_start3A_432 = tpu.memref_slice %arg6[%dma_start3A_428, %dma_start3A_429, %dma_start3A_430, %dma_start3A_431] : memref<2x2x64x128xf32, #tpu.memory_space<vmem>> -> memref<1x1x64x128xf32, #tpu.memory_space<vmem>>
        %dma_start3A_433 = tpu.memref_squeeze %dma_start3A_432 : memref<1x1x64x128xf32, #tpu.memory_space<vmem>> -> memref<64x128xf32, #tpu.memory_space<vmem>>
        %dma_start3A_434 = arith.constant 0 : i32
        %dma_start3A_435 = tpu.memref_slice %arg5[%rem3A_426, %dma_start3A_427, %dma_start3A_434] : memref<32x2x64xi32, #tpu.memory_space<vmem>> -> memref<1x1x64xi32, #tpu.memory_space<vmem>>
        %dma_start3A_436 = tpu.memref_squeeze %dma_start3A_435 : memref<1x1x64xi32, #tpu.memory_space<vmem>> -> memref<64xi32, #tpu.memory_space<vmem>>
        %dma_start3A_437 = arith.constant 0 : i32
        %dma_start3A_438 = arith.constant 0 : i32
        %dma_start3A_439 = tpu.memref_slice %arg2[%dma_start3A_437, %dma_start3A_438] : memref<10112x128xf32, #tpu.memory_space<hbm>> -> memref<10112x128xf32, #tpu.memory_space<hbm>>
        tpu.enqueue_indirect_dma source(%dma_start3A_439 : memref<10112x128xf32, #tpu.memory_space<hbm>>) target(%dma_start3A_433 : memref<64x128xf32, #tpu.memory_space<vmem>>) offsets(%dma_start3A_436 : memref<64xi32, #tpu.memory_space<vmem>>) semaphore(%arg9 : memref<!tpu.dma_semaphore, #tpu.memory_space<semaphore_mem>>)
        %dma_start3A_440 = arith.constant 0 : i32
        %dma_start3A_441 = arith.constant 1 : i32
        %dma_start3A_442 = arith.constant 1 : i32
        %dma_start3A_443 = arith.constant 0 : i32
        %dma_start3A_444 = arith.constant 0 : i32
        %dma_start3A_445 = tpu.memref_slice %arg6[%dma_start3A_441, %dma_start3A_442, %dma_start3A_443, %dma_start3A_444] : memref<2x2x64x128xf32, #tpu.memory_space<vmem>> -> memref<1x1x64x128xf32, #tpu.memory_space<vmem>>
        %dma_start3A_446 = tpu.memref_squeeze %dma_start3A_445 : memref<1x1x64x128xf32, #tpu.memory_space<vmem>> -> memref<64x128xf32, #tpu.memory_space<vmem>>
        %dma_start3A_447 = arith.constant 0 : i32
        %dma_start3A_448 = tpu.memref_slice %arg5[%rem3A_426, %dma_start3A_440, %dma_start3A_447] : memref<32x2x64xi32, #tpu.memory_space<vmem>> -> memref<1x1x64xi32, #tpu.memory_space<vmem>>
        %dma_start3A_449 = tpu.memref_squeeze %dma_start3A_448 : memref<1x1x64xi32, #tpu.memory_space<vmem>> -> memref<64xi32, #tpu.memory_space<vmem>>
        %dma_start3A_450 = arith.constant 0 : i32
        %dma_start3A_451 = arith.constant 0 : i32
        %dma_start3A_452 = tpu.memref_slice %arg2[%dma_start3A_450, %dma_start3A_451] : memref<10112x128xf32, #tpu.memory_space<hbm>> -> memref<10112x128xf32, #tpu.memory_space<hbm>>
        tpu.enqueue_indirect_dma source(%dma_start3A_452 : memref<10112x128xf32, #tpu.memory_space<hbm>>) target(%dma_start3A_446 : memref<64x128xf32, #tpu.memory_space<vmem>>) offsets(%dma_start3A_449 : memref<64xi32, #tpu.memory_space<vmem>>) semaphore(%arg11 : memref<!tpu.dma_semaphore, #tpu.memory_space<semaphore_mem>>)
        %scan3A_453 = arith.constant 0 : i32
        scf.yield %scan3A_453 : i32
      }
      %scan3A_197 = arith.constant 8 : i32
      %while3A_198 = arith.constant 0 : i32
      scf.yield %while3A_198 : i32
    }
    %while3A_112 = arith.constant 1 : i32
    %while3A_113 = scf.for %while3A_178 = %while3A_109 to %while3A_105 step %while3A_112 iter_args(%while3A_179 = %while3A_111) -> (i32)  : i32 {
      %add3A_180 = arith.constant 1 : i32
      %add3A_181 = arith.addi %while3A_178, %add3A_180 : i32
      %sub3A_182 = arith.constant 1 : i32
      %sub3A_183 = arith.subi %select_n3A_28, %sub3A_182 : i32
      %min3A = arith.minsi %add3A_181, %sub3A_183 : i32
      %rem3A_184 = arith.constant 2 : i32
      %rem3A_185 = arith.remsi %min3A, %rem3A_184 : i32
      %mul3A_186 = arith.constant 16 : i32
      %mul3A_187 = arith.muli %rem3A_185, %mul3A_186 : i32
      %mul3A_188 = arith.constant 16 : i32
      %mul3A_189 = arith.muli %min3A, %mul3A_188 : i32
      %add3A_190 = arith.addi %select_n3A, %mul3A_189 : i32
      "tpu.region"() ({
        %run_scoped3A_199 = tpu.sem_alloc : memref<!tpu.dma_semaphore, #tpu.memory_space<semaphore_mem>>
        %dma_start3A_200 = arith.constant 0 : i32
        %dma_start3A_201 = arith.constant 0 : i32
        %dma_start3A_202 = tpu.memref_slice %arg5[%mul3A_187, %dma_start3A_200, %dma_start3A_201] : memref<32x2x64xi32, #tpu.memory_space<vmem>> -> memref<16x2x64xi32, #tpu.memory_space<vmem>>
        %dma_start3A_203 = arith.constant 0 : i32
        %dma_start3A_204 = arith.constant 0 : i32
        %dma_start3A_205 = tpu.memref_slice %arg3[%add3A_190, %dma_start3A_203, %dma_start3A_204] : memref<5120x2x64xi32, #tpu.memory_space<hbm>> -> memref<16x2x64xi32, #tpu.memory_space<hbm>>
        %dma_start3A_206 = arith.constant 0 : i32
        %dma_start3A_207 = arith.constant 0 : i32
        %dma_start3A_208 = tpu.memref_slice %arg5[%mul3A_187, %dma_start3A_206, %dma_start3A_207] : memref<32x2x64xi32, #tpu.memory_space<vmem>> -> memref<16x2x64xi32, #tpu.memory_space<vmem>>
        %dma_start3A_209 = arith.constant 0 : i32
        %dma_start3A_210 = arith.constant 0 : i32
        %dma_start3A_211 = tpu.memref_slice %arg3[%add3A_190, %dma_start3A_209, %dma_start3A_210] : memref<5120x2x64xi32, #tpu.memory_space<hbm>> -> memref<16x2x64xi32, #tpu.memory_space<hbm>>
        tpu.enqueue_dma source(%dma_start3A_211 : memref<16x2x64xi32, #tpu.memory_space<hbm>>) target(%dma_start3A_208 : memref<16x2x64xi32, #tpu.memory_space<vmem>>) target_semaphore(%run_scoped3A_199 : memref<!tpu.dma_semaphore, #tpu.memory_space<semaphore_mem>>)
        %dma_wait3A_212 = arith.constant 0 : i32
        %dma_wait3A_213 = arith.constant 0 : i32
        %dma_wait3A_214 = tpu.memref_slice %arg5[%mul3A_187, %dma_wait3A_212, %dma_wait3A_213] : memref<32x2x64xi32, #tpu.memory_space<vmem>> -> memref<16x2x64xi32, #tpu.memory_space<vmem>>
        %dma_wait3A_215 = arith.constant 0 : i32
        %dma_wait3A_216 = arith.constant 0 : i32
        %dma_wait3A_217 = tpu.memref_slice %arg3[%add3A_190, %dma_wait3A_215, %dma_wait3A_216] : memref<5120x2x64xi32, #tpu.memory_space<hbm>> -> memref<16x2x64xi32, #tpu.memory_space<hbm>>
        %dma_wait3A_218 = arith.constant 0 : i32
        %dma_wait3A_219 = arith.constant 0 : i32
        %dma_wait3A_220 = tpu.memref_slice %arg5[%mul3A_187, %dma_wait3A_218, %dma_wait3A_219] : memref<32x2x64xi32, #tpu.memory_space<vmem>> -> memref<16x2x64xi32, #tpu.memory_space<vmem>>
        %dma_wait3A_221 = arith.constant 0 : i32
        %dma_wait3A_222 = arith.constant 0 : i32
        %dma_wait3A_223 = tpu.memref_slice %arg3[%add3A_190, %dma_wait3A_221, %dma_wait3A_222] : memref<5120x2x64xi32, #tpu.memory_space<hbm>> -> memref<16x2x64xi32, #tpu.memory_space<hbm>>
        tpu.wait_dma2 semaphore(%run_scoped3A_199 : memref<!tpu.dma_semaphore, #tpu.memory_space<semaphore_mem>>) src(%dma_wait3A_223 : memref<16x2x64xi32, #tpu.memory_space<hbm>>) dst(%dma_wait3A_220 : memref<16x2x64xi32, #tpu.memory_space<vmem>>)
        tpu.yield
      }) : () -> ()
      %scan3A_191 = arith.constant 0 : i32
      %scan3A_192 = arith.constant 0 : i32
      %scan3A_193 = arith.constant 8 : i32
      %scan3A_194 = arith.addi %scan3A_192, %scan3A_193 : i32
      %scan3A_195 = arith.constant 1 : i32
      %scan3A_196 = scf.for %scan3A_199 = %scan3A_192 to %scan3A_194 step %scan3A_195 iter_args(%scan3A_200 = %scan3A_191) -> (i32)  : i32 {
        %mul3A_201 = arith.constant 16 : i32
        %mul3A_202 = arith.muli %while3A_178, %mul3A_201 : i32
        %mul3A_203 = arith.constant 2 : i32
        %mul3A_204 = arith.muli %mul3A_203, %scan3A_199 : i32
        %add3A_205 = arith.addi %mul3A_202, %mul3A_204 : i32
        %add3A_206 = arith.constant 0 : i32
        %add3A_207 = arith.addi %add3A_205, %add3A_206 : i32
        %rem3A_208 = arith.constant 32 : i32
        %rem3A_209 = arith.remsi %add3A_207, %rem3A_208 : i32
        %dma_wait3A_210 = arith.constant 0 : i32
        %dma_wait3A_211 = arith.constant 0 : i32
        %dma_wait3A_212 = arith.constant 0 : i32
        %dma_wait3A_213 = arith.constant 0 : i32
        %dma_wait3A_214 = tpu.memref_slice %arg6[%dma_wait3A_210, %dma_wait3A_211, %dma_wait3A_212, %dma_wait3A_213] : memref<2x2x64x128xf32, #tpu.memory_space<vmem>> -> memref<1x1x64x128xf32, #tpu.memory_space<vmem>>
        %dma_wait3A_215 = tpu.memref_squeeze %dma_wait3A_214 : memref<1x1x64x128xf32, #tpu.memory_space<vmem>> -> memref<64x128xf32, #tpu.memory_space<vmem>>
        %dma_wait3A_216 = arith.constant 0 : i32
        %dma_wait3A_217 = arith.constant 0 : i32
        %dma_wait3A_218 = tpu.memref_slice %arg2[%dma_wait3A_216, %dma_wait3A_217] : memref<10112x128xf32, #tpu.memory_space<hbm>> -> memref<64x128xf32, #tpu.memory_space<hbm>>
        %dma_wait3A_219 = arith.constant 0 : i32
        %dma_wait3A_220 = arith.constant 0 : i32
        %dma_wait3A_221 = tpu.memref_slice %arg6[%dma_wait3A_210, %dma_wait3A_211, %dma_wait3A_219, %dma_wait3A_220] : memref<2x2x64x128xf32, #tpu.memory_space<vmem>> -> memref<1x1x64x128xf32, #tpu.memory_space<vmem>>
        %dma_wait3A_222 = tpu.memref_squeeze %dma_wait3A_221 : memref<1x1x64x128xf32, #tpu.memory_space<vmem>> -> memref<64x128xf32, #tpu.memory_space<vmem>>
        %dma_wait3A_223 = arith.constant 0 : i32
        %dma_wait3A_224 = arith.constant 0 : i32
        %dma_wait3A_225 = tpu.memref_slice %arg2[%dma_wait3A_223, %dma_wait3A_224] : memref<10112x128xf32, #tpu.memory_space<hbm>> -> memref<64x128xf32, #tpu.memory_space<hbm>>
        tpu.wait_dma2 semaphore(%arg8 : memref<!tpu.dma_semaphore, #tpu.memory_space<semaphore_mem>>) src(%dma_wait3A_225 : memref<64x128xf32, #tpu.memory_space<hbm>>) dst(%dma_wait3A_222 : memref<64x128xf32, #tpu.memory_space<vmem>>)
        %dma_wait3A_226 = arith.constant 1 : i32
        %dma_wait3A_227 = arith.constant 0 : i32
        %dma_wait3A_228 = arith.constant 0 : i32
        %dma_wait3A_229 = arith.constant 0 : i32
        %dma_wait3A_230 = tpu.memref_slice %arg6[%dma_wait3A_226, %dma_wait3A_227, %dma_wait3A_228, %dma_wait3A_229] : memref<2x2x64x128xf32, #tpu.memory_space<vmem>> -> memref<1x1x64x128xf32, #tpu.memory_space<vmem>>
        %dma_wait3A_231 = tpu.memref_squeeze %dma_wait3A_230 : memref<1x1x64x128xf32, #tpu.memory_space<vmem>> -> memref<64x128xf32, #tpu.memory_space<vmem>>
        %dma_wait3A_232 = arith.constant 0 : i32
        %dma_wait3A_233 = arith.constant 0 : i32
        %dma_wait3A_234 = tpu.memref_slice %arg2[%dma_wait3A_232, %dma_wait3A_233] : memref<10112x128xf32, #tpu.memory_space<hbm>> -> memref<64x128xf32, #tpu.memory_space<hbm>>
        %dma_wait3A_235 = arith.constant 0 : i32
        %dma_wait3A_236 = arith.constant 0 : i32
        %dma_wait3A_237 = tpu.memref_slice %arg6[%dma_wait3A_226, %dma_wait3A_227, %dma_wait3A_235, %dma_wait3A_236] : memref<2x2x64x128xf32, #tpu.memory_space<vmem>> -> memref<1x1x64x128xf32, #tpu.memory_space<vmem>>
        %dma_wait3A_238 = tpu.memref_squeeze %dma_wait3A_237 : memref<1x1x64x128xf32, #tpu.memory_space<vmem>> -> memref<64x128xf32, #tpu.memory_space<vmem>>
        %dma_wait3A_239 = arith.constant 0 : i32
        %dma_wait3A_240 = arith.constant 0 : i32
        %dma_wait3A_241 = tpu.memref_slice %arg2[%dma_wait3A_239, %dma_wait3A_240] : memref<10112x128xf32, #tpu.memory_space<hbm>> -> memref<64x128xf32, #tpu.memory_space<hbm>>
        tpu.wait_dma2 semaphore(%arg10 : memref<!tpu.dma_semaphore, #tpu.memory_space<semaphore_mem>>) src(%dma_wait3A_241 : memref<64x128xf32, #tpu.memory_space<hbm>>) dst(%dma_wait3A_238 : memref<64x128xf32, #tpu.memory_space<vmem>>)
        %dma_start3A_242 = arith.constant 0 : i32
        %dma_start3A_243 = arith.constant 0 : i32
        %dma_start3A_244 = arith.constant 0 : i32
        %dma_start3A_245 = arith.constant 0 : i32
        %dma_start3A_246 = arith.constant 0 : i32
        %dma_start3A_247 = tpu.memref_slice %arg6[%dma_start3A_242, %dma_start3A_243, %dma_start3A_245, %dma_start3A_246] : memref<2x2x64x128xf32, #tpu.memory_space<vmem>> -> memref<1x1x64x128xf32, #tpu.memory_space<vmem>>
        %dma_start3A_248 = tpu.memref_squeeze %dma_start3A_247 : memref<1x1x64x128xf32, #tpu.memory_space<vmem>> -> memref<64x128xf32, #tpu.memory_space<vmem>>
        %dma_start3A_249 = arith.constant 0 : i32
        %dma_start3A_250 = tpu.memref_slice %arg5[%rem3A_209, %dma_start3A_244, %dma_start3A_249] : memref<32x2x64xi32, #tpu.memory_space<vmem>> -> memref<1x1x64xi32, #tpu.memory_space<vmem>>
        %dma_start3A_251 = tpu.memref_squeeze %dma_start3A_250 : memref<1x1x64xi32, #tpu.memory_space<vmem>> -> memref<64xi32, #tpu.memory_space<vmem>>
        %dma_start3A_252 = arith.constant 0 : i32
        %dma_start3A_253 = arith.constant 0 : i32
        %dma_start3A_254 = tpu.memref_slice %arg7[%dma_start3A_252, %dma_start3A_253] : memref<10112x128xf32, #tpu.memory_space<vmem_shared>> -> memref<10112x128xf32, #tpu.memory_space<vmem_shared>>
        tpu.enqueue_indirect_dma source(%dma_start3A_248 : memref<64x128xf32, #tpu.memory_space<vmem>>) target(%dma_start3A_254 : memref<10112x128xf32, #tpu.memory_space<vmem_shared>>) offsets(%dma_start3A_251 : memref<64xi32, #tpu.memory_space<vmem>>) semaphore(%arg12 : memref<!tpu.dma_semaphore, #tpu.memory_space<semaphore_mem>>) {add = true}
        %dma_start3A_255 = arith.constant 1 : i32
        %dma_start3A_256 = arith.constant 0 : i32
        %dma_start3A_257 = arith.constant 1 : i32
        %dma_start3A_258 = arith.constant 0 : i32
        %dma_start3A_259 = arith.constant 0 : i32
        %dma_start3A_260 = tpu.memref_slice %arg6[%dma_start3A_255, %dma_start3A_256, %dma_start3A_258, %dma_start3A_259] : memref<2x2x64x128xf32, #tpu.memory_space<vmem>> -> memref<1x1x64x128xf32, #tpu.memory_space<vmem>>
        %dma_start3A_261 = tpu.memref_squeeze %dma_start3A_260 : memref<1x1x64x128xf32, #tpu.memory_space<vmem>> -> memref<64x128xf32, #tpu.memory_space<vmem>>
        %dma_start3A_262 = arith.constant 0 : i32
        %dma_start3A_263 = tpu.memref_slice %arg5[%rem3A_209, %dma_start3A_257, %dma_start3A_262] : memref<32x2x64xi32, #tpu.memory_space<vmem>> -> memref<1x1x64xi32, #tpu.memory_space<vmem>>
        %dma_start3A_264 = tpu.memref_squeeze %dma_start3A_263 : memref<1x1x64xi32, #tpu.memory_space<vmem>> -> memref<64xi32, #tpu.memory_space<vmem>>
        %dma_start3A_265 = arith.constant 0 : i32
        %dma_start3A_266 = arith.constant 0 : i32
        %dma_start3A_267 = tpu.memref_slice %arg7[%dma_start3A_265, %dma_start3A_266] : memref<10112x128xf32, #tpu.memory_space<vmem_shared>> -> memref<10112x128xf32, #tpu.memory_space<vmem_shared>>
        tpu.enqueue_indirect_dma source(%dma_start3A_261 : memref<64x128xf32, #tpu.memory_space<vmem>>) target(%dma_start3A_267 : memref<10112x128xf32, #tpu.memory_space<vmem_shared>>) offsets(%dma_start3A_264 : memref<64xi32, #tpu.memory_space<vmem>>) semaphore(%arg12 : memref<!tpu.dma_semaphore, #tpu.memory_space<semaphore_mem>>) {add = true}
        %dma_wait3A_268 = arith.constant 0 : i32
        %dma_wait3A_269 = arith.constant 0 : i32
        %dma_wait3A_270 = arith.constant 0 : i32
        %dma_wait3A_271 = arith.constant 0 : i32
        %dma_wait3A_272 = arith.constant 0 : i32
        %dma_wait3A_273 = tpu.memref_slice %arg6[%dma_wait3A_268, %dma_wait3A_269, %dma_wait3A_271, %dma_wait3A_272] : memref<2x2x64x128xf32, #tpu.memory_space<vmem>> -> memref<1x1x64x128xf32, #tpu.memory_space<vmem>>
        %dma_wait3A_274 = tpu.memref_squeeze %dma_wait3A_273 : memref<1x1x64x128xf32, #tpu.memory_space<vmem>> -> memref<64x128xf32, #tpu.memory_space<vmem>>
        %dma_wait3A_275 = arith.constant 0 : i32
        %dma_wait3A_276 = tpu.memref_slice %arg5[%rem3A_209, %dma_wait3A_270, %dma_wait3A_275] : memref<32x2x64xi32, #tpu.memory_space<vmem>> -> memref<1x1x64xi32, #tpu.memory_space<vmem>>
        %dma_wait3A_277 = tpu.memref_squeeze %dma_wait3A_276 : memref<1x1x64xi32, #tpu.memory_space<vmem>> -> memref<64xi32, #tpu.memory_space<vmem>>
        %dma_wait3A_278 = arith.constant 0 : i32
        %dma_wait3A_279 = arith.constant 0 : i32
        %dma_wait3A_280 = tpu.memref_slice %arg7[%dma_wait3A_278, %dma_wait3A_279] : memref<10112x128xf32, #tpu.memory_space<vmem_shared>> -> memref<10112x128xf32, #tpu.memory_space<vmem_shared>>
        tpu.wait_indirect_dma semaphore(%arg12 : memref<!tpu.dma_semaphore, #tpu.memory_space<semaphore_mem>>) src(%dma_wait3A_274 : memref<64x128xf32, #tpu.memory_space<vmem>>) dst(%dma_wait3A_280 : memref<10112x128xf32, #tpu.memory_space<vmem_shared>>)
        %dma_wait3A_281 = arith.constant 1 : i32
        %dma_wait3A_282 = arith.constant 0 : i32
        %dma_wait3A_283 = arith.constant 1 : i32
        %dma_wait3A_284 = arith.constant 0 : i32
        %dma_wait3A_285 = arith.constant 0 : i32
        %dma_wait3A_286 = tpu.memref_slice %arg6[%dma_wait3A_281, %dma_wait3A_282, %dma_wait3A_284, %dma_wait3A_285] : memref<2x2x64x128xf32, #tpu.memory_space<vmem>> -> memref<1x1x64x128xf32, #tpu.memory_space<vmem>>
        %dma_wait3A_287 = tpu.memref_squeeze %dma_wait3A_286 : memref<1x1x64x128xf32, #tpu.memory_space<vmem>> -> memref<64x128xf32, #tpu.memory_space<vmem>>
        %dma_wait3A_288 = arith.constant 0 : i32
        %dma_wait3A_289 = tpu.memref_slice %arg5[%rem3A_209, %dma_wait3A_283, %dma_wait3A_288] : memref<32x2x64xi32, #tpu.memory_space<vmem>> -> memref<1x1x64xi32, #tpu.memory_space<vmem>>
        %dma_wait3A_290 = tpu.memref_squeeze %dma_wait3A_289 : memref<1x1x64xi32, #tpu.memory_space<vmem>> -> memref<64xi32, #tpu.memory_space<vmem>>
        %dma_wait3A_291 = arith.constant 0 : i32
        %dma_wait3A_292 = arith.constant 0 : i32
        %dma_wait3A_293 = tpu.memref_slice %arg7[%dma_wait3A_291, %dma_wait3A_292] : memref<10112x128xf32, #tpu.memory_space<vmem_shared>> -> memref<10112x128xf32, #tpu.memory_space<vmem_shared>>
        tpu.wait_indirect_dma semaphore(%arg12 : memref<!tpu.dma_semaphore, #tpu.memory_space<semaphore_mem>>) src(%dma_wait3A_287 : memref<64x128xf32, #tpu.memory_space<vmem>>) dst(%dma_wait3A_293 : memref<10112x128xf32, #tpu.memory_space<vmem_shared>>)
        %add3A_294 = arith.constant 2 : i32
        %add3A_295 = arith.addi %add3A_207, %add3A_294 : i32
        %sub3A_296 = arith.constant 1 : i32
        %sub3A_297 = arith.subi %select_n3A_10, %sub3A_296 : i32
        %min3A_298 = arith.minsi %add3A_295, %sub3A_297 : i32
        %rem3A_299 = arith.constant 32 : i32
        %rem3A_300 = arith.remsi %min3A_298, %rem3A_299 : i32
        %dma_start3A_301 = arith.constant 1 : i32
        %dma_start3A_302 = arith.constant 0 : i32
        %dma_start3A_303 = arith.constant 0 : i32
        %dma_start3A_304 = arith.constant 0 : i32
        %dma_start3A_305 = arith.constant 0 : i32
        %dma_start3A_306 = tpu.memref_slice %arg6[%dma_start3A_302, %dma_start3A_303, %dma_start3A_304, %dma_start3A_305] : memref<2x2x64x128xf32, #tpu.memory_space<vmem>> -> memref<1x1x64x128xf32, #tpu.memory_space<vmem>>
        %dma_start3A_307 = tpu.memref_squeeze %dma_start3A_306 : memref<1x1x64x128xf32, #tpu.memory_space<vmem>> -> memref<64x128xf32, #tpu.memory_space<vmem>>
        %dma_start3A_308 = arith.constant 0 : i32
        %dma_start3A_309 = tpu.memref_slice %arg5[%rem3A_300, %dma_start3A_301, %dma_start3A_308] : memref<32x2x64xi32, #tpu.memory_space<vmem>> -> memref<1x1x64xi32, #tpu.memory_space<vmem>>
        %dma_start3A_310 = tpu.memref_squeeze %dma_start3A_309 : memref<1x1x64xi32, #tpu.memory_space<vmem>> -> memref<64xi32, #tpu.memory_space<vmem>>
        %dma_start3A_311 = arith.constant 0 : i32
        %dma_start3A_312 = arith.constant 0 : i32
        %dma_start3A_313 = tpu.memref_slice %arg2[%dma_start3A_311, %dma_start3A_312] : memref<10112x128xf32, #tpu.memory_space<hbm>> -> memref<10112x128xf32, #tpu.memory_space<hbm>>
        tpu.enqueue_indirect_dma source(%dma_start3A_313 : memref<10112x128xf32, #tpu.memory_space<hbm>>) target(%dma_start3A_307 : memref<64x128xf32, #tpu.memory_space<vmem>>) offsets(%dma_start3A_310 : memref<64xi32, #tpu.memory_space<vmem>>) semaphore(%arg8 : memref<!tpu.dma_semaphore, #tpu.memory_space<semaphore_mem>>)
        %dma_start3A_314 = arith.constant 0 : i32
        %dma_start3A_315 = arith.constant 1 : i32
        %dma_start3A_316 = arith.constant 0 : i32
        %dma_start3A_317 = arith.constant 0 : i32
        %dma_start3A_318 = arith.constant 0 : i32
        %dma_start3A_319 = tpu.memref_slice %arg6[%dma_start3A_315, %dma_start3A_316, %dma_start3A_317, %dma_start3A_318] : memref<2x2x64x128xf32, #tpu.memory_space<vmem>> -> memref<1x1x64x128xf32, #tpu.memory_space<vmem>>
        %dma_start3A_320 = tpu.memref_squeeze %dma_start3A_319 : memref<1x1x64x128xf32, #tpu.memory_space<vmem>> -> memref<64x128xf32, #tpu.memory_space<vmem>>
        %dma_start3A_321 = arith.constant 0 : i32
        %dma_start3A_322 = tpu.memref_slice %arg5[%rem3A_300, %dma_start3A_314, %dma_start3A_321] : memref<32x2x64xi32, #tpu.memory_space<vmem>> -> memref<1x1x64xi32, #tpu.memory_space<vmem>>
        %dma_start3A_323 = tpu.memref_squeeze %dma_start3A_322 : memref<1x1x64xi32, #tpu.memory_space<vmem>> -> memref<64xi32, #tpu.memory_space<vmem>>
        %dma_start3A_324 = arith.constant 0 : i32
        %dma_start3A_325 = arith.constant 0 : i32
        %dma_start3A_326 = tpu.memref_slice %arg2[%dma_start3A_324, %dma_start3A_325] : memref<10112x128xf32, #tpu.memory_space<hbm>> -> memref<10112x128xf32, #tpu.memory_space<hbm>>
        tpu.enqueue_indirect_dma source(%dma_start3A_326 : memref<10112x128xf32, #tpu.memory_space<hbm>>) target(%dma_start3A_320 : memref<64x128xf32, #tpu.memory_space<vmem>>) offsets(%dma_start3A_323 : memref<64xi32, #tpu.memory_space<vmem>>) semaphore(%arg10 : memref<!tpu.dma_semaphore, #tpu.memory_space<semaphore_mem>>)
        %mul3A_327 = arith.constant 16 : i32
        %mul3A_328 = arith.muli %while3A_178, %mul3A_327 : i32
        %mul3A_329 = arith.constant 2 : i32
        %mul3A_330 = arith.muli %mul3A_329, %scan3A_199 : i32
        %add3A_331 = arith.addi %mul3A_328, %mul3A_330 : i32
        %add3A_332 = arith.constant 1 : i32
        %add3A_333 = arith.addi %add3A_331, %add3A_332 : i32
        %rem3A_334 = arith.constant 32 : i32
        %rem3A_335 = arith.remsi %add3A_333, %rem3A_334 : i32
        %dma_wait3A_336 = arith.constant 0 : i32
        %dma_wait3A_337 = arith.constant 1 : i32
        %dma_wait3A_338 = arith.constant 0 : i32
        %dma_wait3A_339 = arith.constant 0 : i32
        %dma_wait3A_340 = tpu.memref_slice %arg6[%dma_wait3A_336, %dma_wait3A_337, %dma_wait3A_338, %dma_wait3A_339] : memref<2x2x64x128xf32, #tpu.memory_space<vmem>> -> memref<1x1x64x128xf32, #tpu.memory_space<vmem>>
        %dma_wait3A_341 = tpu.memref_squeeze %dma_wait3A_340 : memref<1x1x64x128xf32, #tpu.memory_space<vmem>> -> memref<64x128xf32, #tpu.memory_space<vmem>>
        %dma_wait3A_342 = arith.constant 0 : i32
        %dma_wait3A_343 = arith.constant 0 : i32
        %dma_wait3A_344 = tpu.memref_slice %arg2[%dma_wait3A_342, %dma_wait3A_343] : memref<10112x128xf32, #tpu.memory_space<hbm>> -> memref<64x128xf32, #tpu.memory_space<hbm>>
        %dma_wait3A_345 = arith.constant 0 : i32
        %dma_wait3A_346 = arith.constant 0 : i32
        %dma_wait3A_347 = tpu.memref_slice %arg6[%dma_wait3A_336, %dma_wait3A_337, %dma_wait3A_345, %dma_wait3A_346] : memref<2x2x64x128xf32, #tpu.memory_space<vmem>> -> memref<1x1x64x128xf32, #tpu.memory_space<vmem>>
        %dma_wait3A_348 = tpu.memref_squeeze %dma_wait3A_347 : memref<1x1x64x128xf32, #tpu.memory_space<vmem>> -> memref<64x128xf32, #tpu.memory_space<vmem>>
        %dma_wait3A_349 = arith.constant 0 : i32
        %dma_wait3A_350 = arith.constant 0 : i32
        %dma_wait3A_351 = tpu.memref_slice %arg2[%dma_wait3A_349, %dma_wait3A_350] : memref<10112x128xf32, #tpu.memory_space<hbm>> -> memref<64x128xf32, #tpu.memory_space<hbm>>
        tpu.wait_dma2 semaphore(%arg9 : memref<!tpu.dma_semaphore, #tpu.memory_space<semaphore_mem>>) src(%dma_wait3A_351 : memref<64x128xf32, #tpu.memory_space<hbm>>) dst(%dma_wait3A_348 : memref<64x128xf32, #tpu.memory_space<vmem>>)
        %dma_wait3A_352 = arith.constant 1 : i32
        %dma_wait3A_353 = arith.constant 1 : i32
        %dma_wait3A_354 = arith.constant 0 : i32
        %dma_wait3A_355 = arith.constant 0 : i32
        %dma_wait3A_356 = tpu.memref_slice %arg6[%dma_wait3A_352, %dma_wait3A_353, %dma_wait3A_354, %dma_wait3A_355] : memref<2x2x64x128xf32, #tpu.memory_space<vmem>> -> memref<1x1x64x128xf32, #tpu.memory_space<vmem>>
        %dma_wait3A_357 = tpu.memref_squeeze %dma_wait3A_356 : memref<1x1x64x128xf32, #tpu.memory_space<vmem>> -> memref<64x128xf32, #tpu.memory_space<vmem>>
        %dma_wait3A_358 = arith.constant 0 : i32
        %dma_wait3A_359 = arith.constant 0 : i32
        %dma_wait3A_360 = tpu.memref_slice %arg2[%dma_wait3A_358, %dma_wait3A_359] : memref<10112x128xf32, #tpu.memory_space<hbm>> -> memref<64x128xf32, #tpu.memory_space<hbm>>
        %dma_wait3A_361 = arith.constant 0 : i32
        %dma_wait3A_362 = arith.constant 0 : i32
        %dma_wait3A_363 = tpu.memref_slice %arg6[%dma_wait3A_352, %dma_wait3A_353, %dma_wait3A_361, %dma_wait3A_362] : memref<2x2x64x128xf32, #tpu.memory_space<vmem>> -> memref<1x1x64x128xf32, #tpu.memory_space<vmem>>
        %dma_wait3A_364 = tpu.memref_squeeze %dma_wait3A_363 : memref<1x1x64x128xf32, #tpu.memory_space<vmem>> -> memref<64x128xf32, #tpu.memory_space<vmem>>
        %dma_wait3A_365 = arith.constant 0 : i32
        %dma_wait3A_366 = arith.constant 0 : i32
        %dma_wait3A_367 = tpu.memref_slice %arg2[%dma_wait3A_365, %dma_wait3A_366] : memref<10112x128xf32, #tpu.memory_space<hbm>> -> memref<64x128xf32, #tpu.memory_space<hbm>>
        tpu.wait_dma2 semaphore(%arg11 : memref<!tpu.dma_semaphore, #tpu.memory_space<semaphore_mem>>) src(%dma_wait3A_367 : memref<64x128xf32, #tpu.memory_space<hbm>>) dst(%dma_wait3A_364 : memref<64x128xf32, #tpu.memory_space<vmem>>)
        %dma_start3A_368 = arith.constant 0 : i32
        %dma_start3A_369 = arith.constant 1 : i32
        %dma_start3A_370 = arith.constant 0 : i32
        %dma_start3A_371 = arith.constant 0 : i32
        %dma_start3A_372 = arith.constant 0 : i32
        %dma_start3A_373 = tpu.memref_slice %arg6[%dma_start3A_368, %dma_start3A_369, %dma_start3A_371, %dma_start3A_372] : memref<2x2x64x128xf32, #tpu.memory_space<vmem>> -> memref<1x1x64x128xf32, #tpu.memory_space<vmem>>
        %dma_start3A_374 = tpu.memref_squeeze %dma_start3A_373 : memref<1x1x64x128xf32, #tpu.memory_space<vmem>> -> memref<64x128xf32, #tpu.memory_space<vmem>>
        %dma_start3A_375 = arith.constant 0 : i32
        %dma_start3A_376 = tpu.memref_slice %arg5[%rem3A_335, %dma_start3A_370, %dma_start3A_375] : memref<32x2x64xi32, #tpu.memory_space<vmem>> -> memref<1x1x64xi32, #tpu.memory_space<vmem>>
        %dma_start3A_377 = tpu.memref_squeeze %dma_start3A_376 : memref<1x1x64xi32, #tpu.memory_space<vmem>> -> memref<64xi32, #tpu.memory_space<vmem>>
        %dma_start3A_378 = arith.constant 0 : i32
        %dma_start3A_379 = arith.constant 0 : i32
        %dma_start3A_380 = tpu.memref_slice %arg7[%dma_start3A_378, %dma_start3A_379] : memref<10112x128xf32, #tpu.memory_space<vmem_shared>> -> memref<10112x128xf32, #tpu.memory_space<vmem_shared>>
        tpu.enqueue_indirect_dma source(%dma_start3A_374 : memref<64x128xf32, #tpu.memory_space<vmem>>) target(%dma_start3A_380 : memref<10112x128xf32, #tpu.memory_space<vmem_shared>>) offsets(%dma_start3A_377 : memref<64xi32, #tpu.memory_space<vmem>>) semaphore(%arg12 : memref<!tpu.dma_semaphore, #tpu.memory_space<semaphore_mem>>) {add = true}
        %dma_start3A_381 = arith.constant 1 : i32
        %dma_start3A_382 = arith.constant 1 : i32
        %dma_start3A_383 = arith.constant 1 : i32
        %dma_start3A_384 = arith.constant 0 : i32
        %dma_start3A_385 = arith.constant 0 : i32
        %dma_start3A_386 = tpu.memref_slice %arg6[%dma_start3A_381, %dma_start3A_382, %dma_start3A_384, %dma_start3A_385] : memref<2x2x64x128xf32, #tpu.memory_space<vmem>> -> memref<1x1x64x128xf32, #tpu.memory_space<vmem>>
        %dma_start3A_387 = tpu.memref_squeeze %dma_start3A_386 : memref<1x1x64x128xf32, #tpu.memory_space<vmem>> -> memref<64x128xf32, #tpu.memory_space<vmem>>
        %dma_start3A_388 = arith.constant 0 : i32
        %dma_start3A_389 = tpu.memref_slice %arg5[%rem3A_335, %dma_start3A_383, %dma_start3A_388] : memref<32x2x64xi32, #tpu.memory_space<vmem>> -> memref<1x1x64xi32, #tpu.memory_space<vmem>>
        %dma_start3A_390 = tpu.memref_squeeze %dma_start3A_389 : memref<1x1x64xi32, #tpu.memory_space<vmem>> -> memref<64xi32, #tpu.memory_space<vmem>>
        %dma_start3A_391 = arith.constant 0 : i32
        %dma_start3A_392 = arith.constant 0 : i32
        %dma_start3A_393 = tpu.memref_slice %arg7[%dma_start3A_391, %dma_start3A_392] : memref<10112x128xf32, #tpu.memory_space<vmem_shared>> -> memref<10112x128xf32, #tpu.memory_space<vmem_shared>>
        tpu.enqueue_indirect_dma source(%dma_start3A_387 : memref<64x128xf32, #tpu.memory_space<vmem>>) target(%dma_start3A_393 : memref<10112x128xf32, #tpu.memory_space<vmem_shared>>) offsets(%dma_start3A_390 : memref<64xi32, #tpu.memory_space<vmem>>) semaphore(%arg12 : memref<!tpu.dma_semaphore, #tpu.memory_space<semaphore_mem>>) {add = true}
        %dma_wait3A_394 = arith.constant 0 : i32
        %dma_wait3A_395 = arith.constant 1 : i32
        %dma_wait3A_396 = arith.constant 0 : i32
        %dma_wait3A_397 = arith.constant 0 : i32
        %dma_wait3A_398 = arith.constant 0 : i32
        %dma_wait3A_399 = tpu.memref_slice %arg6[%dma_wait3A_394, %dma_wait3A_395, %dma_wait3A_397, %dma_wait3A_398] : memref<2x2x64x128xf32, #tpu.memory_space<vmem>> -> memref<1x1x64x128xf32, #tpu.memory_space<vmem>>
        %dma_wait3A_400 = tpu.memref_squeeze %dma_wait3A_399 : memref<1x1x64x128xf32, #tpu.memory_space<vmem>> -> memref<64x128xf32, #tpu.memory_space<vmem>>
        %dma_wait3A_401 = arith.constant 0 : i32
        %dma_wait3A_402 = tpu.memref_slice %arg5[%rem3A_335, %dma_wait3A_396, %dma_wait3A_401] : memref<32x2x64xi32, #tpu.memory_space<vmem>> -> memref<1x1x64xi32, #tpu.memory_space<vmem>>
        %dma_wait3A_403 = tpu.memref_squeeze %dma_wait3A_402 : memref<1x1x64xi32, #tpu.memory_space<vmem>> -> memref<64xi32, #tpu.memory_space<vmem>>
        %dma_wait3A_404 = arith.constant 0 : i32
        %dma_wait3A_405 = arith.constant 0 : i32
        %dma_wait3A_406 = tpu.memref_slice %arg7[%dma_wait3A_404, %dma_wait3A_405] : memref<10112x128xf32, #tpu.memory_space<vmem_shared>> -> memref<10112x128xf32, #tpu.memory_space<vmem_shared>>
        tpu.wait_indirect_dma semaphore(%arg12 : memref<!tpu.dma_semaphore, #tpu.memory_space<semaphore_mem>>) src(%dma_wait3A_400 : memref<64x128xf32, #tpu.memory_space<vmem>>) dst(%dma_wait3A_406 : memref<10112x128xf32, #tpu.memory_space<vmem_shared>>)
        %dma_wait3A_407 = arith.constant 1 : i32
        %dma_wait3A_408 = arith.constant 1 : i32
        %dma_wait3A_409 = arith.constant 1 : i32
        %dma_wait3A_410 = arith.constant 0 : i32
        %dma_wait3A_411 = arith.constant 0 : i32
        %dma_wait3A_412 = tpu.memref_slice %arg6[%dma_wait3A_407, %dma_wait3A_408, %dma_wait3A_410, %dma_wait3A_411] : memref<2x2x64x128xf32, #tpu.memory_space<vmem>> -> memref<1x1x64x128xf32, #tpu.memory_space<vmem>>
        %dma_wait3A_413 = tpu.memref_squeeze %dma_wait3A_412 : memref<1x1x64x128xf32, #tpu.memory_space<vmem>> -> memref<64x128xf32, #tpu.memory_space<vmem>>
        %dma_wait3A_414 = arith.constant 0 : i32
        %dma_wait3A_415 = tpu.memref_slice %arg5[%rem3A_335, %dma_wait3A_409, %dma_wait3A_414] : memref<32x2x64xi32, #tpu.memory_space<vmem>> -> memref<1x1x64xi32, #tpu.memory_space<vmem>>
        %dma_wait3A_416 = tpu.memref_squeeze %dma_wait3A_415 : memref<1x1x64xi32, #tpu.memory_space<vmem>> -> memref<64xi32, #tpu.memory_space<vmem>>
        %dma_wait3A_417 = arith.constant 0 : i32
        %dma_wait3A_418 = arith.constant 0 : i32
        %dma_wait3A_419 = tpu.memref_slice %arg7[%dma_wait3A_417, %dma_wait3A_418] : memref<10112x128xf32, #tpu.memory_space<vmem_shared>> -> memref<10112x128xf32, #tpu.memory_space<vmem_shared>>
        tpu.wait_indirect_dma semaphore(%arg12 : memref<!tpu.dma_semaphore, #tpu.memory_space<semaphore_mem>>) src(%dma_wait3A_413 : memref<64x128xf32, #tpu.memory_space<vmem>>) dst(%dma_wait3A_419 : memref<10112x128xf32, #tpu.memory_space<vmem_shared>>)
        %add3A_420 = arith.constant 2 : i32
        %add3A_421 = arith.addi %add3A_333, %add3A_420 : i32
        %sub3A_422 = arith.constant 1 : i32
        %sub3A_423 = arith.subi %select_n3A_10, %sub3A_422 : i32
        %min3A_424 = arith.minsi %add3A_421, %sub3A_423 : i32
        %rem3A_425 = arith.constant 32 : i32
        %rem3A_426 = arith.remsi %min3A_424, %rem3A_425 : i32
        %dma_start3A_427 = arith.constant 1 : i32
        %dma_start3A_428 = arith.constant 0 : i32
        %dma_start3A_429 = arith.constant 1 : i32
        %dma_start3A_430 = arith.constant 0 : i32
        %dma_start3A_431 = arith.constant 0 : i32
        %dma_start3A_432 = tpu.memref_slice %arg6[%dma_start3A_428, %dma_start3A_429, %dma_start3A_430, %dma_start3A_431] : memref<2x2x64x128xf32, #tpu.memory_space<vmem>> -> memref<1x1x64x128xf32, #tpu.memory_space<vmem>>
        %dma_start3A_433 = tpu.memref_squeeze %dma_start3A_432 : memref<1x1x64x128xf32, #tpu.memory_space<vmem>> -> memref<64x128xf32, #tpu.memory_space<vmem>>
        %dma_start3A_434 = arith.constant 0 : i32
        %dma_start3A_435 = tpu.memref_slice %arg5[%rem3A_426, %dma_start3A_427, %dma_start3A_434] : memref<32x2x64xi32, #tpu.memory_space<vmem>> -> memref<1x1x64xi32, #tpu.memory_space<vmem>>
        %dma_start3A_436 = tpu.memref_squeeze %dma_start3A_435 : memref<1x1x64xi32, #tpu.memory_space<vmem>> -> memref<64xi32, #tpu.memory_space<vmem>>
        %dma_start3A_437 = arith.constant 0 : i32
        %dma_start3A_438 = arith.constant 0 : i32
        %dma_start3A_439 = tpu.memref_slice %arg2[%dma_start3A_437, %dma_start3A_438] : memref<10112x128xf32, #tpu.memory_space<hbm>> -> memref<10112x128xf32, #tpu.memory_space<hbm>>
        tpu.enqueue_indirect_dma source(%dma_start3A_439 : memref<10112x128xf32, #tpu.memory_space<hbm>>) target(%dma_start3A_433 : memref<64x128xf32, #tpu.memory_space<vmem>>) offsets(%dma_start3A_436 : memref<64xi32, #tpu.memory_space<vmem>>) semaphore(%arg9 : memref<!tpu.dma_semaphore, #tpu.memory_space<semaphore_mem>>)
        %dma_start3A_440 = arith.constant 0 : i32
        %dma_start3A_441 = arith.constant 1 : i32
        %dma_start3A_442 = arith.constant 1 : i32
        %dma_start3A_443 = arith.constant 0 : i32
        %dma_start3A_444 = arith.constant 0 : i32
        %dma_start3A_445 = tpu.memref_slice %arg6[%dma_start3A_441, %dma_start3A_442, %dma_start3A_443, %dma_start3A_444] : memref<2x2x64x128xf32, #tpu.memory_space<vmem>> -> memref<1x1x64x128xf32, #tpu.memory_space<vmem>>
        %dma_start3A_446 = tpu.memref_squeeze %dma_start3A_445 : memref<1x1x64x128xf32, #tpu.memory_space<vmem>> -> memref<64x128xf32, #tpu.memory_space<vmem>>
        %dma_start3A_447 = arith.constant 0 : i32
        %dma_start3A_448 = tpu.memref_slice %arg5[%rem3A_426, %dma_start3A_440, %dma_start3A_447] : memref<32x2x64xi32, #tpu.memory_space<vmem>> -> memref<1x1x64xi32, #tpu.memory_space<vmem>>
        %dma_start3A_449 = tpu.memref_squeeze %dma_start3A_448 : memref<1x1x64xi32, #tpu.memory_space<vmem>> -> memref<64xi32, #tpu.memory_space<vmem>>
        %dma_start3A_450 = arith.constant 0 : i32
        %dma_start3A_451 = arith.constant 0 : i32
        %dma_start3A_452 = tpu.memref_slice %arg2[%dma_start3A_450, %dma_start3A_451] : memref<10112x128xf32, #tpu.memory_space<hbm>> -> memref<10112x128xf32, #tpu.memory_space<hbm>>
        tpu.enqueue_indirect_dma source(%dma_start3A_452 : memref<10112x128xf32, #tpu.memory_space<hbm>>) target(%dma_start3A_446 : memref<64x128xf32, #tpu.memory_space<vmem>>) offsets(%dma_start3A_449 : memref<64xi32, #tpu.memory_space<vmem>>) semaphore(%arg11 : memref<!tpu.dma_semaphore, #tpu.memory_space<semaphore_mem>>)
        %scan3A_453 = arith.constant 0 : i32
        scf.yield %scan3A_453 : i32
      }
      %scan3A_197 = arith.constant 8 : i32
      %while3A_198 = arith.constant 0 : i32
      scf.yield %while3A_198 : i32
    }
    %dma_wait3A = arith.constant 0 : i32
    %dma_wait3A_114 = arith.constant 0 : i32
    %dma_wait3A_115 = arith.constant 0 : i32
    %dma_wait3A_116 = arith.constant 0 : i32
    %dma_wait3A_117 = tpu.memref_slice %arg6[%dma_wait3A, %dma_wait3A_114, %dma_wait3A_115, %dma_wait3A_116] : memref<2x2x64x128xf32, #tpu.memory_space<vmem>> -> memref<1x1x64x128xf32, #tpu.memory_space<vmem>>
    %dma_wait3A_118 = tpu.memref_squeeze %dma_wait3A_117 : memref<1x1x64x128xf32, #tpu.memory_space<vmem>> -> memref<64x128xf32, #tpu.memory_space<vmem>>
    %dma_wait3A_119 = arith.constant 0 : i32
    %dma_wait3A_120 = arith.constant 0 : i32
    %dma_wait3A_121 = tpu.memref_slice %arg2[%dma_wait3A_119, %dma_wait3A_120] : memref<10112x128xf32, #tpu.memory_space<hbm>> -> memref<64x128xf32, #tpu.memory_space<hbm>>
    %dma_wait3A_122 = arith.constant 0 : i32
    %dma_wait3A_123 = arith.constant 0 : i32
    %dma_wait3A_124 = tpu.memref_slice %arg6[%dma_wait3A, %dma_wait3A_114, %dma_wait3A_122, %dma_wait3A_123] : memref<2x2x64x128xf32, #tpu.memory_space<vmem>> -> memref<1x1x64x128xf32, #tpu.memory_space<vmem>>
    %dma_wait3A_125 = tpu.memref_squeeze %dma_wait3A_124 : memref<1x1x64x128xf32, #tpu.memory_space<vmem>> -> memref<64x128xf32, #tpu.memory_space<vmem>>
    %dma_wait3A_126 = arith.constant 0 : i32
    %dma_wait3A_127 = arith.constant 0 : i32
    %dma_wait3A_128 = tpu.memref_slice %arg2[%dma_wait3A_126, %dma_wait3A_127] : memref<10112x128xf32, #tpu.memory_space<hbm>> -> memref<64x128xf32, #tpu.memory_space<hbm>>
    tpu.wait_dma2 semaphore(%arg8 : memref<!tpu.dma_semaphore, #tpu.memory_space<semaphore_mem>>) src(%dma_wait3A_128 : memref<64x128xf32, #tpu.memory_space<hbm>>) dst(%dma_wait3A_125 : memref<64x128xf32, #tpu.memory_space<vmem>>)
    %dma_wait3A_129 = arith.constant 1 : i32
    %dma_wait3A_130 = arith.constant 0 : i32
    %dma_wait3A_131 = arith.constant 0 : i32
    %dma_wait3A_132 = arith.constant 0 : i32
    %dma_wait3A_133 = tpu.memref_slice %arg6[%dma_wait3A_129, %dma_wait3A_130, %dma_wait3A_131, %dma_wait3A_132] : memref<2x2x64x128xf32, #tpu.memory_space<vmem>> -> memref<1x1x64x128xf32, #tpu.memory_space<vmem>>
    %dma_wait3A_134 = tpu.memref_squeeze %dma_wait3A_133 : memref<1x1x64x128xf32, #tpu.memory_space<vmem>> -> memref<64x128xf32, #tpu.memory_space<vmem>>
    %dma_wait3A_135 = arith.constant 0 : i32
    %dma_wait3A_136 = arith.constant 0 : i32
    %dma_wait3A_137 = tpu.memref_slice %arg2[%dma_wait3A_135, %dma_wait3A_136] : memref<10112x128xf32, #tpu.memory_space<hbm>> -> memref<64x128xf32, #tpu.memory_space<hbm>>
    %dma_wait3A_138 = arith.constant 0 : i32
    %dma_wait3A_139 = arith.constant 0 : i32
    %dma_wait3A_140 = tpu.memref_slice %arg6[%dma_wait3A_129, %dma_wait3A_130, %dma_wait3A_138, %dma_wait3A_139] : memref<2x2x64x128xf32, #tpu.memory_space<vmem>> -> memref<1x1x64x128xf32, #tpu.memory_space<vmem>>
    %dma_wait3A_141 = tpu.memref_squeeze %dma_wait3A_140 : memref<1x1x64x128xf32, #tpu.memory_space<vmem>> -> memref<64x128xf32, #tpu.memory_space<vmem>>
    %dma_wait3A_142 = arith.constant 0 : i32
    %dma_wait3A_143 = arith.constant 0 : i32
    %dma_wait3A_144 = tpu.memref_slice %arg2[%dma_wait3A_142, %dma_wait3A_143] : memref<10112x128xf32, #tpu.memory_space<hbm>> -> memref<64x128xf32, #tpu.memory_space<hbm>>
    tpu.wait_dma2 semaphore(%arg10 : memref<!tpu.dma_semaphore, #tpu.memory_space<semaphore_mem>>) src(%dma_wait3A_144 : memref<64x128xf32, #tpu.memory_space<hbm>>) dst(%dma_wait3A_141 : memref<64x128xf32, #tpu.memory_space<vmem>>)
    %dma_wait3A_145 = arith.constant 0 : i32
    %dma_wait3A_146 = arith.constant 1 : i32
    %dma_wait3A_147 = arith.constant 0 : i32
    %dma_wait3A_148 = arith.constant 0 : i32
    %dma_wait3A_149 = tpu.memref_slice %arg6[%dma_wait3A_145, %dma_wait3A_146, %dma_wait3A_147, %dma_wait3A_148] : memref<2x2x64x128xf32, #tpu.memory_space<vmem>> -> memref<1x1x64x128xf32, #tpu.memory_space<vmem>>
    %dma_wait3A_150 = tpu.memref_squeeze %dma_wait3A_149 : memref<1x1x64x128xf32, #tpu.memory_space<vmem>> -> memref<64x128xf32, #tpu.memory_space<vmem>>
    %dma_wait3A_151 = arith.constant 0 : i32
    %dma_wait3A_152 = arith.constant 0 : i32
    %dma_wait3A_153 = tpu.memref_slice %arg2[%dma_wait3A_151, %dma_wait3A_152] : memref<10112x128xf32, #tpu.memory_space<hbm>> -> memref<64x128xf32, #tpu.memory_space<hbm>>
    %dma_wait3A_154 = arith.constant 0 : i32
    %dma_wait3A_155 = arith.constant 0 : i32
    %dma_wait3A_156 = tpu.memref_slice %arg6[%dma_wait3A_145, %dma_wait3A_146, %dma_wait3A_154, %dma_wait3A_155] : memref<2x2x64x128xf32, #tpu.memory_space<vmem>> -> memref<1x1x64x128xf32, #tpu.memory_space<vmem>>
    %dma_wait3A_157 = tpu.memref_squeeze %dma_wait3A_156 : memref<1x1x64x128xf32, #tpu.memory_space<vmem>> -> memref<64x128xf32, #tpu.memory_space<vmem>>
    %dma_wait3A_158 = arith.constant 0 : i32
    %dma_wait3A_159 = arith.constant 0 : i32
    %dma_wait3A_160 = tpu.memref_slice %arg2[%dma_wait3A_158, %dma_wait3A_159] : memref<10112x128xf32, #tpu.memory_space<hbm>> -> memref<64x128xf32, #tpu.memory_space<hbm>>
    tpu.wait_dma2 semaphore(%arg9 : memref<!tpu.dma_semaphore, #tpu.memory_space<semaphore_mem>>) src(%dma_wait3A_160 : memref<64x128xf32, #tpu.memory_space<hbm>>) dst(%dma_wait3A_157 : memref<64x128xf32, #tpu.memory_space<vmem>>)
    %dma_wait3A_161 = arith.constant 1 : i32
    %dma_wait3A_162 = arith.constant 1 : i32
    %dma_wait3A_163 = arith.constant 0 : i32
    %dma_wait3A_164 = arith.constant 0 : i32
    %dma_wait3A_165 = tpu.memref_slice %arg6[%dma_wait3A_161, %dma_wait3A_162, %dma_wait3A_163, %dma_wait3A_164] : memref<2x2x64x128xf32, #tpu.memory_space<vmem>> -> memref<1x1x64x128xf32, #tpu.memory_space<vmem>>
    %dma_wait3A_166 = tpu.memref_squeeze %dma_wait3A_165 : memref<1x1x64x128xf32, #tpu.memory_space<vmem>> -> memref<64x128xf32, #tpu.memory_space<vmem>>
    %dma_wait3A_167 = arith.constant 0 : i32
    %dma_wait3A_168 = arith.constant 0 : i32
    %dma_wait3A_169 = tpu.memref_slice %arg2[%dma_wait3A_167, %dma_wait3A_168] : memref<10112x128xf32, #tpu.memory_space<hbm>> -> memref<64x128xf32, #tpu.memory_space<hbm>>
    %dma_wait3A_170 = arith.constant 0 : i32
    %dma_wait3A_171 = arith.constant 0 : i32
    %dma_wait3A_172 = tpu.memref_slice %arg6[%dma_wait3A_161, %dma_wait3A_162, %dma_wait3A_170, %dma_wait3A_171] : memref<2x2x64x128xf32, #tpu.memory_space<vmem>> -> memref<1x1x64x128xf32, #tpu.memory_space<vmem>>
    %dma_wait3A_173 = tpu.memref_squeeze %dma_wait3A_172 : memref<1x1x64x128xf32, #tpu.memory_space<vmem>> -> memref<64x128xf32, #tpu.memory_space<vmem>>
    %dma_wait3A_174 = arith.constant 0 : i32
    %dma_wait3A_175 = arith.constant 0 : i32
    %dma_wait3A_176 = tpu.memref_slice %arg2[%dma_wait3A_174, %dma_wait3A_175] : memref<10112x128xf32, #tpu.memory_space<hbm>> -> memref<64x128xf32, #tpu.memory_space<hbm>>
    tpu.wait_dma2 semaphore(%arg11 : memref<!tpu.dma_semaphore, #tpu.memory_space<semaphore_mem>>) src(%dma_wait3A_176 : memref<64x128xf32, #tpu.memory_space<hbm>>) dst(%dma_wait3A_173 : memref<64x128xf32, #tpu.memory_space<vmem>>)
    %barrier3A_177 = arith.constant 0 : index
    tpu.barrier barrier_id(%barrier3A_177)
    "tpu.region"() ({
      %run_scoped3A_178 = tpu.sem_alloc : memref<!tpu.dma_semaphore, #tpu.memory_space<semaphore_mem>>
      %dma_start3A_179 = arith.constant 0 : i32
      %dma_start3A_180 = tpu.memref_slice %arg4[%arg0, %mul3A_0, %dma_start3A_179] : memref<2x10112x128xf32, #tpu.memory_space<hbm>> -> memref<1x632x128xf32, #tpu.memory_space<hbm>>
      %dma_start3A_181 = tpu.memref_squeeze %dma_start3A_180 : memref<1x632x128xf32, #tpu.memory_space<hbm>> -> memref<632x128xf32, #tpu.memory_space<hbm>>
      %dma_start3A_182 = arith.constant 0 : i32
      %dma_start3A_183 = tpu.memref_slice %arg7[%mul3A_0, %dma_start3A_182] : memref<10112x128xf32, #tpu.memory_space<vmem_shared>> -> memref<632x128xf32, #tpu.memory_space<vmem_shared>>
      tpu.enqueue_dma source(%dma_start3A_183 : memref<632x128xf32, #tpu.memory_space<vmem_shared>>) target(%dma_start3A_181 : memref<632x128xf32, #tpu.memory_space<hbm>>) target_semaphore(%run_scoped3A_178 : memref<!tpu.dma_semaphore, #tpu.memory_space<semaphore_mem>>)
      %dma_wait3A_184 = arith.constant 0 : i32
      %dma_wait3A_185 = tpu.memref_slice %arg4[%arg0, %mul3A_0, %dma_wait3A_184] : memref<2x10112x128xf32, #tpu.memory_space<hbm>> -> memref<1x632x128xf32, #tpu.memory_space<hbm>>
      %dma_wait3A_186 = tpu.memref_squeeze %dma_wait3A_185 : memref<1x632x128xf32, #tpu.memory_space<hbm>> -> memref<632x128xf32, #tpu.memory_space<hbm>>
      %dma_wait3A_187 = arith.constant 0 : i32
      %dma_wait3A_188 = tpu.memref_slice %arg7[%mul3A_0, %dma_wait3A_187] : memref<10112x128xf32, #tpu.memory_space<vmem_shared>> -> memref<632x128xf32, #tpu.memory_space<vmem_shared>>
      tpu.wait_dma2 semaphore(%run_scoped3A_178 : memref<!tpu.dma_semaphore, #tpu.memory_space<semaphore_mem>>) src(%dma_wait3A_188 : memref<632x128xf32, #tpu.memory_space<vmem_shared>>) dst(%dma_wait3A_186 : memref<632x128xf32, #tpu.memory_space<hbm>>)
      tpu.yield
    }) : () -> ()
    return
  }
}

#map = affine_map<(d0, d1) -> (0, 0)>
#map1 = affine_map<(d0, d1) -> (0, 0, 0)>
module attributes {stable_mosaic.version = 14 : i64} {
  func.func @_lambda_(%arg0: i32, %arg1: i32, %arg2: memref<327680x128xf32, #tpu.memory_space<hbm>>, %arg3: memref<5120x2x64xi32, #tpu.memory_space<hbm>>, %arg4: memref<2x10112x128xf32, #tpu.memory_space<hbm>>, %arg5: memref<32x2x64xi32, #tpu.memory_space<vmem>>, %arg6: memref<2x2x64x128xf32, #tpu.memory_space<vmem>>, %arg7: memref<10112x128xf32, #tpu.memory_space<vmem_shared>>, %arg8: memref<!tpu.dma_semaphore, #tpu.memory_space<semaphore_mem>>, %arg9: memref<!tpu.dma_semaphore, #tpu.memory_space<semaphore_mem>>, %arg10: memref<!tpu.dma_semaphore, #tpu.memory_space<semaphore_mem>>, %arg11: memref<!tpu.dma_semaphore, #tpu.memory_space<semaphore_mem>>, %arg12: memref<!tpu.dma_semaphore, #tpu.memory_space<semaphore_mem>>) attributes {dimension_semantics = [#tpu.dimension_semantics<core_parallel>, #tpu.dimension_semantics<subcore_parallel>], iteration_bounds = array<i64: 2, 16>, scalar_prefetch = 0 : i64, scratch_operands = 8 : i64, tpu.core_type = #tpu.core_type<sc_vector_subcore>, window_params = [{transform_indices = #map}, {transform_indices = #map1}, {transform_indices = #map1}]} {
    %mul3A = arith.constant 632 : i32
    %mul3A_0 = arith.muli %arg1, %mul3A : i32
    %eq3A = arith.constant 0 : i32
    %eq3A_1 = arith.cmpi eq, %arg0, %eq3A : i32
    %mul3A_2 = arith.constant 160 : i32
    %mul3A_3 = arith.muli %arg1, %mul3A_2 : i32
    %mul3A_4 = arith.constant 160 : i32
    %mul3A_5 = arith.muli %arg1, %mul3A_4 : i32
    %add3A = arith.constant 2560 : i32
    %add3A_6 = arith.addi %add3A, %mul3A_5 : i32
    %select_n3A = arith.select %eq3A_1, %mul3A_3, %add3A_6 : i32
    %eq3A_7 = arith.constant 0 : i32
    %eq3A_8 = arith.cmpi eq, %arg0, %eq3A_7 : i32
    %jit3A = arith.constant 160 : i32
    %jit3A_9 = arith.constant 160 : i32
    %select_n3A_10 = arith.select %eq3A_8, %jit3A, %jit3A_9 : i32
    %jit3A_11 = arith.constant 16 : i32
    %div3A = arith.divsi %select_n3A_10, %jit3A_11 : i32
    %sign3A = arith.constant 0 : i32
    %sign3A_12 = arith.cmpi sgt, %select_n3A_10, %sign3A : i32
    %sign3A_13 = arith.extui %sign3A_12 : i1 to i32
    %sign3A_14 = arith.constant 0 : i32
    %sign3A_15 = arith.cmpi slt, %select_n3A_10, %sign3A_14 : i32
    %sign3A_16 = arith.extui %sign3A_15 : i1 to i32
    %sign3A_17 = arith.subi %sign3A_13, %sign3A_16 : i32
    %sign3A_18 = arith.constant 0 : i32
    %sign3A_19 = arith.cmpi sgt, %jit3A_11, %sign3A_18 : i32
    %sign3A_20 = arith.extui %sign3A_19 : i1 to i32
    %sign3A_21 = arith.constant 0 : i32
    %sign3A_22 = arith.cmpi slt, %jit3A_11, %sign3A_21 : i32
    %sign3A_23 = arith.extui %sign3A_22 : i1 to i32
    %sign3A_24 = arith.subi %sign3A_20, %sign3A_23 : i32
    %ne3A = arith.cmpi ne, %sign3A_17, %sign3A_24 : i32
    %rem3A = arith.remsi %select_n3A_10, %jit3A_11 : i32
    %ne3A_25 = arith.constant 0 : i32
    %ne3A_26 = arith.cmpi ne, %rem3A, %ne3A_25 : i32
    %and3A = arith.andi %ne3A, %ne3A_26 : i1
    %sub3A = arith.constant 1 : i32
    %sub3A_27 = arith.subi %div3A, %sub3A : i32
    %select_n3A_28 = arith.select %and3A, %sub3A_27, %div3A : i32
    %broadcast_in_dim3A = arith.constant 0.000000e+00 : f32
    %broadcast_in_dim3A_29 = vector.broadcast %broadcast_in_dim3A : f32 to vector<16xf32>
    %scan3A = arith.constant 0 : i32
    %scan3A_30 = arith.constant 0 : i32
    %scan3A_31 = arith.constant 64 : i32
    %scan3A_32 = arith.addi %scan3A_30, %scan3A_31 : i32
    %scan3A_33 = arith.constant 1 : i32
    %scan3A_34 = scf.for %scan3A_130 = %scan3A_30 to %scan3A_32 step %scan3A_33 iter_args(%scan3A_131 = %scan3A) -> (i32)  : i32 {
      %swap3A = arith.constant 0 : i32
      %swap3A_132 = arith.constant 0 : i32
      %swap3A_133 = arith.index_cast %swap3A : i32 to index
      %swap3A_134 = arith.index_cast %swap3A_132 : i32 to index
      %swap3A_135 = arith.index_cast %scan3A_130 : i32 to index
      %swap3A_136 = arith.constant 0 : index
      %swap3A_137 = tpu.vector_load %arg6[%swap3A_133, %swap3A_134, %swap3A_135, %swap3A_136] {strides = array<i32>} : memref<2x2x64x128xf32, #tpu.memory_space<vmem>>, vector<1x1x1x16xf32>,
      %swap3A_138 = vector.shape_cast %swap3A_137 : vector<1x1x1x16xf32> to vector<16xf32>
      %swap3A_139 = vector.shape_cast %broadcast_in_dim3A_29 : vector<16xf32> to vector<1x1x1x16xf32>
      tpu.vector_store %arg6[%swap3A_133, %swap3A_134, %swap3A_135, %swap3A_136], %swap3A_139 {strides = array<i32>} : memref<2x2x64x128xf32, #tpu.memory_space<vmem>>, vector<1x1x1x16xf32>,
      %swap3A_140 = arith.constant 0 : i32
      %swap3A_141 = arith.constant 0 : i32
      %swap3A_142 = arith.index_cast %swap3A_140 : i32 to index
      %swap3A_143 = arith.index_cast %swap3A_141 : i32 to index
      %swap3A_144 = arith.index_cast %scan3A_130 : i32 to index
      %swap3A_145 = arith.constant 16 : index
      %swap3A_146 = tpu.vector_load %arg6[%swap3A_142, %swap3A_143, %swap3A_144, %swap3A_145] {strides = array<i32>} : memref<2x2x64x128xf32, #tpu.memory_space<vmem>>, vector<1x1x1x16xf32>,
      %swap3A_147 = vector.shape_cast %swap3A_146 : vector<1x1x1x16xf32> to vector<16xf32>
      %swap3A_148 = vector.shape_cast %broadcast_in_dim3A_29 : vector<16xf32> to vector<1x1x1x16xf32>
      tpu.vector_store %arg6[%swap3A_142, %swap3A_143, %swap3A_144, %swap3A_145], %swap3A_148 {strides = array<i32>} : memref<2x2x64x128xf32, #tpu.memory_space<vmem>>, vector<1x1x1x16xf32>,
      %swap3A_149 = arith.constant 0 : i32
      %swap3A_150 = arith.constant 0 : i32
      %swap3A_151 = arith.index_cast %swap3A_149 : i32 to index
      %swap3A_152 = arith.index_cast %swap3A_150 : i32 to index
      %swap3A_153 = arith.index_cast %scan3A_130 : i32 to index
      %swap3A_154 = arith.constant 32 : index
      %swap3A_155 = tpu.vector_load %arg6[%swap3A_151, %swap3A_152, %swap3A_153, %swap3A_154] {strides = array<i32>} : memref<2x2x64x128xf32, #tpu.memory_space<vmem>>, vector<1x1x1x16xf32>,
      %swap3A_156 = vector.shape_cast %swap3A_155 : vector<1x1x1x16xf32> to vector<16xf32>
      %swap3A_157 = vector.shape_cast %broadcast_in_dim3A_29 : vector<16xf32> to vector<1x1x1x16xf32>
      tpu.vector_store %arg6[%swap3A_151, %swap3A_152, %swap3A_153, %swap3A_154], %swap3A_157 {strides = array<i32>} : memref<2x2x64x128xf32, #tpu.memory_space<vmem>>, vector<1x1x1x16xf32>,
      %swap3A_158 = arith.constant 0 : i32
      %swap3A_159 = arith.constant 0 : i32
      %swap3A_160 = arith.index_cast %swap3A_158 : i32 to index
      %swap3A_161 = arith.index_cast %swap3A_159 : i32 to index
      %swap3A_162 = arith.index_cast %scan3A_130 : i32 to index
      %swap3A_163 = arith.constant 48 : index
      %swap3A_164 = tpu.vector_load %arg6[%swap3A_160, %swap3A_161, %swap3A_162, %swap3A_163] {strides = array<i32>} : memref<2x2x64x128xf32, #tpu.memory_space<vmem>>, vector<1x1x1x16xf32>,
      %swap3A_165 = vector.shape_cast %swap3A_164 : vector<1x1x1x16xf32> to vector<16xf32>
      %swap3A_166 = vector.shape_cast %broadcast_in_dim3A_29 : vector<16xf32> to vector<1x1x1x16xf32>
      tpu.vector_store %arg6[%swap3A_160, %swap3A_161, %swap3A_162, %swap3A_163], %swap3A_166 {strides = array<i32>} : memref<2x2x64x128xf32, #tpu.memory_space<vmem>>, vector<1x1x1x16xf32>,
      %swap3A_167 = arith.constant 0 : i32
      %swap3A_168 = arith.constant 0 : i32
      %swap3A_169 = arith.index_cast %swap3A_167 : i32 to index
      %swap3A_170 = arith.index_cast %swap3A_168 : i32 to index
      %swap3A_171 = arith.index_cast %scan3A_130 : i32 to index
      %swap3A_172 = arith.constant 64 : index
      %swap3A_173 = tpu.vector_load %arg6[%swap3A_169, %swap3A_170, %swap3A_171, %swap3A_172] {strides = array<i32>} : memref<2x2x64x128xf32, #tpu.memory_space<vmem>>, vector<1x1x1x16xf32>,
      %swap3A_174 = vector.shape_cast %swap3A_173 : vector<1x1x1x16xf32> to vector<16xf32>
      %swap3A_175 = vector.shape_cast %broadcast_in_dim3A_29 : vector<16xf32> to vector<1x1x1x16xf32>
      tpu.vector_store %arg6[%swap3A_169, %swap3A_170, %swap3A_171, %swap3A_172], %swap3A_175 {strides = array<i32>} : memref<2x2x64x128xf32, #tpu.memory_space<vmem>>, vector<1x1x1x16xf32>,
      %swap3A_176 = arith.constant 0 : i32
      %swap3A_177 = arith.constant 0 : i32
      %swap3A_178 = arith.index_cast %swap3A_176 : i32 to index
      %swap3A_179 = arith.index_cast %swap3A_177 : i32 to index
      %swap3A_180 = arith.index_cast %scan3A_130 : i32 to index
      %swap3A_181 = arith.constant 80 : index
      %swap3A_182 = tpu.vector_load %arg6[%swap3A_178, %swap3A_179, %swap3A_180, %swap3A_181] {strides = array<i32>} : memref<2x2x64x128xf32, #tpu.memory_space<vmem>>, vector<1x1x1x16xf32>,
      %swap3A_183 = vector.shape_cast %swap3A_182 : vector<1x1x1x16xf32> to vector<16xf32>
      %swap3A_184 = vector.shape_cast %broadcast_in_dim3A_29 : vector<16xf32> to vector<1x1x1x16xf32>
      tpu.vector_store %arg6[%swap3A_178, %swap3A_179, %swap3A_180, %swap3A_181], %swap3A_184 {strides = array<i32>} : memref<2x2x64x128xf32, #tpu.memory_space<vmem>>, vector<1x1x1x16xf32>,
      %swap3A_185 = arith.constant 0 : i32
      %swap3A_186 = arith.constant 0 : i32
      %swap3A_187 = arith.index_cast %swap3A_185 : i32 to index
      %swap3A_188 = arith.index_cast %swap3A_186 : i32 to index
      %swap3A_189 = arith.index_cast %scan3A_130 : i32 to index
      %swap3A_190 = arith.constant 96 : index
      %swap3A_191 = tpu.vector_load %arg6[%swap3A_187, %swap3A_188, %swap3A_189, %swap3A_190] {strides = array<i32>} : memref<2x2x64x128xf32, #tpu.memory_space<vmem>>, vector<1x1x1x16xf32>,
      %swap3A_192 = vector.shape_cast %swap3A_191 : vector<1x1x1x16xf32> to vector<16xf32>
      %swap3A_193 = vector.shape_cast %broadcast_in_dim3A_29 : vector<16xf32> to vector<1x1x1x16xf32>
      tpu.vector_store %arg6[%swap3A_187, %swap3A_188, %swap3A_189, %swap3A_190], %swap3A_193 {strides = array<i32>} : memref<2x2x64x128xf32, #tpu.memory_space<vmem>>, vector<1x1x1x16xf32>,
      %swap3A_194 = arith.constant 0 : i32
      %swap3A_195 = arith.constant 0 : i32
      %swap3A_196 = arith.index_cast %swap3A_194 : i32 to index
      %swap3A_197 = arith.index_cast %swap3A_195 : i32 to index
      %swap3A_198 = arith.index_cast %scan3A_130 : i32 to index
      %swap3A_199 = arith.constant 112 : index
      %swap3A_200 = tpu.vector_load %arg6[%swap3A_196, %swap3A_197, %swap3A_198, %swap3A_199] {strides = array<i32>} : memref<2x2x64x128xf32, #tpu.memory_space<vmem>>, vector<1x1x1x16xf32>,
      %swap3A_201 = vector.shape_cast %swap3A_200 : vector<1x1x1x16xf32> to vector<16xf32>
      %swap3A_202 = vector.shape_cast %broadcast_in_dim3A_29 : vector<16xf32> to vector<1x1x1x16xf32>
      tpu.vector_store %arg6[%swap3A_196, %swap3A_197, %swap3A_198, %swap3A_199], %swap3A_202 {strides = array<i32>} : memref<2x2x64x128xf32, #tpu.memory_space<vmem>>, vector<1x1x1x16xf32>,
      %scan3A_203 = arith.constant 0 : i32
      scf.yield %scan3A_203 : i32
    }
    %scan3A_35 = arith.constant 64 : i32
    %scan3A_36 = arith.constant 0 : i32
    %scan3A_37 = arith.constant 0 : i32
    %scan3A_38 = arith.constant 9 : i32
    %scan3A_39 = arith.addi %scan3A_37, %scan3A_38 : i32
    %scan3A_40 = arith.constant 1 : i32
    %scan3A_41 = scf.for %scan3A_130 = %scan3A_37 to %scan3A_39 step %scan3A_40 iter_args(%scan3A_131 = %scan3A_36) -> (i32)  : i32 {
      %mul3A_132 = arith.constant 64 : i32
      %mul3A_133 = arith.muli %scan3A_130, %mul3A_132 : i32
      %add3A_134 = arith.addi %mul3A_0, %mul3A_133 : i32
      %run_scoped3A_135 = arith.constant 0 : i32
      %run_scoped3A_136 = arith.constant 0 : i32
      "tpu.region"() ({
        %run_scoped3A_138 = tpu.sem_alloc : memref<!tpu.dma_semaphore, #tpu.memory_space<semaphore_mem>>
        %dma_start3A_139 = arith.constant 0 : i32
        %dma_start3A_140 = arith.constant 0 : i32
        %dma_start3A_141 = tpu.memref_slice %arg6[%run_scoped3A_135, %run_scoped3A_136, %dma_start3A_139, %dma_start3A_140] : memref<2x2x64x128xf32, #tpu.memory_space<vmem>> -> memref<1x1x64x128xf32, #tpu.memory_space<vmem>>
        %dma_start3A_142 = tpu.memref_squeeze %dma_start3A_141 : memref<1x1x64x128xf32, #tpu.memory_space<vmem>> -> memref<64x128xf32, #tpu.memory_space<vmem>>
        %dma_start3A_143 = arith.constant 0 : i32
        %dma_start3A_144 = tpu.memref_slice %arg7[%add3A_134, %dma_start3A_143] : memref<10112x128xf32, #tpu.memory_space<vmem_shared>> -> memref<64x128xf32, #tpu.memory_space<vmem_shared>>
        %dma_start3A_145 = arith.constant 0 : i32
        %dma_start3A_146 = tpu.memref_slice %arg7[%add3A_134, %dma_start3A_145] : memref<10112x128xf32, #tpu.memory_space<vmem_shared>> -> memref<64x128xf32, #tpu.memory_space<vmem_shared>>
        %dma_start3A_147 = arith.constant 0 : i32
        %dma_start3A_148 = arith.constant 0 : i32
        %dma_start3A_149 = tpu.memref_slice %arg6[%run_scoped3A_135, %run_scoped3A_136, %dma_start3A_147, %dma_start3A_148] : memref<2x2x64x128xf32, #tpu.memory_space<vmem>> -> memref<1x1x64x128xf32, #tpu.memory_space<vmem>>
        %dma_start3A_150 = tpu.memref_squeeze %dma_start3A_149 : memref<1x1x64x128xf32, #tpu.memory_space<vmem>> -> memref<64x128xf32, #tpu.memory_space<vmem>>
        tpu.enqueue_dma source(%dma_start3A_150 : memref<64x128xf32, #tpu.memory_space<vmem>>) target(%dma_start3A_146 : memref<64x128xf32, #tpu.memory_space<vmem_shared>>) target_semaphore(%run_scoped3A_138 : memref<!tpu.dma_semaphore, #tpu.memory_space<semaphore_mem>>)
        %dma_wait3A_151 = arith.constant 0 : i32
        %dma_wait3A_152 = arith.constant 0 : i32
        %dma_wait3A_153 = tpu.memref_slice %arg6[%run_scoped3A_135, %run_scoped3A_136, %dma_wait3A_151, %dma_wait3A_152] : memref<2x2x64x128xf32, #tpu.memory_space<vmem>> -> memref<1x1x64x128xf32, #tpu.memory_space<vmem>>
        %dma_wait3A_154 = tpu.memref_squeeze %dma_wait3A_153 : memref<1x1x64x128xf32, #tpu.memory_space<vmem>> -> memref<64x128xf32, #tpu.memory_space<vmem>>
        %dma_wait3A_155 = arith.constant 0 : i32
        %dma_wait3A_156 = tpu.memref_slice %arg7[%add3A_134, %dma_wait3A_155] : memref<10112x128xf32, #tpu.memory_space<vmem_shared>> -> memref<64x128xf32, #tpu.memory_space<vmem_shared>>
        %dma_wait3A_157 = arith.constant 0 : i32
        %dma_wait3A_158 = tpu.memref_slice %arg7[%add3A_134, %dma_wait3A_157] : memref<10112x128xf32, #tpu.memory_space<vmem_shared>> -> memref<64x128xf32, #tpu.memory_space<vmem_shared>>
        %dma_wait3A_159 = arith.constant 0 : i32
        %dma_wait3A_160 = arith.constant 0 : i32
        %dma_wait3A_161 = tpu.memref_slice %arg6[%run_scoped3A_135, %run_scoped3A_136, %dma_wait3A_159, %dma_wait3A_160] : memref<2x2x64x128xf32, #tpu.memory_space<vmem>> -> memref<1x1x64x128xf32, #tpu.memory_space<vmem>>
        %dma_wait3A_162 = tpu.memref_squeeze %dma_wait3A_161 : memref<1x1x64x128xf32, #tpu.memory_space<vmem>> -> memref<64x128xf32, #tpu.memory_space<vmem>>
        tpu.wait_dma2 semaphore(%run_scoped3A_138 : memref<!tpu.dma_semaphore, #tpu.memory_space<semaphore_mem>>) src(%dma_wait3A_162 : memref<64x128xf32, #tpu.memory_space<vmem>>) dst(%dma_wait3A_158 : memref<64x128xf32, #tpu.memory_space<vmem_shared>>)
        tpu.yield
      }) : () -> ()
      %scan3A_137 = arith.constant 0 : i32
      scf.yield %scan3A_137 : i32
    }
    %scan3A_42 = arith.constant 9 : i32
    %add3A_43 = arith.constant 576 : i32
    %add3A_44 = arith.addi %mul3A_0, %add3A_43 : i32
    %run_scoped3A = arith.constant 0 : i32
    %run_scoped3A_45 = arith.constant 0 : i32
    "tpu.region"() ({
      %run_scoped3A_130 = tpu.sem_alloc : memref<!tpu.dma_semaphore, #tpu.memory_space<semaphore_mem>>
      %dma_start3A_131 = arith.constant 0 : i32
      %dma_start3A_132 = arith.constant 0 : i32
      %dma_start3A_133 = tpu.memref_slice %arg6[%run_scoped3A, %run_scoped3A_45, %dma_start3A_131, %dma_start3A_132] : memref<2x2x64x128xf32, #tpu.memory_space<vmem>> -> memref<1x1x56x128xf32, #tpu.memory_space<vmem>>
      %dma_start3A_134 = tpu.memref_squeeze %dma_start3A_133 : memref<1x1x56x128xf32, #tpu.memory_space<vmem>> -> memref<56x128xf32, #tpu.memory_space<vmem>>
      %dma_start3A_135 = arith.constant 0 : i32
      %dma_start3A_136 = tpu.memref_slice %arg7[%add3A_44, %dma_start3A_135] : memref<10112x128xf32, #tpu.memory_space<vmem_shared>> -> memref<56x128xf32, #tpu.memory_space<vmem_shared>>
      %dma_start3A_137 = arith.constant 0 : i32
      %dma_start3A_138 = tpu.memref_slice %arg7[%add3A_44, %dma_start3A_137] : memref<10112x128xf32, #tpu.memory_space<vmem_shared>> -> memref<56x128xf32, #tpu.memory_space<vmem_shared>>
      %dma_start3A_139 = arith.constant 0 : i32
      %dma_start3A_140 = arith.constant 0 : i32
      %dma_start3A_141 = tpu.memref_slice %arg6[%run_scoped3A, %run_scoped3A_45, %dma_start3A_139, %dma_start3A_140] : memref<2x2x64x128xf32, #tpu.memory_space<vmem>> -> memref<1x1x56x128xf32, #tpu.memory_space<vmem>>
      %dma_start3A_142 = tpu.memref_squeeze %dma_start3A_141 : memref<1x1x56x128xf32, #tpu.memory_space<vmem>> -> memref<56x128xf32, #tpu.memory_space<vmem>>
      tpu.enqueue_dma source(%dma_start3A_142 : memref<56x128xf32, #tpu.memory_space<vmem>>) target(%dma_start3A_138 : memref<56x128xf32, #tpu.memory_space<vmem_shared>>) target_semaphore(%run_scoped3A_130 : memref<!tpu.dma_semaphore, #tpu.memory_space<semaphore_mem>>)
      %dma_wait3A_143 = arith.constant 0 : i32
      %dma_wait3A_144 = arith.constant 0 : i32
      %dma_wait3A_145 = tpu.memref_slice %arg6[%run_scoped3A, %run_scoped3A_45, %dma_wait3A_143, %dma_wait3A_144] : memref<2x2x64x128xf32, #tpu.memory_space<vmem>> -> memref<1x1x56x128xf32, #tpu.memory_space<vmem>>
      %dma_wait3A_146 = tpu.memref_squeeze %dma_wait3A_145 : memref<1x1x56x128xf32, #tpu.memory_space<vmem>> -> memref<56x128xf32, #tpu.memory_space<vmem>>
      %dma_wait3A_147 = arith.constant 0 : i32
      %dma_wait3A_148 = tpu.memref_slice %arg7[%add3A_44, %dma_wait3A_147] : memref<10112x128xf32, #tpu.memory_space<vmem_shared>> -> memref<56x128xf32, #tpu.memory_space<vmem_shared>>
      %dma_wait3A_149 = arith.constant 0 : i32
      %dma_wait3A_150 = tpu.memref_slice %arg7[%add3A_44, %dma_wait3A_149] : memref<10112x128xf32, #tpu.memory_space<vmem_shared>> -> memref<56x128xf32, #tpu.memory_space<vmem_shared>>
      %dma_wait3A_151 = arith.constant 0 : i32
      %dma_wait3A_152 = arith.constant 0 : i32
      %dma_wait3A_153 = tpu.memref_slice %arg6[%run_scoped3A, %run_scoped3A_45, %dma_wait3A_151, %dma_wait3A_152] : memref<2x2x64x128xf32, #tpu.memory_space<vmem>> -> memref<1x1x56x128xf32, #tpu.memory_space<vmem>>
      %dma_wait3A_154 = tpu.memref_squeeze %dma_wait3A_153 : memref<1x1x56x128xf32, #tpu.memory_space<vmem>> -> memref<56x128xf32, #tpu.memory_space<vmem>>
      tpu.wait_dma2 semaphore(%run_scoped3A_130 : memref<!tpu.dma_semaphore, #tpu.memory_space<semaphore_mem>>) src(%dma_wait3A_154 : memref<56x128xf32, #tpu.memory_space<vmem>>) dst(%dma_wait3A_150 : memref<56x128xf32, #tpu.memory_space<vmem_shared>>)
      tpu.yield
    }) : () -> ()
    %barrier3A = arith.constant 0 : index
    tpu.barrier barrier_id(%barrier3A)
    "tpu.region"() ({
      %run_scoped3A_130 = tpu.sem_alloc : memref<!tpu.dma_semaphore, #tpu.memory_space<semaphore_mem>>
      %dma_start3A_131 = arith.constant 0 : i32
      %dma_start3A_132 = arith.constant 0 : i32
      %dma_start3A_133 = arith.constant 0 : i32
      %dma_start3A_134 = tpu.memref_slice %arg5[%dma_start3A_131, %dma_start3A_132, %dma_start3A_133] : memref<32x2x64xi32, #tpu.memory_space<vmem>> -> memref<16x2x64xi32, #tpu.memory_space<vmem>>
      %dma_start3A_135 = arith.constant 0 : i32
      %dma_start3A_136 = arith.constant 0 : i32
      %dma_start3A_137 = tpu.memref_slice %arg3[%select_n3A, %dma_start3A_135, %dma_start3A_136] : memref<5120x2x64xi32, #tpu.memory_space<hbm>> -> memref<16x2x64xi32, #tpu.memory_space<hbm>>
      %dma_start3A_138 = arith.constant 0 : i32
      %dma_start3A_139 = arith.constant 0 : i32
      %dma_start3A_140 = arith.constant 0 : i32
      %dma_start3A_141 = tpu.memref_slice %arg5[%dma_start3A_138, %dma_start3A_139, %dma_start3A_140] : memref<32x2x64xi32, #tpu.memory_space<vmem>> -> memref<16x2x64xi32, #tpu.memory_space<vmem>>
      %dma_start3A_142 = arith.constant 0 : i32
      %dma_start3A_143 = arith.constant 0 : i32
      %dma_start3A_144 = tpu.memref_slice %arg3[%select_n3A, %dma_start3A_142, %dma_start3A_143] : memref<5120x2x64xi32, #tpu.memory_space<hbm>> -> memref<16x2x64xi32, #tpu.memory_space<hbm>>
      tpu.enqueue_dma source(%dma_start3A_144 : memref<16x2x64xi32, #tpu.memory_space<hbm>>) target(%dma_start3A_141 : memref<16x2x64xi32, #tpu.memory_space<vmem>>) target_semaphore(%run_scoped3A_130 : memref<!tpu.dma_semaphore, #tpu.memory_space<semaphore_mem>>)
      %dma_wait3A_145 = arith.constant 0 : i32
      %dma_wait3A_146 = arith.constant 0 : i32
      %dma_wait3A_147 = arith.constant 0 : i32
      %dma_wait3A_148 = tpu.memref_slice %arg5[%dma_wait3A_145, %dma_wait3A_146, %dma_wait3A_147] : memref<32x2x64xi32, #tpu.memory_space<vmem>> -> memref<16x2x64xi32, #tpu.memory_space<vmem>>
      %dma_wait3A_149 = arith.constant 0 : i32
      %dma_wait3A_150 = arith.constant 0 : i32
      %dma_wait3A_151 = tpu.memref_slice %arg3[%select_n3A, %dma_wait3A_149, %dma_wait3A_150] : memref<5120x2x64xi32, #tpu.memory_space<hbm>> -> memref<16x2x64xi32, #tpu.memory_space<hbm>>
      %dma_wait3A_152 = arith.constant 0 : i32
      %dma_wait3A_153 = arith.constant 0 : i32
      %dma_wait3A_154 = arith.constant 0 : i32
      %dma_wait3A_155 = tpu.memref_slice %arg5[%dma_wait3A_152, %dma_wait3A_153, %dma_wait3A_154] : memref<32x2x64xi32, #tpu.memory_space<vmem>> -> memref<16x2x64xi32, #tpu.memory_space<vmem>>
      %dma_wait3A_156 = arith.constant 0 : i32
      %dma_wait3A_157 = arith.constant 0 : i32
      %dma_wait3A_158 = tpu.memref_slice %arg3[%select_n3A, %dma_wait3A_156, %dma_wait3A_157] : memref<5120x2x64xi32, #tpu.memory_space<hbm>> -> memref<16x2x64xi32, #tpu.memory_space<hbm>>
      tpu.wait_dma2 semaphore(%run_scoped3A_130 : memref<!tpu.dma_semaphore, #tpu.memory_space<semaphore_mem>>) src(%dma_wait3A_158 : memref<16x2x64xi32, #tpu.memory_space<hbm>>) dst(%dma_wait3A_155 : memref<16x2x64xi32, #tpu.memory_space<vmem>>)
      tpu.yield
    }) : () -> ()
    %rem3A_46 = arith.constant 0 : i32
    %rem3A_47 = arith.constant 32 : i32
    %rem3A_48 = arith.remsi %rem3A_46, %rem3A_47 : i32
    %add3A_49 = arith.constant 0 : i32
    %add3A_50 = arith.addi %select_n3A, %add3A_49 : i32
    %mul3A_51 = arith.constant 64 : i32
    %mul3A_52 = arith.muli %add3A_50, %mul3A_51 : i32
    %dma_start3A = arith.constant 0 : i32
    %dma_start3A_53 = arith.constant 0 : i32
    %dma_start3A_54 = arith.constant 0 : i32
    %dma_start3A_55 = arith.constant 0 : i32
    %dma_start3A_56 = tpu.memref_slice %arg6[%dma_start3A, %dma_start3A_53, %dma_start3A_54, %dma_start3A_55] : memref<2x2x64x128xf32, #tpu.memory_space<vmem>> -> memref<1x1x64x128xf32, #tpu.memory_space<vmem>>
    %dma_start3A_57 = tpu.memref_squeeze %dma_start3A_56 : memref<1x1x64x128xf32, #tpu.memory_space<vmem>> -> memref<64x128xf32, #tpu.memory_space<vmem>>
    %dma_start3A_58 = arith.constant 0 : i32
    %dma_start3A_59 = tpu.memref_slice %arg2[%mul3A_52, %dma_start3A_58] : memref<327680x128xf32, #tpu.memory_space<hbm>> -> memref<64x128xf32, #tpu.memory_space<hbm>>
    %dma_start3A_60 = arith.constant 0 : i32
    %dma_start3A_61 = arith.constant 0 : i32
    %dma_start3A_62 = tpu.memref_slice %arg6[%dma_start3A, %dma_start3A_53, %dma_start3A_60, %dma_start3A_61] : memref<2x2x64x128xf32, #tpu.memory_space<vmem>> -> memref<1x1x64x128xf32, #tpu.memory_space<vmem>>
    %dma_start3A_63 = tpu.memref_squeeze %dma_start3A_62 : memref<1x1x64x128xf32, #tpu.memory_space<vmem>> -> memref<64x128xf32, #tpu.memory_space<vmem>>
    %dma_start3A_64 = arith.constant 0 : i32
    %dma_start3A_65 = tpu.memref_slice %arg2[%mul3A_52, %dma_start3A_64] : memref<327680x128xf32, #tpu.memory_space<hbm>> -> memref<64x128xf32, #tpu.memory_space<hbm>>
    tpu.enqueue_dma source(%dma_start3A_65 : memref<64x128xf32, #tpu.memory_space<hbm>>) target(%dma_start3A_63 : memref<64x128xf32, #tpu.memory_space<vmem>>) target_semaphore(%arg8 : memref<!tpu.dma_semaphore, #tpu.memory_space<semaphore_mem>>)
    %rem3A_66 = arith.constant 1 : i32
    %rem3A_67 = arith.constant 32 : i32
    %rem3A_68 = arith.remsi %rem3A_66, %rem3A_67 : i32
    %add3A_69 = arith.constant 1 : i32
    %add3A_70 = arith.addi %select_n3A, %add3A_69 : i32
    %mul3A_71 = arith.constant 64 : i32
    %mul3A_72 = arith.muli %add3A_70, %mul3A_71 : i32
    %dma_start3A_73 = arith.constant 0 : i32
    %dma_start3A_74 = arith.constant 1 : i32
    %dma_start3A_75 = arith.constant 0 : i32
    %dma_start3A_76 = arith.constant 0 : i32
    %dma_start3A_77 = tpu.memref_slice %arg6[%dma_start3A_73, %dma_start3A_74, %dma_start3A_75, %dma_start3A_76] : memref<2x2x64x128xf32, #tpu.memory_space<vmem>> -> memref<1x1x64x128xf32, #tpu.memory_space<vmem>>
    %dma_start3A_78 = tpu.memref_squeeze %dma_start3A_77 : memref<1x1x64x128xf32, #tpu.memory_space<vmem>> -> memref<64x128xf32, #tpu.memory_space<vmem>>
    %dma_start3A_79 = arith.constant 0 : i32
    %dma_start3A_80 = tpu.memref_slice %arg2[%mul3A_72, %dma_start3A_79] : memref<327680x128xf32, #tpu.memory_space<hbm>> -> memref<64x128xf32, #tpu.memory_space<hbm>>
    %dma_start3A_81 = arith.constant 0 : i32
    %dma_start3A_82 = arith.constant 0 : i32
    %dma_start3A_83 = tpu.memref_slice %arg6[%dma_start3A_73, %dma_start3A_74, %dma_start3A_81, %dma_start3A_82] : memref<2x2x64x128xf32, #tpu.memory_space<vmem>> -> memref<1x1x64x128xf32, #tpu.memory_space<vmem>>
    %dma_start3A_84 = tpu.memref_squeeze %dma_start3A_83 : memref<1x1x64x128xf32, #tpu.memory_space<vmem>> -> memref<64x128xf32, #tpu.memory_space<vmem>>
    %dma_start3A_85 = arith.constant 0 : i32
    %dma_start3A_86 = tpu.memref_slice %arg2[%mul3A_72, %dma_start3A_85] : memref<327680x128xf32, #tpu.memory_space<hbm>> -> memref<64x128xf32, #tpu.memory_space<hbm>>
    tpu.enqueue_dma source(%dma_start3A_86 : memref<64x128xf32, #tpu.memory_space<hbm>>) target(%dma_start3A_84 : memref<64x128xf32, #tpu.memory_space<vmem>>) target_semaphore(%arg9 : memref<!tpu.dma_semaphore, #tpu.memory_space<semaphore_mem>>)
    %while3A = arith.constant 0 : i32
    %while3A_87 = arith.constant 0 : i32
    %while3A_88 = arith.subi %select_n3A_28, %while3A : i32
    %while3A_89 = arith.addi %while3A, %while3A_88 : i32
    %while3A_90 = arith.constant 1 : i32
    %while3A_91 = arith.divsi %while3A_88, %while3A_90 : i32
    %while3A_92 = arith.muli %while3A_91, %while3A_90 : i32
    %while3A_93 = arith.addi %while3A, %while3A_92 : i32
    %while3A_94 = arith.constant 1 : i32
    %while3A_95 = scf.for %while3A_130 = %while3A to %while3A_93 step %while3A_94 iter_args(%while3A_131 = %while3A_87) -> (i32)  : i32 {
      %add3A_132 = arith.constant 1 : i32
      %add3A_133 = arith.addi %while3A_130, %add3A_132 : i32
      %sub3A_134 = arith.constant 1 : i32
      %sub3A_135 = arith.subi %select_n3A_28, %sub3A_134 : i32
      %min3A = arith.minsi %add3A_133, %sub3A_135 : i32
      %rem3A_136 = arith.constant 2 : i32
      %rem3A_137 = arith.remsi %min3A, %rem3A_136 : i32
      %mul3A_138 = arith.constant 16 : i32
      %mul3A_139 = arith.muli %rem3A_137, %mul3A_138 : i32
      %mul3A_140 = arith.constant 16 : i32
      %mul3A_141 = arith.muli %min3A, %mul3A_140 : i32
      %add3A_142 = arith.addi %select_n3A, %mul3A_141 : i32
      "tpu.region"() ({
        %run_scoped3A_151 = tpu.sem_alloc : memref<!tpu.dma_semaphore, #tpu.memory_space<semaphore_mem>>
        %dma_start3A_152 = arith.constant 0 : i32
        %dma_start3A_153 = arith.constant 0 : i32
        %dma_start3A_154 = tpu.memref_slice %arg5[%mul3A_139, %dma_start3A_152, %dma_start3A_153] : memref<32x2x64xi32, #tpu.memory_space<vmem>> -> memref<16x2x64xi32, #tpu.memory_space<vmem>>
        %dma_start3A_155 = arith.constant 0 : i32
        %dma_start3A_156 = arith.constant 0 : i32
        %dma_start3A_157 = tpu.memref_slice %arg3[%add3A_142, %dma_start3A_155, %dma_start3A_156] : memref<5120x2x64xi32, #tpu.memory_space<hbm>> -> memref<16x2x64xi32, #tpu.memory_space<hbm>>
        %dma_start3A_158 = arith.constant 0 : i32
        %dma_start3A_159 = arith.constant 0 : i32
        %dma_start3A_160 = tpu.memref_slice %arg5[%mul3A_139, %dma_start3A_158, %dma_start3A_159] : memref<32x2x64xi32, #tpu.memory_space<vmem>> -> memref<16x2x64xi32, #tpu.memory_space<vmem>>
        %dma_start3A_161 = arith.constant 0 : i32
        %dma_start3A_162 = arith.constant 0 : i32
        %dma_start3A_163 = tpu.memref_slice %arg3[%add3A_142, %dma_start3A_161, %dma_start3A_162] : memref<5120x2x64xi32, #tpu.memory_space<hbm>> -> memref<16x2x64xi32, #tpu.memory_space<hbm>>
        tpu.enqueue_dma source(%dma_start3A_163 : memref<16x2x64xi32, #tpu.memory_space<hbm>>) target(%dma_start3A_160 : memref<16x2x64xi32, #tpu.memory_space<vmem>>) target_semaphore(%run_scoped3A_151 : memref<!tpu.dma_semaphore, #tpu.memory_space<semaphore_mem>>)
        %dma_wait3A_164 = arith.constant 0 : i32
        %dma_wait3A_165 = arith.constant 0 : i32
        %dma_wait3A_166 = tpu.memref_slice %arg5[%mul3A_139, %dma_wait3A_164, %dma_wait3A_165] : memref<32x2x64xi32, #tpu.memory_space<vmem>> -> memref<16x2x64xi32, #tpu.memory_space<vmem>>
        %dma_wait3A_167 = arith.constant 0 : i32
        %dma_wait3A_168 = arith.constant 0 : i32
        %dma_wait3A_169 = tpu.memref_slice %arg3[%add3A_142, %dma_wait3A_167, %dma_wait3A_168] : memref<5120x2x64xi32, #tpu.memory_space<hbm>> -> memref<16x2x64xi32, #tpu.memory_space<hbm>>
        %dma_wait3A_170 = arith.constant 0 : i32
        %dma_wait3A_171 = arith.constant 0 : i32
        %dma_wait3A_172 = tpu.memref_slice %arg5[%mul3A_139, %dma_wait3A_170, %dma_wait3A_171] : memref<32x2x64xi32, #tpu.memory_space<vmem>> -> memref<16x2x64xi32, #tpu.memory_space<vmem>>
        %dma_wait3A_173 = arith.constant 0 : i32
        %dma_wait3A_174 = arith.constant 0 : i32
        %dma_wait3A_175 = tpu.memref_slice %arg3[%add3A_142, %dma_wait3A_173, %dma_wait3A_174] : memref<5120x2x64xi32, #tpu.memory_space<hbm>> -> memref<16x2x64xi32, #tpu.memory_space<hbm>>
        tpu.wait_dma2 semaphore(%run_scoped3A_151 : memref<!tpu.dma_semaphore, #tpu.memory_space<semaphore_mem>>) src(%dma_wait3A_175 : memref<16x2x64xi32, #tpu.memory_space<hbm>>) dst(%dma_wait3A_172 : memref<16x2x64xi32, #tpu.memory_space<vmem>>)
        tpu.yield
      }) : () -> ()
      %scan3A_143 = arith.constant 0 : i32
      %scan3A_144 = arith.constant 0 : i32
      %scan3A_145 = arith.constant 8 : i32
      %scan3A_146 = arith.addi %scan3A_144, %scan3A_145 : i32
      %scan3A_147 = arith.constant 1 : i32
      %scan3A_148 = scf.for %scan3A_151 = %scan3A_144 to %scan3A_146 step %scan3A_147 iter_args(%scan3A_152 = %scan3A_143) -> (i32)  : i32 {
        %mul3A_153 = arith.constant 16 : i32
        %mul3A_154 = arith.muli %while3A_130, %mul3A_153 : i32
        %mul3A_155 = arith.constant 2 : i32
        %mul3A_156 = arith.muli %mul3A_155, %scan3A_151 : i32
        %add3A_157 = arith.addi %mul3A_154, %mul3A_156 : i32
        %add3A_158 = arith.constant 0 : i32
        %add3A_159 = arith.addi %add3A_157, %add3A_158 : i32
        %rem3A_160 = arith.constant 32 : i32
        %rem3A_161 = arith.remsi %add3A_159, %rem3A_160 : i32
        %dma_wait3A_162 = arith.constant 0 : i32
        %dma_wait3A_163 = arith.constant 0 : i32
        %dma_wait3A_164 = arith.constant 0 : i32
        %dma_wait3A_165 = arith.constant 0 : i32
        %dma_wait3A_166 = tpu.memref_slice %arg6[%dma_wait3A_162, %dma_wait3A_163, %dma_wait3A_164, %dma_wait3A_165] : memref<2x2x64x128xf32, #tpu.memory_space<vmem>> -> memref<1x1x64x128xf32, #tpu.memory_space<vmem>>
        %dma_wait3A_167 = tpu.memref_squeeze %dma_wait3A_166 : memref<1x1x64x128xf32, #tpu.memory_space<vmem>> -> memref<64x128xf32, #tpu.memory_space<vmem>>
        %dma_wait3A_168 = arith.constant 0 : i32
        %dma_wait3A_169 = arith.constant 0 : i32
        %dma_wait3A_170 = tpu.memref_slice %arg2[%dma_wait3A_168, %dma_wait3A_169] : memref<327680x128xf32, #tpu.memory_space<hbm>> -> memref<64x128xf32, #tpu.memory_space<hbm>>
        %dma_wait3A_171 = arith.constant 0 : i32
        %dma_wait3A_172 = arith.constant 0 : i32
        %dma_wait3A_173 = tpu.memref_slice %arg6[%dma_wait3A_162, %dma_wait3A_163, %dma_wait3A_171, %dma_wait3A_172] : memref<2x2x64x128xf32, #tpu.memory_space<vmem>> -> memref<1x1x64x128xf32, #tpu.memory_space<vmem>>
        %dma_wait3A_174 = tpu.memref_squeeze %dma_wait3A_173 : memref<1x1x64x128xf32, #tpu.memory_space<vmem>> -> memref<64x128xf32, #tpu.memory_space<vmem>>
        %dma_wait3A_175 = arith.constant 0 : i32
        %dma_wait3A_176 = arith.constant 0 : i32
        %dma_wait3A_177 = tpu.memref_slice %arg2[%dma_wait3A_175, %dma_wait3A_176] : memref<327680x128xf32, #tpu.memory_space<hbm>> -> memref<64x128xf32, #tpu.memory_space<hbm>>
        tpu.wait_dma2 semaphore(%arg8 : memref<!tpu.dma_semaphore, #tpu.memory_space<semaphore_mem>>) src(%dma_wait3A_177 : memref<64x128xf32, #tpu.memory_space<hbm>>) dst(%dma_wait3A_174 : memref<64x128xf32, #tpu.memory_space<vmem>>)
        %dma_start3A_178 = arith.constant 0 : i32
        %dma_start3A_179 = arith.constant 0 : i32
        %dma_start3A_180 = arith.constant 0 : i32
        %dma_start3A_181 = arith.constant 0 : i32
        %dma_start3A_182 = arith.constant 0 : i32
        %dma_start3A_183 = tpu.memref_slice %arg6[%dma_start3A_178, %dma_start3A_179, %dma_start3A_181, %dma_start3A_182] : memref<2x2x64x128xf32, #tpu.memory_space<vmem>> -> memref<1x1x64x128xf32, #tpu.memory_space<vmem>>
        %dma_start3A_184 = tpu.memref_squeeze %dma_start3A_183 : memref<1x1x64x128xf32, #tpu.memory_space<vmem>> -> memref<64x128xf32, #tpu.memory_space<vmem>>
        %dma_start3A_185 = arith.constant 0 : i32
        %dma_start3A_186 = tpu.memref_slice %arg5[%rem3A_161, %dma_start3A_180, %dma_start3A_185] : memref<32x2x64xi32, #tpu.memory_space<vmem>> -> memref<1x1x64xi32, #tpu.memory_space<vmem>>
        %dma_start3A_187 = tpu.memref_squeeze %dma_start3A_186 : memref<1x1x64xi32, #tpu.memory_space<vmem>> -> memref<64xi32, #tpu.memory_space<vmem>>
        %dma_start3A_188 = arith.constant 0 : i32
        %dma_start3A_189 = arith.constant 0 : i32
        %dma_start3A_190 = tpu.memref_slice %arg7[%dma_start3A_188, %dma_start3A_189] : memref<10112x128xf32, #tpu.memory_space<vmem_shared>> -> memref<10112x128xf32, #tpu.memory_space<vmem_shared>>
        tpu.enqueue_indirect_dma source(%dma_start3A_184 : memref<64x128xf32, #tpu.memory_space<vmem>>) target(%dma_start3A_190 : memref<10112x128xf32, #tpu.memory_space<vmem_shared>>) offsets(%dma_start3A_187 : memref<64xi32, #tpu.memory_space<vmem>>) semaphore(%arg12 : memref<!tpu.dma_semaphore, #tpu.memory_space<semaphore_mem>>) {add = true}
        %dma_start3A_191 = arith.constant 0 : i32
        %dma_start3A_192 = arith.constant 0 : i32
        %dma_start3A_193 = arith.constant 1 : i32
        %dma_start3A_194 = arith.constant 0 : i32
        %dma_start3A_195 = arith.constant 0 : i32
        %dma_start3A_196 = tpu.memref_slice %arg6[%dma_start3A_191, %dma_start3A_192, %dma_start3A_194, %dma_start3A_195] : memref<2x2x64x128xf32, #tpu.memory_space<vmem>> -> memref<1x1x64x128xf32, #tpu.memory_space<vmem>>
        %dma_start3A_197 = tpu.memref_squeeze %dma_start3A_196 : memref<1x1x64x128xf32, #tpu.memory_space<vmem>> -> memref<64x128xf32, #tpu.memory_space<vmem>>
        %dma_start3A_198 = arith.constant 0 : i32
        %dma_start3A_199 = tpu.memref_slice %arg5[%rem3A_161, %dma_start3A_193, %dma_start3A_198] : memref<32x2x64xi32, #tpu.memory_space<vmem>> -> memref<1x1x64xi32, #tpu.memory_space<vmem>>
        %dma_start3A_200 = tpu.memref_squeeze %dma_start3A_199 : memref<1x1x64xi32, #tpu.memory_space<vmem>> -> memref<64xi32, #tpu.memory_space<vmem>>
        %dma_start3A_201 = arith.constant 0 : i32
        %dma_start3A_202 = arith.constant 0 : i32
        %dma_start3A_203 = tpu.memref_slice %arg7[%dma_start3A_201, %dma_start3A_202] : memref<10112x128xf32, #tpu.memory_space<vmem_shared>> -> memref<10112x128xf32, #tpu.memory_space<vmem_shared>>
        tpu.enqueue_indirect_dma source(%dma_start3A_197 : memref<64x128xf32, #tpu.memory_space<vmem>>) target(%dma_start3A_203 : memref<10112x128xf32, #tpu.memory_space<vmem_shared>>) offsets(%dma_start3A_200 : memref<64xi32, #tpu.memory_space<vmem>>) semaphore(%arg12 : memref<!tpu.dma_semaphore, #tpu.memory_space<semaphore_mem>>) {add = true}
        %dma_wait3A_204 = arith.constant 0 : i32
        %dma_wait3A_205 = arith.constant 0 : i32
        %dma_wait3A_206 = arith.constant 0 : i32
        %dma_wait3A_207 = arith.constant 0 : i32
        %dma_wait3A_208 = arith.constant 0 : i32
        %dma_wait3A_209 = tpu.memref_slice %arg6[%dma_wait3A_204, %dma_wait3A_205, %dma_wait3A_207, %dma_wait3A_208] : memref<2x2x64x128xf32, #tpu.memory_space<vmem>> -> memref<1x1x64x128xf32, #tpu.memory_space<vmem>>
        %dma_wait3A_210 = tpu.memref_squeeze %dma_wait3A_209 : memref<1x1x64x128xf32, #tpu.memory_space<vmem>> -> memref<64x128xf32, #tpu.memory_space<vmem>>
        %dma_wait3A_211 = arith.constant 0 : i32
        %dma_wait3A_212 = tpu.memref_slice %arg5[%rem3A_161, %dma_wait3A_206, %dma_wait3A_211] : memref<32x2x64xi32, #tpu.memory_space<vmem>> -> memref<1x1x64xi32, #tpu.memory_space<vmem>>
        %dma_wait3A_213 = tpu.memref_squeeze %dma_wait3A_212 : memref<1x1x64xi32, #tpu.memory_space<vmem>> -> memref<64xi32, #tpu.memory_space<vmem>>
        %dma_wait3A_214 = arith.constant 0 : i32
        %dma_wait3A_215 = arith.constant 0 : i32
        %dma_wait3A_216 = tpu.memref_slice %arg7[%dma_wait3A_214, %dma_wait3A_215] : memref<10112x128xf32, #tpu.memory_space<vmem_shared>> -> memref<10112x128xf32, #tpu.memory_space<vmem_shared>>
        tpu.wait_indirect_dma semaphore(%arg12 : memref<!tpu.dma_semaphore, #tpu.memory_space<semaphore_mem>>) src(%dma_wait3A_210 : memref<64x128xf32, #tpu.memory_space<vmem>>) dst(%dma_wait3A_216 : memref<10112x128xf32, #tpu.memory_space<vmem_shared>>)
        %dma_wait3A_217 = arith.constant 0 : i32
        %dma_wait3A_218 = arith.constant 0 : i32
        %dma_wait3A_219 = arith.constant 1 : i32
        %dma_wait3A_220 = arith.constant 0 : i32
        %dma_wait3A_221 = arith.constant 0 : i32
        %dma_wait3A_222 = tpu.memref_slice %arg6[%dma_wait3A_217, %dma_wait3A_218, %dma_wait3A_220, %dma_wait3A_221] : memref<2x2x64x128xf32, #tpu.memory_space<vmem>> -> memref<1x1x64x128xf32, #tpu.memory_space<vmem>>
        %dma_wait3A_223 = tpu.memref_squeeze %dma_wait3A_222 : memref<1x1x64x128xf32, #tpu.memory_space<vmem>> -> memref<64x128xf32, #tpu.memory_space<vmem>>
        %dma_wait3A_224 = arith.constant 0 : i32
        %dma_wait3A_225 = tpu.memref_slice %arg5[%rem3A_161, %dma_wait3A_219, %dma_wait3A_224] : memref<32x2x64xi32, #tpu.memory_space<vmem>> -> memref<1x1x64xi32, #tpu.memory_space<vmem>>
        %dma_wait3A_226 = tpu.memref_squeeze %dma_wait3A_225 : memref<1x1x64xi32, #tpu.memory_space<vmem>> -> memref<64xi32, #tpu.memory_space<vmem>>
        %dma_wait3A_227 = arith.constant 0 : i32
        %dma_wait3A_228 = arith.constant 0 : i32
        %dma_wait3A_229 = tpu.memref_slice %arg7[%dma_wait3A_227, %dma_wait3A_228] : memref<10112x128xf32, #tpu.memory_space<vmem_shared>> -> memref<10112x128xf32, #tpu.memory_space<vmem_shared>>
        tpu.wait_indirect_dma semaphore(%arg12 : memref<!tpu.dma_semaphore, #tpu.memory_space<semaphore_mem>>) src(%dma_wait3A_223 : memref<64x128xf32, #tpu.memory_space<vmem>>) dst(%dma_wait3A_229 : memref<10112x128xf32, #tpu.memory_space<vmem_shared>>)
        %add3A_230 = arith.constant 2 : i32
        %add3A_231 = arith.addi %add3A_159, %add3A_230 : i32
        %sub3A_232 = arith.constant 1 : i32
        %sub3A_233 = arith.subi %select_n3A_10, %sub3A_232 : i32
        %min3A_234 = arith.minsi %add3A_231, %sub3A_233 : i32
        %rem3A_235 = arith.constant 32 : i32
        %rem3A_236 = arith.remsi %min3A_234, %rem3A_235 : i32
        %add3A_237 = arith.addi %select_n3A, %min3A_234 : i32
        %mul3A_238 = arith.constant 64 : i32
        %mul3A_239 = arith.muli %add3A_237, %mul3A_238 : i32
        %dma_start3A_240 = arith.constant 0 : i32
        %dma_start3A_241 = arith.constant 0 : i32
        %dma_start3A_242 = arith.constant 0 : i32
        %dma_start3A_243 = arith.constant 0 : i32
        %dma_start3A_244 = tpu.memref_slice %arg6[%dma_start3A_240, %dma_start3A_241, %dma_start3A_242, %dma_start3A_243] : memref<2x2x64x128xf32, #tpu.memory_space<vmem>> -> memref<1x1x64x128xf32, #tpu.memory_space<vmem>>
        %dma_start3A_245 = tpu.memref_squeeze %dma_start3A_244 : memref<1x1x64x128xf32, #tpu.memory_space<vmem>> -> memref<64x128xf32, #tpu.memory_space<vmem>>
        %dma_start3A_246 = arith.constant 0 : i32
        %dma_start3A_247 = tpu.memref_slice %arg2[%mul3A_239, %dma_start3A_246] : memref<327680x128xf32, #tpu.memory_space<hbm>> -> memref<64x128xf32, #tpu.memory_space<hbm>>
        %dma_start3A_248 = arith.constant 0 : i32
        %dma_start3A_249 = arith.constant 0 : i32
        %dma_start3A_250 = tpu.memref_slice %arg6[%dma_start3A_240, %dma_start3A_241, %dma_start3A_248, %dma_start3A_249] : memref<2x2x64x128xf32, #tpu.memory_space<vmem>> -> memref<1x1x64x128xf32, #tpu.memory_space<vmem>>
        %dma_start3A_251 = tpu.memref_squeeze %dma_start3A_250 : memref<1x1x64x128xf32, #tpu.memory_space<vmem>> -> memref<64x128xf32, #tpu.memory_space<vmem>>
        %dma_start3A_252 = arith.constant 0 : i32
        %dma_start3A_253 = tpu.memref_slice %arg2[%mul3A_239, %dma_start3A_252] : memref<327680x128xf32, #tpu.memory_space<hbm>> -> memref<64x128xf32, #tpu.memory_space<hbm>>
        tpu.enqueue_dma source(%dma_start3A_253 : memref<64x128xf32, #tpu.memory_space<hbm>>) target(%dma_start3A_251 : memref<64x128xf32, #tpu.memory_space<vmem>>) target_semaphore(%arg8 : memref<!tpu.dma_semaphore, #tpu.memory_space<semaphore_mem>>)
        %mul3A_254 = arith.constant 16 : i32
        %mul3A_255 = arith.muli %while3A_130, %mul3A_254 : i32
        %mul3A_256 = arith.constant 2 : i32
        %mul3A_257 = arith.muli %mul3A_256, %scan3A_151 : i32
        %add3A_258 = arith.addi %mul3A_255, %mul3A_257 : i32
        %add3A_259 = arith.constant 1 : i32
        %add3A_260 = arith.addi %add3A_258, %add3A_259 : i32
        %rem3A_261 = arith.constant 32 : i32
        %rem3A_262 = arith.remsi %add3A_260, %rem3A_261 : i32
        %dma_wait3A_263 = arith.constant 0 : i32
        %dma_wait3A_264 = arith.constant 1 : i32
        %dma_wait3A_265 = arith.constant 0 : i32
        %dma_wait3A_266 = arith.constant 0 : i32
        %dma_wait3A_267 = tpu.memref_slice %arg6[%dma_wait3A_263, %dma_wait3A_264, %dma_wait3A_265, %dma_wait3A_266] : memref<2x2x64x128xf32, #tpu.memory_space<vmem>> -> memref<1x1x64x128xf32, #tpu.memory_space<vmem>>
        %dma_wait3A_268 = tpu.memref_squeeze %dma_wait3A_267 : memref<1x1x64x128xf32, #tpu.memory_space<vmem>> -> memref<64x128xf32, #tpu.memory_space<vmem>>
        %dma_wait3A_269 = arith.constant 0 : i32
        %dma_wait3A_270 = arith.constant 0 : i32
        %dma_wait3A_271 = tpu.memref_slice %arg2[%dma_wait3A_269, %dma_wait3A_270] : memref<327680x128xf32, #tpu.memory_space<hbm>> -> memref<64x128xf32, #tpu.memory_space<hbm>>
        %dma_wait3A_272 = arith.constant 0 : i32
        %dma_wait3A_273 = arith.constant 0 : i32
        %dma_wait3A_274 = tpu.memref_slice %arg6[%dma_wait3A_263, %dma_wait3A_264, %dma_wait3A_272, %dma_wait3A_273] : memref<2x2x64x128xf32, #tpu.memory_space<vmem>> -> memref<1x1x64x128xf32, #tpu.memory_space<vmem>>
        %dma_wait3A_275 = tpu.memref_squeeze %dma_wait3A_274 : memref<1x1x64x128xf32, #tpu.memory_space<vmem>> -> memref<64x128xf32, #tpu.memory_space<vmem>>
        %dma_wait3A_276 = arith.constant 0 : i32
        %dma_wait3A_277 = arith.constant 0 : i32
        %dma_wait3A_278 = tpu.memref_slice %arg2[%dma_wait3A_276, %dma_wait3A_277] : memref<327680x128xf32, #tpu.memory_space<hbm>> -> memref<64x128xf32, #tpu.memory_space<hbm>>
        tpu.wait_dma2 semaphore(%arg9 : memref<!tpu.dma_semaphore, #tpu.memory_space<semaphore_mem>>) src(%dma_wait3A_278 : memref<64x128xf32, #tpu.memory_space<hbm>>) dst(%dma_wait3A_275 : memref<64x128xf32, #tpu.memory_space<vmem>>)
        %dma_start3A_279 = arith.constant 0 : i32
        %dma_start3A_280 = arith.constant 1 : i32
        %dma_start3A_281 = arith.constant 0 : i32
        %dma_start3A_282 = arith.constant 0 : i32
        %dma_start3A_283 = arith.constant 0 : i32
        %dma_start3A_284 = tpu.memref_slice %arg6[%dma_start3A_279, %dma_start3A_280, %dma_start3A_282, %dma_start3A_283] : memref<2x2x64x128xf32, #tpu.memory_space<vmem>> -> memref<1x1x64x128xf32, #tpu.memory_space<vmem>>
        %dma_start3A_285 = tpu.memref_squeeze %dma_start3A_284 : memref<1x1x64x128xf32, #tpu.memory_space<vmem>> -> memref<64x128xf32, #tpu.memory_space<vmem>>
        %dma_start3A_286 = arith.constant 0 : i32
        %dma_start3A_287 = tpu.memref_slice %arg5[%rem3A_262, %dma_start3A_281, %dma_start3A_286] : memref<32x2x64xi32, #tpu.memory_space<vmem>> -> memref<1x1x64xi32, #tpu.memory_space<vmem>>
        %dma_start3A_288 = tpu.memref_squeeze %dma_start3A_287 : memref<1x1x64xi32, #tpu.memory_space<vmem>> -> memref<64xi32, #tpu.memory_space<vmem>>
        %dma_start3A_289 = arith.constant 0 : i32
        %dma_start3A_290 = arith.constant 0 : i32
        %dma_start3A_291 = tpu.memref_slice %arg7[%dma_start3A_289, %dma_start3A_290] : memref<10112x128xf32, #tpu.memory_space<vmem_shared>> -> memref<10112x128xf32, #tpu.memory_space<vmem_shared>>
        tpu.enqueue_indirect_dma source(%dma_start3A_285 : memref<64x128xf32, #tpu.memory_space<vmem>>) target(%dma_start3A_291 : memref<10112x128xf32, #tpu.memory_space<vmem_shared>>) offsets(%dma_start3A_288 : memref<64xi32, #tpu.memory_space<vmem>>) semaphore(%arg12 : memref<!tpu.dma_semaphore, #tpu.memory_space<semaphore_mem>>) {add = true}
        %dma_start3A_292 = arith.constant 0 : i32
        %dma_start3A_293 = arith.constant 1 : i32
        %dma_start3A_294 = arith.constant 1 : i32
        %dma_start3A_295 = arith.constant 0 : i32
        %dma_start3A_296 = arith.constant 0 : i32
        %dma_start3A_297 = tpu.memref_slice %arg6[%dma_start3A_292, %dma_start3A_293, %dma_start3A_295, %dma_start3A_296] : memref<2x2x64x128xf32, #tpu.memory_space<vmem>> -> memref<1x1x64x128xf32, #tpu.memory_space<vmem>>
        %dma_start3A_298 = tpu.memref_squeeze %dma_start3A_297 : memref<1x1x64x128xf32, #tpu.memory_space<vmem>> -> memref<64x128xf32, #tpu.memory_space<vmem>>
        %dma_start3A_299 = arith.constant 0 : i32
        %dma_start3A_300 = tpu.memref_slice %arg5[%rem3A_262, %dma_start3A_294, %dma_start3A_299] : memref<32x2x64xi32, #tpu.memory_space<vmem>> -> memref<1x1x64xi32, #tpu.memory_space<vmem>>
        %dma_start3A_301 = tpu.memref_squeeze %dma_start3A_300 : memref<1x1x64xi32, #tpu.memory_space<vmem>> -> memref<64xi32, #tpu.memory_space<vmem>>
        %dma_start3A_302 = arith.constant 0 : i32
        %dma_start3A_303 = arith.constant 0 : i32
        %dma_start3A_304 = tpu.memref_slice %arg7[%dma_start3A_302, %dma_start3A_303] : memref<10112x128xf32, #tpu.memory_space<vmem_shared>> -> memref<10112x128xf32, #tpu.memory_space<vmem_shared>>
        tpu.enqueue_indirect_dma source(%dma_start3A_298 : memref<64x128xf32, #tpu.memory_space<vmem>>) target(%dma_start3A_304 : memref<10112x128xf32, #tpu.memory_space<vmem_shared>>) offsets(%dma_start3A_301 : memref<64xi32, #tpu.memory_space<vmem>>) semaphore(%arg12 : memref<!tpu.dma_semaphore, #tpu.memory_space<semaphore_mem>>) {add = true}
        %dma_wait3A_305 = arith.constant 0 : i32
        %dma_wait3A_306 = arith.constant 1 : i32
        %dma_wait3A_307 = arith.constant 0 : i32
        %dma_wait3A_308 = arith.constant 0 : i32
        %dma_wait3A_309 = arith.constant 0 : i32
        %dma_wait3A_310 = tpu.memref_slice %arg6[%dma_wait3A_305, %dma_wait3A_306, %dma_wait3A_308, %dma_wait3A_309] : memref<2x2x64x128xf32, #tpu.memory_space<vmem>> -> memref<1x1x64x128xf32, #tpu.memory_space<vmem>>
        %dma_wait3A_311 = tpu.memref_squeeze %dma_wait3A_310 : memref<1x1x64x128xf32, #tpu.memory_space<vmem>> -> memref<64x128xf32, #tpu.memory_space<vmem>>
        %dma_wait3A_312 = arith.constant 0 : i32
        %dma_wait3A_313 = tpu.memref_slice %arg5[%rem3A_262, %dma_wait3A_307, %dma_wait3A_312] : memref<32x2x64xi32, #tpu.memory_space<vmem>> -> memref<1x1x64xi32, #tpu.memory_space<vmem>>
        %dma_wait3A_314 = tpu.memref_squeeze %dma_wait3A_313 : memref<1x1x64xi32, #tpu.memory_space<vmem>> -> memref<64xi32, #tpu.memory_space<vmem>>
        %dma_wait3A_315 = arith.constant 0 : i32
        %dma_wait3A_316 = arith.constant 0 : i32
        %dma_wait3A_317 = tpu.memref_slice %arg7[%dma_wait3A_315, %dma_wait3A_316] : memref<10112x128xf32, #tpu.memory_space<vmem_shared>> -> memref<10112x128xf32, #tpu.memory_space<vmem_shared>>
        tpu.wait_indirect_dma semaphore(%arg12 : memref<!tpu.dma_semaphore, #tpu.memory_space<semaphore_mem>>) src(%dma_wait3A_311 : memref<64x128xf32, #tpu.memory_space<vmem>>) dst(%dma_wait3A_317 : memref<10112x128xf32, #tpu.memory_space<vmem_shared>>)
        %dma_wait3A_318 = arith.constant 0 : i32
        %dma_wait3A_319 = arith.constant 1 : i32
        %dma_wait3A_320 = arith.constant 1 : i32
        %dma_wait3A_321 = arith.constant 0 : i32
        %dma_wait3A_322 = arith.constant 0 : i32
        %dma_wait3A_323 = tpu.memref_slice %arg6[%dma_wait3A_318, %dma_wait3A_319, %dma_wait3A_321, %dma_wait3A_322] : memref<2x2x64x128xf32, #tpu.memory_space<vmem>> -> memref<1x1x64x128xf32, #tpu.memory_space<vmem>>
        %dma_wait3A_324 = tpu.memref_squeeze %dma_wait3A_323 : memref<1x1x64x128xf32, #tpu.memory_space<vmem>> -> memref<64x128xf32, #tpu.memory_space<vmem>>
        %dma_wait3A_325 = arith.constant 0 : i32
        %dma_wait3A_326 = tpu.memref_slice %arg5[%rem3A_262, %dma_wait3A_320, %dma_wait3A_325] : memref<32x2x64xi32, #tpu.memory_space<vmem>> -> memref<1x1x64xi32, #tpu.memory_space<vmem>>
        %dma_wait3A_327 = tpu.memref_squeeze %dma_wait3A_326 : memref<1x1x64xi32, #tpu.memory_space<vmem>> -> memref<64xi32, #tpu.memory_space<vmem>>
        %dma_wait3A_328 = arith.constant 0 : i32
        %dma_wait3A_329 = arith.constant 0 : i32
        %dma_wait3A_330 = tpu.memref_slice %arg7[%dma_wait3A_328, %dma_wait3A_329] : memref<10112x128xf32, #tpu.memory_space<vmem_shared>> -> memref<10112x128xf32, #tpu.memory_space<vmem_shared>>
        tpu.wait_indirect_dma semaphore(%arg12 : memref<!tpu.dma_semaphore, #tpu.memory_space<semaphore_mem>>) src(%dma_wait3A_324 : memref<64x128xf32, #tpu.memory_space<vmem>>) dst(%dma_wait3A_330 : memref<10112x128xf32, #tpu.memory_space<vmem_shared>>)
        %add3A_331 = arith.constant 2 : i32
        %add3A_332 = arith.addi %add3A_260, %add3A_331 : i32
        %sub3A_333 = arith.constant 1 : i32
        %sub3A_334 = arith.subi %select_n3A_10, %sub3A_333 : i32
        %min3A_335 = arith.minsi %add3A_332, %sub3A_334 : i32
        %rem3A_336 = arith.constant 32 : i32
        %rem3A_337 = arith.remsi %min3A_335, %rem3A_336 : i32
        %add3A_338 = arith.addi %select_n3A, %min3A_335 : i32
        %mul3A_339 = arith.constant 64 : i32
        %mul3A_340 = arith.muli %add3A_338, %mul3A_339 : i32
        %dma_start3A_341 = arith.constant 0 : i32
        %dma_start3A_342 = arith.constant 1 : i32
        %dma_start3A_343 = arith.constant 0 : i32
        %dma_start3A_344 = arith.constant 0 : i32
        %dma_start3A_345 = tpu.memref_slice %arg6[%dma_start3A_341, %dma_start3A_342, %dma_start3A_343, %dma_start3A_344] : memref<2x2x64x128xf32, #tpu.memory_space<vmem>> -> memref<1x1x64x128xf32, #tpu.memory_space<vmem>>
        %dma_start3A_346 = tpu.memref_squeeze %dma_start3A_345 : memref<1x1x64x128xf32, #tpu.memory_space<vmem>> -> memref<64x128xf32, #tpu.memory_space<vmem>>
        %dma_start3A_347 = arith.constant 0 : i32
        %dma_start3A_348 = tpu.memref_slice %arg2[%mul3A_340, %dma_start3A_347] : memref<327680x128xf32, #tpu.memory_space<hbm>> -> memref<64x128xf32, #tpu.memory_space<hbm>>
        %dma_start3A_349 = arith.constant 0 : i32
        %dma_start3A_350 = arith.constant 0 : i32
        %dma_start3A_351 = tpu.memref_slice %arg6[%dma_start3A_341, %dma_start3A_342, %dma_start3A_349, %dma_start3A_350] : memref<2x2x64x128xf32, #tpu.memory_space<vmem>> -> memref<1x1x64x128xf32, #tpu.memory_space<vmem>>
        %dma_start3A_352 = tpu.memref_squeeze %dma_start3A_351 : memref<1x1x64x128xf32, #tpu.memory_space<vmem>> -> memref<64x128xf32, #tpu.memory_space<vmem>>
        %dma_start3A_353 = arith.constant 0 : i32
        %dma_start3A_354 = tpu.memref_slice %arg2[%mul3A_340, %dma_start3A_353] : memref<327680x128xf32, #tpu.memory_space<hbm>> -> memref<64x128xf32, #tpu.memory_space<hbm>>
        tpu.enqueue_dma source(%dma_start3A_354 : memref<64x128xf32, #tpu.memory_space<hbm>>) target(%dma_start3A_352 : memref<64x128xf32, #tpu.memory_space<vmem>>) target_semaphore(%arg9 : memref<!tpu.dma_semaphore, #tpu.memory_space<semaphore_mem>>)
        %scan3A_355 = arith.constant 0 : i32
        scf.yield %scan3A_355 : i32
      }
      %scan3A_149 = arith.constant 8 : i32
      %while3A_150 = arith.constant 0 : i32
      scf.yield %while3A_150 : i32
    }
    %while3A_96 = arith.constant 1 : i32
    %while3A_97 = scf.for %while3A_130 = %while3A_93 to %while3A_89 step %while3A_96 iter_args(%while3A_131 = %while3A_95) -> (i32)  : i32 {
      %add3A_132 = arith.constant 1 : i32
      %add3A_133 = arith.addi %while3A_130, %add3A_132 : i32
      %sub3A_134 = arith.constant 1 : i32
      %sub3A_135 = arith.subi %select_n3A_28, %sub3A_134 : i32
      %min3A = arith.minsi %add3A_133, %sub3A_135 : i32
      %rem3A_136 = arith.constant 2 : i32
      %rem3A_137 = arith.remsi %min3A, %rem3A_136 : i32
      %mul3A_138 = arith.constant 16 : i32
      %mul3A_139 = arith.muli %rem3A_137, %mul3A_138 : i32
      %mul3A_140 = arith.constant 16 : i32
      %mul3A_141 = arith.muli %min3A, %mul3A_140 : i32
      %add3A_142 = arith.addi %select_n3A, %mul3A_141 : i32
      "tpu.region"() ({
        %run_scoped3A_151 = tpu.sem_alloc : memref<!tpu.dma_semaphore, #tpu.memory_space<semaphore_mem>>
        %dma_start3A_152 = arith.constant 0 : i32
        %dma_start3A_153 = arith.constant 0 : i32
        %dma_start3A_154 = tpu.memref_slice %arg5[%mul3A_139, %dma_start3A_152, %dma_start3A_153] : memref<32x2x64xi32, #tpu.memory_space<vmem>> -> memref<16x2x64xi32, #tpu.memory_space<vmem>>
        %dma_start3A_155 = arith.constant 0 : i32
        %dma_start3A_156 = arith.constant 0 : i32
        %dma_start3A_157 = tpu.memref_slice %arg3[%add3A_142, %dma_start3A_155, %dma_start3A_156] : memref<5120x2x64xi32, #tpu.memory_space<hbm>> -> memref<16x2x64xi32, #tpu.memory_space<hbm>>
        %dma_start3A_158 = arith.constant 0 : i32
        %dma_start3A_159 = arith.constant 0 : i32
        %dma_start3A_160 = tpu.memref_slice %arg5[%mul3A_139, %dma_start3A_158, %dma_start3A_159] : memref<32x2x64xi32, #tpu.memory_space<vmem>> -> memref<16x2x64xi32, #tpu.memory_space<vmem>>
        %dma_start3A_161 = arith.constant 0 : i32
        %dma_start3A_162 = arith.constant 0 : i32
        %dma_start3A_163 = tpu.memref_slice %arg3[%add3A_142, %dma_start3A_161, %dma_start3A_162] : memref<5120x2x64xi32, #tpu.memory_space<hbm>> -> memref<16x2x64xi32, #tpu.memory_space<hbm>>
        tpu.enqueue_dma source(%dma_start3A_163 : memref<16x2x64xi32, #tpu.memory_space<hbm>>) target(%dma_start3A_160 : memref<16x2x64xi32, #tpu.memory_space<vmem>>) target_semaphore(%run_scoped3A_151 : memref<!tpu.dma_semaphore, #tpu.memory_space<semaphore_mem>>)
        %dma_wait3A_164 = arith.constant 0 : i32
        %dma_wait3A_165 = arith.constant 0 : i32
        %dma_wait3A_166 = tpu.memref_slice %arg5[%mul3A_139, %dma_wait3A_164, %dma_wait3A_165] : memref<32x2x64xi32, #tpu.memory_space<vmem>> -> memref<16x2x64xi32, #tpu.memory_space<vmem>>
        %dma_wait3A_167 = arith.constant 0 : i32
        %dma_wait3A_168 = arith.constant 0 : i32
        %dma_wait3A_169 = tpu.memref_slice %arg3[%add3A_142, %dma_wait3A_167, %dma_wait3A_168] : memref<5120x2x64xi32, #tpu.memory_space<hbm>> -> memref<16x2x64xi32, #tpu.memory_space<hbm>>
        %dma_wait3A_170 = arith.constant 0 : i32
        %dma_wait3A_171 = arith.constant 0 : i32
        %dma_wait3A_172 = tpu.memref_slice %arg5[%mul3A_139, %dma_wait3A_170, %dma_wait3A_171] : memref<32x2x64xi32, #tpu.memory_space<vmem>> -> memref<16x2x64xi32, #tpu.memory_space<vmem>>
        %dma_wait3A_173 = arith.constant 0 : i32
        %dma_wait3A_174 = arith.constant 0 : i32
        %dma_wait3A_175 = tpu.memref_slice %arg3[%add3A_142, %dma_wait3A_173, %dma_wait3A_174] : memref<5120x2x64xi32, #tpu.memory_space<hbm>> -> memref<16x2x64xi32, #tpu.memory_space<hbm>>
        tpu.wait_dma2 semaphore(%run_scoped3A_151 : memref<!tpu.dma_semaphore, #tpu.memory_space<semaphore_mem>>) src(%dma_wait3A_175 : memref<16x2x64xi32, #tpu.memory_space<hbm>>) dst(%dma_wait3A_172 : memref<16x2x64xi32, #tpu.memory_space<vmem>>)
        tpu.yield
      }) : () -> ()
      %scan3A_143 = arith.constant 0 : i32
      %scan3A_144 = arith.constant 0 : i32
      %scan3A_145 = arith.constant 8 : i32
      %scan3A_146 = arith.addi %scan3A_144, %scan3A_145 : i32
      %scan3A_147 = arith.constant 1 : i32
      %scan3A_148 = scf.for %scan3A_151 = %scan3A_144 to %scan3A_146 step %scan3A_147 iter_args(%scan3A_152 = %scan3A_143) -> (i32)  : i32 {
        %mul3A_153 = arith.constant 16 : i32
        %mul3A_154 = arith.muli %while3A_130, %mul3A_153 : i32
        %mul3A_155 = arith.constant 2 : i32
        %mul3A_156 = arith.muli %mul3A_155, %scan3A_151 : i32
        %add3A_157 = arith.addi %mul3A_154, %mul3A_156 : i32
        %add3A_158 = arith.constant 0 : i32
        %add3A_159 = arith.addi %add3A_157, %add3A_158 : i32
        %rem3A_160 = arith.constant 32 : i32
        %rem3A_161 = arith.remsi %add3A_159, %rem3A_160 : i32
        %dma_wait3A_162 = arith.constant 0 : i32
        %dma_wait3A_163 = arith.constant 0 : i32
        %dma_wait3A_164 = arith.constant 0 : i32
        %dma_wait3A_165 = arith.constant 0 : i32
        %dma_wait3A_166 = tpu.memref_slice %arg6[%dma_wait3A_162, %dma_wait3A_163, %dma_wait3A_164, %dma_wait3A_165] : memref<2x2x64x128xf32, #tpu.memory_space<vmem>> -> memref<1x1x64x128xf32, #tpu.memory_space<vmem>>
        %dma_wait3A_167 = tpu.memref_squeeze %dma_wait3A_166 : memref<1x1x64x128xf32, #tpu.memory_space<vmem>> -> memref<64x128xf32, #tpu.memory_space<vmem>>
        %dma_wait3A_168 = arith.constant 0 : i32
        %dma_wait3A_169 = arith.constant 0 : i32
        %dma_wait3A_170 = tpu.memref_slice %arg2[%dma_wait3A_168, %dma_wait3A_169] : memref<327680x128xf32, #tpu.memory_space<hbm>> -> memref<64x128xf32, #tpu.memory_space<hbm>>
        %dma_wait3A_171 = arith.constant 0 : i32
        %dma_wait3A_172 = arith.constant 0 : i32
        %dma_wait3A_173 = tpu.memref_slice %arg6[%dma_wait3A_162, %dma_wait3A_163, %dma_wait3A_171, %dma_wait3A_172] : memref<2x2x64x128xf32, #tpu.memory_space<vmem>> -> memref<1x1x64x128xf32, #tpu.memory_space<vmem>>
        %dma_wait3A_174 = tpu.memref_squeeze %dma_wait3A_173 : memref<1x1x64x128xf32, #tpu.memory_space<vmem>> -> memref<64x128xf32, #tpu.memory_space<vmem>>
        %dma_wait3A_175 = arith.constant 0 : i32
        %dma_wait3A_176 = arith.constant 0 : i32
        %dma_wait3A_177 = tpu.memref_slice %arg2[%dma_wait3A_175, %dma_wait3A_176] : memref<327680x128xf32, #tpu.memory_space<hbm>> -> memref<64x128xf32, #tpu.memory_space<hbm>>
        tpu.wait_dma2 semaphore(%arg8 : memref<!tpu.dma_semaphore, #tpu.memory_space<semaphore_mem>>) src(%dma_wait3A_177 : memref<64x128xf32, #tpu.memory_space<hbm>>) dst(%dma_wait3A_174 : memref<64x128xf32, #tpu.memory_space<vmem>>)
        %dma_start3A_178 = arith.constant 0 : i32
        %dma_start3A_179 = arith.constant 0 : i32
        %dma_start3A_180 = arith.constant 0 : i32
        %dma_start3A_181 = arith.constant 0 : i32
        %dma_start3A_182 = arith.constant 0 : i32
        %dma_start3A_183 = tpu.memref_slice %arg6[%dma_start3A_178, %dma_start3A_179, %dma_start3A_181, %dma_start3A_182] : memref<2x2x64x128xf32, #tpu.memory_space<vmem>> -> memref<1x1x64x128xf32, #tpu.memory_space<vmem>>
        %dma_start3A_184 = tpu.memref_squeeze %dma_start3A_183 : memref<1x1x64x128xf32, #tpu.memory_space<vmem>> -> memref<64x128xf32, #tpu.memory_space<vmem>>
        %dma_start3A_185 = arith.constant 0 : i32
        %dma_start3A_186 = tpu.memref_slice %arg5[%rem3A_161, %dma_start3A_180, %dma_start3A_185] : memref<32x2x64xi32, #tpu.memory_space<vmem>> -> memref<1x1x64xi32, #tpu.memory_space<vmem>>
        %dma_start3A_187 = tpu.memref_squeeze %dma_start3A_186 : memref<1x1x64xi32, #tpu.memory_space<vmem>> -> memref<64xi32, #tpu.memory_space<vmem>>
        %dma_start3A_188 = arith.constant 0 : i32
        %dma_start3A_189 = arith.constant 0 : i32
        %dma_start3A_190 = tpu.memref_slice %arg7[%dma_start3A_188, %dma_start3A_189] : memref<10112x128xf32, #tpu.memory_space<vmem_shared>> -> memref<10112x128xf32, #tpu.memory_space<vmem_shared>>
        tpu.enqueue_indirect_dma source(%dma_start3A_184 : memref<64x128xf32, #tpu.memory_space<vmem>>) target(%dma_start3A_190 : memref<10112x128xf32, #tpu.memory_space<vmem_shared>>) offsets(%dma_start3A_187 : memref<64xi32, #tpu.memory_space<vmem>>) semaphore(%arg12 : memref<!tpu.dma_semaphore, #tpu.memory_space<semaphore_mem>>) {add = true}
        %dma_start3A_191 = arith.constant 0 : i32
        %dma_start3A_192 = arith.constant 0 : i32
        %dma_start3A_193 = arith.constant 1 : i32
        %dma_start3A_194 = arith.constant 0 : i32
        %dma_start3A_195 = arith.constant 0 : i32
        %dma_start3A_196 = tpu.memref_slice %arg6[%dma_start3A_191, %dma_start3A_192, %dma_start3A_194, %dma_start3A_195] : memref<2x2x64x128xf32, #tpu.memory_space<vmem>> -> memref<1x1x64x128xf32, #tpu.memory_space<vmem>>
        %dma_start3A_197 = tpu.memref_squeeze %dma_start3A_196 : memref<1x1x64x128xf32, #tpu.memory_space<vmem>> -> memref<64x128xf32, #tpu.memory_space<vmem>>
        %dma_start3A_198 = arith.constant 0 : i32
        %dma_start3A_199 = tpu.memref_slice %arg5[%rem3A_161, %dma_start3A_193, %dma_start3A_198] : memref<32x2x64xi32, #tpu.memory_space<vmem>> -> memref<1x1x64xi32, #tpu.memory_space<vmem>>
        %dma_start3A_200 = tpu.memref_squeeze %dma_start3A_199 : memref<1x1x64xi32, #tpu.memory_space<vmem>> -> memref<64xi32, #tpu.memory_space<vmem>>
        %dma_start3A_201 = arith.constant 0 : i32
        %dma_start3A_202 = arith.constant 0 : i32
        %dma_start3A_203 = tpu.memref_slice %arg7[%dma_start3A_201, %dma_start3A_202] : memref<10112x128xf32, #tpu.memory_space<vmem_shared>> -> memref<10112x128xf32, #tpu.memory_space<vmem_shared>>
        tpu.enqueue_indirect_dma source(%dma_start3A_197 : memref<64x128xf32, #tpu.memory_space<vmem>>) target(%dma_start3A_203 : memref<10112x128xf32, #tpu.memory_space<vmem_shared>>) offsets(%dma_start3A_200 : memref<64xi32, #tpu.memory_space<vmem>>) semaphore(%arg12 : memref<!tpu.dma_semaphore, #tpu.memory_space<semaphore_mem>>) {add = true}
        %dma_wait3A_204 = arith.constant 0 : i32
        %dma_wait3A_205 = arith.constant 0 : i32
        %dma_wait3A_206 = arith.constant 0 : i32
        %dma_wait3A_207 = arith.constant 0 : i32
        %dma_wait3A_208 = arith.constant 0 : i32
        %dma_wait3A_209 = tpu.memref_slice %arg6[%dma_wait3A_204, %dma_wait3A_205, %dma_wait3A_207, %dma_wait3A_208] : memref<2x2x64x128xf32, #tpu.memory_space<vmem>> -> memref<1x1x64x128xf32, #tpu.memory_space<vmem>>
        %dma_wait3A_210 = tpu.memref_squeeze %dma_wait3A_209 : memref<1x1x64x128xf32, #tpu.memory_space<vmem>> -> memref<64x128xf32, #tpu.memory_space<vmem>>
        %dma_wait3A_211 = arith.constant 0 : i32
        %dma_wait3A_212 = tpu.memref_slice %arg5[%rem3A_161, %dma_wait3A_206, %dma_wait3A_211] : memref<32x2x64xi32, #tpu.memory_space<vmem>> -> memref<1x1x64xi32, #tpu.memory_space<vmem>>
        %dma_wait3A_213 = tpu.memref_squeeze %dma_wait3A_212 : memref<1x1x64xi32, #tpu.memory_space<vmem>> -> memref<64xi32, #tpu.memory_space<vmem>>
        %dma_wait3A_214 = arith.constant 0 : i32
        %dma_wait3A_215 = arith.constant 0 : i32
        %dma_wait3A_216 = tpu.memref_slice %arg7[%dma_wait3A_214, %dma_wait3A_215] : memref<10112x128xf32, #tpu.memory_space<vmem_shared>> -> memref<10112x128xf32, #tpu.memory_space<vmem_shared>>
        tpu.wait_indirect_dma semaphore(%arg12 : memref<!tpu.dma_semaphore, #tpu.memory_space<semaphore_mem>>) src(%dma_wait3A_210 : memref<64x128xf32, #tpu.memory_space<vmem>>) dst(%dma_wait3A_216 : memref<10112x128xf32, #tpu.memory_space<vmem_shared>>)
        %dma_wait3A_217 = arith.constant 0 : i32
        %dma_wait3A_218 = arith.constant 0 : i32
        %dma_wait3A_219 = arith.constant 1 : i32
        %dma_wait3A_220 = arith.constant 0 : i32
        %dma_wait3A_221 = arith.constant 0 : i32
        %dma_wait3A_222 = tpu.memref_slice %arg6[%dma_wait3A_217, %dma_wait3A_218, %dma_wait3A_220, %dma_wait3A_221] : memref<2x2x64x128xf32, #tpu.memory_space<vmem>> -> memref<1x1x64x128xf32, #tpu.memory_space<vmem>>
        %dma_wait3A_223 = tpu.memref_squeeze %dma_wait3A_222 : memref<1x1x64x128xf32, #tpu.memory_space<vmem>> -> memref<64x128xf32, #tpu.memory_space<vmem>>
        %dma_wait3A_224 = arith.constant 0 : i32
        %dma_wait3A_225 = tpu.memref_slice %arg5[%rem3A_161, %dma_wait3A_219, %dma_wait3A_224] : memref<32x2x64xi32, #tpu.memory_space<vmem>> -> memref<1x1x64xi32, #tpu.memory_space<vmem>>
        %dma_wait3A_226 = tpu.memref_squeeze %dma_wait3A_225 : memref<1x1x64xi32, #tpu.memory_space<vmem>> -> memref<64xi32, #tpu.memory_space<vmem>>
        %dma_wait3A_227 = arith.constant 0 : i32
        %dma_wait3A_228 = arith.constant 0 : i32
        %dma_wait3A_229 = tpu.memref_slice %arg7[%dma_wait3A_227, %dma_wait3A_228] : memref<10112x128xf32, #tpu.memory_space<vmem_shared>> -> memref<10112x128xf32, #tpu.memory_space<vmem_shared>>
        tpu.wait_indirect_dma semaphore(%arg12 : memref<!tpu.dma_semaphore, #tpu.memory_space<semaphore_mem>>) src(%dma_wait3A_223 : memref<64x128xf32, #tpu.memory_space<vmem>>) dst(%dma_wait3A_229 : memref<10112x128xf32, #tpu.memory_space<vmem_shared>>)
        %add3A_230 = arith.constant 2 : i32
        %add3A_231 = arith.addi %add3A_159, %add3A_230 : i32
        %sub3A_232 = arith.constant 1 : i32
        %sub3A_233 = arith.subi %select_n3A_10, %sub3A_232 : i32
        %min3A_234 = arith.minsi %add3A_231, %sub3A_233 : i32
        %rem3A_235 = arith.constant 32 : i32
        %rem3A_236 = arith.remsi %min3A_234, %rem3A_235 : i32
        %add3A_237 = arith.addi %select_n3A, %min3A_234 : i32
        %mul3A_238 = arith.constant 64 : i32
        %mul3A_239 = arith.muli %add3A_237, %mul3A_238 : i32
        %dma_start3A_240 = arith.constant 0 : i32
        %dma_start3A_241 = arith.constant 0 : i32
        %dma_start3A_242 = arith.constant 0 : i32
        %dma_start3A_243 = arith.constant 0 : i32
        %dma_start3A_244 = tpu.memref_slice %arg6[%dma_start3A_240, %dma_start3A_241, %dma_start3A_242, %dma_start3A_243] : memref<2x2x64x128xf32, #tpu.memory_space<vmem>> -> memref<1x1x64x128xf32, #tpu.memory_space<vmem>>
        %dma_start3A_245 = tpu.memref_squeeze %dma_start3A_244 : memref<1x1x64x128xf32, #tpu.memory_space<vmem>> -> memref<64x128xf32, #tpu.memory_space<vmem>>
        %dma_start3A_246 = arith.constant 0 : i32
        %dma_start3A_247 = tpu.memref_slice %arg2[%mul3A_239, %dma_start3A_246] : memref<327680x128xf32, #tpu.memory_space<hbm>> -> memref<64x128xf32, #tpu.memory_space<hbm>>
        %dma_start3A_248 = arith.constant 0 : i32
        %dma_start3A_249 = arith.constant 0 : i32
        %dma_start3A_250 = tpu.memref_slice %arg6[%dma_start3A_240, %dma_start3A_241, %dma_start3A_248, %dma_start3A_249] : memref<2x2x64x128xf32, #tpu.memory_space<vmem>> -> memref<1x1x64x128xf32, #tpu.memory_space<vmem>>
        %dma_start3A_251 = tpu.memref_squeeze %dma_start3A_250 : memref<1x1x64x128xf32, #tpu.memory_space<vmem>> -> memref<64x128xf32, #tpu.memory_space<vmem>>
        %dma_start3A_252 = arith.constant 0 : i32
        %dma_start3A_253 = tpu.memref_slice %arg2[%mul3A_239, %dma_start3A_252] : memref<327680x128xf32, #tpu.memory_space<hbm>> -> memref<64x128xf32, #tpu.memory_space<hbm>>
        tpu.enqueue_dma source(%dma_start3A_253 : memref<64x128xf32, #tpu.memory_space<hbm>>) target(%dma_start3A_251 : memref<64x128xf32, #tpu.memory_space<vmem>>) target_semaphore(%arg8 : memref<!tpu.dma_semaphore, #tpu.memory_space<semaphore_mem>>)
        %mul3A_254 = arith.constant 16 : i32
        %mul3A_255 = arith.muli %while3A_130, %mul3A_254 : i32
        %mul3A_256 = arith.constant 2 : i32
        %mul3A_257 = arith.muli %mul3A_256, %scan3A_151 : i32
        %add3A_258 = arith.addi %mul3A_255, %mul3A_257 : i32
        %add3A_259 = arith.constant 1 : i32
        %add3A_260 = arith.addi %add3A_258, %add3A_259 : i32
        %rem3A_261 = arith.constant 32 : i32
        %rem3A_262 = arith.remsi %add3A_260, %rem3A_261 : i32
        %dma_wait3A_263 = arith.constant 0 : i32
        %dma_wait3A_264 = arith.constant 1 : i32
        %dma_wait3A_265 = arith.constant 0 : i32
        %dma_wait3A_266 = arith.constant 0 : i32
        %dma_wait3A_267 = tpu.memref_slice %arg6[%dma_wait3A_263, %dma_wait3A_264, %dma_wait3A_265, %dma_wait3A_266] : memref<2x2x64x128xf32, #tpu.memory_space<vmem>> -> memref<1x1x64x128xf32, #tpu.memory_space<vmem>>
        %dma_wait3A_268 = tpu.memref_squeeze %dma_wait3A_267 : memref<1x1x64x128xf32, #tpu.memory_space<vmem>> -> memref<64x128xf32, #tpu.memory_space<vmem>>
        %dma_wait3A_269 = arith.constant 0 : i32
        %dma_wait3A_270 = arith.constant 0 : i32
        %dma_wait3A_271 = tpu.memref_slice %arg2[%dma_wait3A_269, %dma_wait3A_270] : memref<327680x128xf32, #tpu.memory_space<hbm>> -> memref<64x128xf32, #tpu.memory_space<hbm>>
        %dma_wait3A_272 = arith.constant 0 : i32
        %dma_wait3A_273 = arith.constant 0 : i32
        %dma_wait3A_274 = tpu.memref_slice %arg6[%dma_wait3A_263, %dma_wait3A_264, %dma_wait3A_272, %dma_wait3A_273] : memref<2x2x64x128xf32, #tpu.memory_space<vmem>> -> memref<1x1x64x128xf32, #tpu.memory_space<vmem>>
        %dma_wait3A_275 = tpu.memref_squeeze %dma_wait3A_274 : memref<1x1x64x128xf32, #tpu.memory_space<vmem>> -> memref<64x128xf32, #tpu.memory_space<vmem>>
        %dma_wait3A_276 = arith.constant 0 : i32
        %dma_wait3A_277 = arith.constant 0 : i32
        %dma_wait3A_278 = tpu.memref_slice %arg2[%dma_wait3A_276, %dma_wait3A_277] : memref<327680x128xf32, #tpu.memory_space<hbm>> -> memref<64x128xf32, #tpu.memory_space<hbm>>
        tpu.wait_dma2 semaphore(%arg9 : memref<!tpu.dma_semaphore, #tpu.memory_space<semaphore_mem>>) src(%dma_wait3A_278 : memref<64x128xf32, #tpu.memory_space<hbm>>) dst(%dma_wait3A_275 : memref<64x128xf32, #tpu.memory_space<vmem>>)
        %dma_start3A_279 = arith.constant 0 : i32
        %dma_start3A_280 = arith.constant 1 : i32
        %dma_start3A_281 = arith.constant 0 : i32
        %dma_start3A_282 = arith.constant 0 : i32
        %dma_start3A_283 = arith.constant 0 : i32
        %dma_start3A_284 = tpu.memref_slice %arg6[%dma_start3A_279, %dma_start3A_280, %dma_start3A_282, %dma_start3A_283] : memref<2x2x64x128xf32, #tpu.memory_space<vmem>> -> memref<1x1x64x128xf32, #tpu.memory_space<vmem>>
        %dma_start3A_285 = tpu.memref_squeeze %dma_start3A_284 : memref<1x1x64x128xf32, #tpu.memory_space<vmem>> -> memref<64x128xf32, #tpu.memory_space<vmem>>
        %dma_start3A_286 = arith.constant 0 : i32
        %dma_start3A_287 = tpu.memref_slice %arg5[%rem3A_262, %dma_start3A_281, %dma_start3A_286] : memref<32x2x64xi32, #tpu.memory_space<vmem>> -> memref<1x1x64xi32, #tpu.memory_space<vmem>>
        %dma_start3A_288 = tpu.memref_squeeze %dma_start3A_287 : memref<1x1x64xi32, #tpu.memory_space<vmem>> -> memref<64xi32, #tpu.memory_space<vmem>>
        %dma_start3A_289 = arith.constant 0 : i32
        %dma_start3A_290 = arith.constant 0 : i32
        %dma_start3A_291 = tpu.memref_slice %arg7[%dma_start3A_289, %dma_start3A_290] : memref<10112x128xf32, #tpu.memory_space<vmem_shared>> -> memref<10112x128xf32, #tpu.memory_space<vmem_shared>>
        tpu.enqueue_indirect_dma source(%dma_start3A_285 : memref<64x128xf32, #tpu.memory_space<vmem>>) target(%dma_start3A_291 : memref<10112x128xf32, #tpu.memory_space<vmem_shared>>) offsets(%dma_start3A_288 : memref<64xi32, #tpu.memory_space<vmem>>) semaphore(%arg12 : memref<!tpu.dma_semaphore, #tpu.memory_space<semaphore_mem>>) {add = true}
        %dma_start3A_292 = arith.constant 0 : i32
        %dma_start3A_293 = arith.constant 1 : i32
        %dma_start3A_294 = arith.constant 1 : i32
        %dma_start3A_295 = arith.constant 0 : i32
        %dma_start3A_296 = arith.constant 0 : i32
        %dma_start3A_297 = tpu.memref_slice %arg6[%dma_start3A_292, %dma_start3A_293, %dma_start3A_295, %dma_start3A_296] : memref<2x2x64x128xf32, #tpu.memory_space<vmem>> -> memref<1x1x64x128xf32, #tpu.memory_space<vmem>>
        %dma_start3A_298 = tpu.memref_squeeze %dma_start3A_297 : memref<1x1x64x128xf32, #tpu.memory_space<vmem>> -> memref<64x128xf32, #tpu.memory_space<vmem>>
        %dma_start3A_299 = arith.constant 0 : i32
        %dma_start3A_300 = tpu.memref_slice %arg5[%rem3A_262, %dma_start3A_294, %dma_start3A_299] : memref<32x2x64xi32, #tpu.memory_space<vmem>> -> memref<1x1x64xi32, #tpu.memory_space<vmem>>
        %dma_start3A_301 = tpu.memref_squeeze %dma_start3A_300 : memref<1x1x64xi32, #tpu.memory_space<vmem>> -> memref<64xi32, #tpu.memory_space<vmem>>
        %dma_start3A_302 = arith.constant 0 : i32
        %dma_start3A_303 = arith.constant 0 : i32
        %dma_start3A_304 = tpu.memref_slice %arg7[%dma_start3A_302, %dma_start3A_303] : memref<10112x128xf32, #tpu.memory_space<vmem_shared>> -> memref<10112x128xf32, #tpu.memory_space<vmem_shared>>
        tpu.enqueue_indirect_dma source(%dma_start3A_298 : memref<64x128xf32, #tpu.memory_space<vmem>>) target(%dma_start3A_304 : memref<10112x128xf32, #tpu.memory_space<vmem_shared>>) offsets(%dma_start3A_301 : memref<64xi32, #tpu.memory_space<vmem>>) semaphore(%arg12 : memref<!tpu.dma_semaphore, #tpu.memory_space<semaphore_mem>>) {add = true}
        %dma_wait3A_305 = arith.constant 0 : i32
        %dma_wait3A_306 = arith.constant 1 : i32
        %dma_wait3A_307 = arith.constant 0 : i32
        %dma_wait3A_308 = arith.constant 0 : i32
        %dma_wait3A_309 = arith.constant 0 : i32
        %dma_wait3A_310 = tpu.memref_slice %arg6[%dma_wait3A_305, %dma_wait3A_306, %dma_wait3A_308, %dma_wait3A_309] : memref<2x2x64x128xf32, #tpu.memory_space<vmem>> -> memref<1x1x64x128xf32, #tpu.memory_space<vmem>>
        %dma_wait3A_311 = tpu.memref_squeeze %dma_wait3A_310 : memref<1x1x64x128xf32, #tpu.memory_space<vmem>> -> memref<64x128xf32, #tpu.memory_space<vmem>>
        %dma_wait3A_312 = arith.constant 0 : i32
        %dma_wait3A_313 = tpu.memref_slice %arg5[%rem3A_262, %dma_wait3A_307, %dma_wait3A_312] : memref<32x2x64xi32, #tpu.memory_space<vmem>> -> memref<1x1x64xi32, #tpu.memory_space<vmem>>
        %dma_wait3A_314 = tpu.memref_squeeze %dma_wait3A_313 : memref<1x1x64xi32, #tpu.memory_space<vmem>> -> memref<64xi32, #tpu.memory_space<vmem>>
        %dma_wait3A_315 = arith.constant 0 : i32
        %dma_wait3A_316 = arith.constant 0 : i32
        %dma_wait3A_317 = tpu.memref_slice %arg7[%dma_wait3A_315, %dma_wait3A_316] : memref<10112x128xf32, #tpu.memory_space<vmem_shared>> -> memref<10112x128xf32, #tpu.memory_space<vmem_shared>>
        tpu.wait_indirect_dma semaphore(%arg12 : memref<!tpu.dma_semaphore, #tpu.memory_space<semaphore_mem>>) src(%dma_wait3A_311 : memref<64x128xf32, #tpu.memory_space<vmem>>) dst(%dma_wait3A_317 : memref<10112x128xf32, #tpu.memory_space<vmem_shared>>)
        %dma_wait3A_318 = arith.constant 0 : i32
        %dma_wait3A_319 = arith.constant 1 : i32
        %dma_wait3A_320 = arith.constant 1 : i32
        %dma_wait3A_321 = arith.constant 0 : i32
        %dma_wait3A_322 = arith.constant 0 : i32
        %dma_wait3A_323 = tpu.memref_slice %arg6[%dma_wait3A_318, %dma_wait3A_319, %dma_wait3A_321, %dma_wait3A_322] : memref<2x2x64x128xf32, #tpu.memory_space<vmem>> -> memref<1x1x64x128xf32, #tpu.memory_space<vmem>>
        %dma_wait3A_324 = tpu.memref_squeeze %dma_wait3A_323 : memref<1x1x64x128xf32, #tpu.memory_space<vmem>> -> memref<64x128xf32, #tpu.memory_space<vmem>>
        %dma_wait3A_325 = arith.constant 0 : i32
        %dma_wait3A_326 = tpu.memref_slice %arg5[%rem3A_262, %dma_wait3A_320, %dma_wait3A_325] : memref<32x2x64xi32, #tpu.memory_space<vmem>> -> memref<1x1x64xi32, #tpu.memory_space<vmem>>
        %dma_wait3A_327 = tpu.memref_squeeze %dma_wait3A_326 : memref<1x1x64xi32, #tpu.memory_space<vmem>> -> memref<64xi32, #tpu.memory_space<vmem>>
        %dma_wait3A_328 = arith.constant 0 : i32
        %dma_wait3A_329 = arith.constant 0 : i32
        %dma_wait3A_330 = tpu.memref_slice %arg7[%dma_wait3A_328, %dma_wait3A_329] : memref<10112x128xf32, #tpu.memory_space<vmem_shared>> -> memref<10112x128xf32, #tpu.memory_space<vmem_shared>>
        tpu.wait_indirect_dma semaphore(%arg12 : memref<!tpu.dma_semaphore, #tpu.memory_space<semaphore_mem>>) src(%dma_wait3A_324 : memref<64x128xf32, #tpu.memory_space<vmem>>) dst(%dma_wait3A_330 : memref<10112x128xf32, #tpu.memory_space<vmem_shared>>)
        %add3A_331 = arith.constant 2 : i32
        %add3A_332 = arith.addi %add3A_260, %add3A_331 : i32
        %sub3A_333 = arith.constant 1 : i32
        %sub3A_334 = arith.subi %select_n3A_10, %sub3A_333 : i32
        %min3A_335 = arith.minsi %add3A_332, %sub3A_334 : i32
        %rem3A_336 = arith.constant 32 : i32
        %rem3A_337 = arith.remsi %min3A_335, %rem3A_336 : i32
        %add3A_338 = arith.addi %select_n3A, %min3A_335 : i32
        %mul3A_339 = arith.constant 64 : i32
        %mul3A_340 = arith.muli %add3A_338, %mul3A_339 : i32
        %dma_start3A_341 = arith.constant 0 : i32
        %dma_start3A_342 = arith.constant 1 : i32
        %dma_start3A_343 = arith.constant 0 : i32
        %dma_start3A_344 = arith.constant 0 : i32
        %dma_start3A_345 = tpu.memref_slice %arg6[%dma_start3A_341, %dma_start3A_342, %dma_start3A_343, %dma_start3A_344] : memref<2x2x64x128xf32, #tpu.memory_space<vmem>> -> memref<1x1x64x128xf32, #tpu.memory_space<vmem>>
        %dma_start3A_346 = tpu.memref_squeeze %dma_start3A_345 : memref<1x1x64x128xf32, #tpu.memory_space<vmem>> -> memref<64x128xf32, #tpu.memory_space<vmem>>
        %dma_start3A_347 = arith.constant 0 : i32
        %dma_start3A_348 = tpu.memref_slice %arg2[%mul3A_340, %dma_start3A_347] : memref<327680x128xf32, #tpu.memory_space<hbm>> -> memref<64x128xf32, #tpu.memory_space<hbm>>
        %dma_start3A_349 = arith.constant 0 : i32
        %dma_start3A_350 = arith.constant 0 : i32
        %dma_start3A_351 = tpu.memref_slice %arg6[%dma_start3A_341, %dma_start3A_342, %dma_start3A_349, %dma_start3A_350] : memref<2x2x64x128xf32, #tpu.memory_space<vmem>> -> memref<1x1x64x128xf32, #tpu.memory_space<vmem>>
        %dma_start3A_352 = tpu.memref_squeeze %dma_start3A_351 : memref<1x1x64x128xf32, #tpu.memory_space<vmem>> -> memref<64x128xf32, #tpu.memory_space<vmem>>
        %dma_start3A_353 = arith.constant 0 : i32
        %dma_start3A_354 = tpu.memref_slice %arg2[%mul3A_340, %dma_start3A_353] : memref<327680x128xf32, #tpu.memory_space<hbm>> -> memref<64x128xf32, #tpu.memory_space<hbm>>
        tpu.enqueue_dma source(%dma_start3A_354 : memref<64x128xf32, #tpu.memory_space<hbm>>) target(%dma_start3A_352 : memref<64x128xf32, #tpu.memory_space<vmem>>) target_semaphore(%arg9 : memref<!tpu.dma_semaphore, #tpu.memory_space<semaphore_mem>>)
        %scan3A_355 = arith.constant 0 : i32
        scf.yield %scan3A_355 : i32
      }
      %scan3A_149 = arith.constant 8 : i32
      %while3A_150 = arith.constant 0 : i32
      scf.yield %while3A_150 : i32
    }
    %dma_wait3A = arith.constant 0 : i32
    %dma_wait3A_98 = arith.constant 0 : i32
    %dma_wait3A_99 = arith.constant 0 : i32
    %dma_wait3A_100 = arith.constant 0 : i32
    %dma_wait3A_101 = tpu.memref_slice %arg6[%dma_wait3A, %dma_wait3A_98, %dma_wait3A_99, %dma_wait3A_100] : memref<2x2x64x128xf32, #tpu.memory_space<vmem>> -> memref<1x1x64x128xf32, #tpu.memory_space<vmem>>
    %dma_wait3A_102 = tpu.memref_squeeze %dma_wait3A_101 : memref<1x1x64x128xf32, #tpu.memory_space<vmem>> -> memref<64x128xf32, #tpu.memory_space<vmem>>
    %dma_wait3A_103 = arith.constant 0 : i32
    %dma_wait3A_104 = arith.constant 0 : i32
    %dma_wait3A_105 = tpu.memref_slice %arg2[%dma_wait3A_103, %dma_wait3A_104] : memref<327680x128xf32, #tpu.memory_space<hbm>> -> memref<64x128xf32, #tpu.memory_space<hbm>>
    %dma_wait3A_106 = arith.constant 0 : i32
    %dma_wait3A_107 = arith.constant 0 : i32
    %dma_wait3A_108 = tpu.memref_slice %arg6[%dma_wait3A, %dma_wait3A_98, %dma_wait3A_106, %dma_wait3A_107] : memref<2x2x64x128xf32, #tpu.memory_space<vmem>> -> memref<1x1x64x128xf32, #tpu.memory_space<vmem>>
    %dma_wait3A_109 = tpu.memref_squeeze %dma_wait3A_108 : memref<1x1x64x128xf32, #tpu.memory_space<vmem>> -> memref<64x128xf32, #tpu.memory_space<vmem>>
    %dma_wait3A_110 = arith.constant 0 : i32
    %dma_wait3A_111 = arith.constant 0 : i32
    %dma_wait3A_112 = tpu.memref_slice %arg2[%dma_wait3A_110, %dma_wait3A_111] : memref<327680x128xf32, #tpu.memory_space<hbm>> -> memref<64x128xf32, #tpu.memory_space<hbm>>
    tpu.wait_dma2 semaphore(%arg8 : memref<!tpu.dma_semaphore, #tpu.memory_space<semaphore_mem>>) src(%dma_wait3A_112 : memref<64x128xf32, #tpu.memory_space<hbm>>) dst(%dma_wait3A_109 : memref<64x128xf32, #tpu.memory_space<vmem>>)
    %dma_wait3A_113 = arith.constant 0 : i32
    %dma_wait3A_114 = arith.constant 1 : i32
    %dma_wait3A_115 = arith.constant 0 : i32
    %dma_wait3A_116 = arith.constant 0 : i32
    %dma_wait3A_117 = tpu.memref_slice %arg6[%dma_wait3A_113, %dma_wait3A_114, %dma_wait3A_115, %dma_wait3A_116] : memref<2x2x64x128xf32, #tpu.memory_space<vmem>> -> memref<1x1x64x128xf32, #tpu.memory_space<vmem>>
    %dma_wait3A_118 = tpu.memref_squeeze %dma_wait3A_117 : memref<1x1x64x128xf32, #tpu.memory_space<vmem>> -> memref<64x128xf32, #tpu.memory_space<vmem>>
    %dma_wait3A_119 = arith.constant 0 : i32
    %dma_wait3A_120 = arith.constant 0 : i32
    %dma_wait3A_121 = tpu.memref_slice %arg2[%dma_wait3A_119, %dma_wait3A_120] : memref<327680x128xf32, #tpu.memory_space<hbm>> -> memref<64x128xf32, #tpu.memory_space<hbm>>
    %dma_wait3A_122 = arith.constant 0 : i32
    %dma_wait3A_123 = arith.constant 0 : i32
    %dma_wait3A_124 = tpu.memref_slice %arg6[%dma_wait3A_113, %dma_wait3A_114, %dma_wait3A_122, %dma_wait3A_123] : memref<2x2x64x128xf32, #tpu.memory_space<vmem>> -> memref<1x1x64x128xf32, #tpu.memory_space<vmem>>
    %dma_wait3A_125 = tpu.memref_squeeze %dma_wait3A_124 : memref<1x1x64x128xf32, #tpu.memory_space<vmem>> -> memref<64x128xf32, #tpu.memory_space<vmem>>
    %dma_wait3A_126 = arith.constant 0 : i32
    %dma_wait3A_127 = arith.constant 0 : i32
    %dma_wait3A_128 = tpu.memref_slice %arg2[%dma_wait3A_126, %dma_wait3A_127] : memref<327680x128xf32, #tpu.memory_space<hbm>> -> memref<64x128xf32, #tpu.memory_space<hbm>>
    tpu.wait_dma2 semaphore(%arg9 : memref<!tpu.dma_semaphore, #tpu.memory_space<semaphore_mem>>) src(%dma_wait3A_128 : memref<64x128xf32, #tpu.memory_space<hbm>>) dst(%dma_wait3A_125 : memref<64x128xf32, #tpu.memory_space<vmem>>)
    %barrier3A_129 = arith.constant 0 : index
    tpu.barrier barrier_id(%barrier3A_129)
    "tpu.region"() ({
      %run_scoped3A_130 = tpu.sem_alloc : memref<!tpu.dma_semaphore, #tpu.memory_space<semaphore_mem>>
      %dma_start3A_131 = arith.constant 0 : i32
      %dma_start3A_132 = tpu.memref_slice %arg4[%arg0, %mul3A_0, %dma_start3A_131] : memref<2x10112x128xf32, #tpu.memory_space<hbm>> -> memref<1x632x128xf32, #tpu.memory_space<hbm>>
      %dma_start3A_133 = tpu.memref_squeeze %dma_start3A_132 : memref<1x632x128xf32, #tpu.memory_space<hbm>> -> memref<632x128xf32, #tpu.memory_space<hbm>>
      %dma_start3A_134 = arith.constant 0 : i32
      %dma_start3A_135 = tpu.memref_slice %arg7[%mul3A_0, %dma_start3A_134] : memref<10112x128xf32, #tpu.memory_space<vmem_shared>> -> memref<632x128xf32, #tpu.memory_space<vmem_shared>>
      tpu.enqueue_dma source(%dma_start3A_135 : memref<632x128xf32, #tpu.memory_space<vmem_shared>>) target(%dma_start3A_133 : memref<632x128xf32, #tpu.memory_space<hbm>>) target_semaphore(%run_scoped3A_130 : memref<!tpu.dma_semaphore, #tpu.memory_space<semaphore_mem>>)
      %dma_wait3A_136 = arith.constant 0 : i32
      %dma_wait3A_137 = tpu.memref_slice %arg4[%arg0, %mul3A_0, %dma_wait3A_136] : memref<2x10112x128xf32, #tpu.memory_space<hbm>> -> memref<1x632x128xf32, #tpu.memory_space<hbm>>
      %dma_wait3A_138 = tpu.memref_squeeze %dma_wait3A_137 : memref<1x632x128xf32, #tpu.memory_space<hbm>> -> memref<632x128xf32, #tpu.memory_space<hbm>>
      %dma_wait3A_139 = arith.constant 0 : i32
      %dma_wait3A_140 = tpu.memref_slice %arg7[%mul3A_0, %dma_wait3A_139] : memref<10112x128xf32, #tpu.memory_space<vmem_shared>> -> memref<632x128xf32, #tpu.memory_space<vmem_shared>>
      tpu.wait_dma2 semaphore(%run_scoped3A_130 : memref<!tpu.dma_semaphore, #tpu.memory_space<semaphore_mem>>) src(%dma_wait3A_140 : memref<632x128xf32, #tpu.memory_space<vmem_shared>>) dst(%dma_wait3A_138 : memref<632x128xf32, #tpu.memory_space<hbm>>)
      tpu.yield
    }) : () -> ()
    return
  }
}

module attributes {stable_mosaic.version = 14 : i64} {
  func.func @_emb_body(%arg0: i32, %arg1: memref<1264x128xf32, #tpu.memory_space<vmem>>, %arg2: memref<128x128xf32, #tpu.memory_space<vmem>>, %arg3: memref<1x128xf32, #tpu.memory_space<vmem>>, %arg4: memref<1264x128xf32, #tpu.memory_space<vmem>>) attributes {dimension_semantics = [#tpu.dimension_semantics<arbitrary>], iteration_bounds = array<i64: 8>, scalar_prefetch = 0 : i64, scratch_operands = 0 : i64, tpu.core_type = #tpu.core_type<tc>, window_params = [{transform_indices = @transform_0, window_bounds = array<i64: 1264, 128>}, {pipeline_mode = #tpu.pipeline_mode<synchronous>, transform_indices = @transform_1, window_bounds = array<i64: 128, 128>}, {pipeline_mode = #tpu.pipeline_mode<synchronous>, transform_indices = @transform_2, window_bounds = array<i64: 1, 128>}, {transform_indices = @transform_3, window_bounds = array<i64: 1264, 128>}]} {
    %get3A = arith.constant 0 : index
    %get3A_0 = arith.constant 0 : index
    %get3A_1 = vector.load %arg1[%get3A, %get3A_0] : memref<1264x128xf32, #tpu.memory_space<vmem>>, vector<1264x128xf32>
    %get3A_2 = arith.constant 0 : index
    %get3A_3 = arith.constant 0 : index
    %get3A_4 = vector.load %arg2[%get3A_2, %get3A_3] : memref<128x128xf32, #tpu.memory_space<vmem>>, vector<128x128xf32>
    %dot_general3A = arith.constant dense<0.000000e+00> : vector<1264x128xf32>
    %dot_general3A_5 = tpu.matmul %get3A_1, %get3A_4, %dot_general3A {dimension_numbers = #tpu.dot_dimension_numbers<[1], [0], [0], [1], [0, 0, 1, 1], [], []>, transpose_lhs_hint = false} : vector<1264x128xf32>, vector<128x128xf32>, vector<1264x128xf32> -> vector<1264x128xf32>
    %get3A_6 = arith.constant 0 : index
    %get3A_7 = arith.constant 0 : index
    %get3A_8 = vector.load %arg3[%get3A_6, %get3A_7] : memref<1x128xf32, #tpu.memory_space<vmem>>, vector<1x128xf32>
    %add3A = vector.broadcast %get3A_8 : vector<1x128xf32> to vector<1264x128xf32>
    %add3A_9 = arith.addf %dot_general3A_5, %add3A : vector<1264x128xf32>
    %max3A = arith.constant 0.000000e+00 : f32
    %max3A_10 = vector.broadcast %max3A : f32 to vector<1264x128xf32>
    %max3A_11 = arith.maximumf %add3A_9, %max3A_10 : vector<1264x128xf32>
    %swap3A = arith.constant 0 : index
    %swap3A_12 = arith.constant 0 : index
    %swap3A_13 = vector.load %arg4[%swap3A, %swap3A_12] : memref<1264x128xf32, #tpu.memory_space<vmem>>, vector<1264x128xf32>
    tpu.vector_store %arg4[%swap3A, %swap3A_12], %max3A_11 {strides = array<i32>} : memref<1264x128xf32, #tpu.memory_space<vmem>>, vector<1264x128xf32>,
    return
  }
  func.func @transform_0(%arg0: i32) -> (i32, i32) {
    %c0_i32 = arith.constant 0 : i32
    %c0_i32_0 = arith.constant 0 : i32
    return %arg0, %c0_i32 : i32, i32
  }
  func.func @transform_1(%arg0: i32) -> (i32, i32) {
    %c0_i32 = arith.constant 0 : i32
    %c0_i32_0 = arith.constant 0 : i32
    %c0_i32_1 = arith.constant 0 : i32
    return %c0_i32, %c0_i32_0 : i32, i32
  }
  func.func @transform_2(%arg0: i32) -> (i32, i32) {
    %c0_i32 = arith.constant 0 : i32
    %c0_i32_0 = arith.constant 0 : i32
    %c0_i32_1 = arith.constant 0 : i32
    return %c0_i32, %c0_i32_0 : i32, i32
  }
  func.func @transform_3(%arg0: i32) -> (i32, i32) {
    %c0_i32 = arith.constant 0 : i32
    %c0_i32_0 = arith.constant 0 : i32
    return %arg0, %c0_i32 : i32, i32
  }
}

module attributes {stable_mosaic.version = 14 : i64} {
  func.func @_upd_body(%arg0: i32, %arg1: memref<1264x128xf32, #tpu.memory_space<vmem>>, %arg2: memref<1x1264x128xf32, #tpu.memory_space<vmem>>, %arg3: memref<1x1264x128xf32, #tpu.memory_space<vmem>>, %arg4: memref<1x1264x128xf32, #tpu.memory_space<vmem>>, %arg5: memref<1x1264x128xf32, #tpu.memory_space<vmem>>, %arg6: memref<128x128xf32, #tpu.memory_space<vmem>>, %arg7: memref<16x128xf32, #tpu.memory_space<vmem>>, %arg8: memref<1x128xf32, #tpu.memory_space<vmem>>, %arg9: memref<1264x128xf32, #tpu.memory_space<vmem>>) attributes {dimension_semantics = [#tpu.dimension_semantics<arbitrary>], iteration_bounds = array<i64: 8>, scalar_prefetch = 0 : i64, scratch_operands = 0 : i64, tpu.core_type = #tpu.core_type<tc>, window_params = [{transform_indices = @transform_0, window_bounds = array<i64: 1264, 128>}, {transform_indices = @transform_1, window_bounds = array<i64: 1, 1264, 128>}, {transform_indices = @transform_2, window_bounds = array<i64: 1, 1264, 128>}, {transform_indices = @transform_3, window_bounds = array<i64: 1, 1264, 128>}, {transform_indices = @transform_4, window_bounds = array<i64: 1, 1264, 128>}, {pipeline_mode = #tpu.pipeline_mode<synchronous>, transform_indices = @transform_5, window_bounds = array<i64: 128, 128>}, {pipeline_mode = #tpu.pipeline_mode<synchronous>, transform_indices = @transform_6, window_bounds = array<i64: 16, 128>}, {pipeline_mode = #tpu.pipeline_mode<synchronous>, transform_indices = @transform_7, window_bounds = array<i64: 1, 128>}, {transform_indices = @transform_8, window_bounds = array<i64: 1264, 128>}]} {
    %get3A = arith.constant 0 : index
    %get3A_0 = arith.constant 0 : index
    %get3A_1 = vector.load %arg1[%get3A, %get3A_0] : memref<1264x128xf32, #tpu.memory_space<vmem>>, vector<1264x128xf32>
    %get3A_2 = arith.constant 0 : index
    %get3A_3 = arith.constant 0 : index
    %get3A_4 = arith.constant 0 : index
    %get3A_5 = vector.load %arg2[%get3A_2, %get3A_3, %get3A_4] : memref<1x1264x128xf32, #tpu.memory_space<vmem>>, vector<1x1264x128xf32>
    %get3A_6 = vector.shape_cast %get3A_5 : vector<1x1264x128xf32> to vector<1264x128xf32>
    %add3A = arith.addf %get3A_1, %get3A_6 : vector<1264x128xf32>
    %get3A_7 = arith.constant 0 : index
    %get3A_8 = arith.constant 0 : index
    %get3A_9 = arith.constant 0 : index
    %get3A_10 = vector.load %arg3[%get3A_7, %get3A_8, %get3A_9] : memref<1x1264x128xf32, #tpu.memory_space<vmem>>, vector<1x1264x128xf32>
    %get3A_11 = vector.shape_cast %get3A_10 : vector<1x1264x128xf32> to vector<1264x128xf32>
    %add3A_12 = arith.addf %add3A, %get3A_11 : vector<1264x128xf32>
    %get3A_13 = arith.constant 0 : index
    %get3A_14 = arith.constant 0 : index
    %get3A_15 = arith.constant 0 : index
    %get3A_16 = vector.load %arg4[%get3A_13, %get3A_14, %get3A_15] : memref<1x1264x128xf32, #tpu.memory_space<vmem>>, vector<1x1264x128xf32>
    %get3A_17 = vector.shape_cast %get3A_16 : vector<1x1264x128xf32> to vector<1264x128xf32>
    %get3A_18 = arith.constant 0 : index
    %get3A_19 = arith.constant 0 : index
    %get3A_20 = arith.constant 0 : index
    %get3A_21 = vector.load %arg5[%get3A_18, %get3A_19, %get3A_20] : memref<1x1264x128xf32, #tpu.memory_space<vmem>>, vector<1x1264x128xf32>
    %get3A_22 = vector.shape_cast %get3A_21 : vector<1x1264x128xf32> to vector<1264x128xf32>
    %add3A_23 = arith.addf %get3A_17, %get3A_22 : vector<1264x128xf32>
    %slice3A = vector.extract_strided_slice %add3A_23 {offsets = [0, 16], sizes = [1264, 1], strides = [1, 1]} : vector<1264x128xf32> to vector<1264x1xf32>
    %add3A_24 = arith.constant 1.000000e+00 : f32
    %add3A_25 = vector.broadcast %add3A_24 : f32 to vector<1264x1xf32>
    %add3A_26 = arith.addf %slice3A, %add3A_25 : vector<1264x1xf32>
    %div3A = vector.broadcast %add3A_26 : vector<1264x1xf32> to vector<1264x128xf32>
    %div3A_27 = arith.divf %add3A_12, %div3A : vector<1264x128xf32>
    %slice3A_28 = vector.extract_strided_slice %add3A_23 {offsets = [0, 0], sizes = [1264, 16], strides = [1, 1]} : vector<1264x128xf32> to vector<1264x16xf32>
    %get3A_29 = arith.constant 0 : index
    %get3A_30 = arith.constant 0 : index
    %get3A_31 = vector.load %arg6[%get3A_29, %get3A_30] : memref<128x128xf32, #tpu.memory_space<vmem>>, vector<128x128xf32>
    %dot_general3A = arith.constant dense<0.000000e+00> : vector<1264x128xf32>
    %dot_general3A_32 = tpu.matmul %div3A_27, %get3A_31, %dot_general3A {dimension_numbers = #tpu.dot_dimension_numbers<[1], [0], [0], [1], [0, 0, 1, 1], [], []>, transpose_lhs_hint = false} : vector<1264x128xf32>, vector<128x128xf32>, vector<1264x128xf32> -> vector<1264x128xf32>
    %get3A_33 = arith.constant 0 : index
    %get3A_34 = arith.constant 0 : index
    %get3A_35 = vector.load %arg7[%get3A_33, %get3A_34] : memref<16x128xf32, #tpu.memory_space<vmem>>, vector<16x128xf32>
    %dot_general3A_36 = arith.constant dense<0.000000e+00> : vector<1264x128xf32>
    %dot_general3A_37 = tpu.matmul %slice3A_28, %get3A_35, %dot_general3A_36 {dimension_numbers = #tpu.dot_dimension_numbers<[1], [0], [0], [1], [0, 0, 1, 1], [], []>, transpose_lhs_hint = false} : vector<1264x16xf32>, vector<16x128xf32>, vector<1264x128xf32> -> vector<1264x128xf32>
    %add3A_38 = arith.addf %dot_general3A_32, %dot_general3A_37 : vector<1264x128xf32>
    %get3A_39 = arith.constant 0 : index
    %get3A_40 = arith.constant 0 : index
    %get3A_41 = vector.load %arg8[%get3A_39, %get3A_40] : memref<1x128xf32, #tpu.memory_space<vmem>>, vector<1x128xf32>
    %add3A_42 = vector.broadcast %get3A_41 : vector<1x128xf32> to vector<1264x128xf32>
    %add3A_43 = arith.addf %add3A_38, %add3A_42 : vector<1264x128xf32>
    %neg3A = arith.constant 0.000000e+00 : f32
    %neg3A_44 = vector.broadcast %neg3A : f32 to vector<1264x128xf32>
    %neg3A_45 = arith.subf %neg3A_44, %add3A_43 : vector<1264x128xf32>
    %exp3A = math.exp %neg3A_45 : vector<1264x128xf32>
    %add3A_46 = arith.constant 1.000000e+00 : f32
    %add3A_47 = vector.broadcast %add3A_46 : f32 to vector<1264x128xf32>
    %add3A_48 = arith.addf %add3A_47, %exp3A : vector<1264x128xf32>
    %div3A_49 = arith.constant 1.000000e+00 : f32
    %div3A_50 = vector.broadcast %div3A_49 : f32 to vector<1264x128xf32>
    %div3A_51 = arith.divf %div3A_50, %add3A_48 : vector<1264x128xf32>
    %swap3A = arith.constant 0 : index
    %swap3A_52 = arith.constant 0 : index
    %swap3A_53 = vector.load %arg9[%swap3A, %swap3A_52] : memref<1264x128xf32, #tpu.memory_space<vmem>>, vector<1264x128xf32>
    tpu.vector_store %arg9[%swap3A, %swap3A_52], %div3A_51 {strides = array<i32>} : memref<1264x128xf32, #tpu.memory_space<vmem>>, vector<1264x128xf32>,
    return
  }
  func.func @transform_0(%arg0: i32) -> (i32, i32) {
    %c0_i32 = arith.constant 0 : i32
    %c0_i32_0 = arith.constant 0 : i32
    return %arg0, %c0_i32 : i32, i32
  }
  func.func @transform_1(%arg0: i32) -> (i32, i32, i32) {
    %c0_i32 = arith.constant 0 : i32
    %c0_i32_0 = arith.constant 0 : i32
    %c0_i32_1 = arith.constant 0 : i32
    return %c0_i32, %arg0, %c0_i32_0 : i32, i32, i32
  }
  func.func @transform_2(%arg0: i32) -> (i32, i32, i32) {
    %c1_i32 = arith.constant 1 : i32
    %c0_i32 = arith.constant 0 : i32
    %c0_i32_0 = arith.constant 0 : i32
    return %c1_i32, %arg0, %c0_i32 : i32, i32, i32
  }
  func.func @transform_3(%arg0: i32) -> (i32, i32, i32) {
    %c0_i32 = arith.constant 0 : i32
    %c0_i32_0 = arith.constant 0 : i32
    %c0_i32_1 = arith.constant 0 : i32
    return %c0_i32, %arg0, %c0_i32_0 : i32, i32, i32
  }
  func.func @transform_4(%arg0: i32) -> (i32, i32, i32) {
    %c1_i32 = arith.constant 1 : i32
    %c0_i32 = arith.constant 0 : i32
    %c0_i32_0 = arith.constant 0 : i32
    return %c1_i32, %arg0, %c0_i32 : i32, i32, i32
  }
  func.func @transform_5(%arg0: i32) -> (i32, i32) {
    %c0_i32 = arith.constant 0 : i32
    %c0_i32_0 = arith.constant 0 : i32
    %c0_i32_1 = arith.constant 0 : i32
    return %c0_i32, %c0_i32_0 : i32, i32
  }
  func.func @transform_6(%arg0: i32) -> (i32, i32) {
    %c0_i32 = arith.constant 0 : i32
    %c0_i32_0 = arith.constant 0 : i32
    %c0_i32_1 = arith.constant 0 : i32
    return %c0_i32, %c0_i32_0 : i32, i32
  }
  func.func @transform_7(%arg0: i32) -> (i32, i32) {
    %c0_i32 = arith.constant 0 : i32
    %c0_i32_0 = arith.constant 0 : i32
    %c0_i32_1 = arith.constant 0 : i32
    return %c0_i32, %c0_i32_0 : i32, i32
  }
  func.func @transform_8(%arg0: i32) -> (i32, i32) {
    %c0_i32 = arith.constant 0 : i32
    %c0_i32_0 = arith.constant 0 : i32
    return %arg0, %c0_i32 : i32, i32
  }
}

</mosaic_0001>

<sc_bundles>
// kernel: kernel.11.cloned.1.call-start
scs
__scs_entry_jumppad:
0x0: {  	(pc) =	sbr.rel $0x88, $3  }
0x1: {  	(tag) =	ssettag $0x0;
	lr =	simm.s32 $0x1  }
0x2: {  	[smem:$0x3F9A] =	sst lr;
	_ =	strace $0xD0000000  }
0x3: {  	_ = 	snop  }
0x4: {  	_ = 	snop  }
0x5: {  	_ = 	snop  }
0x6: {  	_ = 	snop  }
0x7: {  	_ = 	snop  }
__scs_overlays_trampoline_lowered:
0x8: {  	[smem:$0x3FA9] =	sst s0  }
0x9: {  	[smem:$0x3FAA] =	sst s1  }
0xa: {  	[smem:$0x3FAB] =	sst s2  }
0xb: {  	[smem:$0x3FAC] =	sst s3  }
0xc: {  	[smem:$0x3FAD] =	sst s4  }
0xd: {  	[smem:$0x3FAE] =	sst s5  }
0xe: {  	[smem:$0x3FAF] =	sst s6  }
0xf: {  	[smem:$0x3FB0] =	sst s7  }
0x10: {  	[smem:$0x3FB1] =	sst s8  }
0x11: {  	[smem:$0x3FB2] =	sst s9;
	s0 =	simm.s32 @!p0 $0x0  }
0x12: {  	s1 =	sld [smem:$0x3F98];
	s0 =	simm.s32 @p0 $0x1  }
0x13: {  	[smem:$0x3FB3] =	sst s0;
	s0 =	simm.s32 @!p1 $0x0  }
0x14: {  	s2 =	sld [smem:$0x3F97];
	s0 =	simm.s32 @p1 $0x1  }
0x15: {  	[smem:$0x3FB4] =	sst s0;
	s0 =	simm.s32 @!p2 $0x0  }
0x16: {  	s3 =	sld [smem:$0x3FDB];
	s0 =	simm.s32 @p2 $0x1  }
0x17: {  	s4 =	simm.s32 $0x1BF5;
	[smem:$0x3FB6] =	sst s0  }
0x18: {  	s0 =	sld [smem:$0x3F99];
	_ =	swait.ge [sflag:s4], $0x0  }
0x19: {  	s7 =	sld [smem:$0x3F9A]  }
0x1a: {  	s8 =	sadd.s32 $0xFFFFE003, lr  }
0x1b: {  	s9 =	sadd.s32 $0xFFFFFEF7, lr;
	s5 =	simm.s32 $0xFFFFFFFF;
	p2 =	slt.u32 s8, $0xFFFFF086  }
0x1c: {  	p1 =	slt.u32 s9, $0xF7A;
	s5 =	simm.s32 @!p2 $0x0  }
0x1d: {  	s5 =	simm.s32 @p1 $0x1;
	p0 =	seq.s32 s7, s2  }
0x1e: {  	s7 =	smul.u32 @!p0 $0xF7A, s2;
	p2 =	seq.s32 @!p0 s5, $0x0  }
0x1f: {  	s9 =	smul.u32 $0xF7A, s1;
	s8 =	simm.s32 @!p0 $0x1BF5;
	p2 =	por !p2, p0  }
0x20: {  	[sflag:s8] =	ssyncset.s32 @!p0 $0xFFFFF086;
	s6 =	sadd.s32 @!p0 s3, s7;
	s7 =	simm.s32 @!p0 $0x108  }
0x21: {  	s3 =	sadd.s32 s3, s9;
	s6 =	sadd.s32 @!p0 $0x88, s6;
	s7 =	simm.s32 @p2 $0x1082  }
0x22: {  	[simem:s7], [sflag:s8] =	dma.local @!p0 [hbm:s6], $0xF7A  }
0x23: {  	s9 =	sor.u32 $0xD0000000, s2;
	s6 =	simm.s32 $0x108;
	_ =	swait.ge @!p0 [sflag:s8], $0x0  }
0x24: {  	s3 =	sadd.s32 $0x88, s3;
	s6 =	simm.s32 @!p1 $0x1082;
	[sflag:s4] =	ssyncset.s32 $0xFFFFF086  }
0x25: {  	[simem:s6], [sflag:s4] =	dma.local [hbm:s3], $0xF7A  }
0x26: {  	[smem:$0x3F9A] =	sst s1;
	(tag) =	ssettag s2;
	_ =	strace s9  }
0x27: {  	s1 =	sld [smem:$0x3FAA]  }
0x28: {  	s2 =	sld [smem:$0x3FAB]  }
0x29: {  	s4 =	sld [smem:$0x3FAD]  }
0x2a: {  	p0 =	seq.s32 s5, $0x0;
	s5 =	sld [smem:$0x3FAE]  }
0x2b: {  	s6 =	sld [smem:$0x3FAF]  }
0x2c: {  	s7 =	sld [smem:$0x3FB0]  }
0x2d: {  	s3 =	simm.s32 $0x108;
	s8 =	sld [smem:$0x3FB1]  }
0x2e: {  	s3 =	simm.s32 @!p0 $0x1082;
	s9 =	sld [smem:$0x3FB2]  }
0x2f: {  	lr =	sadd.s32 s0, s3;
	s0 =	sld [smem:$0x3FA9]  }
0x30: {  	s3 =	sld [smem:$0x3FAC]  }
0x31: {  	[smem:$0x3FB5] =	sst s10  }
0x32: {  	s10 =	sld [smem:$0x3FB3];
	_ =	sdelay $0x3  }
0x33: {  	p0 =	seq.s32 s10, $0x1;
	s10 =	sld [smem:$0x3FB5];
	_ =	sdelay $0x3  }
0x34: {  	[smem:$0x3FB5] =	sst s10  }
0x35: {  	s10 =	sld [smem:$0x3FB4];
	_ =	sdelay $0x3  }
0x36: {  	p1 =	seq.s32 s10, $0x1;
	s10 =	sld [smem:$0x3FB5];
	_ =	sdelay $0x3  }
0x37: {  	[smem:$0x3FB5] =	sst s10  }
0x38: {  	s10 =	sld [smem:$0x3FB6]  }
0x39: {  	_ = 	snop;
	(pc) =	sbr.ind lr, $3  }
0x3a: {  	_ = 	snop  }
0x3b: {  	_ = 	snop  }
0x3c: {  	p2 =	seq.s32 s10, $0x1;
	s10 =	sld [smem:$0x3FB5]  }
0x3d: {  	_ =	shalt  }
0x3e: {  	_ =	shalt  }
0x3f: {  	_ =	shalt  }
0x40: {  	_ =	shalt  }
0x41: {  	_ =	shalt  }
0x42: {  	_ =	shalt  }
0x43: {  	_ =	shalt  }
0x44: {  	_ =	shalt  }
0x45: {  	_ =	shalt  }
0x46: {  	_ =	shalt  }
0x47: {  	_ =	shalt  }
0x48: {  	_ =	shalt  }
0x49: {  	_ =	shalt  }
0x4a: {  	_ =	shalt  }
0x4b: {  	_ =	shalt  }
0x4c: {  	_ =	shalt  }
0x4d: {  	_ =	shalt  }
0x4e: {  	_ =	shalt  }
0x4f: {  	_ =	shalt  }
0x50: {  	_ =	shalt  }
0x51: {  	_ =	shalt  }
0x52: {  	_ =	shalt  }
0x53: {  	_ =	shalt  }
0x54: {  	_ =	shalt  }
0x55: {  	_ =	shalt  }
0x56: {  	_ =	shalt  }
0x57: {  	_ =	shalt  }
0x58: {  	_ =	shalt  }
0x59: {  	_ =	shalt  }
0x5a: {  	_ =	shalt  }
0x5b: {  	_ =	shalt  }
0x5c: {  	_ =	shalt  }
0x5d: {  	_ =	shalt  }
0x5e: {  	_ =	shalt  }
0x5f: {  	_ =	shalt  }
0x60: {  	_ =	shalt  }
0x61: {  	_ =	shalt  }
0x62: {  	_ =	shalt  }
0x63: {  	_ =	shalt  }
0x64: {  	_ =	shalt  }
0x65: {  	_ =	shalt  }
0x66: {  	_ =	shalt  }
0x67: {  	_ =	shalt  }
0x68: {  	_ =	shalt  }
0x69: {  	_ =	shalt  }
0x6a: {  	_ =	shalt  }
0x6b: {  	_ =	shalt  }
0x6c: {  	_ =	shalt  }
0x6d: {  	_ =	shalt  }
0x6e: {  	_ =	shalt  }
0x6f: {  	_ =	shalt  }
0x70: {  	_ =	shalt  }
0x71: {  	_ =	shalt  }
0x72: {  	_ =	shalt  }
0x73: {  	_ =	shalt  }
0x74: {  	_ =	shalt  }
0x75: {  	_ =	shalt  }
0x76: {  	_ =	shalt  }
0x77: {  	_ =	shalt  }
0x78: {  	_ =	shalt  }
0x79: {  	_ =	shalt  }
0x7a: {  	_ =	shalt  }
0x7b: {  	_ =	shalt  }
0x7c: {  	_ =	shalt  }
0x7d: {  	_ =	shalt  }
0x7e: {  	_ =	shalt  }
0x7f: {  	_ =	shalt  }
0x80: {  	_ =	shalt  }
0x81: {  	_ =	shalt  }
0x82: {  	_ =	shalt  }
0x83: {  	_ =	shalt  }
0x84: {  	_ =	shalt  }
0x85: {  	_ =	shalt  }
0x86: {  	_ =	shalt  }
0x87: {  	_ =	shalt  }
.Lfunc_end0:
.L_simem_size_0:
called_computation.1_lowered:
.L_overlay_start_0:
0x88: {  	s2 =	sld [smem:$0x3FD9]  }
0x89: {  	s3 =	sld [smem:$0x3FFE];
	_ =	sdelay $0x1  }
0x8a: {  	s1 =	srdreg.scid  }
0x8b: {  	s0 =	sand.u32 $0x1, s1  }
0x8c: {  	s17 =	sshll.u32 s0, $0xA;
	s2 =	sadd.s32 s3, s2  }
0x8d: {  	s2 =	sadd.s32 s2, s17  }
0x8e: {  	[smem:$0x3FC1] =	sst s2  }
0x8f: {  	_ = 	snop  }
0x90: {  	(tm) =	ssettm $0x1  }
0x91: {  	s18 =	sld [smem:$0x3FFB];
	_ =	sdelay $0x3  }
0x92: {  	_ =	strace s18  }
0x93: {  	s2 =	sld [smem:$0x3FFC];
	_ =	sdelay $0x3  }
0x94: {  	_ =	strace s2  }
0x95: {  	s2 =	sld [smem:$0x3FFD];
	_ =	sdelay $0x3  }
0x96: {  	_ =	strace s2  }
0x97: {  	_ =	strace $0x8FFFFFFF  }
0x98: {  	s19 =	sld [smem:$0x3FDB];
	_ =	sdelay $0x1  }
0x99: {  	s20 =	simm.s32 $_scs_section_size  }
0x9a: {  	s4 =	simm.s32 $_size__tile_overlayer_lowered;
	s5 =	simm.s32 $_tile_overlayer_lowered  }
0x9b: {  	s6 =	simm.s32 $0x1BFF;
	s21 =	sshll.u32 s5, $0x1;
	s3 =	sadd.s32 s20, s19  }
0x9c: {  	s22 =	simm.s32 $0x0;
	s4 =	sshll.u32 s4, $0x1;
	s5 =	sadd.s32 s21, s3  }
0x9d: {  	[timem:s22], [sflag:s6] =	dma.local [hbm:s5], s4  }
0x9e: {  	_ =	swait.ge [sflag:s6], s4  }
0x9f: {  	s4 =	ssub.s32 $0x0, s4;
	[sflag:s6] =	ssyncset.done $0x0  }
0xa0: {  	[sflag:s6] =	ssyncadd.s32 s4;
	_ =	sdelay $0x1  }
0xa1: {  	s23 =	simm.s32 $0x1B8B  }
0xa2: {  	_ =	swait.ge [sflag:s23], $0x1  }
0xa3: {  	[sflag:s23] =	ssyncset.done $0x0  }
0xa4: {  	[sflag:s23] =	ssyncadd.s32 $0xFFFFFFFF  }
0xa5: {  	s4 =	sld [smem:$0x0]  }
0xa6: {  	s5 =	sand.u32 $0xFFFFFFFE, s1  }
0xa7: {  	p0 =	sne.s32 s1, s5  }
0xa8: {  	s5 =	sshll.u32 @p0 s5, $0xE  }
0xa9: {  	s5 =	sadd.s32 @p0 $0x11B8D, s5;
	s6 =	sshll.u32 @p0 s4, $0x11  }
0xaa: {  	s5 =	sor.u32 @p0 s6, s5  }
0xab: {  	[sflag:s5] =	ssyncadd.remote.s32 @p0 $0x1;
	_ =	sdelay $0x1  }
0xac: {  	s5 =	simm.s32 @p0 $0x1B8D  }
0xad: {  	_ =	swait.eq @p0 [sflag:s5], $0x1  }
0xae: {  	[sflag:s5] =	ssyncadd.s32 @p0 $0xFFFFFFFF  }
0xaf: {  	s6 =	sshll.u32 @!p0 s1, $0xE  }
0xb0: {  	s6 =	sor.u32 @!p0 $0x4000, s6;
	s5 =	simm.s32 @!p0 $0x1B8D  }
0xb1: {  	s4 =	sshll.u32 @!p0 s4, $0x11;
	s6 =	sadd.s32 @!p0 $0x11B8D, s6;
	_ =	swait.eq @!p0 [sflag:s5], $0x1  }
0xb2: {  	s4 =	sor.u32 @!p0 s4, s6;
	[sflag:s5] =	ssyncadd.s32 @!p0 $0xFFFFFFFF  }
0xb3: {  	s25 =	simm.s32 $0x1B8E;
	s24 =	sld [smem:$0x3FFE];
	[sflag:s4] =	ssyncadd.remote.s32 @!p0 $0x1  }
0xb4: {  	s26 =	simm.s32 $execute0_lowered;
	[smem:$0x3FD2] =	sst s25  }
0xb5: {  	s5 =	sshll.u32 s26, $0x1;
	_ =	strace $0x80000049;
	[dreg:$0x1] =	wrdreg $0xFFFFFFFF  }
0xb6: {  	s28 =	simm.s32 $_size_execute0_lowered;
	s3 =	sadd.s32 s3, s5;
	[dreg:$0x0] =	wrdreg $0x0  }
0xb7: {  	s5 =	sshll.u32 s28, $0x1;
	[dreg:$0x2] =	wrdreg s3  }
0xb8: {  	[dreg:$0x3] =	wrdreg s5  }
0xb9: {  	[dreg:$0x4] =	wrdreg $0xC0  }
0xba: {  	_ =	task [dreg:s22], $0x5FFFF  }
0xbb: {  	[dreg:$0x1] =	wrdreg $0xFFFFFFFF  }
0xbc: {  	[dreg:$0x0] =	wrdreg $0x60  }
0xbd: {  	[dreg:$0x2] =	wrdreg s24  }
0xbe: {  	[dreg:$0x3] =	wrdreg $0xA0000  }
0xbf: {  	[dreg:$0x4] =	wrdreg $0xA  }
0xc0: {  	_ =	task.clear_ibuf [dreg:s22], $0x5FFFF;
	_ =	strace $0x90000049  }
0xc1: {  	s29 =	simm.s32 $0xA;
	_ =	strace $0x8000004B  }
0xc2: {  	_ =	swait.ge [sflag:s29], $0x1  }
0xc3: {  	[sflag:s29] =	ssyncadd.s32 $0xFFFFFFFF  }
0xc4: {  	_ =	strace $0x9000004B  }
0xc5: {  	_ =	sfence  }
0xc6: {  	s30 =	sld [smem:$0x0];
	_ =	sdelay $0x2  }
0xc7: {  	s31 =	sshll.u32 s1, $0xD;
	s1 =	sshrl.u32 s1, $0x2  }
0xc8: {  	s4 =	sand.u32 $0x4000, s31;
	s1 =	sadd.s32 s1, s30  }
0xc9: {  	s0 =	sor.u32 s4, s0;
	s1 =	sshll.u32 s1, $0x11  }
0xca: {  	s0 =	sor.u32 s1, s0  }
0xcb: {  	s0 =	sadd.s32 $0x8F2B, s0  }
0xcc: {  	[sflag:s0] =	ssyncadd.remote.s32 $0x1  }
0xcd: {  	_ =	sfence.sel $0xFFFF  }
0xce: {  	[dreg:$0x0] =	wrdreg $0xFFFFFFFF;
	(pc) =	sbr.abs _section_cstart, $3  }
0xcf: {  	[dreg:$0x1] =	wrdreg $0xFFFFFFFF  }
0xd0: {  	_ =	task.clear_ibuf [dreg:s22], $0x2FFFF;
	_ =	strace $0x9FFFFFFF  }
0xd1: {  	(tm) =	ssettm $0x7FFFFFFF  }
tec
execute0_lowered:
.L_overlay_start_1:
0x0: {  	(tag) =	ssettag $0x1  }
0x1: {  	s0 =	rddreg [dreg:$0x0]  }
0x2: {  	s2 =	rddreg [dreg:$0x1];
	s1 =	srdreg.scid  }
0x3: {  	s8 =	stileid.u32;
	s3 =	simm.s32 $0x0;
	s18 =	simm.s32 $0x2000  }
0x4: {  	s19 =	simm.s32 $0x6;
	s20 =	simm.s32 $0x40;
	s4 =	smul.u32 $0x1400, s8  }
0x5: {  	s28 =	simm.s32 $0x1;
	s29 =	simm.s32 $0x3;
	s7 =	smul.u32 $0x13C00, s8  }
0x6: {  	s30 =	simm.s32 $0x5;
	s1 =	sand.u32 $0x1, s1;
	s8 =	smul.u32 $0x4F000, s8  }
0x7: {  	s31 =	simm.s32 $0x2;
	[smem:$0x7FF] =	sst s3;
	s5 =	smul.u32 $0x13C000, s1  }
0x8: {  	p0 =	seq.s32 s1, $0x0;
	_ =	strace $0x8000004A;
	s1 =	ssub.s32 $0x2, s1  }
0x9: {  	s6 =	sadd.s32 $0x14000, s4;
	s21 =	sshrl.u32 s8, $0x2;
	s22 =	sshrl.u32 s1, $0x1  }
0xa: {  	s6 =	smov.u32 @p0 s4;
	s4 =	sadd.s32 $0x78E00, s0;
	s5 =	sadd.s32 s7, s5  }
0xb: {  	s1 =	ssub.s32 s1, s22;
	s6 =	sadd.s32 s6, s0;
	s5 =	sshrl.u32 s5, $0x3  }
0xc: {  	s23 =	smax.u32 s1, $0x1;
	s0 =	sadd.s32 s5, s0;
	s5 =	sadd.s32 s21, s2  }
0xd: {  	s22 =	simm.s32 $0x6000;
	[dreg:$0x5] =	wrdreg s23;
	s7 =	sadd.s32 $0x12000, s5  }
0xe: {  	s0 =	sadd.s32 $0xA0600, s0;
	s24 =	sadd.s32 $0x2000, s5;
	[dreg:$0x3] =	wrdreg s7  }
0xf: {  	s25 =	sadd.s32 $0x4000, s5;
	s26 =	sadd.s32 $0x6000, s5;
	[dreg:$0x4] =	wrdreg s0  }
0x10: {  	s13 =	sadd.s32 $0x8000, s5;
	s14 =	sadd.s32 $0xA000, s5;
	[dreg:$0x6] =	wrdreg s24  }
0x11: {  	s15 =	sadd.s32 $0xC000, s5;
	s16 =	sadd.s32 $0xE000, s5;
	[dreg:$0x7] =	wrdreg s25  }
0x12: {  	s17 =	sadd.s32 $0x10000, s5;
	s7 =	sadd.s32 $0x1E00, s6;
	[dreg:$0x8] =	wrdreg s26  }
0x13: {  	v0 =	vimm.f32 $0.0e+00;
	s24 =	simm.s32 $0x4000;
	s26 =	simm.s32 $0x8000;
	s0 =	simm.s32 $0x4  }
.LBB2_1:
0x14: {  	s1 =	simm.s32 $0x0;
	s6 =	simm.s32 $0x200  }
.LBB2_2:
0x15: {  	p0 =	sne.s32 s6, $0x7E00;
	[tilespmem:s1+$0x2070] =	vst v0  }
0x16: {  	[tilespmem:s1+$0x2000] =	vst v0  }
0x17: {  	[tilespmem:s1+$0x2010] =	vst v0  }
.Ltmp0:
0x18: {  	[tilespmem:s1+$0x2020] =	vst v0;
	(pc) =	sbr.rel @p0 .LBB2_2-.Ltmp0, $4  }
0x19: {  	[tilespmem:s1+$0x2030] =	vst v0  }
0x1a: {  	[tilespmem:s1+$0x2040] =	vst v0  }
0x1b: {  	[tilespmem:s1+$0x2050] =	vst v0  }
0x1c: {  	[tilespmem:s1+$0x2060] =	vst v0;
	s1 =	sshra.s32 s6, $0x2;
	s6 =	sadd.s32 $0x200, s6  }
0x1d: {  	[tilespmem:s1+$0x2070] =	vst v0  }
0x1e: {  	[tilespmem:s1+$0x2000] =	vst v0  }
0x1f: {  	[tilespmem:s1+$0x2010] =	vst v0  }
0x20: {  	[tilespmem:s1+$0x2020] =	vst v0  }
0x21: {  	[tilespmem:s1+$0x2030] =	vst v0  }
0x22: {  	[tilespmem:s1+$0x2040] =	vst v0  }
0x23: {  	[tilespmem:s1+$0x2050] =	vst v0  }
0x24: {  	[tilespmem:s1+$0x2060] =	vst v0  }
0x25: {  	[spmem:s5] =	stream.linear.scatter [tilespmem:s18], [sflag:$0x6], $0x2000, $0x38;
	[tilespmem:$0x1DC00] =	vst v63  }
0x26: {  	_ =	swait.ge [sflag:s19], $0x2000  }
0x27: {  	[sflag:s19] =	ssyncset.done $0x0  }
0x28: {  	s10 =	rddreg [dreg:$0x6];
	[sflag:s19] =	ssyncadd.s32 $0xFFFFE000  }
0x29: {  	[spmem:s10] =	stream.linear.scatter [tilespmem:s18], [sflag:$0x6], $0x2000, $0x38;
	[tilespmem:$0x1DC00] =	vst v63  }
0x2a: {  	_ =	swait.ge [sflag:s19], $0x2000  }
0x2b: {  	[sflag:s19] =	ssyncset.done $0x0  }
0x2c: {  	s11 =	rddreg [dreg:$0x7];
	[sflag:s19] =	ssyncadd.s32 $0xFFFFE000  }
0x2d: {  	[spmem:s11] =	stream.linear.scatter [tilespmem:s18], [sflag:$0x6], $0x2000, $0x38;
	[tilespmem:$0x1DC00] =	vst v63  }
0x2e: {  	_ =	swait.ge [sflag:s19], $0x2000  }
0x2f: {  	[sflag:s19] =	ssyncset.done $0x0  }
0x30: {  	s12 =	rddreg [dreg:$0x8];
	[sflag:s19] =	ssyncadd.s32 $0xFFFFE000  }
0x31: {  	[spmem:s12] =	stream.linear.scatter [tilespmem:s18], [sflag:$0x6], $0x2000, $0x38;
	[tilespmem:$0x1DC00] =	vst v63  }
0x32: {  	_ =	swait.ge [sflag:s19], $0x2000  }
0x33: {  	[sflag:s19] =	ssyncset.done $0x0  }
0x34: {  	[sflag:s19] =	ssyncadd.s32 $0xFFFFE000  }
0x35: {  	[spmem:s13] =	stream.linear.scatter [tilespmem:s18], [sflag:$0x6], $0x2000, $0x38;
	[tilespmem:$0x1DC00] =	vst v63  }
0x36: {  	_ =	swait.ge [sflag:s19], $0x2000  }
0x37: {  	[sflag:s19] =	ssyncset.done $0x0  }
0x38: {  	[sflag:s19] =	ssyncadd.s32 $0xFFFFE000  }
0x39: {  	[spmem:s14] =	stream.linear.scatter [tilespmem:s18], [sflag:$0x6], $0x2000, $0x38;
	[tilespmem:$0x1DC00] =	vst v63  }
0x3a: {  	_ =	swait.ge [sflag:s19], $0x2000  }
0x3b: {  	[sflag:s19] =	ssyncset.done $0x0  }
0x3c: {  	[sflag:s19] =	ssyncadd.s32 $0xFFFFE000  }
0x3d: {  	[spmem:s15] =	stream.linear.scatter [tilespmem:s18], [sflag:$0x6], $0x2000, $0x38;
	[tilespmem:$0x1DC00] =	vst v63  }
0x3e: {  	_ =	swait.ge [sflag:s19], $0x2000  }
0x3f: {  	[sflag:s19] =	ssyncset.done $0x0  }
0x40: {  	[sflag:s19] =	ssyncadd.s32 $0xFFFFE000  }
0x41: {  	[spmem:s16] =	stream.linear.scatter [tilespmem:s18], [sflag:$0x6], $0x2000, $0x38;
	[tilespmem:$0x1DC00] =	vst v63  }
0x42: {  	_ =	swait.ge [sflag:s19], $0x2000  }
0x43: {  	[sflag:s19] =	ssyncset.done $0x0  }
0x44: {  	[sflag:s19] =	ssyncadd.s32 $0xFFFFE000  }
0x45: {  	[spmem:s17] =	stream.linear.scatter [tilespmem:s18], [sflag:$0x6], $0x2000, $0x38;
	[tilespmem:$0x1DC00] =	vst v63  }
0x46: {  	_ =	swait.ge [sflag:s19], $0x2000  }
0x47: {  	[sflag:s19] =	ssyncset.done $0x0  }
0x48: {  	s21 =	rddreg [dreg:$0x3];
	[sflag:s19] =	ssyncadd.s32 $0xFFFFE000  }
0x49: {  	[spmem:s21] =	stream.linear.scatter [tilespmem:s18], [sflag:$0x6], $0x1C00, $0x38;
	[tilespmem:$0x1DC00] =	vst v63  }
0x4a: {  	_ =	swait.ge [sflag:s19], $0x1C00  }
0x4b: {  	[sflag:s19] =	ssyncset.done $0x0  }
0x4c: {  	[sflag:s19] =	ssyncadd.s32 $0xFFFFE400  }
0x4d: {  	s1 =	simm.s32 $0x0;
	[bflag:$0x0] =	sbarrier.arrive $0xFFFF  }
0x4e: {  	[tilespmem:s1], [sflag:$0x6] =	stream.linear.gather [hbm4b:s7+s1], $0x1000, $0x38;
	[tilespmem:$0x1DC00] =	vst v63  }
0x4f: {  	_ =	swait.ge [sflag:s19], $0x1000  }
0x50: {  	[sflag:s19] =	ssyncset.done $0x0  }
0x51: {  	s6 =	simm.s32 $0x80;
	[sflag:s19] =	ssyncadd.s32 $0xFFFFF000  }
0x52: {  	[tilespmem:s18], [sflag:$0x1] =	stream.indirect.gather [hbm4b:s4+s20], $0x80, s6, s20, $0xb8;
	[tilespmem:$0x1DC00] =	vst v63  }
0x53: {  	_ = 	snop  }
0x54: {  	[tilespmem:s22], [sflag:$0x3] =	stream.indirect.gather [hbm4b:s4+s20], $0x80, s1, s20, $0xb8;
	[tilespmem:$0x1DC00] =	vst v63  }
0x55: {  	s23 =	simm.s32 $0x180  }
0x56: {  	[tilespmem:s24], [sflag:$0x2] =	stream.indirect.gather [hbm4b:s4+s20], $0x80, s23, s20, $0xb8;
	[tilespmem:$0x1DC00] =	vst v63  }
0x57: {  	s25 =	simm.s32 $0x100  }
0x58: {  	[tilespmem:s26], [sflag:$0x4] =	stream.indirect.gather [hbm4b:s4+s20], $0x80, s25, s20, $0xb8;
	[tilespmem:$0x1DC00] =	vst v63  }
0x59: {  	s21 =	simm.s32 $0x0;
	s23 =	simm.s32 $0x0;
	s25 =	simm.s32 $0x0  }
.LBB2_5:
0x5a: {  	s25 =	sadd.s32 $0x1, s25  }
0x5b: {  	s6 =	smin.u32 s25, $0x9  }
0x5c: {  	s8 =	sshll.u32 s6, $0x9;
	s6 =	sshll.u32 s6, $0xC  }
0x5d: {  	s6 =	sand.u32 $0x1000, s6;
	s8 =	sadd.s32 s8, s7  }
0x5e: {  	[tilespmem:s6], [sflag:$0x6] =	stream.linear.gather [hbm4b:s8+s1], $0x1000, $0x38;
	[tilespmem:$0x1DC00] =	vst v63  }
0x5f: {  	_ =	swait.ge [sflag:s19], $0x1000  }
0x60: {  	[sflag:s19] =	ssyncset.done $0x0  }
0x61: {  	[sflag:s19] =	ssyncadd.s32 $0xFFFFF000  }
0x62: {  	_ =	swait.ge [sflag:s28], $0x2000  }
0x63: {  	[sflag:s28] =	ssyncset.done $0x0  }
0x64: {  	[sflag:s28] =	ssyncadd.s32 $0xFFFFE000  }
0x65: {  	s10 =	sand.u32 $0xF, s23;
	_ =	swait.ge [sflag:s29], $0x2000  }
0x66: {  	s6 =	sshll.u32 s10, $0x9;
	[sflag:s29] =	ssyncset.done $0x0  }
0x67: {  	s11 =	sadd.s32 $0x0, s6;
	[sflag:s29] =	ssyncadd.s32 $0xFFFFE000  }
0x68: {  	[spmem:s2] =	stream.indirect.scatter.add.f32 [tilespmem:s18], [sflag:$0x5], $0x80, s11, s20, $0xb8;
	[tilespmem:$0x1DC00] =	vst v63  }
0x69: {  	s9 =	sadd.s32 $0x80, s11  }
0x6a: {  	[spmem:s2] =	stream.indirect.scatter.add.f32 [tilespmem:s22], [sflag:$0x5], $0x80, s9, s20, $0xb8;
	[tilespmem:$0x1DC00] =	vst v63  }
0x6b: {  	p0 =	slt.s32 s21, $0x9D;
	s9 =	smov.u32 s21;
	_ =	swait.ge [sflag:s30], $0x2000  }
0x6c: {  	s9 =	simm.s32 @!p0 $0x9D;
	[sflag:s30] =	ssyncset.done $0x0  }
0x6d: {  	s9 =	sshll.u32 s9, $0x8;
	[sflag:s30] =	ssyncadd.s32 $0xFFFFE000  }
0x6e: {  	s9 =	sadd.s32 $0x200, s9;
	_ =	swait.ge [sflag:s30], $0x2000  }
0x6f: {  	s9 =	sand.u32 $0x1F00, s9;
	[sflag:s30] =	ssyncset.done $0x0  }
0x70: {  	s10 =	sor.u32 $0x80, s9;
	[sflag:s30] =	ssyncadd.s32 $0xFFFFE000  }
0x71: {  	[tilespmem:s18], [sflag:$0x1] =	stream.indirect.gather [hbm4b:s4+s20], $0x80, s10, s20, $0xb8;
	[tilespmem:$0x1DC00] =	vst v63  }
0x72: {  	_ = 	snop  }
0x73: {  	[tilespmem:s22], [sflag:$0x3] =	stream.indirect.gather [hbm4b:s4+s20], $0x80, s9, s20, $0xb8;
	[tilespmem:$0x1DC00] =	vst v63  }
0x74: {  	_ =	swait.ge [sflag:s31], $0x2000  }
0x75: {  	[sflag:s31] =	ssyncset.done $0x0  }
0x76: {  	[sflag:s31] =	ssyncadd.s32 $0xFFFFE000  }
0x77: {  	_ =	swait.ge [sflag:s0], $0x2000  }
0x78: {  	[sflag:s0] =	ssyncset.done $0x0  }
0x79: {  	s12 =	sadd.s32 $0x100, s11;
	[sflag:s0] =	ssyncadd.s32 $0xFFFFE000  }
0x7a: {  	[spmem:s2] =	stream.indirect.scatter.add.f32 [tilespmem:s24], [sflag:$0x5], $0x80, s12, s20, $0xb8;
	[tilespmem:$0x1DC00] =	vst v63  }
0x7b: {  	s8 =	sadd.s32 $0x180, s11  }
0x7c: {  	[spmem:s2] =	stream.indirect.scatter.add.f32 [tilespmem:s26], [sflag:$0x5], $0x80, s8, s20, $0xb8;
	[tilespmem:$0x1DC00] =	vst v63  }
0x7d: {  	p0 =	slt.s32 s21, $0x9C;
	s8 =	smov.u32 s21;
	_ =	swait.ge [sflag:s30], $0x2000  }
0x7e: {  	s8 =	simm.s32 @!p0 $0x9C;
	[sflag:s30] =	ssyncset.done $0x0  }
0x7f: {  	s8 =	sshll.u32 s8, $0x8;
	[sflag:s30] =	ssyncadd.s32 $0xFFFFE000  }
0x80: {  	s8 =	sadd.s32 $0x300, s8;
	_ =	swait.ge [sflag:s30], $0x2000  }
0x81: {  	s10 =	sand.u32 $0x1F00, s8;
	[sflag:s30] =	ssyncset.done $0x0  }
0x82: {  	s8 =	sor.u32 $0x80, s10;
	[sflag:s30] =	ssyncadd.s32 $0xFFFFE000  }
0x83: {  	[tilespmem:s24], [sflag:$0x2] =	stream.indirect.gather [hbm4b:s4+s20], $0x80, s8, s20, $0xb8;
	[tilespmem:$0x1DC00] =	vst v63  }
0x84: {  	s9 =	sadd.s32 $0x2, s21;
	s8 =	simm.s32 $0x800  }
.LBB2_6:
0x85: {  	[tilespmem:s26], [sflag:$0x4] =	stream.indirect.gather [hbm4b:s4+s20], $0x80, s10, s20, $0xb8;
	[tilespmem:$0x1DC00] =	vst v63  }
0x86: {  	s10 =	smov.u32 s8  }
0x87: {  	p0 =	seq.s32 s8, $0x3800;
	s8 =	sadd.s32 $0x800, s8;
	_ =	swait.ge [sflag:s28], $0x2000  }
0x88: {  	[sflag:s28] =	ssyncset.done $0x0  }
0x89: {  	[sflag:s28] =	ssyncadd.s32 $0xFFFFE000  }
0x8a: {  	_ =	swait.ge [sflag:s29], $0x2000  }
0x8b: {  	s10 =	sshra.s32 s10, $0x2;
	[sflag:s29] =	ssyncset.done $0x0  }
0x8c: {  	s10 =	sadd.s32 s10, s6;
	[sflag:s29] =	ssyncadd.s32 $0xFFFFE000  }
0x8d: {  	[spmem:s2] =	stream.indirect.scatter.add.f32 [tilespmem:s18], [sflag:$0x5], $0x80, s10, s20, $0xb8;
	[tilespmem:$0x1DC00] =	vst v63  }
0x8e: {  	s11 =	sadd.s32 $0x80, s10  }
0x8f: {  	[spmem:s2] =	stream.indirect.scatter.add.f32 [tilespmem:s22], [sflag:$0x5], $0x80, s11, s20, $0xb8;
	[tilespmem:$0x1DC00] =	vst v63  }
0x90: {  	p1 =	slt.s32 s9, $0x9D;
	s11 =	smov.u32 s9;
	_ =	swait.ge [sflag:s30], $0x2000  }
0x91: {  	s11 =	simm.s32 @!p1 $0x9D;
	[sflag:s30] =	ssyncset.done $0x0  }
0x92: {  	s11 =	sshll.u32 s11, $0x8;
	[sflag:s30] =	ssyncadd.s32 $0xFFFFE000  }
0x93: {  	s11 =	sadd.s32 $0x200, s11;
	_ =	swait.ge [sflag:s30], $0x2000  }
0x94: {  	s11 =	sand.u32 $0x1F00, s11;
	[sflag:s30] =	ssyncset.done $0x0  }
0x95: {  	s12 =	sor.u32 $0x80, s11;
	[sflag:s30] =	ssyncadd.s32 $0xFFFFE000  }
0x96: {  	[tilespmem:s18], [sflag:$0x1] =	stream.indirect.gather [hbm4b:s4+s20], $0x80, s12, s20, $0xb8;
	[tilespmem:$0x1DC00] =	vst v63  }
0x97: {  	_ = 	snop  }
0x98: {  	[tilespmem:s22], [sflag:$0x3] =	stream.indirect.gather [hbm4b:s4+s20], $0x80, s11, s20, $0xb8;
	[tilespmem:$0x1DC00] =	vst v63  }
0x99: {  	_ =	swait.ge [sflag:s31], $0x2000  }
0x9a: {  	[sflag:s31] =	ssyncset.done $0x0  }
0x9b: {  	[sflag:s31] =	ssyncadd.s32 $0xFFFFE000  }
0x9c: {  	_ =	swait.ge [sflag:s0], $0x2000  }
0x9d: {  	[sflag:s0] =	ssyncset.done $0x0  }
0x9e: {  	s11 =	sadd.s32 $0x100, s10;
	[sflag:s0] =	ssyncadd.s32 $0xFFFFE000  }
0x9f: {  	[spmem:s2] =	stream.indirect.scatter.add.f32 [tilespmem:s24], [sflag:$0x5], $0x80, s11, s20, $0xb8;
	[tilespmem:$0x1DC00] =	vst v63  }
0xa0: {  	s10 =	sadd.s32 $0x180, s10  }
0xa1: {  	[spmem:s2] =	stream.indirect.scatter.add.f32 [tilespmem:s26], [sflag:$0x5], $0x80, s10, s20, $0xb8;
	[tilespmem:$0x1DC00] =	vst v63  }
0xa2: {  	p1 =	slt.s32 s9, $0x9C;
	s10 =	smov.u32 s9;
	_ =	swait.ge [sflag:s30], $0x2000  }
0xa3: {  	s10 =	simm.s32 @!p1 $0x9C;
	[sflag:s30] =	ssyncset.done $0x0  }
0xa4: {  	s10 =	sshll.u32 s10, $0x8;
	[sflag:s30] =	ssyncadd.s32 $0xFFFFE000  }
.Ltmp1:
0xa5: {  	s10 =	sadd.s32 $0x300, s10;
	_ =	swait.ge [sflag:s30], $0x2000;
	(pc) =	sbr.rel @!p0 .LBB2_6-.Ltmp1, $4  }
0xa6: {  	s10 =	sand.u32 $0x1F00, s10;
	[sflag:s30] =	ssyncset.done $0x0  }
0xa7: {  	s11 =	sor.u32 $0x80, s10;
	[sflag:s30] =	ssyncadd.s32 $0xFFFFE000  }
0xa8: {  	[tilespmem:s24], [sflag:$0x2] =	stream.indirect.gather [hbm4b:s4+s20], $0x80, s11, s20, $0xb8;
	[tilespmem:$0x1DC00] =	vst v63  }
0xa9: {  	s9 =	sadd.s32 $0x2, s9  }
0xaa: {  	[tilespmem:s26], [sflag:$0x4] =	stream.indirect.gather [hbm4b:s4+s20], $0x80, s10, s20, $0xb8;
	[tilespmem:$0x1DC00] =	vst v63  }
0xab: {  	p0 =	seq.s32 s25, $0xA  }
.Ltmp2:
0xac: {  	_ = 	snop;
	(pc) =	sbr.rel @!p0 .LBB2_5-.Ltmp2, $2  }
0xad: {  	_ =	sdelay $0x2  }
0xae: {  	s23 =	sadd.s32 $0x8, s23;
	s21 =	sadd.s32 $0x10, s21  }
0xaf: {  	_ =	swait.ge [sflag:s28], $0x2000  }
0xb0: {  	[sflag:s28] =	ssyncset.done $0x0  }
0xb1: {  	[sflag:s28] =	ssyncadd.s32 $0xFFFFE000  }
0xb2: {  	_ =	swait.ge [sflag:s29], $0x2000  }
0xb3: {  	[sflag:s29] =	ssyncset.done $0x0  }
0xb4: {  	[sflag:s29] =	ssyncadd.s32 $0xFFFFE000  }
0xb5: {  	_ =	swait.ge [sflag:s31], $0x2000  }
0xb6: {  	[sflag:s31] =	ssyncset.done $0x0  }
0xb7: {  	[sflag:s31] =	ssyncadd.s32 $0xFFFFE000  }
0xb8: {  	_ =	swait.ge [sflag:s0], $0x2000  }
0xb9: {  	[sflag:s0] =	ssyncset.done $0x0  }
0xba: {  	s1 =	stileid.u32;
	[sflag:s0] =	ssyncadd.s32 $0xFFFFE000  }
0xbb: {  	s1 =	sshll.u32 s1, $0x6;
	[bflag:$0x0] =	sbarrier.arrive $0xFFFF  }
0xbc: {  	s6 =	sshrl.u32 s5, $0x3;
	s1 =	sor.u32 $0x1C06, s1;
	s8 =	rddreg [dreg:$0x4]  }
0xbd: {  	[hbm:s8], [sflag:s1] =	dma.local [spmem:s6], $0x2780  }
0xbe: {  	_ =	swait.ge [sflag:s19], $0x2780  }
0xbf: {  	s3 =	sadd.s32 $0x1, s3;
	s25 =	rddreg [dreg:$0x5]  }
0xc0: {  	p0 =	sne.s32 s3, s25  }
.Ltmp3:
0xc1: {  	_ = 	snop;
	(pc) =	sbr.rel @p0 .LBB2_1-.Ltmp3, $3  }
0xc2: {  	_ =	sdelay $0x1  }
0xc3: {  	[sflag:s19] =	ssyncset.done $0x0  }
0xc4: {  	[sflag:s19] =	ssyncadd.s32 $0xFFFFD880  }
0xc5: {  	_ =	sfence.sel $0x180000  }
0xc6: {  	[bflag:$0x0] =	sbarrier.arrive $0xFFFF  }
0xc7: {  	_ =	strace $0x9000004A  }
0xc8: {  	s0 =	stileid.u32;
	[bflag:$0x2] =	sbarrier.arrive $0xFFFF  }
0xc9: {  	p0 =	sne.s32 s0, $0x0;
	s0 =	rddreg [dreg:$0x2]  }
0xca: {  	s0 =	sadd.s32 @!p0 $0x100000, s0  }
0xcb: {  	[sflag:s0] =	ssyncadd.tile.s32 @!p0 $0x1;
	_ =	shalt  }
.Lfunc_end2:
_tile_overlayer_lowered:
.L_overlay_start_2:
0xcc: {  	(tag) =	ssettag $0x2  }
0xcd: {  	s0 =	rddreg [dreg:$0x0];
	s2 =	stileid.u32  }
0xce: {  	s1 =	rddreg [dreg:$0x1];
	p0 =	sne.s32 s2, $0x0  }
0xcf: {  	s3 =	rddreg [dreg:$0x2];
	[bflag:$0x3] =	sbarrier.arrive $0xFFFF;
	s2 =	simm.s32 @!p0 $0x1C06  }
0xd0: {  	[timem:s3], [sflag:s2] =	dma.local @!p0 [hbm:s0], s1  }
0xd1: {  	s0 =	simm.s32 @!p0 $0x6  }
0xd2: {  	_ =	swait.ge @!p0 [sflag:s0], s1  }
0xd3: {  	s1 =	ssub.s32 @!p0 $0x0, s1;
	[sflag:s0] =	ssyncset.done @!p0 $0x0  }
0xd4: {  	[sflag:s0] =	ssyncadd.s32 @!p0 s1  }
0xd5: {  	[bflag:$0x3] =	sbarrier.arrive $0xFFFF  }
0xd6: {  	_ =	shalt  }

// kernel: kernel.14.cloned.1.call-start
scs
__scs_entry_jumppad:
0x0: {  	(pc) =	sbr.rel $0x88, $3  }
0x1: {  	(tag) =	ssettag $0x0;
	lr =	simm.s32 $0x1  }
0x2: {  	[smem:$0x3F9A] =	sst lr;
	_ =	strace $0xD0000000  }
0x3: {  	_ = 	snop  }
0x4: {  	_ = 	snop  }
0x5: {  	_ = 	snop  }
0x6: {  	_ = 	snop  }
0x7: {  	_ = 	snop  }
__scs_overlays_trampoline_lowered:
0x8: {  	[smem:$0x3FA9] =	sst s0  }
0x9: {  	[smem:$0x3FAA] =	sst s1  }
0xa: {  	[smem:$0x3FAB] =	sst s2  }
0xb: {  	[smem:$0x3FAC] =	sst s3  }
0xc: {  	[smem:$0x3FAD] =	sst s4  }
0xd: {  	[smem:$0x3FAE] =	sst s5  }
0xe: {  	[smem:$0x3FAF] =	sst s6  }
0xf: {  	[smem:$0x3FB0] =	sst s7  }
0x10: {  	[smem:$0x3FB1] =	sst s8  }
0x11: {  	[smem:$0x3FB2] =	sst s9;
	s0 =	simm.s32 @!p0 $0x0  }
0x12: {  	s1 =	sld [smem:$0x3F98];
	s0 =	simm.s32 @p0 $0x1  }
0x13: {  	[smem:$0x3FB3] =	sst s0;
	s0 =	simm.s32 @!p1 $0x0  }
0x14: {  	s2 =	sld [smem:$0x3F97];
	s0 =	simm.s32 @p1 $0x1  }
0x15: {  	[smem:$0x3FB4] =	sst s0;
	s0 =	simm.s32 @!p2 $0x0  }
0x16: {  	s3 =	sld [smem:$0x3FDB];
	s0 =	simm.s32 @p2 $0x1  }
0x17: {  	s4 =	simm.s32 $0x1BF5;
	[smem:$0x3FB6] =	sst s0  }
0x18: {  	s0 =	sld [smem:$0x3F99];
	_ =	swait.ge [sflag:s4], $0x0  }
0x19: {  	s7 =	sld [smem:$0x3F9A]  }
0x1a: {  	s8 =	sadd.s32 $0xFFFFE003, lr  }
0x1b: {  	s9 =	sadd.s32 $0xFFFFFEF7, lr;
	s5 =	simm.s32 $0xFFFFFFFF;
	p2 =	slt.u32 s8, $0xFFFFF086  }
0x1c: {  	p1 =	slt.u32 s9, $0xF7A;
	s5 =	simm.s32 @!p2 $0x0  }
0x1d: {  	s5 =	simm.s32 @p1 $0x1;
	p0 =	seq.s32 s7, s2  }
0x1e: {  	s7 =	smul.u32 @!p0 $0xF7A, s2;
	p2 =	seq.s32 @!p0 s5, $0x0  }
0x1f: {  	s9 =	smul.u32 $0xF7A, s1;
	s8 =	simm.s32 @!p0 $0x1BF5;
	p2 =	por !p2, p0  }
0x20: {  	[sflag:s8] =	ssyncset.s32 @!p0 $0xFFFFF086;
	s6 =	sadd.s32 @!p0 s3, s7;
	s7 =	simm.s32 @!p0 $0x108  }
0x21: {  	s3 =	sadd.s32 s3, s9;
	s6 =	sadd.s32 @!p0 $0x88, s6;
	s7 =	simm.s32 @p2 $0x1082  }
0x22: {  	[simem:s7], [sflag:s8] =	dma.local @!p0 [hbm:s6], $0xF7A  }
0x23: {  	s9 =	sor.u32 $0xD0000000, s2;
	s6 =	simm.s32 $0x108;
	_ =	swait.ge @!p0 [sflag:s8], $0x0  }
0x24: {  	s3 =	sadd.s32 $0x88, s3;
	s6 =	simm.s32 @!p1 $0x1082;
	[sflag:s4] =	ssyncset.s32 $0xFFFFF086  }
0x25: {  	[simem:s6], [sflag:s4] =	dma.local [hbm:s3], $0xF7A  }
0x26: {  	[smem:$0x3F9A] =	sst s1;
	(tag) =	ssettag s2;
	_ =	strace s9  }
0x27: {  	s1 =	sld [smem:$0x3FAA]  }
0x28: {  	s2 =	sld [smem:$0x3FAB]  }
0x29: {  	s4 =	sld [smem:$0x3FAD]  }
0x2a: {  	p0 =	seq.s32 s5, $0x0;
	s5 =	sld [smem:$0x3FAE]  }
0x2b: {  	s6 =	sld [smem:$0x3FAF]  }
0x2c: {  	s7 =	sld [smem:$0x3FB0]  }
0x2d: {  	s3 =	simm.s32 $0x108;
	s8 =	sld [smem:$0x3FB1]  }
0x2e: {  	s3 =	simm.s32 @!p0 $0x1082;
	s9 =	sld [smem:$0x3FB2]  }
0x2f: {  	lr =	sadd.s32 s0, s3;
	s0 =	sld [smem:$0x3FA9]  }
0x30: {  	s3 =	sld [smem:$0x3FAC]  }
0x31: {  	[smem:$0x3FB5] =	sst s10  }
0x32: {  	s10 =	sld [smem:$0x3FB3];
	_ =	sdelay $0x3  }
0x33: {  	p0 =	seq.s32 s10, $0x1;
	s10 =	sld [smem:$0x3FB5];
	_ =	sdelay $0x3  }
0x34: {  	[smem:$0x3FB5] =	sst s10  }
0x35: {  	s10 =	sld [smem:$0x3FB4];
	_ =	sdelay $0x3  }
0x36: {  	p1 =	seq.s32 s10, $0x1;
	s10 =	sld [smem:$0x3FB5];
	_ =	sdelay $0x3  }
0x37: {  	[smem:$0x3FB5] =	sst s10  }
0x38: {  	s10 =	sld [smem:$0x3FB6]  }
0x39: {  	_ = 	snop;
	(pc) =	sbr.ind lr, $3  }
0x3a: {  	_ = 	snop  }
0x3b: {  	_ = 	snop  }
0x3c: {  	p2 =	seq.s32 s10, $0x1;
	s10 =	sld [smem:$0x3FB5]  }
0x3d: {  	_ =	shalt  }
0x3e: {  	_ =	shalt  }
0x3f: {  	_ =	shalt  }
0x40: {  	_ =	shalt  }
0x41: {  	_ =	shalt  }
0x42: {  	_ =	shalt  }
0x43: {  	_ =	shalt  }
0x44: {  	_ =	shalt  }
0x45: {  	_ =	shalt  }
0x46: {  	_ =	shalt  }
0x47: {  	_ =	shalt  }
0x48: {  	_ =	shalt  }
0x49: {  	_ =	shalt  }
0x4a: {  	_ =	shalt  }
0x4b: {  	_ =	shalt  }
0x4c: {  	_ =	shalt  }
0x4d: {  	_ =	shalt  }
0x4e: {  	_ =	shalt  }
0x4f: {  	_ =	shalt  }
0x50: {  	_ =	shalt  }
0x51: {  	_ =	shalt  }
0x52: {  	_ =	shalt  }
0x53: {  	_ =	shalt  }
0x54: {  	_ =	shalt  }
0x55: {  	_ =	shalt  }
0x56: {  	_ =	shalt  }
0x57: {  	_ =	shalt  }
0x58: {  	_ =	shalt  }
0x59: {  	_ =	shalt  }
0x5a: {  	_ =	shalt  }
0x5b: {  	_ =	shalt  }
0x5c: {  	_ =	shalt  }
0x5d: {  	_ =	shalt  }
0x5e: {  	_ =	shalt  }
0x5f: {  	_ =	shalt  }
0x60: {  	_ =	shalt  }
0x61: {  	_ =	shalt  }
0x62: {  	_ =	shalt  }
0x63: {  	_ =	shalt  }
0x64: {  	_ =	shalt  }
0x65: {  	_ =	shalt  }
0x66: {  	_ =	shalt  }
0x67: {  	_ =	shalt  }
0x68: {  	_ =	shalt  }
0x69: {  	_ =	shalt  }
0x6a: {  	_ =	shalt  }
0x6b: {  	_ =	shalt  }
0x6c: {  	_ =	shalt  }
0x6d: {  	_ =	shalt  }
0x6e: {  	_ =	shalt  }
0x6f: {  	_ =	shalt  }
0x70: {  	_ =	shalt  }
0x71: {  	_ =	shalt  }
0x72: {  	_ =	shalt  }
0x73: {  	_ =	shalt  }
0x74: {  	_ =	shalt  }
0x75: {  	_ =	shalt  }
0x76: {  	_ =	shalt  }
0x77: {  	_ =	shalt  }
0x78: {  	_ =	shalt  }
0x79: {  	_ =	shalt  }
0x7a: {  	_ =	shalt  }
0x7b: {  	_ =	shalt  }
0x7c: {  	_ =	shalt  }
0x7d: {  	_ =	shalt  }
0x7e: {  	_ =	shalt  }
0x7f: {  	_ =	shalt  }
0x80: {  	_ =	shalt  }
0x81: {  	_ =	shalt  }
0x82: {  	_ =	shalt  }
0x83: {  	_ =	shalt  }
0x84: {  	_ =	shalt  }
0x85: {  	_ =	shalt  }
0x86: {  	_ =	shalt  }
0x87: {  	_ =	shalt  }
.Lfunc_end0:
.L_simem_size_0:
called_computation.2_lowered:
.L_overlay_start_0:
0x88: {  	s2 =	sld [smem:$0x3FD9]  }
0x89: {  	s3 =	sld [smem:$0x3FFE];
	_ =	sdelay $0x1  }
0x8a: {  	s1 =	srdreg.scid  }
0x8b: {  	s0 =	sand.u32 $0x1, s1  }
0x8c: {  	s16 =	sshll.u32 s0, $0xA;
	s2 =	sadd.s32 s3, s2  }
0x8d: {  	s2 =	sadd.s32 s2, s16  }
0x8e: {  	[smem:$0x3FC1] =	sst s2  }
0x8f: {  	_ = 	snop  }
0x90: {  	(tm) =	ssettm $0x1  }
0x91: {  	s17 =	sld [smem:$0x3FFB];
	_ =	sdelay $0x3  }
0x92: {  	_ =	strace s17  }
0x93: {  	s2 =	sld [smem:$0x3FFC];
	_ =	sdelay $0x3  }
0x94: {  	_ =	strace s2  }
0x95: {  	s2 =	sld [smem:$0x3FFD];
	_ =	sdelay $0x3  }
0x96: {  	_ =	strace s2  }
0x97: {  	_ =	strace $0x8FFFFFFF  }
0x98: {  	s18 =	sld [smem:$0x3FDB];
	_ =	sdelay $0x1  }
0x99: {  	s19 =	simm.s32 $_scs_section_size  }
0x9a: {  	s4 =	simm.s32 $_size__tile_overlayer_lowered;
	s5 =	simm.s32 $_tile_overlayer_lowered  }
0x9b: {  	s22 =	simm.s32 $0x1BFF;
	s21 =	sshll.u32 s5, $0x1;
	s2 =	sadd.s32 s19, s18  }
0x9c: {  	s6 =	simm.s32 $0x0;
	s20 =	sshll.u32 s4, $0x1;
	s4 =	sadd.s32 s21, s2  }
0x9d: {  	[timem:s6], [sflag:s22] =	dma.local [hbm:s4], s20  }
0x9e: {  	_ =	swait.ge [sflag:s22], s20  }
0x9f: {  	s3 =	ssub.s32 $0x0, s20;
	[sflag:s22] =	ssyncset.done $0x0  }
0xa0: {  	[sflag:s22] =	ssyncadd.s32 s3;
	_ =	sdelay $0x1  }
0xa1: {  	s23 =	simm.s32 $0x1B8B  }
0xa2: {  	_ =	swait.ge [sflag:s23], $0x1  }
0xa3: {  	[sflag:s23] =	ssyncset.done $0x0  }
0xa4: {  	s25 =	simm.s32 $0x1B8E;
	s24 =	sld [smem:$0x3FFE];
	[sflag:s23] =	ssyncadd.s32 $0xFFFFFFFF  }
0xa5: {  	s26 =	simm.s32 $execute0_lowered;
	[smem:$0x3FD2] =	sst s25  }
0xa6: {  	s4 =	sshll.u32 s26, $0x1;
	_ =	strace $0x8000004C;
	[dreg:$0x1] =	wrdreg $0xFFFFFFFF  }
0xa7: {  	s28 =	simm.s32 $_size_execute0_lowered;
	s2 =	sadd.s32 s2, s4;
	[dreg:$0x0] =	wrdreg $0x0  }
0xa8: {  	s4 =	sshll.u32 s28, $0x1;
	[dreg:$0x2] =	wrdreg s2  }
0xa9: {  	[dreg:$0x3] =	wrdreg s4  }
0xaa: {  	[dreg:$0x4] =	wrdreg $0xC0  }
0xab: {  	_ =	task [dreg:s6], $0x5FFFF  }
0xac: {  	[dreg:$0x1] =	wrdreg $0xFFFFFFFF  }
0xad: {  	[dreg:$0x0] =	wrdreg $0x60  }
0xae: {  	[dreg:$0x2] =	wrdreg s24  }
0xaf: {  	[dreg:$0x3] =	wrdreg $0xA0000  }
0xb0: {  	[dreg:$0x4] =	wrdreg $0x9  }
0xb1: {  	_ =	task.clear_ibuf [dreg:s6], $0x5FFFF;
	_ =	strace $0x9000004C  }
0xb2: {  	s29 =	simm.s32 $0x9;
	_ =	strace $0x8000004E  }
0xb3: {  	_ =	swait.ge [sflag:s29], $0x1  }
0xb4: {  	[sflag:s29] =	ssyncadd.s32 $0xFFFFFFFF  }
0xb5: {  	_ =	strace $0x9000004E  }
0xb6: {  	_ =	sfence  }
0xb7: {  	s30 =	sld [smem:$0x0];
	_ =	sdelay $0x2  }
0xb8: {  	s31 =	sshll.u32 s1, $0xD;
	s1 =	sshrl.u32 s1, $0x2  }
0xb9: {  	s3 =	sand.u32 $0x4000, s31;
	s1 =	sadd.s32 s1, s30  }
0xba: {  	s0 =	sor.u32 s3, s0;
	s1 =	sshll.u32 s1, $0x11  }
0xbb: {  	s0 =	sor.u32 s1, s0  }
0xbc: {  	s0 =	sadd.s32 $0x8F2B, s0  }
0xbd: {  	[sflag:s0] =	ssyncadd.remote.s32 $0x1  }
0xbe: {  	_ =	sfence.sel $0xFFFF  }
0xbf: {  	[dreg:$0x0] =	wrdreg $0xFFFFFFFF;
	(pc) =	sbr.abs _section_cstart, $3  }
0xc0: {  	[dreg:$0x1] =	wrdreg $0xFFFFFFFF  }
0xc1: {  	_ =	task.clear_ibuf [dreg:s6], $0x2FFFF;
	_ =	strace $0x9FFFFFFF  }
0xc2: {  	(tm) =	ssettm $0x7FFFFFFF  }
0xc3: {  	_ =	shalt  }
tec
execute0_lowered:
.L_overlay_start_1:
0x0: {  	(tag) =	ssettag $0x1  }
0x1: {  	s0 =	rddreg [dreg:$0x0]  }
0x2: {  	s2 =	rddreg [dreg:$0x1];
	s1 =	srdreg.scid  }
0x3: {  	s8 =	stileid.u32;
	s3 =	simm.s32 $0x0;
	s18 =	simm.s32 $0x2000  }
0x4: {  	s19 =	simm.s32 $0x6;
	s20 =	simm.s32 $0x40;
	s4 =	smul.u32 $0x1400, s8  }
0x5: {  	s28 =	simm.s32 $0x1;
	s29 =	simm.s32 $0x3;
	s7 =	smul.u32 $0x13C00, s8  }
0x6: {  	s30 =	simm.s32 $0x5;
	s1 =	sand.u32 $0x1, s1;
	s8 =	smul.u32 $0x4F000, s8  }
0x7: {  	s31 =	simm.s32 $0x2;
	[smem:$0x7FF] =	sst s3;
	s5 =	smul.u32 $0x13C000, s1  }
0x8: {  	p0 =	seq.s32 s1, $0x0;
	_ =	strace $0x8000004D;
	s1 =	ssub.s32 $0x2, s1  }
0x9: {  	s6 =	sadd.s32 $0x14000, s4;
	s21 =	sshrl.u32 s8, $0x2;
	s22 =	sshrl.u32 s1, $0x1  }
0xa: {  	s6 =	smov.u32 @p0 s4;
	s4 =	sadd.s32 $0x78E00, s0;
	s5 =	sadd.s32 s7, s5  }
0xb: {  	s1 =	ssub.s32 s1, s22;
	s6 =	sadd.s32 s6, s0;
	s5 =	sshrl.u32 s5, $0x3  }
0xc: {  	s23 =	smax.u32 s1, $0x1;
	s0 =	sadd.s32 s5, s0;
	s5 =	sadd.s32 s21, s2  }
0xd: {  	s22 =	simm.s32 $0x6000;
	[dreg:$0x5] =	wrdreg s23;
	s7 =	sadd.s32 $0x12000, s5  }
0xe: {  	s0 =	sadd.s32 $0xA0600, s0;
	s24 =	sadd.s32 $0x2000, s5;
	[dreg:$0x3] =	wrdreg s7  }
0xf: {  	s25 =	sadd.s32 $0x4000, s5;
	s26 =	sadd.s32 $0x6000, s5;
	[dreg:$0x4] =	wrdreg s0  }
0x10: {  	s13 =	sadd.s32 $0x8000, s5;
	s14 =	sadd.s32 $0xA000, s5;
	[dreg:$0x6] =	wrdreg s24  }
0x11: {  	s15 =	sadd.s32 $0xC000, s5;
	s16 =	sadd.s32 $0xE000, s5;
	[dreg:$0x7] =	wrdreg s25  }
0x12: {  	s17 =	sadd.s32 $0x10000, s5;
	s7 =	sadd.s32 $0x1E00, s6;
	[dreg:$0x8] =	wrdreg s26  }
0x13: {  	v0 =	vimm.f32 $0.0e+00;
	s24 =	simm.s32 $0x4000;
	s26 =	simm.s32 $0x8000;
	s0 =	simm.s32 $0x4  }
.LBB2_1:
0x14: {  	s1 =	simm.s32 $0x0;
	s6 =	simm.s32 $0x200  }
.LBB2_2:
0x15: {  	p0 =	sne.s32 s6, $0x7E00;
	[tilespmem:s1+$0x2070] =	vst v0  }
0x16: {  	[tilespmem:s1+$0x2000] =	vst v0  }
0x17: {  	[tilespmem:s1+$0x2010] =	vst v0  }
.Ltmp0:
0x18: {  	[tilespmem:s1+$0x2020] =	vst v0;
	(pc) =	sbr.rel @p0 .LBB2_2-.Ltmp0, $4  }
0x19: {  	[tilespmem:s1+$0x2030] =	vst v0  }
0x1a: {  	[tilespmem:s1+$0x2040] =	vst v0  }
0x1b: {  	[tilespmem:s1+$0x2050] =	vst v0  }
0x1c: {  	[tilespmem:s1+$0x2060] =	vst v0;
	s1 =	sshra.s32 s6, $0x2;
	s6 =	sadd.s32 $0x200, s6  }
0x1d: {  	[tilespmem:s1+$0x2070] =	vst v0  }
0x1e: {  	[tilespmem:s1+$0x2000] =	vst v0  }
0x1f: {  	[tilespmem:s1+$0x2010] =	vst v0  }
0x20: {  	[tilespmem:s1+$0x2020] =	vst v0  }
0x21: {  	[tilespmem:s1+$0x2030] =	vst v0  }
0x22: {  	[tilespmem:s1+$0x2040] =	vst v0  }
0x23: {  	[tilespmem:s1+$0x2050] =	vst v0  }
0x24: {  	[tilespmem:s1+$0x2060] =	vst v0  }
0x25: {  	[spmem:s5] =	stream.linear.scatter [tilespmem:s18], [sflag:$0x6], $0x2000, $0x38;
	[tilespmem:$0x1DC00] =	vst v63  }
0x26: {  	_ =	swait.ge [sflag:s19], $0x2000  }
0x27: {  	[sflag:s19] =	ssyncset.done $0x0  }
0x28: {  	s10 =	rddreg [dreg:$0x6];
	[sflag:s19] =	ssyncadd.s32 $0xFFFFE000  }
0x29: {  	[spmem:s10] =	stream.linear.scatter [tilespmem:s18], [sflag:$0x6], $0x2000, $0x38;
	[tilespmem:$0x1DC00] =	vst v63  }
0x2a: {  	_ =	swait.ge [sflag:s19], $0x2000  }
0x2b: {  	[sflag:s19] =	ssyncset.done $0x0  }
0x2c: {  	s11 =	rddreg [dreg:$0x7];
	[sflag:s19] =	ssyncadd.s32 $0xFFFFE000  }
0x2d: {  	[spmem:s11] =	stream.linear.scatter [tilespmem:s18], [sflag:$0x6], $0x2000, $0x38;
	[tilespmem:$0x1DC00] =	vst v63  }
0x2e: {  	_ =	swait.ge [sflag:s19], $0x2000  }
0x2f: {  	[sflag:s19] =	ssyncset.done $0x0  }
0x30: {  	s12 =	rddreg [dreg:$0x8];
	[sflag:s19] =	ssyncadd.s32 $0xFFFFE000  }
0x31: {  	[spmem:s12] =	stream.linear.scatter [tilespmem:s18], [sflag:$0x6], $0x2000, $0x38;
	[tilespmem:$0x1DC00] =	vst v63  }
0x32: {  	_ =	swait.ge [sflag:s19], $0x2000  }
0x33: {  	[sflag:s19] =	ssyncset.done $0x0  }
0x34: {  	[sflag:s19] =	ssyncadd.s32 $0xFFFFE000  }
0x35: {  	[spmem:s13] =	stream.linear.scatter [tilespmem:s18], [sflag:$0x6], $0x2000, $0x38;
	[tilespmem:$0x1DC00] =	vst v63  }
0x36: {  	_ =	swait.ge [sflag:s19], $0x2000  }
0x37: {  	[sflag:s19] =	ssyncset.done $0x0  }
0x38: {  	[sflag:s19] =	ssyncadd.s32 $0xFFFFE000  }
0x39: {  	[spmem:s14] =	stream.linear.scatter [tilespmem:s18], [sflag:$0x6], $0x2000, $0x38;
	[tilespmem:$0x1DC00] =	vst v63  }
0x3a: {  	_ =	swait.ge [sflag:s19], $0x2000  }
0x3b: {  	[sflag:s19] =	ssyncset.done $0x0  }
0x3c: {  	[sflag:s19] =	ssyncadd.s32 $0xFFFFE000  }
0x3d: {  	[spmem:s15] =	stream.linear.scatter [tilespmem:s18], [sflag:$0x6], $0x2000, $0x38;
	[tilespmem:$0x1DC00] =	vst v63  }
0x3e: {  	_ =	swait.ge [sflag:s19], $0x2000  }
0x3f: {  	[sflag:s19] =	ssyncset.done $0x0  }
0x40: {  	[sflag:s19] =	ssyncadd.s32 $0xFFFFE000  }
0x41: {  	[spmem:s16] =	stream.linear.scatter [tilespmem:s18], [sflag:$0x6], $0x2000, $0x38;
	[tilespmem:$0x1DC00] =	vst v63  }
0x42: {  	_ =	swait.ge [sflag:s19], $0x2000  }
0x43: {  	[sflag:s19] =	ssyncset.done $0x0  }
0x44: {  	[sflag:s19] =	ssyncadd.s32 $0xFFFFE000  }
0x45: {  	[spmem:s17] =	stream.linear.scatter [tilespmem:s18], [sflag:$0x6], $0x2000, $0x38;
	[tilespmem:$0x1DC00] =	vst v63  }
0x46: {  	_ =	swait.ge [sflag:s19], $0x2000  }
0x47: {  	[sflag:s19] =	ssyncset.done $0x0  }
0x48: {  	s21 =	rddreg [dreg:$0x3];
	[sflag:s19] =	ssyncadd.s32 $0xFFFFE000  }
0x49: {  	[spmem:s21] =	stream.linear.scatter [tilespmem:s18], [sflag:$0x6], $0x1C00, $0x38;
	[tilespmem:$0x1DC00] =	vst v63  }
0x4a: {  	_ =	swait.ge [sflag:s19], $0x1C00  }
0x4b: {  	[sflag:s19] =	ssyncset.done $0x0  }
0x4c: {  	[sflag:s19] =	ssyncadd.s32 $0xFFFFE400  }
0x4d: {  	s1 =	simm.s32 $0x0;
	[bflag:$0x0] =	sbarrier.arrive $0xFFFF  }
0x4e: {  	[tilespmem:s1], [sflag:$0x6] =	stream.linear.gather [hbm4b:s7+s1], $0x1000, $0x38;
	[tilespmem:$0x1DC00] =	vst v63  }
0x4f: {  	_ =	swait.ge [sflag:s19], $0x1000  }
0x50: {  	[sflag:s19] =	ssyncset.done $0x0  }
0x51: {  	s6 =	simm.s32 $0x80;
	[sflag:s19] =	ssyncadd.s32 $0xFFFFF000  }
0x52: {  	[tilespmem:s18], [sflag:$0x1] =	stream.indirect.gather [hbm4b:s4+s20], $0x80, s6, s20, $0xb8;
	[tilespmem:$0x1DC00] =	vst v63  }
0x53: {  	_ = 	snop  }
0x54: {  	[tilespmem:s22], [sflag:$0x3] =	stream.indirect.gather [hbm4b:s4+s20], $0x80, s1, s20, $0xb8;
	[tilespmem:$0x1DC00] =	vst v63  }
0x55: {  	s23 =	simm.s32 $0x180  }
0x56: {  	[tilespmem:s24], [sflag:$0x2] =	stream.indirect.gather [hbm4b:s4+s20], $0x80, s23, s20, $0xb8;
	[tilespmem:$0x1DC00] =	vst v63  }
0x57: {  	s25 =	simm.s32 $0x100  }
0x58: {  	[tilespmem:s26], [sflag:$0x4] =	stream.indirect.gather [hbm4b:s4+s20], $0x80, s25, s20, $0xb8;
	[tilespmem:$0x1DC00] =	vst v63  }
0x59: {  	s21 =	simm.s32 $0x0;
	s23 =	simm.s32 $0x0;
	s25 =	simm.s32 $0x0  }
.LBB2_5:
0x5a: {  	s25 =	sadd.s32 $0x1, s25  }
0x5b: {  	s6 =	smin.u32 s25, $0x9  }
0x5c: {  	s8 =	sshll.u32 s6, $0x9;
	s6 =	sshll.u32 s6, $0xC  }
0x5d: {  	s6 =	sand.u32 $0x1000, s6;
	s8 =	sadd.s32 s8, s7  }
0x5e: {  	[tilespmem:s6], [sflag:$0x6] =	stream.linear.gather [hbm4b:s8+s1], $0x1000, $0x38;
	[tilespmem:$0x1DC00] =	vst v63  }
0x5f: {  	_ =	swait.ge [sflag:s19], $0x1000  }
0x60: {  	[sflag:s19] =	ssyncset.done $0x0  }
0x61: {  	[sflag:s19] =	ssyncadd.s32 $0xFFFFF000  }
0x62: {  	_ =	swait.ge [sflag:s28], $0x2000  }
0x63: {  	[sflag:s28] =	ssyncset.done $0x0  }
0x64: {  	[sflag:s28] =	ssyncadd.s32 $0xFFFFE000  }
0x65: {  	s10 =	sand.u32 $0xF, s23;
	_ =	swait.ge [sflag:s29], $0x2000  }
0x66: {  	s6 =	sshll.u32 s10, $0x9;
	[sflag:s29] =	ssyncset.done $0x0  }
0x67: {  	s11 =	sadd.s32 $0x0, s6;
	[sflag:s29] =	ssyncadd.s32 $0xFFFFE000  }
0x68: {  	[spmem:s2] =	stream.indirect.scatter.add.f32 [tilespmem:s18], [sflag:$0x5], $0x80, s11, s20, $0xb8;
	[tilespmem:$0x1DC00] =	vst v63  }
0x69: {  	s9 =	sadd.s32 $0x80, s11  }
0x6a: {  	[spmem:s2] =	stream.indirect.scatter.add.f32 [tilespmem:s22], [sflag:$0x5], $0x80, s9, s20, $0xb8;
	[tilespmem:$0x1DC00] =	vst v63  }
0x6b: {  	p0 =	slt.s32 s21, $0x9D;
	s9 =	smov.u32 s21;
	_ =	swait.ge [sflag:s30], $0x2000  }
0x6c: {  	s9 =	simm.s32 @!p0 $0x9D;
	[sflag:s30] =	ssyncset.done $0x0  }
0x6d: {  	s9 =	sshll.u32 s9, $0x8;
	[sflag:s30] =	ssyncadd.s32 $0xFFFFE000  }
0x6e: {  	s9 =	sadd.s32 $0x200, s9;
	_ =	swait.ge [sflag:s30], $0x2000  }
0x6f: {  	s9 =	sand.u32 $0x1F00, s9;
	[sflag:s30] =	ssyncset.done $0x0  }
0x70: {  	s10 =	sor.u32 $0x80, s9;
	[sflag:s30] =	ssyncadd.s32 $0xFFFFE000  }
0x71: {  	[tilespmem:s18], [sflag:$0x1] =	stream.indirect.gather [hbm4b:s4+s20], $0x80, s10, s20, $0xb8;
	[tilespmem:$0x1DC00] =	vst v63  }
0x72: {  	_ = 	snop  }
0x73: {  	[tilespmem:s22], [sflag:$0x3] =	stream.indirect.gather [hbm4b:s4+s20], $0x80, s9, s20, $0xb8;
	[tilespmem:$0x1DC00] =	vst v63  }
0x74: {  	_ =	swait.ge [sflag:s31], $0x2000  }
0x75: {  	[sflag:s31] =	ssyncset.done $0x0  }
0x76: {  	[sflag:s31] =	ssyncadd.s32 $0xFFFFE000  }
0x77: {  	_ =	swait.ge [sflag:s0], $0x2000  }
0x78: {  	[sflag:s0] =	ssyncset.done $0x0  }
0x79: {  	s12 =	sadd.s32 $0x100, s11;
	[sflag:s0] =	ssyncadd.s32 $0xFFFFE000  }
0x7a: {  	[spmem:s2] =	stream.indirect.scatter.add.f32 [tilespmem:s24], [sflag:$0x5], $0x80, s12, s20, $0xb8;
	[tilespmem:$0x1DC00] =	vst v63  }
0x7b: {  	s8 =	sadd.s32 $0x180, s11  }
0x7c: {  	[spmem:s2] =	stream.indirect.scatter.add.f32 [tilespmem:s26], [sflag:$0x5], $0x80, s8, s20, $0xb8;
	[tilespmem:$0x1DC00] =	vst v63  }
0x7d: {  	p0 =	slt.s32 s21, $0x9C;
	s8 =	smov.u32 s21;
	_ =	swait.ge [sflag:s30], $0x2000  }
0x7e: {  	s8 =	simm.s32 @!p0 $0x9C;
	[sflag:s30] =	ssyncset.done $0x0  }
0x7f: {  	s8 =	sshll.u32 s8, $0x8;
	[sflag:s30] =	ssyncadd.s32 $0xFFFFE000  }
0x80: {  	s8 =	sadd.s32 $0x300, s8;
	_ =	swait.ge [sflag:s30], $0x2000  }
0x81: {  	s10 =	sand.u32 $0x1F00, s8;
	[sflag:s30] =	ssyncset.done $0x0  }
0x82: {  	s8 =	sor.u32 $0x80, s10;
	[sflag:s30] =	ssyncadd.s32 $0xFFFFE000  }
0x83: {  	[tilespmem:s24], [sflag:$0x2] =	stream.indirect.gather [hbm4b:s4+s20], $0x80, s8, s20, $0xb8;
	[tilespmem:$0x1DC00] =	vst v63  }
0x84: {  	s9 =	sadd.s32 $0x2, s21;
	s8 =	simm.s32 $0x800  }
.LBB2_6:
0x85: {  	[tilespmem:s26], [sflag:$0x4] =	stream.indirect.gather [hbm4b:s4+s20], $0x80, s10, s20, $0xb8;
	[tilespmem:$0x1DC00] =	vst v63  }
0x86: {  	s10 =	smov.u32 s8  }
0x87: {  	p0 =	seq.s32 s8, $0x3800;
	s8 =	sadd.s32 $0x800, s8;
	_ =	swait.ge [sflag:s28], $0x2000  }
0x88: {  	[sflag:s28] =	ssyncset.done $0x0  }
0x89: {  	[sflag:s28] =	ssyncadd.s32 $0xFFFFE000  }
0x8a: {  	_ =	swait.ge [sflag:s29], $0x2000  }
0x8b: {  	s10 =	sshra.s32 s10, $0x2;
	[sflag:s29] =	ssyncset.done $0x0  }
0x8c: {  	s10 =	sadd.s32 s10, s6;
	[sflag:s29] =	ssyncadd.s32 $0xFFFFE000  }
0x8d: {  	[spmem:s2] =	stream.indirect.scatter.add.f32 [tilespmem:s18], [sflag:$0x5], $0x80, s10, s20, $0xb8;
	[tilespmem:$0x1DC00] =	vst v63  }
0x8e: {  	s11 =	sadd.s32 $0x80, s10  }
0x8f: {  	[spmem:s2] =	stream.indirect.scatter.add.f32 [tilespmem:s22], [sflag:$0x5], $0x80, s11, s20, $0xb8;
	[tilespmem:$0x1DC00] =	vst v63  }
0x90: {  	p1 =	slt.s32 s9, $0x9D;
	s11 =	smov.u32 s9;
	_ =	swait.ge [sflag:s30], $0x2000  }
0x91: {  	s11 =	simm.s32 @!p1 $0x9D;
	[sflag:s30] =	ssyncset.done $0x0  }
0x92: {  	s11 =	sshll.u32 s11, $0x8;
	[sflag:s30] =	ssyncadd.s32 $0xFFFFE000  }
0x93: {  	s11 =	sadd.s32 $0x200, s11;
	_ =	swait.ge [sflag:s30], $0x2000  }
0x94: {  	s11 =	sand.u32 $0x1F00, s11;
	[sflag:s30] =	ssyncset.done $0x0  }
0x95: {  	s12 =	sor.u32 $0x80, s11;
	[sflag:s30] =	ssyncadd.s32 $0xFFFFE000  }
0x96: {  	[tilespmem:s18], [sflag:$0x1] =	stream.indirect.gather [hbm4b:s4+s20], $0x80, s12, s20, $0xb8;
	[tilespmem:$0x1DC00] =	vst v63  }
0x97: {  	_ = 	snop  }
0x98: {  	[tilespmem:s22], [sflag:$0x3] =	stream.indirect.gather [hbm4b:s4+s20], $0x80, s11, s20, $0xb8;
	[tilespmem:$0x1DC00] =	vst v63  }
0x99: {  	_ =	swait.ge [sflag:s31], $0x2000  }
0x9a: {  	[sflag:s31] =	ssyncset.done $0x0  }
0x9b: {  	[sflag:s31] =	ssyncadd.s32 $0xFFFFE000  }
0x9c: {  	_ =	swait.ge [sflag:s0], $0x2000  }
0x9d: {  	[sflag:s0] =	ssyncset.done $0x0  }
0x9e: {  	s11 =	sadd.s32 $0x100, s10;
	[sflag:s0] =	ssyncadd.s32 $0xFFFFE000  }
0x9f: {  	[spmem:s2] =	stream.indirect.scatter.add.f32 [tilespmem:s24], [sflag:$0x5], $0x80, s11, s20, $0xb8;
	[tilespmem:$0x1DC00] =	vst v63  }
0xa0: {  	s10 =	sadd.s32 $0x180, s10  }
0xa1: {  	[spmem:s2] =	stream.indirect.scatter.add.f32 [tilespmem:s26], [sflag:$0x5], $0x80, s10, s20, $0xb8;
	[tilespmem:$0x1DC00] =	vst v63  }
0xa2: {  	p1 =	slt.s32 s9, $0x9C;
	s10 =	smov.u32 s9;
	_ =	swait.ge [sflag:s30], $0x2000  }
0xa3: {  	s10 =	simm.s32 @!p1 $0x9C;
	[sflag:s30] =	ssyncset.done $0x0  }
0xa4: {  	s10 =	sshll.u32 s10, $0x8;
	[sflag:s30] =	ssyncadd.s32 $0xFFFFE000  }
.Ltmp1:
0xa5: {  	s10 =	sadd.s32 $0x300, s10;
	_ =	swait.ge [sflag:s30], $0x2000;
	(pc) =	sbr.rel @!p0 .LBB2_6-.Ltmp1, $4  }
0xa6: {  	s10 =	sand.u32 $0x1F00, s10;
	[sflag:s30] =	ssyncset.done $0x0  }
0xa7: {  	s11 =	sor.u32 $0x80, s10;
	[sflag:s30] =	ssyncadd.s32 $0xFFFFE000  }
0xa8: {  	[tilespmem:s24], [sflag:$0x2] =	stream.indirect.gather [hbm4b:s4+s20], $0x80, s11, s20, $0xb8;
	[tilespmem:$0x1DC00] =	vst v63  }
0xa9: {  	s9 =	sadd.s32 $0x2, s9  }
0xaa: {  	[tilespmem:s26], [sflag:$0x4] =	stream.indirect.gather [hbm4b:s4+s20], $0x80, s10, s20, $0xb8;
	[tilespmem:$0x1DC00] =	vst v63  }
0xab: {  	p0 =	seq.s32 s25, $0xA  }
.Ltmp2:
0xac: {  	_ = 	snop;
	(pc) =	sbr.rel @!p0 .LBB2_5-.Ltmp2, $2  }
0xad: {  	_ =	sdelay $0x2  }
0xae: {  	s23 =	sadd.s32 $0x8, s23;
	s21 =	sadd.s32 $0x10, s21  }
0xaf: {  	_ =	swait.ge [sflag:s28], $0x2000  }
0xb0: {  	[sflag:s28] =	ssyncset.done $0x0  }
0xb1: {  	[sflag:s28] =	ssyncadd.s32 $0xFFFFE000  }
0xb2: {  	_ =	swait.ge [sflag:s29], $0x2000  }
0xb3: {  	[sflag:s29] =	ssyncset.done $0x0  }
0xb4: {  	[sflag:s29] =	ssyncadd.s32 $0xFFFFE000  }
0xb5: {  	_ =	swait.ge [sflag:s31], $0x2000  }
0xb6: {  	[sflag:s31] =	ssyncset.done $0x0  }
0xb7: {  	[sflag:s31] =	ssyncadd.s32 $0xFFFFE000  }
0xb8: {  	_ =	swait.ge [sflag:s0], $0x2000  }
0xb9: {  	[sflag:s0] =	ssyncset.done $0x0  }
0xba: {  	s1 =	stileid.u32;
	[sflag:s0] =	ssyncadd.s32 $0xFFFFE000  }
0xbb: {  	s1 =	sshll.u32 s1, $0x6;
	[bflag:$0x0] =	sbarrier.arrive $0xFFFF  }
0xbc: {  	s6 =	sshrl.u32 s5, $0x3;
	s1 =	sor.u32 $0x1C06, s1;
	s8 =	rddreg [dreg:$0x4]  }
0xbd: {  	[hbm:s8], [sflag:s1] =	dma.local [spmem:s6], $0x2780  }
0xbe: {  	_ =	swait.ge [sflag:s19], $0x2780  }
0xbf: {  	s3 =	sadd.s32 $0x1, s3;
	s25 =	rddreg [dreg:$0x5]  }
0xc0: {  	p0 =	sne.s32 s3, s25  }
.Ltmp3:
0xc1: {  	_ = 	snop;
	(pc) =	sbr.rel @p0 .LBB2_1-.Ltmp3, $3  }
0xc2: {  	_ =	sdelay $0x1  }
0xc3: {  	[sflag:s19] =	ssyncset.done $0x0  }
0xc4: {  	[sflag:s19] =	ssyncadd.s32 $0xFFFFD880  }
0xc5: {  	_ =	sfence.sel $0x180000  }
0xc6: {  	[bflag:$0x0] =	sbarrier.arrive $0xFFFF  }
0xc7: {  	_ =	strace $0x9000004D  }
0xc8: {  	s0 =	stileid.u32;
	[bflag:$0x2] =	sbarrier.arrive $0xFFFF  }
0xc9: {  	p0 =	sne.s32 s0, $0x0;
	s0 =	rddreg [dreg:$0x2]  }
0xca: {  	s0 =	sadd.s32 @!p0 $0x100000, s0  }
0xcb: {  	[sflag:s0] =	ssyncadd.tile.s32 @!p0 $0x1;
	_ =	shalt  }
.Lfunc_end2:
_tile_overlayer_lowered:
.L_overlay_start_2:
0xcc: {  	(tag) =	ssettag $0x2  }
0xcd: {  	s0 =	rddreg [dreg:$0x0];
	s2 =	stileid.u32  }
0xce: {  	s1 =	rddreg [dreg:$0x1];
	p0 =	sne.s32 s2, $0x0  }
0xcf: {  	s3 =	rddreg [dreg:$0x2];
	[bflag:$0x3] =	sbarrier.arrive $0xFFFF;
	s2 =	simm.s32 @!p0 $0x1C06  }
0xd0: {  	[timem:s3], [sflag:s2] =	dma.local @!p0 [hbm:s0], s1  }
0xd1: {  	s0 =	simm.s32 @!p0 $0x6  }
0xd2: {  	_ =	swait.ge @!p0 [sflag:s0], s1  }
0xd3: {  	s1 =	ssub.s32 @!p0 $0x0, s1;
	[sflag:s0] =	ssyncset.done @!p0 $0x0  }
0xd4: {  	[sflag:s0] =	ssyncadd.s32 @!p0 s1  }
0xd5: {  	[bflag:$0x3] =	sbarrier.arrive $0xFFFF  }
0xd6: {  	_ =	shalt  }

// kernel: kernel.8.cloned.1.call-start
scs
__scs_entry_jumppad:
0x0: {  	(pc) =	sbr.rel $0x88, $3  }
0x1: {  	(tag) =	ssettag $0x0;
	lr =	simm.s32 $0x1  }
0x2: {  	[smem:$0x3F9A] =	sst lr;
	_ =	strace $0xD0000000  }
0x3: {  	_ = 	snop  }
0x4: {  	_ = 	snop  }
0x5: {  	_ = 	snop  }
0x6: {  	_ = 	snop  }
0x7: {  	_ = 	snop  }
__scs_overlays_trampoline_lowered:
0x8: {  	[smem:$0x3FA9] =	sst s0  }
0x9: {  	[smem:$0x3FAA] =	sst s1  }
0xa: {  	[smem:$0x3FAB] =	sst s2  }
0xb: {  	[smem:$0x3FAC] =	sst s3  }
0xc: {  	[smem:$0x3FAD] =	sst s4  }
0xd: {  	[smem:$0x3FAE] =	sst s5  }
0xe: {  	[smem:$0x3FAF] =	sst s6  }
0xf: {  	[smem:$0x3FB0] =	sst s7  }
0x10: {  	[smem:$0x3FB1] =	sst s8  }
0x11: {  	[smem:$0x3FB2] =	sst s9;
	s0 =	simm.s32 @!p0 $0x0  }
0x12: {  	s1 =	sld [smem:$0x3F98];
	s0 =	simm.s32 @p0 $0x1  }
0x13: {  	[smem:$0x3FB3] =	sst s0;
	s0 =	simm.s32 @!p1 $0x0  }
0x14: {  	s2 =	sld [smem:$0x3F97];
	s0 =	simm.s32 @p1 $0x1  }
0x15: {  	[smem:$0x3FB4] =	sst s0;
	s0 =	simm.s32 @!p2 $0x0  }
0x16: {  	s3 =	sld [smem:$0x3FDB];
	s0 =	simm.s32 @p2 $0x1  }
0x17: {  	s4 =	simm.s32 $0x1BF5;
	[smem:$0x3FB6] =	sst s0  }
0x18: {  	s0 =	sld [smem:$0x3F99];
	_ =	swait.ge [sflag:s4], $0x0  }
0x19: {  	s7 =	sld [smem:$0x3F9A]  }
0x1a: {  	s8 =	sadd.s32 $0xFFFFE003, lr  }
0x1b: {  	s9 =	sadd.s32 $0xFFFFFEF7, lr;
	s5 =	simm.s32 $0xFFFFFFFF;
	p2 =	slt.u32 s8, $0xFFFFF086  }
0x1c: {  	p1 =	slt.u32 s9, $0xF7A;
	s5 =	simm.s32 @!p2 $0x0  }
0x1d: {  	s5 =	simm.s32 @p1 $0x1;
	p0 =	seq.s32 s7, s2  }
0x1e: {  	s7 =	smul.u32 @!p0 $0xF7A, s2;
	p2 =	seq.s32 @!p0 s5, $0x0  }
0x1f: {  	s9 =	smul.u32 $0xF7A, s1;
	s8 =	simm.s32 @!p0 $0x1BF5;
	p2 =	por !p2, p0  }
0x20: {  	[sflag:s8] =	ssyncset.s32 @!p0 $0xFFFFF086;
	s6 =	sadd.s32 @!p0 s3, s7;
	s7 =	simm.s32 @!p0 $0x108  }
0x21: {  	s3 =	sadd.s32 s3, s9;
	s6 =	sadd.s32 @!p0 $0x88, s6;
	s7 =	simm.s32 @p2 $0x1082  }
0x22: {  	[simem:s7], [sflag:s8] =	dma.local @!p0 [hbm:s6], $0xF7A  }
0x23: {  	s9 =	sor.u32 $0xD0000000, s2;
	s6 =	simm.s32 $0x108;
	_ =	swait.ge @!p0 [sflag:s8], $0x0  }
0x24: {  	s3 =	sadd.s32 $0x88, s3;
	s6 =	simm.s32 @!p1 $0x1082;
	[sflag:s4] =	ssyncset.s32 $0xFFFFF086  }
0x25: {  	[simem:s6], [sflag:s4] =	dma.local [hbm:s3], $0xF7A  }
0x26: {  	[smem:$0x3F9A] =	sst s1;
	(tag) =	ssettag s2;
	_ =	strace s9  }
0x27: {  	s1 =	sld [smem:$0x3FAA]  }
0x28: {  	s2 =	sld [smem:$0x3FAB]  }
0x29: {  	s4 =	sld [smem:$0x3FAD]  }
0x2a: {  	p0 =	seq.s32 s5, $0x0;
	s5 =	sld [smem:$0x3FAE]  }
0x2b: {  	s6 =	sld [smem:$0x3FAF]  }
0x2c: {  	s7 =	sld [smem:$0x3FB0]  }
0x2d: {  	s3 =	simm.s32 $0x108;
	s8 =	sld [smem:$0x3FB1]  }
0x2e: {  	s3 =	simm.s32 @!p0 $0x1082;
	s9 =	sld [smem:$0x3FB2]  }
0x2f: {  	lr =	sadd.s32 s0, s3;
	s0 =	sld [smem:$0x3FA9]  }
0x30: {  	s3 =	sld [smem:$0x3FAC]  }
0x31: {  	[smem:$0x3FB5] =	sst s10  }
0x32: {  	s10 =	sld [smem:$0x3FB3];
	_ =	sdelay $0x3  }
0x33: {  	p0 =	seq.s32 s10, $0x1;
	s10 =	sld [smem:$0x3FB5];
	_ =	sdelay $0x3  }
0x34: {  	[smem:$0x3FB5] =	sst s10  }
0x35: {  	s10 =	sld [smem:$0x3FB4];
	_ =	sdelay $0x3  }
0x36: {  	p1 =	seq.s32 s10, $0x1;
	s10 =	sld [smem:$0x3FB5];
	_ =	sdelay $0x3  }
0x37: {  	[smem:$0x3FB5] =	sst s10  }
0x38: {  	s10 =	sld [smem:$0x3FB6]  }
0x39: {  	_ = 	snop;
	(pc) =	sbr.ind lr, $3  }
0x3a: {  	_ = 	snop  }
0x3b: {  	_ = 	snop  }
0x3c: {  	p2 =	seq.s32 s10, $0x1;
	s10 =	sld [smem:$0x3FB5]  }
0x3d: {  	_ =	shalt  }
0x3e: {  	_ =	shalt  }
0x3f: {  	_ =	shalt  }
0x40: {  	_ =	shalt  }
0x41: {  	_ =	shalt  }
0x42: {  	_ =	shalt  }
0x43: {  	_ =	shalt  }
0x44: {  	_ =	shalt  }
0x45: {  	_ =	shalt  }
0x46: {  	_ =	shalt  }
0x47: {  	_ =	shalt  }
0x48: {  	_ =	shalt  }
0x49: {  	_ =	shalt  }
0x4a: {  	_ =	shalt  }
0x4b: {  	_ =	shalt  }
0x4c: {  	_ =	shalt  }
0x4d: {  	_ =	shalt  }
0x4e: {  	_ =	shalt  }
0x4f: {  	_ =	shalt  }
0x50: {  	_ =	shalt  }
0x51: {  	_ =	shalt  }
0x52: {  	_ =	shalt  }
0x53: {  	_ =	shalt  }
0x54: {  	_ =	shalt  }
0x55: {  	_ =	shalt  }
0x56: {  	_ =	shalt  }
0x57: {  	_ =	shalt  }
0x58: {  	_ =	shalt  }
0x59: {  	_ =	shalt  }
0x5a: {  	_ =	shalt  }
0x5b: {  	_ =	shalt  }
0x5c: {  	_ =	shalt  }
0x5d: {  	_ =	shalt  }
0x5e: {  	_ =	shalt  }
0x5f: {  	_ =	shalt  }
0x60: {  	_ =	shalt  }
0x61: {  	_ =	shalt  }
0x62: {  	_ =	shalt  }
0x63: {  	_ =	shalt  }
0x64: {  	_ =	shalt  }
0x65: {  	_ =	shalt  }
0x66: {  	_ =	shalt  }
0x67: {  	_ =	shalt  }
0x68: {  	_ =	shalt  }
0x69: {  	_ =	shalt  }
0x6a: {  	_ =	shalt  }
0x6b: {  	_ =	shalt  }
0x6c: {  	_ =	shalt  }
0x6d: {  	_ =	shalt  }
0x6e: {  	_ =	shalt  }
0x6f: {  	_ =	shalt  }
0x70: {  	_ =	shalt  }
0x71: {  	_ =	shalt  }
0x72: {  	_ =	shalt  }
0x73: {  	_ =	shalt  }
0x74: {  	_ =	shalt  }
0x75: {  	_ =	shalt  }
0x76: {  	_ =	shalt  }
0x77: {  	_ =	shalt  }
0x78: {  	_ =	shalt  }
0x79: {  	_ =	shalt  }
0x7a: {  	_ =	shalt  }
0x7b: {  	_ =	shalt  }
0x7c: {  	_ =	shalt  }
0x7d: {  	_ =	shalt  }
0x7e: {  	_ =	shalt  }
0x7f: {  	_ =	shalt  }
0x80: {  	_ =	shalt  }
0x81: {  	_ =	shalt  }
0x82: {  	_ =	shalt  }
0x83: {  	_ =	shalt  }
0x84: {  	_ =	shalt  }
0x85: {  	_ =	shalt  }
0x86: {  	_ =	shalt  }
0x87: {  	_ =	shalt  }
.Lfunc_end0:
.L_simem_size_0:
called_computation_lowered:
.L_overlay_start_0:
0x88: {  	s2 =	sld [smem:$0x3FD9]  }
0x89: {  	s3 =	sld [smem:$0x3FFE];
	_ =	sdelay $0x1  }
0x8a: {  	s1 =	srdreg.scid  }
0x8b: {  	s0 =	sand.u32 $0x1, s1  }
0x8c: {  	s16 =	sshll.u32 s0, $0xA;
	s2 =	sadd.s32 s3, s2  }
0x8d: {  	s2 =	sadd.s32 s2, s16  }
0x8e: {  	[smem:$0x3FC1] =	sst s2  }
0x8f: {  	_ = 	snop  }
0x90: {  	(tm) =	ssettm $0x1  }
0x91: {  	s17 =	sld [smem:$0x3FFB];
	_ =	sdelay $0x3  }
0x92: {  	_ =	strace s17  }
0x93: {  	s2 =	sld [smem:$0x3FFC];
	_ =	sdelay $0x3  }
0x94: {  	_ =	strace s2  }
0x95: {  	s2 =	sld [smem:$0x3FFD];
	_ =	sdelay $0x3  }
0x96: {  	_ =	strace s2  }
0x97: {  	_ =	strace $0x8FFFFFFF  }
0x98: {  	s18 =	sld [smem:$0x3FDB];
	_ =	sdelay $0x1  }
0x99: {  	s19 =	simm.s32 $_scs_section_size  }
0x9a: {  	s4 =	simm.s32 $_size__tile_overlayer_lowered;
	s5 =	simm.s32 $_tile_overlayer_lowered  }
0x9b: {  	s22 =	simm.s32 $0x1BFF;
	s21 =	sshll.u32 s5, $0x1;
	s2 =	sadd.s32 s19, s18  }
0x9c: {  	s6 =	simm.s32 $0x0;
	s20 =	sshll.u32 s4, $0x1;
	s4 =	sadd.s32 s21, s2  }
0x9d: {  	[timem:s6], [sflag:s22] =	dma.local [hbm:s4], s20  }
0x9e: {  	_ =	swait.ge [sflag:s22], s20  }
0x9f: {  	s3 =	ssub.s32 $0x0, s20;
	[sflag:s22] =	ssyncset.done $0x0  }
0xa0: {  	[sflag:s22] =	ssyncadd.s32 s3;
	_ =	sdelay $0x1  }
0xa1: {  	s23 =	simm.s32 $0x1B8B  }
0xa2: {  	_ =	swait.ge [sflag:s23], $0x1  }
0xa3: {  	[sflag:s23] =	ssyncset.done $0x0  }
0xa4: {  	s25 =	simm.s32 $0x1B8E;
	s24 =	sld [smem:$0x3FFE];
	[sflag:s23] =	ssyncadd.s32 $0xFFFFFFFF  }
0xa5: {  	s26 =	simm.s32 $execute0_lowered;
	[smem:$0x3FD2] =	sst s25  }
0xa6: {  	s4 =	sshll.u32 s26, $0x1;
	_ =	strace $0x80000046;
	[dreg:$0x1] =	wrdreg $0xFFFFFFFF  }
0xa7: {  	s28 =	simm.s32 $_size_execute0_lowered;
	s2 =	sadd.s32 s2, s4;
	[dreg:$0x0] =	wrdreg $0x0  }
0xa8: {  	s4 =	sshll.u32 s28, $0x1;
	[dreg:$0x2] =	wrdreg s2  }
0xa9: {  	[dreg:$0x3] =	wrdreg s4  }
0xaa: {  	[dreg:$0x4] =	wrdreg $0xC0  }
0xab: {  	_ =	task [dreg:s6], $0x5FFFF  }
0xac: {  	[dreg:$0x1] =	wrdreg $0xFFFFFFFF  }
0xad: {  	[dreg:$0x0] =	wrdreg $0x60  }
0xae: {  	[dreg:$0x2] =	wrdreg s24  }
0xaf: {  	[dreg:$0x3] =	wrdreg $0xA0000  }
0xb0: {  	[dreg:$0x4] =	wrdreg $0x9  }
0xb1: {  	_ =	task.clear_ibuf [dreg:s6], $0x5FFFF;
	_ =	strace $0x90000046  }
0xb2: {  	s29 =	simm.s32 $0x9;
	_ =	strace $0x80000048  }
0xb3: {  	_ =	swait.ge [sflag:s29], $0x1  }
0xb4: {  	[sflag:s29] =	ssyncadd.s32 $0xFFFFFFFF  }
0xb5: {  	_ =	strace $0x90000048  }
0xb6: {  	_ =	sfence  }
0xb7: {  	s30 =	sld [smem:$0x0];
	_ =	sdelay $0x2  }
0xb8: {  	s31 =	sshll.u32 s1, $0xD;
	s1 =	sshrl.u32 s1, $0x2  }
0xb9: {  	s3 =	sand.u32 $0x4000, s31;
	s1 =	sadd.s32 s1, s30  }
0xba: {  	s0 =	sor.u32 s3, s0;
	s1 =	sshll.u32 s1, $0x11  }
0xbb: {  	s0 =	sor.u32 s1, s0  }
0xbc: {  	s0 =	sadd.s32 $0x8F2B, s0  }
0xbd: {  	[sflag:s0] =	ssyncadd.remote.s32 $0x1  }
0xbe: {  	_ =	sfence.sel $0xFFFF  }
0xbf: {  	[dreg:$0x0] =	wrdreg $0xFFFFFFFF;
	(pc) =	sbr.abs _section_cstart, $3  }
0xc0: {  	[dreg:$0x1] =	wrdreg $0xFFFFFFFF  }
0xc1: {  	_ =	task.clear_ibuf [dreg:s6], $0x2FFFF;
	_ =	strace $0x9FFFFFFF  }
0xc2: {  	(tm) =	ssettm $0x7FFFFFFF  }
0xc3: {  	_ =	shalt  }
tec
execute0_lowered:
.L_overlay_start_1:
0x0: {  	(tag) =	ssettag $0x1  }
0x1: {  	s0 =	rddreg [dreg:$0x0]  }
0x2: {  	s2 =	rddreg [dreg:$0x1]  }
0x3: {  	s1 =	srdreg.scid;
	s8 =	stileid.u32  }
0x4: {  	s3 =	simm.s32 $0x0;
	s28 =	simm.s32 $0x3;
	s5 =	smul.u32 $0xA0, s8  }
0x5: {  	s29 =	simm.s32 $0x2;
	s30 =	simm.s32 $0x0;
	s7 =	smul.u32 $0x13C00, s8  }
0x6: {  	s31 =	simm.s32 $0x0;
	s1 =	sand.u32 $0x1, s1;
	s17 =	smul.u32 $0x4F000, s8  }
0x7: {  	[smem:$0x7FF] =	sst s3;
	s4 =	sadd.s32 $0x9D9E00, s0;
	s6 =	smul.u32 $0x13C000, s1  }
0x8: {  	p0 =	seq.s32 s1, $0x0;
	_ =	strace $0x80000047;
	s1 =	ssub.s32 $0x2, s1  }
0x9: {  	s9 =	sadd.s32 $0xA00, s5;
	s20 =	sshrl.u32 s1, $0x1;
	s21 =	sshrl.u32 s17, $0x2  }
0xa: {  	s9 =	smov.u32 @p0 s5;
	s6 =	sadd.s32 s7, s6;
	s1 =	ssub.s32 s1, s20  }
0xb: {  	s5 =	sshll.u32 s9, $0x5;
	s19 =	sshrl.u32 s6, $0x3;
	s22 =	sshll.u32 s9, $0xA  }
0xc: {  	s10 =	sor.u32 $0x2, s9;
	s11 =	sor.u32 $0x3, s9;
	s24 =	smax.u32 s1, $0x1  }
0xd: {  	s18 =	sadd.s32 s5, s0;
	s0 =	sadd.s32 s19, s0;
	s5 =	sadd.s32 s21, s2  }
0xe: {  	s8 =	sadd.s32 s4, s22;
	[dreg:$0x6] =	wrdreg s24;
	s22 =	simm.s32 $0x2000  }
0xf: {  	s24 =	simm.s32 $0x4000;
	s23 =	sadd.s32 $0x12000, s5;
	s7 =	sadd.s32 $0x1E00, s18  }
0x10: {  	s6 =	sadd.s32 $0x400, s8;
	s0 =	sadd.s32 $0x29E00, s0;
	[dreg:$0x3] =	wrdreg s23  }
0x11: {  	s25 =	sadd.s32 $0x2000, s5;
	s26 =	sadd.s32 $0x4000, s5;
	[dreg:$0x4] =	wrdreg s6  }
0x12: {  	s16 =	sadd.s32 $0x6000, s5;
	s17 =	sadd.s32 $0x8000, s5;
	[dreg:$0x5] =	wrdreg s0  }
0x13: {  	s18 =	sadd.s32 $0xA000, s5;
	s19 =	sadd.s32 $0xC000, s5;
	[dreg:$0x7] =	wrdreg s25  }
0x14: {  	s20 =	sadd.s32 $0xE000, s5;
	s21 =	sadd.s32 $0x10000, s5;
	[dreg:$0x8] =	wrdreg s26  }
0x15: {  	v0 =	vimm.f32 $0.0e+00;
	s23 =	simm.s32 $0x4;
	s25 =	simm.s32 $0x1;
	s26 =	simm.s32 $0x40  }
.LBB2_1:
0x16: {  	s0 =	simm.s32 $0x0;
	s1 =	simm.s32 $0x200  }
.LBB2_2:
0x17: {  	p0 =	sne.s32 s1, $0x7E00;
	[tilespmem:s0+$0x2070] =	vst v0  }
0x18: {  	[tilespmem:s0+$0x2000] =	vst v0  }
0x19: {  	[tilespmem:s0+$0x2010] =	vst v0  }
.Ltmp0:
0x1a: {  	[tilespmem:s0+$0x2020] =	vst v0;
	(pc) =	sbr.rel @p0 .LBB2_2-.Ltmp0, $4  }
0x1b: {  	[tilespmem:s0+$0x2030] =	vst v0  }
0x1c: {  	[tilespmem:s0+$0x2040] =	vst v0  }
0x1d: {  	[tilespmem:s0+$0x2050] =	vst v0  }
0x1e: {  	[tilespmem:s0+$0x2060] =	vst v0;
	s0 =	sshra.s32 s1, $0x2;
	s1 =	sadd.s32 $0x200, s1  }
0x1f: {  	[tilespmem:s0+$0x2070] =	vst v0  }
0x20: {  	[tilespmem:s0+$0x2000] =	vst v0  }
0x21: {  	[tilespmem:s0+$0x2010] =	vst v0  }
0x22: {  	[tilespmem:s0+$0x2020] =	vst v0  }
0x23: {  	[tilespmem:s0+$0x2030] =	vst v0  }
0x24: {  	[tilespmem:s0+$0x2040] =	vst v0  }
0x25: {  	[tilespmem:s0+$0x2050] =	vst v0  }
0x26: {  	[tilespmem:s0+$0x2060] =	vst v0  }
0x27: {  	[spmem:s5] =	stream.linear.scatter [tilespmem:s22], [sflag:$0x4], $0x2000, $0x38;
	[tilespmem:$0x1DC00] =	vst v63  }
0x28: {  	_ =	swait.ge [sflag:s23], $0x2000  }
0x29: {  	[sflag:s23] =	ssyncset.done $0x0  }
0x2a: {  	s12 =	rddreg [dreg:$0x7];
	[sflag:s23] =	ssyncadd.s32 $0xFFFFE000  }
0x2b: {  	[spmem:s12] =	stream.linear.scatter [tilespmem:s22], [sflag:$0x4], $0x2000, $0x38;
	[tilespmem:$0x1DC00] =	vst v63  }
0x2c: {  	_ =	swait.ge [sflag:s23], $0x2000  }
0x2d: {  	[sflag:s23] =	ssyncset.done $0x0  }
0x2e: {  	s13 =	rddreg [dreg:$0x8];
	[sflag:s23] =	ssyncadd.s32 $0xFFFFE000  }
0x2f: {  	[spmem:s13] =	stream.linear.scatter [tilespmem:s22], [sflag:$0x4], $0x2000, $0x38;
	[tilespmem:$0x1DC00] =	vst v63  }
0x30: {  	_ =	swait.ge [sflag:s23], $0x2000  }
0x31: {  	[sflag:s23] =	ssyncset.done $0x0  }
0x32: {  	[sflag:s23] =	ssyncadd.s32 $0xFFFFE000  }
0x33: {  	[spmem:s16] =	stream.linear.scatter [tilespmem:s22], [sflag:$0x4], $0x2000, $0x38;
	[tilespmem:$0x1DC00] =	vst v63  }
0x34: {  	_ =	swait.ge [sflag:s23], $0x2000  }
0x35: {  	[sflag:s23] =	ssyncset.done $0x0  }
0x36: {  	[sflag:s23] =	ssyncadd.s32 $0xFFFFE000  }
0x37: {  	[spmem:s17] =	stream.linear.scatter [tilespmem:s22], [sflag:$0x4], $0x2000, $0x38;
	[tilespmem:$0x1DC00] =	vst v63  }
0x38: {  	_ =	swait.ge [sflag:s23], $0x2000  }
0x39: {  	[sflag:s23] =	ssyncset.done $0x0  }
0x3a: {  	[sflag:s23] =	ssyncadd.s32 $0xFFFFE000  }
0x3b: {  	[spmem:s18] =	stream.linear.scatter [tilespmem:s22], [sflag:$0x4], $0x2000, $0x38;
	[tilespmem:$0x1DC00] =	vst v63  }
0x3c: {  	_ =	swait.ge [sflag:s23], $0x2000  }
0x3d: {  	[sflag:s23] =	ssyncset.done $0x0  }
0x3e: {  	[sflag:s23] =	ssyncadd.s32 $0xFFFFE000  }
0x3f: {  	[spmem:s19] =	stream.linear.scatter [tilespmem:s22], [sflag:$0x4], $0x2000, $0x38;
	[tilespmem:$0x1DC00] =	vst v63  }
0x40: {  	_ =	swait.ge [sflag:s23], $0x2000  }
0x41: {  	[sflag:s23] =	ssyncset.done $0x0  }
0x42: {  	[sflag:s23] =	ssyncadd.s32 $0xFFFFE000  }
0x43: {  	[spmem:s20] =	stream.linear.scatter [tilespmem:s22], [sflag:$0x4], $0x2000, $0x38;
	[tilespmem:$0x1DC00] =	vst v63  }
0x44: {  	_ =	swait.ge [sflag:s23], $0x2000  }
0x45: {  	[sflag:s23] =	ssyncset.done $0x0  }
0x46: {  	[sflag:s23] =	ssyncadd.s32 $0xFFFFE000  }
0x47: {  	[spmem:s21] =	stream.linear.scatter [tilespmem:s22], [sflag:$0x4], $0x2000, $0x38;
	[tilespmem:$0x1DC00] =	vst v63  }
0x48: {  	_ =	swait.ge [sflag:s23], $0x2000  }
0x49: {  	[sflag:s23] =	ssyncset.done $0x0  }
0x4a: {  	s14 =	rddreg [dreg:$0x3];
	[sflag:s23] =	ssyncadd.s32 $0xFFFFE000  }
0x4b: {  	[spmem:s14] =	stream.linear.scatter [tilespmem:s22], [sflag:$0x4], $0x1C00, $0x38;
	[tilespmem:$0x1DC00] =	vst v63  }
0x4c: {  	_ =	swait.ge [sflag:s23], $0x1C00  }
0x4d: {  	[sflag:s23] =	ssyncset.done $0x0  }
0x4e: {  	[sflag:s23] =	ssyncadd.s32 $0xFFFFE400  }
0x4f: {  	[bflag:$0x0] =	sbarrier.arrive $0xFFFF  }
0x50: {  	[tilespmem:s31], [sflag:$0x4] =	stream.linear.gather [hbm4b:s7+s31], $0x1000, $0x38;
	[tilespmem:$0x1DC00] =	vst v63  }
0x51: {  	_ =	swait.ge [sflag:s23], $0x1000  }
0x52: {  	[sflag:s23] =	ssyncset.done $0x0  }
0x53: {  	s0 =	simm.s32 $0x0;
	[sflag:s23] =	ssyncadd.s32 $0xFFFFF000  }
0x54: {  	[tilespmem:s22], [sflag:$0x1] =	stream.linear.gather [hbm4b:s8+s31], $0x2000, $0x38;
	[tilespmem:$0x1DC00] =	vst v63  }
0x55: {  	s1 =	simm.s32 $0x0;
	s6 =	simm.s32 $0x0;
	s15 =	rddreg [dreg:$0x4]  }
0x56: {  	[tilespmem:s24], [sflag:$0x2] =	stream.linear.gather [hbm4b:s15+s31], $0x2000, $0x38;
	[tilespmem:$0x1DC00] =	vst v63  }
.LBB2_5:
0x57: {  	s6 =	sadd.s32 $0x1, s6  }
0x58: {  	s9 =	smin.u32 s6, $0x9  }
0x59: {  	s12 =	sshll.u32 s9, $0x9;
	s9 =	sshll.u32 s9, $0xC  }
0x5a: {  	s9 =	sand.u32 $0x1000, s9;
	s12 =	sadd.s32 s12, s7  }
0x5b: {  	[tilespmem:s9], [sflag:$0x4] =	stream.linear.gather [hbm4b:s12+s31], $0x1000, $0x38;
	[tilespmem:$0x1DC00] =	vst v63  }
0x5c: {  	_ =	swait.ge [sflag:s23], $0x1000  }
0x5d: {  	[sflag:s23] =	ssyncset.done $0x0  }
0x5e: {  	[sflag:s23] =	ssyncadd.s32 $0xFFFFF000  }
0x5f: {  	s14 =	sand.u32 $0xF, s1;
	_ =	swait.ge [sflag:s25], $0x2000  }
0x60: {  	s9 =	sshll.u32 s14, $0x9;
	[sflag:s25] =	ssyncset.done $0x0  }
0x61: {  	s15 =	sadd.s32 $0x0, s9;
	[sflag:s25] =	ssyncadd.s32 $0xFFFFE000  }
0x62: {  	[spmem:s2] =	stream.indirect.scatter.add.f32 [tilespmem:s22], [sflag:$0x3], $0x80, s15, s26, $0xb8;
	[tilespmem:$0x1DC00] =	vst v63  }
0x63: {  	s13 =	sadd.s32 $0x80, s15  }
0x64: {  	[spmem:s2] =	stream.indirect.scatter.add.f32 [tilespmem:s22], [sflag:$0x3], $0x80, s13, s26, $0xb8;
	[tilespmem:$0x1DC00] =	vst v63  }
0x65: {  	p0 =	slt.s32 s0, $0x9D;
	s13 =	smov.u32 s0;
	_ =	swait.ge [sflag:s28], $0x2000  }
0x66: {  	s13 =	simm.s32 @!p0 $0x9D;
	[sflag:s28] =	ssyncset.done $0x0  }
0x67: {  	s13 =	sadd.s32 s13, s10;
	[sflag:s28] =	ssyncadd.s32 $0xFFFFE000  }
0x68: {  	s13 =	sshll.u32 s13, $0xA;
	_ =	swait.ge [sflag:s28], $0x2000  }
0x69: {  	s13 =	sand.u32 $0x1FFFFC00, s13;
	[sflag:s28] =	ssyncset.done $0x0  }
0x6a: {  	s13 =	sadd.s32 s4, s13;
	[sflag:s28] =	ssyncadd.s32 $0xFFFFE000  }
0x6b: {  	[tilespmem:s22], [sflag:$0x1] =	stream.linear.gather [hbm4b:s13+s3], $0x2000, $0x38;
	[tilespmem:$0x1DC00] =	vst v63  }
0x6c: {  	_ =	swait.ge [sflag:s29], $0x2000  }
0x6d: {  	[sflag:s29] =	ssyncset.done $0x0  }
0x6e: {  	s14 =	sadd.s32 $0x100, s15;
	[sflag:s29] =	ssyncadd.s32 $0xFFFFE000  }
0x6f: {  	[spmem:s2] =	stream.indirect.scatter.add.f32 [tilespmem:s24], [sflag:$0x3], $0x80, s14, s26, $0xb8;
	[tilespmem:$0x1DC00] =	vst v63  }
0x70: {  	s12 =	sadd.s32 $0x180, s15  }
0x71: {  	[spmem:s2] =	stream.indirect.scatter.add.f32 [tilespmem:s24], [sflag:$0x3], $0x80, s12, s26, $0xb8;
	[tilespmem:$0x1DC00] =	vst v63  }
0x72: {  	p0 =	slt.s32 s0, $0x9C;
	s12 =	smov.u32 s0;
	_ =	swait.ge [sflag:s28], $0x2000  }
0x73: {  	s12 =	simm.s32 @!p0 $0x9C;
	[sflag:s28] =	ssyncset.done $0x0  }
0x74: {  	s12 =	sadd.s32 s12, s11;
	[sflag:s28] =	ssyncadd.s32 $0xFFFFE000  }
0x75: {  	s15 =	sshll.u32 s12, $0xA;
	_ =	swait.ge [sflag:s28], $0x2000  }
0x76: {  	s12 =	simm.s32 $0x800;
	s13 =	sand.u32 $0x1FFFFC00, s15;
	[sflag:s28] =	ssyncset.done $0x0  }
0x77: {  	s14 =	sadd.s32 s4, s13;
	s13 =	sadd.s32 $0x2, s0;
	[sflag:s28] =	ssyncadd.s32 $0xFFFFE000  }
.LBB2_6:
0x78: {  	[tilespmem:s24], [sflag:$0x2] =	stream.linear.gather [hbm4b:s14+s3], $0x2000, $0x38;
	[tilespmem:$0x1DC00] =	vst v63  }
0x79: {  	s14 =	smov.u32 s12  }
0x7a: {  	p0 =	seq.s32 s12, $0x3800;
	s12 =	sadd.s32 $0x800, s12;
	_ =	swait.ge [sflag:s25], $0x2000  }
0x7b: {  	s14 =	sshra.s32 s14, $0x2;
	[sflag:s25] =	ssyncset.done $0x0  }
0x7c: {  	s14 =	sadd.s32 s14, s9;
	[sflag:s25] =	ssyncadd.s32 $0xFFFFE000  }
0x7d: {  	[spmem:s2] =	stream.indirect.scatter.add.f32 [tilespmem:s22], [sflag:$0x3], $0x80, s14, s26, $0xb8;
	[tilespmem:$0x1DC00] =	vst v63  }
0x7e: {  	s15 =	sadd.s32 $0x80, s14  }
0x7f: {  	[spmem:s2] =	stream.indirect.scatter.add.f32 [tilespmem:s22], [sflag:$0x3], $0x80, s15, s26, $0xb8;
	[tilespmem:$0x1DC00] =	vst v63  }
0x80: {  	p1 =	slt.s32 s13, $0x9D;
	s15 =	smov.u32 s13;
	_ =	swait.ge [sflag:s28], $0x2000  }
0x81: {  	s15 =	simm.s32 @!p1 $0x9D;
	[sflag:s28] =	ssyncset.done $0x0  }
0x82: {  	s15 =	sadd.s32 s15, s10;
	[sflag:s28] =	ssyncadd.s32 $0xFFFFE000  }
0x83: {  	s15 =	sshll.u32 s15, $0xA;
	_ =	swait.ge [sflag:s28], $0x2000  }
0x84: {  	s15 =	sand.u32 $0x1FFFFC00, s15;
	[sflag:s28] =	ssyncset.done $0x0  }
0x85: {  	s15 =	sadd.s32 s4, s15;
	[sflag:s28] =	ssyncadd.s32 $0xFFFFE000  }
0x86: {  	[tilespmem:s22], [sflag:$0x1] =	stream.linear.gather [hbm4b:s15+s3], $0x2000, $0x38;
	[tilespmem:$0x1DC00] =	vst v63  }
0x87: {  	_ =	swait.ge [sflag:s29], $0x2000  }
0x88: {  	[sflag:s29] =	ssyncset.done $0x0  }
0x89: {  	s15 =	sadd.s32 $0x100, s14;
	[sflag:s29] =	ssyncadd.s32 $0xFFFFE000  }
0x8a: {  	[spmem:s2] =	stream.indirect.scatter.add.f32 [tilespmem:s24], [sflag:$0x3], $0x80, s15, s26, $0xb8;
	[tilespmem:$0x1DC00] =	vst v63  }
0x8b: {  	s14 =	sadd.s32 $0x180, s14  }
0x8c: {  	[spmem:s2] =	stream.indirect.scatter.add.f32 [tilespmem:s24], [sflag:$0x3], $0x80, s14, s26, $0xb8;
	[tilespmem:$0x1DC00] =	vst v63  }
0x8d: {  	p1 =	slt.s32 s13, $0x9C;
	s14 =	smov.u32 s13;
	_ =	swait.ge [sflag:s28], $0x2000  }
.Ltmp1:
0x8e: {  	s14 =	simm.s32 @!p1 $0x9C;
	[sflag:s28] =	ssyncset.done $0x0;
	(pc) =	sbr.rel @!p0 .LBB2_6-.Ltmp1, $4  }
0x8f: {  	s14 =	sadd.s32 s14, s11;
	[sflag:s28] =	ssyncadd.s32 $0xFFFFE000  }
0x90: {  	s14 =	sshll.u32 s14, $0xA;
	_ =	swait.ge [sflag:s28], $0x2000  }
0x91: {  	s14 =	sand.u32 $0x1FFFFC00, s14;
	[sflag:s28] =	ssyncset.done $0x0  }
0x92: {  	s13 =	sadd.s32 $0x2, s13;
	s14 =	sadd.s32 s4, s14;
	[sflag:s28] =	ssyncadd.s32 $0xFFFFE000  }
0x93: {  	[tilespmem:s24], [sflag:$0x2] =	stream.linear.gather [hbm4b:s14+s3], $0x2000, $0x38;
	[tilespmem:$0x1DC00] =	vst v63  }
0x94: {  	p0 =	seq.s32 s6, $0xA  }
.Ltmp2:
0x95: {  	_ = 	snop;
	(pc) =	sbr.rel @!p0 .LBB2_5-.Ltmp2, $2  }
0x96: {  	_ =	sdelay $0x2  }
0x97: {  	s1 =	sadd.s32 $0x8, s1;
	s0 =	sadd.s32 $0x10, s0  }
0x98: {  	_ =	swait.ge [sflag:s25], $0x2000  }
0x99: {  	[sflag:s25] =	ssyncset.done $0x0  }
0x9a: {  	[sflag:s25] =	ssyncadd.s32 $0xFFFFE000  }
0x9b: {  	_ =	swait.ge [sflag:s29], $0x2000  }
0x9c: {  	[sflag:s29] =	ssyncset.done $0x0  }
0x9d: {  	s0 =	stileid.u32;
	[sflag:s29] =	ssyncadd.s32 $0xFFFFE000  }
0x9e: {  	s0 =	sshll.u32 s0, $0x6;
	[bflag:$0x0] =	sbarrier.arrive $0xFFFF  }
0x9f: {  	s1 =	sshrl.u32 s5, $0x3;
	s0 =	sor.u32 $0x1C04, s0;
	s6 =	rddreg [dreg:$0x5]  }
0xa0: {  	[hbm:s6], [sflag:s0] =	dma.local [spmem:s1], $0x2780  }
0xa1: {  	_ =	swait.ge [sflag:s23], $0x2780  }
0xa2: {  	s30 =	sadd.s32 $0x1, s30;
	s15 =	rddreg [dreg:$0x6]  }
0xa3: {  	p0 =	sne.s32 s30, s15  }
.Ltmp3:
0xa4: {  	_ = 	snop;
	(pc) =	sbr.rel @p0 .LBB2_1-.Ltmp3, $3  }
0xa5: {  	_ =	sdelay $0x1  }
0xa6: {  	[sflag:s23] =	ssyncset.done $0x0  }
0xa7: {  	[sflag:s23] =	ssyncadd.s32 $0xFFFFD880  }
0xa8: {  	_ =	sfence.sel $0x180000  }
0xa9: {  	[bflag:$0x0] =	sbarrier.arrive $0xFFFF  }
0xaa: {  	_ =	strace $0x90000047  }
0xab: {  	s0 =	stileid.u32;
	[bflag:$0x2] =	sbarrier.arrive $0xFFFF  }
0xac: {  	p0 =	sne.s32 s0, $0x0;
	s0 =	rddreg [dreg:$0x2]  }
0xad: {  	s0 =	sadd.s32 @!p0 $0x100000, s0  }
0xae: {  	[sflag:s0] =	ssyncadd.tile.s32 @!p0 $0x1;
	_ =	shalt  }
.Lfunc_end2:
_tile_overlayer_lowered:
.L_overlay_start_2:
0xaf: {  	(tag) =	ssettag $0x2  }
0xb0: {  	s0 =	rddreg [dreg:$0x0];
	s2 =	stileid.u32  }
0xb1: {  	s1 =	rddreg [dreg:$0x1];
	p0 =	sne.s32 s2, $0x0  }
0xb2: {  	s3 =	rddreg [dreg:$0x2];
	[bflag:$0x3] =	sbarrier.arrive $0xFFFF;
	s2 =	simm.s32 @!p0 $0x1C04  }
0xb3: {  	[timem:s3], [sflag:s2] =	dma.local @!p0 [hbm:s0], s1  }
0xb4: {  	s0 =	simm.s32 @!p0 $0x4  }
0xb5: {  	_ =	swait.ge @!p0 [sflag:s0], s1  }
0xb6: {  	s1 =	ssub.s32 @!p0 $0x0, s1;
	[sflag:s0] =	ssyncset.done @!p0 $0x0  }
0xb7: {  	[sflag:s0] =	ssyncadd.s32 @!p0 s1  }
0xb8: {  	[bflag:$0x3] =	sbarrier.arrive $0xFFFF  }
0xb9: {  	_ =	shalt  }

</sc_bundles>
